<compile_context>
chip_gen: v7x
topology: tpu7x:2x2x1
jax: 0.10.2.dev20260603
libtpu: 0.0.44.dev20260713+nightly
codegen_flags: <defaults>
</compile_context>

<pallas_src>
import functools
import math

import jax
import jax.numpy as jnp
from jax import lax
from jax.experimental import pallas as pl
from jax.experimental.pallas import tpu as pltpu
from jax.experimental.pallas import tpu_sc as plsc

_ALPHA, _BETA, _GAMMA = 0.1, 0.45, 0.45
_BLK = 512
_CH = 512
_NEG = -1e30


def _eps_values(blur=0.05, p=2, scaling=0.5, eps0=1.0):
    tgt = blur ** p
    out = []
    e = eps0
    while e > tgt:
        out.append(e)
        e *= scaling
    out += [tgt] * 5
    return out


_EPS = _eps_values()


def _sinkhorn_body(eps_ref, x_ref, yt_ref, of_ref, og_ref,
                   x2_ref, y2_ref, f_ref, g_ref, u1_ref, u2_ref, v_ref):
    n = x_ref.shape[1]
    nb = n // _CH
    log_w = -math.log(n)

    x2_ref[...] = jnp.sum(x_ref[0] * x_ref[0], axis=1, keepdims=True)
    y2_ref[...] = jnp.sum(yt_ref[0] * yt_ref[0], axis=0, keepdims=True)
    f_ref[...] = jnp.zeros_like(f_ref)
    g_ref[...] = jnp.zeros_like(g_ref)

    ones_c = jnp.ones((n, 1), jnp.float32)
    zeros_c = jnp.zeros((n, 2), jnp.float32)
    ones_r = jnp.ones((1, n), jnp.float32)
    zeros_r = jnp.zeros((2, n), jnp.float32)

    log2e = 1.4426950408889634
    ln2 = 0.6931471805599453

    x4 = x_ref[0][:, 0:4]
    half_x2 = 0.5 * x2_ref[...]
    u2_ref[...] = jnp.concatenate([x4, ones_c, -half_x2, zeros_c], axis=1)

    def eps_step(t, _):
        eps = eps_ref[t]
        ie = log2e / eps

        u1_ref[...] = jnp.concatenate(
            [x4, f_ref[...] - half_x2, ones_c, zeros_c], axis=1)
        v_ref[...] = jnp.concatenate(
            [yt_ref[0][0:4, :] * ie, ie * ones_r,
             (-0.5 * ie) * y2_ref[...], zeros_r], axis=0)

        def g_block(jb, _):
            j0 = jb * _BLK
            vb = v_ref[:, pl.ds(j0, _BLK)]

            def chunk(ic, carry):
                m, s = carry
                uc = u1_ref[pl.ds(ic * _CH, _CH), :]
                a = lax.dot_general(uc, vb, (((1,), (0,)), ((), ())),
                                    preferred_element_type=jnp.float32)
                mn = jnp.maximum(m, jnp.max(a, axis=0, keepdims=True))
                s = s * jnp.exp2(m - mn) + jnp.sum(jnp.exp2(a - mn), axis=0,
                                                  keepdims=True)
                return mn, s

            carry = (jnp.full((1, _BLK), _NEG, jnp.float32),
                     jnp.zeros((1, _BLK), jnp.float32))
            for ic in range(nb):
                carry = chunk(ic, carry)
            m, s = carry
            g_ref[:, pl.ds(j0, _BLK)] = -eps * (
                (jnp.log2(s) + m) * ln2 + log_w)
            return 0

        lax.fori_loop(0, nb, g_block, 0, unroll=8)

        v_ref[...] = jnp.concatenate(
            [yt_ref[0][0:4, :] * ie,
             (g_ref[...] - 0.5 * y2_ref[...]) * ie, ie * ones_r, zeros_r],
            axis=0)

        def f_block(ib, _):
            i0 = ib * _BLK
            ub = u2_ref[pl.ds(i0, _BLK), :]

            def chunk(jc, carry):
                m, s = carry
                vc = v_ref[:, pl.ds(jc * _CH, _CH)]
                a = lax.dot_general(ub, vc, (((1,), (0,)), ((), ())),
                                    preferred_element_type=jnp.float32)
                mn = jnp.maximum(m, jnp.max(a, axis=1, keepdims=True))
                s = s * jnp.exp2(m - mn) + jnp.sum(jnp.exp2(a - mn), axis=1,
                                                  keepdims=True)
                return mn, s

            carry = (jnp.full((_BLK, 1), _NEG, jnp.float32),
                     jnp.zeros((_BLK, 1), jnp.float32))
            for jc in range(nb):
                carry = chunk(jc, carry)
            m, s = carry
            f_ref[pl.ds(i0, _BLK), :] = -eps * (
                (jnp.log2(s) + m) * ln2 + log_w)
            return 0

        lax.fori_loop(0, nb, f_block, 0, unroll=8)
        return 0

    lax.fori_loop(0, len(_EPS), eps_step, 0)
    fm = jnp.sum(f_ref[...]) / n
    gm = jnp.sum(g_ref[...]) / n
    of_ref[...] = fm * jnp.ones((1, 1, 128), jnp.float32)
    og_ref[...] = gm * jnp.ones((1, 1, 128), jnp.float32)


def _sinkhorn_pairs(xs, yts, eps_arr):
    b, n, d = xs.shape
    return pl.pallas_call(
        _sinkhorn_body,
        grid=(b,),
        in_specs=[
            pl.BlockSpec(memory_space=pltpu.SMEM),
            pl.BlockSpec((1, n, d), lambda p: (p, 0, 0)),
            pl.BlockSpec((1, d, n), lambda p: (p, 0, 0)),
        ],
        out_specs=[
            pl.BlockSpec((1, 1, 128), lambda p: (p, 0, 0)),
            pl.BlockSpec((1, 1, 128), lambda p: (p, 0, 0)),
        ],
        out_shape=[
            jax.ShapeDtypeStruct((b, 1, 128), jnp.float32),
            jax.ShapeDtypeStruct((b, 1, 128), jnp.float32),
        ],
        scratch_shapes=[
            pltpu.VMEM((n, 1), jnp.float32),
            pltpu.VMEM((1, n), jnp.float32),
            pltpu.VMEM((n, 1), jnp.float32),
            pltpu.VMEM((1, n), jnp.float32),
            pltpu.VMEM((n, d), jnp.float32),
            pltpu.VMEM((n, d), jnp.float32),
            pltpu.VMEM((d, n), jnp.float32),
        ],
        compiler_params=pltpu.CompilerParams(
            dimension_semantics=("parallel",)),
    )(eps_arr, xs, yts)


def _argmin_body(x_ref, gt_ref, idx_ref, g2_ref):
    g2_ref[...] = jnp.sum(gt_ref[...] * gt_ref[...], axis=0, keepdims=True)

    xb = -2.0 * x_ref[...]
    nc = gt_ref.shape[1] // _BLK

    def chunk(jc, carry):
        m, idx = carry
        j0 = jc * _BLK
        gtc = gt_ref[:, pl.ds(j0, _BLK)]
        g2c = g2_ref[:, pl.ds(j0, _BLK)]
        xy = lax.dot_general(xb, gtc, (((1,), (0,)), ((), ())),
                             preferred_element_type=jnp.float32)
        d = g2c + xy
        cm = jnp.min(d, axis=1, keepdims=True)
        li = lax.broadcasted_iota(jnp.int32, d.shape, 1) + j0
        cidx = jnp.min(jnp.where(d == cm, li, jnp.int32(2 ** 30)), axis=1,
                       keepdims=True)
        upd = cm < m
        return jnp.where(upd, cm, m), jnp.where(upd, cidx, idx)

    carry = (jnp.full((xb.shape[0], 1), 3e38, jnp.float32),
             jnp.zeros((xb.shape[0], 1), jnp.int32))
    for jc in range(nc):
        carry = chunk(jc, carry)
    idx_ref[...] = carry[1]


def _argmin(p8, gt_t):
    n, d = p8.shape
    l = gt_t.shape[1]
    return pl.pallas_call(
        _argmin_body,
        grid=(n // _BLK,),
        in_specs=[
            pl.BlockSpec((_BLK, d), lambda i: (i, 0)),
            pl.BlockSpec((d, l), lambda i: (0, 0)),
        ],
        out_specs=pl.BlockSpec((_BLK, 1), lambda i: (i, 0)),
        out_shape=jax.ShapeDtypeStruct((n, 1), jnp.int32),
        scratch_shapes=[pltpu.VMEM((1, l), jnp.float32)],
        compiler_params=pltpu.CompilerParams(
            dimension_semantics=("parallel",)),
    )(p8, gt_t)


def _moments_body(p_ref, g_ref, cov_ref, mu_ref, vs_ref):
    p = p_ref[...]
    g = g_ref[...]
    n = p.shape[0]
    mu_s = jnp.sum(p, axis=0, keepdims=True) / n
    mu_d = jnp.sum(g, axis=0, keepdims=True) / g.shape[0]
    sc = p - mu_s
    dc = g - mu_d
    cov = lax.dot_general(dc, sc, (((0,), (0,)), ((), ())),
                          preferred_element_type=jnp.float32) / n
    z = jnp.zeros((8, 120), jnp.float32)
    cov_ref[...] = jnp.concatenate([cov, z], axis=1)
    mu8 = jnp.concatenate([mu_s, mu_d, jnp.zeros((6, 8), jnp.float32)],
                          axis=0)
    mu_ref[...] = jnp.concatenate([mu8, z], axis=1)
    vs_ref[...] = (jnp.sum(sc * sc) / n) * jnp.ones((8, 128), jnp.float32)


def _moments(p8, g8):
    return pl.pallas_call(
        _moments_body,
        out_shape=[
            jax.ShapeDtypeStruct((8, 128), jnp.float32),
            jax.ShapeDtypeStruct((8, 128), jnp.float32),
            jax.ShapeDtypeStruct((8, 128), jnp.float32),
        ],
    )(p8, g8)


def _sc_gather(table, idx):
    info = plsc.get_sparse_core_info()
    nc, ns = info.num_cores, info.num_subcores
    nw = nc * ns
    b = idx.shape[0]
    d = table.shape[1]
    bpw = b // nw
    mesh = plsc.VectorSubcoreMesh(core_axis_name="c", subcore_axis_name="s")

    @functools.partial(
        pl.kernel, mesh=mesh,
        out_type=jax.ShapeDtypeStruct((b, d), jnp.float32),
        scratch_types=[
            pltpu.VMEM((bpw,), jnp.int32),
            pltpu.VMEM((bpw, d), jnp.float32),
            pltpu.SemaphoreType.DMA,
        ],
    )
    def k(table_hbm, idx_hbm, out_hbm, idx_v, rows_v, sem):
        wid = lax.axis_index("s") * nc + lax.axis_index("c")
        base = wid * bpw
        pltpu.sync_copy(idx_hbm.at[pl.ds(base, bpw)], idx_v)
        pltpu.async_copy(table_hbm.at[idx_v], rows_v, sem).wait()
        pltpu.sync_copy(rows_v, out_hbm.at[pl.ds(base, bpw)])

    return k(table, idx)


def _cos_body(pn_ref, gn_ref, out_ref):
    pn = pn_ref[...]
    gn = gn_ref[:, :8]
    dot = jnp.sum(pn * gn, axis=1, keepdims=True)
    npn = jnp.sqrt(jnp.sum(pn * pn, axis=1, keepdims=True))
    ngn = jnp.sqrt(jnp.sum(gn * gn, axis=1, keepdims=True))
    cos = dot / (jnp.maximum(npn, 1e-12) * jnp.maximum(ngn, 1e-12))
    out_ref[...] = (1.0 - jnp.sum(cos) / pn.shape[0]) * jnp.ones(
        (8, 128), jnp.float32)


def _cos_loss(pn8, gn):
    return pl.pallas_call(
        _cos_body,
        out_shape=jax.ShapeDtypeStruct((8, 128), jnp.float32),
    )(pn8, gn)


def kernel(pred_feat, pred_decoder, input_data, gt_data):
    f32 = jnp.float32
    x8 = jnp.pad(input_data.astype(f32), ((0, 0), (0, 4)))
    y8 = jnp.pad(pred_decoder.astype(f32), ((0, 0), (0, 4)))
    xs = jnp.stack([x8, x8, y8])
    yts = jnp.stack([y8.T, x8.T, y8.T])
    eps_arr = jnp.asarray(_EPS, f32)
    fo, go = _sinkhorn_pairs(xs, yts, eps_arr)
    ot = fo[:, 0, 0] + go[:, 0, 0]
    rec = ot[0] - 0.5 * ot[1] - 0.5 * ot[2]

    p8 = jnp.pad(pred_feat[:, :3].astype(f32), ((0, 0), (0, 5)))
    g8 = jnp.pad(gt_data[:, :3].astype(f32), ((0, 0), (0, 5)))
    idx = _argmin(p8, g8.T)
    cov_o, mu_o, vs_o = _moments(p8, g8)

    table = jnp.pad(gt_data[:, 3:].astype(f32), ((0, 0), (0, 125)))
    gn = _sc_gather(table, idx[:, 0])
    pn8 = jnp.pad(pred_feat[:, 3:].astype(f32), ((0, 0), (0, 5)))
    norm_loss = _cos_loss(pn8, gn)[0, 0]

    c3 = cov_o[:3, :3]
    u, s_vals, vt = jnp.linalg.svd(c3)
    dsign = jnp.sign(jnp.linalg.det(u) * jnp.linalg.det(vt))
    dvec = jnp.array([1.0, 1.0, 0.0], f32) + jnp.array([0.0, 0.0, 1.0],
                                                       f32) * dsign
    r = (u * dvec[None, :]) @ vt
    var_s = vs_o[0, 0]
    scale = jnp.sum(s_vals * dvec) / var_s
    mu_s = mu_o[0, :3]
    mu_d = mu_o[1, :3]
    t = mu_d - scale * (r @ mu_s)
    reg = (jnp.linalg.norm(r - jnp.eye(3, dtype=f32))
           + jnp.linalg.norm(t) + (scale - 1.0) ** 2)

    return _ALPHA * rec + _BETA * reg + _GAMMA * norm_loss

# --- scband reference (transcript-rebuilt; emitter-appended) ---
"""Pipeline reference for scband-combined-criterion-ae-14001593385322 (READ-ONLY COPY).

The authoritative reference and input builder live on the scoring server;
editing this copy changes nothing except your own understanding.
"""

import jax, jax.numpy as jnp
import numpy as np
from jax.scipy.special import logsumexp

ALPHA, BETA, GAMMA = 0.1, 0.45, 0.45


def _sqdist(x, y):
    x2 = jnp.sum(x * x, axis=1)[:, None]
    y2 = jnp.sum(y * y, axis=1)[None, :]
    d = x2 + y2 - 2.0 * (x @ y.T)
    return jnp.maximum(d, 0.0)


def _eps_schedule(blur=0.05, p=2, scaling=0.5, eps0=1.0):
    tgt = blur ** p
    eps_list = []
    e = eps0
    while e > tgt:
        eps_list.append(e)
        e *= scaling
    eps_list += [tgt] * 5
    return eps_list


def _log_ot(x, y, eps_list):
    # geomloss SamplesLoss('sinkhorn', p=2): cost C = |x-y|^2 / 2, uniform weights
    C = 0.5 * _sqdist(x, y)
    n, m = C.shape
    log_a = -jnp.log(float(n))
    log_b = -jnp.log(float(m))
    f = jnp.zeros((n,), x.dtype)
    g = jnp.zeros((m,), x.dtype)
    for eps in eps_list:  # epsilon-scaling (scaling=0.5) down to blur**p
        g = -eps * logsumexp((f[:, None] - C) / eps + log_a, axis=0)
        f = -eps * logsumexp((g[None, :] - C) / eps + log_b, axis=1)
    return jnp.mean(f) + jnp.mean(g)


def _sinkhorn_divergence(x, y):
    eps_list = _eps_schedule()
    return _log_ot(x, y, eps_list) - 0.5 * _log_ot(x, x, eps_list) - 0.5 * _log_ot(y, y, eps_list)


def _umeyama(src, dst):
    # closed-form similarity registration (stand-in for detached TEASER++ solve)
    n = src.shape[0]
    mu_s = jnp.mean(src, axis=0)
    mu_d = jnp.mean(dst, axis=0)
    sc = src - mu_s
    dc = dst - mu_d
    cov = (dc.T @ sc) / n
    U, S, Vt = jnp.linalg.svd(cov)
    d = jnp.sign(jnp.linalg.det(U) * jnp.linalg.det(Vt))
    ds = jnp.array([1.0, 1.0, 0.0], src.dtype) + jnp.array([0.0, 0.0, 1.0], src.dtype) * d
    R = (U * ds[None, :]) @ Vt
    var_s = jnp.sum(sc * sc) / n
    s = jnp.sum(S * ds) / var_s
    t = mu_d - s * (R @ mu_s)
    return R, t, s


def setup_inputs(seed: int = 0):
    key = jax.random.key(seed)
    k1, k2, k3, k4 = jax.random.split(key, 4)
    N, M, L = 8192, 4096, 8192
    return {
        "pred_feat": jax.random.normal(k1, (N, 6), jnp.float32),
        "pred_decoder": jax.random.normal(k2, (M, 4), jnp.float32),
        "input_data": jax.random.normal(k3, (M, 4), jnp.float32),
        "gt_data": jax.random.normal(k4, (L, 6), jnp.float32),
    }


def reference(pred_feat, pred_decoder, input_data, gt_data):
    # reconstruction loss: sinkhorn divergence between AE input and decoder output
    rec_loss = _sinkhorn_divergence(input_data, pred_decoder)

    # registration loss: solver runs on detached data -> stop_gradient
    src = jax.lax.stop_gradient(pred_feat[:, :3])
    dst = jax.lax.stop_gradient(gt_data[:, :3])
    R, t, s = _umeyama(src, dst)
    I = jnp.eye(3, dtype=pred_feat.dtype)
    rot_loss = jnp.linalg.norm(R - I)  # frobenius
    trans_loss = jnp.linalg.norm(t)
    scale_loss = (s - 1.0) ** 2
    reg_loss = rot_loss + trans_loss + scale_loss

    # normal consistency via nearest-neighbor retrieval
    pred_points = pred_feat[:, :3]
    pred_normals = pred_feat[:, 3:]
    gt_points = gt_data[:, :3]
    gt_normals = gt_data[:, 3:]
    dists = _sqdist(pred_points, gt_points)  # argmin identical for sq vs euclidean
    min_indices = jnp.argmin(dists, axis=1)
    closest_gt_normals = jnp.take(gt_normals, min_indices, axis=0)
    pn = pred_normals / jnp.maximum(jnp.linalg.norm(pred_normals, axis=1, keepdims=True), 1e-12)
    gn = closest_gt_normals / jnp.maximum(jnp.linalg.norm(closest_gt_normals, axis=1, keepdims=True), 1e-12)
    cos_theta = jnp.sum(pn * gn, axis=1)
    norm_loss = jnp.mean(1.0 - cos_theta)

    return ALPHA * rec_loss + BETA * reg_loss + GAMMA * norm_loss

if __name__ == "__main__":
    import jax
    _d = setup_inputs()
    print(jax.jit(kernel)(*tuple(_d.values())))

</pallas_src>

<mosaic_0001>
#map = affine_map<(d0, d1) -> (0, 0)>
#map1 = affine_map<(d0, d1) -> (0)>
module attributes {stable_mosaic.version = 14 : i64} {
  func.func @k(%arg0: i32, %arg1: i32, %arg2: memref<8192x128xf32, #tpu.memory_space<hbm>>, %arg3: memref<8192xi32, #tpu.memory_space<hbm>>, %arg4: memref<8192x128xf32, #tpu.memory_space<hbm>>, %arg5: memref<256xi32, #tpu.memory_space<vmem>>, %arg6: memref<256x128xf32, #tpu.memory_space<vmem>>, %arg7: memref<!tpu.dma_semaphore, #tpu.memory_space<semaphore_mem>>) attributes {dimension_semantics = [#tpu.dimension_semantics<core_parallel>, #tpu.dimension_semantics<subcore_parallel>], iteration_bounds = array<i64: 2, 16>, scalar_prefetch = 0 : i64, scratch_operands = 3 : i64, tpu.core_type = #tpu.core_type<sc_vector_subcore>, window_params = [{transform_indices = #map}, {transform_indices = #map1}, {transform_indices = #map}]} {
    %mul3A = arith.constant 2 : i32
    %mul3A_0 = arith.muli %arg1, %mul3A : i32
    %add3A = arith.addi %mul3A_0, %arg0 : i32
    %mul3A_1 = arith.constant 256 : i32
    %mul3A_2 = arith.muli %add3A, %mul3A_1 : i32
    "tpu.region"() ({
      %run_scoped3A = tpu.sem_alloc : memref<!tpu.dma_semaphore, #tpu.memory_space<semaphore_mem>>
      %dma_start3A_7 = tpu.memref_slice %arg3[%mul3A_2] : memref<8192xi32, #tpu.memory_space<hbm>> -> memref<256xi32, #tpu.memory_space<hbm>>
      %dma_start3A_8 = tpu.memref_slice %arg3[%mul3A_2] : memref<8192xi32, #tpu.memory_space<hbm>> -> memref<256xi32, #tpu.memory_space<hbm>>
      tpu.enqueue_dma source(%dma_start3A_8 : memref<256xi32, #tpu.memory_space<hbm>>) target(%arg5 : memref<256xi32, #tpu.memory_space<vmem>>) target_semaphore(%run_scoped3A : memref<!tpu.dma_semaphore, #tpu.memory_space<semaphore_mem>>)
      %dma_wait3A_9 = tpu.memref_slice %arg3[%mul3A_2] : memref<8192xi32, #tpu.memory_space<hbm>> -> memref<256xi32, #tpu.memory_space<hbm>>
      %dma_wait3A_10 = tpu.memref_slice %arg3[%mul3A_2] : memref<8192xi32, #tpu.memory_space<hbm>> -> memref<256xi32, #tpu.memory_space<hbm>>
      tpu.wait_dma2 semaphore(%run_scoped3A : memref<!tpu.dma_semaphore, #tpu.memory_space<semaphore_mem>>) src(%dma_wait3A_10 : memref<256xi32, #tpu.memory_space<hbm>>) dst(%arg5 : memref<256xi32, #tpu.memory_space<vmem>>)
      tpu.yield
    }) : () -> ()
    %dma_start3A = arith.constant 0 : i32
    %dma_start3A_3 = arith.constant 0 : i32
    %dma_start3A_4 = tpu.memref_slice %arg2[%dma_start3A, %dma_start3A_3] : memref<8192x128xf32, #tpu.memory_space<hbm>> -> memref<8192x128xf32, #tpu.memory_space<hbm>>
    tpu.enqueue_indirect_dma source(%dma_start3A_4 : memref<8192x128xf32, #tpu.memory_space<hbm>>) target(%arg6 : memref<256x128xf32, #tpu.memory_space<vmem>>) offsets(%arg5 : memref<256xi32, #tpu.memory_space<vmem>>) semaphore(%arg7 : memref<!tpu.dma_semaphore, #tpu.memory_space<semaphore_mem>>)
    %dma_wait3A = arith.constant 0 : i32
    %dma_wait3A_5 = arith.constant 0 : i32
    %dma_wait3A_6 = tpu.memref_slice %arg2[%dma_wait3A, %dma_wait3A_5] : memref<8192x128xf32, #tpu.memory_space<hbm>> -> memref<8192x128xf32, #tpu.memory_space<hbm>>
    tpu.wait_indirect_dma semaphore(%arg7 : memref<!tpu.dma_semaphore, #tpu.memory_space<semaphore_mem>>) src(%dma_wait3A_6 : memref<8192x128xf32, #tpu.memory_space<hbm>>) dst(%arg6 : memref<256x128xf32, #tpu.memory_space<vmem>>)
    "tpu.region"() ({
      %run_scoped3A = tpu.sem_alloc : memref<!tpu.dma_semaphore, #tpu.memory_space<semaphore_mem>>
      %dma_start3A_7 = arith.constant 0 : i32
      %dma_start3A_8 = tpu.memref_slice %arg4[%mul3A_2, %dma_start3A_7] : memref<8192x128xf32, #tpu.memory_space<hbm>> -> memref<256x128xf32, #tpu.memory_space<hbm>>
      %dma_start3A_9 = arith.constant 0 : i32
      %dma_start3A_10 = tpu.memref_slice %arg4[%mul3A_2, %dma_start3A_9] : memref<8192x128xf32, #tpu.memory_space<hbm>> -> memref<256x128xf32, #tpu.memory_space<hbm>>
      tpu.enqueue_dma source(%arg6 : memref<256x128xf32, #tpu.memory_space<vmem>>) target(%dma_start3A_10 : memref<256x128xf32, #tpu.memory_space<hbm>>) target_semaphore(%run_scoped3A : memref<!tpu.dma_semaphore, #tpu.memory_space<semaphore_mem>>)
      %dma_wait3A_11 = arith.constant 0 : i32
      %dma_wait3A_12 = tpu.memref_slice %arg4[%mul3A_2, %dma_wait3A_11] : memref<8192x128xf32, #tpu.memory_space<hbm>> -> memref<256x128xf32, #tpu.memory_space<hbm>>
      %dma_wait3A_13 = arith.constant 0 : i32
      %dma_wait3A_14 = tpu.memref_slice %arg4[%mul3A_2, %dma_wait3A_13] : memref<8192x128xf32, #tpu.memory_space<hbm>> -> memref<256x128xf32, #tpu.memory_space<hbm>>
      tpu.wait_dma2 semaphore(%run_scoped3A : memref<!tpu.dma_semaphore, #tpu.memory_space<semaphore_mem>>) src(%arg6 : memref<256x128xf32, #tpu.memory_space<vmem>>) dst(%dma_wait3A_14 : memref<256x128xf32, #tpu.memory_space<hbm>>)
      tpu.yield
    }) : () -> ()
    return
  }
}

module attributes {stable_mosaic.version = 14 : i64} {
  func.func @_argmin_body(%arg0: i32, %arg1: memref<512x8xf32, #tpu.memory_space<vmem>>, %arg2: memref<8x8192xf32, #tpu.memory_space<vmem>>, %arg3: memref<512x1xi32, #tpu.memory_space<vmem>>, %arg4: memref<1x8192xf32, #tpu.memory_space<vmem>>) attributes {dimension_semantics = [#tpu.dimension_semantics<parallel>], iteration_bounds = array<i64: 16>, scalar_prefetch = 0 : i64, scratch_operands = 1 : i64, tpu.core_type = #tpu.core_type<tc>, window_params = [{transform_indices = @transform_0, window_bounds = array<i64: 512, 8>}, {pipeline_mode = #tpu.pipeline_mode<synchronous>, transform_indices = @transform_1, window_bounds = array<i64: 8, 8192>}, {transform_indices = @transform_2, window_bounds = array<i64: 512, 1>}]} {
    %get3A = arith.constant 0 : index
    %get3A_0 = arith.constant 0 : index
    %get3A_1 = vector.load %arg2[%get3A, %get3A_0] : memref<8x8192xf32, #tpu.memory_space<vmem>>, vector<8x8192xf32>
    %get3A_2 = arith.constant 0 : index
    %get3A_3 = arith.constant 0 : index
    %get3A_4 = vector.load %arg2[%get3A_2, %get3A_3] : memref<8x8192xf32, #tpu.memory_space<vmem>>, vector<8x8192xf32>
    %mul3A = arith.mulf %get3A_1, %get3A_4 : vector<8x8192xf32>
    %reduce_sum3A = arith.constant dense<0.000000e+00> : vector<8192xf32>
    %reduce_sum3A_5 = vector.multi_reduction <add>, %mul3A, %reduce_sum3A [0] : vector<8x8192xf32> to vector<8192xf32>
    %broadcast_in_dim3A = vector.shape_cast %reduce_sum3A_5 : vector<8192xf32> to vector<1x8192xf32>
    %swap3A = arith.constant 0 : index
    %swap3A_6 = arith.constant 0 : index
    %swap3A_7 = vector.load %arg4[%swap3A, %swap3A_6] : memref<1x8192xf32, #tpu.memory_space<vmem>>, vector<1x8192xf32>
    tpu.vector_store %arg4[%swap3A, %swap3A_6], %broadcast_in_dim3A {strides = array<i32>} : memref<1x8192xf32, #tpu.memory_space<vmem>>, vector<1x8192xf32>,
    %get3A_8 = arith.constant 0 : index
    %get3A_9 = arith.constant 0 : index
    %get3A_10 = vector.load %arg1[%get3A_8, %get3A_9] : memref<512x8xf32, #tpu.memory_space<vmem>>, vector<512x8xf32>
    %mul3A_11 = arith.constant -2.000000e+00 : f32
    %mul3A_12 = vector.broadcast %mul3A_11 : f32 to vector<512x8xf32>
    %mul3A_13 = arith.mulf %mul3A_12, %get3A_10 : vector<512x8xf32>
    %broadcast_in_dim3A_14 = arith.constant 3.000000e+38 : f32
    %broadcast_in_dim3A_15 = vector.broadcast %broadcast_in_dim3A_14 : f32 to vector<512x1xf32>
    %broadcast_in_dim3A_16 = arith.constant 0 : i32
    %broadcast_in_dim3A_17 = vector.broadcast %broadcast_in_dim3A_16 : i32 to vector<512x1xi32>
    %get3A_18 = arith.constant 0 : index
    %get3A_19 = arith.constant 0 : index
    %get3A_20 = vector.load %arg2[%get3A_18, %get3A_19] : memref<8x8192xf32, #tpu.memory_space<vmem>>, vector<8x512xf32>
    %get3A_21 = arith.constant 0 : index
    %get3A_22 = arith.constant 0 : index
    %get3A_23 = vector.load %arg4[%get3A_21, %get3A_22] : memref<1x8192xf32, #tpu.memory_space<vmem>>, vector<1x512xf32>
    %dot_general3A = arith.constant dense<0.000000e+00> : vector<512x512xf32>
    %dot_general3A_24 = tpu.matmul %mul3A_13, %get3A_20, %dot_general3A {dimension_numbers = #tpu.dot_dimension_numbers<[1], [0], [0], [1], [0, 0, 1, 1], [], []>, transpose_lhs_hint = false} : vector<512x8xf32>, vector<8x512xf32>, vector<512x512xf32> -> vector<512x512xf32>
    %add3A = vector.broadcast %get3A_23 : vector<1x512xf32> to vector<512x512xf32>
    %add3A_25 = arith.addf %add3A, %dot_general3A_24 : vector<512x512xf32>
    %reduce_min3A = arith.constant dense<0x7F800000> : vector<512xf32>
    %reduce_min3A_26 = vector.multi_reduction <minimumf>, %add3A_25, %reduce_min3A [1] : vector<512x512xf32> to vector<512xf32>
    %broadcast_in_dim3A_27 = vector.shape_cast %reduce_min3A_26 : vector<512xf32> to vector<512x1xf32>
    %iota3A = tpu.iota {dimensions = array<i32: 1>} : vector<512x512xi32>
    %add3A_28 = arith.constant 0 : i32
    %add3A_29 = vector.broadcast %add3A_28 : i32 to vector<512x512xi32>
    %add3A_30 = arith.addi %iota3A, %add3A_29 : vector<512x512xi32>
    %eq3A = vector.broadcast %broadcast_in_dim3A_27 : vector<512x1xf32> to vector<512x512xf32>
    %eq3A_31 = arith.cmpf oeq, %add3A_25, %eq3A : vector<512x512xf32>
    %jit3A = arith.constant 1073741824 : i32
    %broadcast_in_dim3A_32 = vector.broadcast %jit3A : i32 to vector<512x512xi32>
    %select_n3A = arith.select %eq3A_31, %add3A_30, %broadcast_in_dim3A_32 : vector<512x512xi1>, vector<512x512xi32>
    %reduce_min3A_33 = arith.constant dense<2147483647> : vector<512xi32>
    %reduce_min3A_34 = vector.multi_reduction <minsi>, %select_n3A, %reduce_min3A_33 [1] : vector<512x512xi32> to vector<512xi32>
    %broadcast_in_dim3A_35 = vector.shape_cast %reduce_min3A_34 : vector<512xi32> to vector<512x1xi32>
    %lt3A = arith.cmpf olt, %broadcast_in_dim3A_27, %broadcast_in_dim3A_15 : vector<512x1xf32>
    %select_n3A_36 = arith.select %lt3A, %broadcast_in_dim3A_27, %broadcast_in_dim3A_15 : vector<512x1xi1>, vector<512x1xf32>
    %select_n3A_37 = arith.select %lt3A, %broadcast_in_dim3A_35, %broadcast_in_dim3A_17 : vector<512x1xi1>, vector<512x1xi32>
    %get3A_38 = arith.constant 0 : index
    %get3A_39 = arith.constant 512 : index
    %get3A_40 = vector.load %arg2[%get3A_38, %get3A_39] : memref<8x8192xf32, #tpu.memory_space<vmem>>, vector<8x512xf32>
    %get3A_41 = arith.constant 0 : index
    %get3A_42 = arith.constant 512 : index
    %get3A_43 = vector.load %arg4[%get3A_41, %get3A_42] : memref<1x8192xf32, #tpu.memory_space<vmem>>, vector<1x512xf32>
    %dot_general3A_44 = arith.constant dense<0.000000e+00> : vector<512x512xf32>
    %dot_general3A_45 = tpu.matmul %mul3A_13, %get3A_40, %dot_general3A_44 {dimension_numbers = #tpu.dot_dimension_numbers<[1], [0], [0], [1], [0, 0, 1, 1], [], []>, transpose_lhs_hint = false} : vector<512x8xf32>, vector<8x512xf32>, vector<512x512xf32> -> vector<512x512xf32>
    %add3A_46 = vector.broadcast %get3A_43 : vector<1x512xf32> to vector<512x512xf32>
    %add3A_47 = arith.addf %add3A_46, %dot_general3A_45 : vector<512x512xf32>
    %reduce_min3A_48 = arith.constant dense<0x7F800000> : vector<512xf32>
    %reduce_min3A_49 = vector.multi_reduction <minimumf>, %add3A_47, %reduce_min3A_48 [1] : vector<512x512xf32> to vector<512xf32>
    %broadcast_in_dim3A_50 = vector.shape_cast %reduce_min3A_49 : vector<512xf32> to vector<512x1xf32>
    %iota3A_51 = tpu.iota {dimensions = array<i32: 1>} : vector<512x512xi32>
    %add3A_52 = arith.constant 512 : i32
    %add3A_53 = vector.broadcast %add3A_52 : i32 to vector<512x512xi32>
    %add3A_54 = arith.addi %iota3A_51, %add3A_53 : vector<512x512xi32>
    %eq3A_55 = vector.broadcast %broadcast_in_dim3A_50 : vector<512x1xf32> to vector<512x512xf32>
    %eq3A_56 = arith.cmpf oeq, %add3A_47, %eq3A_55 : vector<512x512xf32>
    %jit3A_57 = arith.constant 1073741824 : i32
    %broadcast_in_dim3A_58 = vector.broadcast %jit3A_57 : i32 to vector<512x512xi32>
    %select_n3A_59 = arith.select %eq3A_56, %add3A_54, %broadcast_in_dim3A_58 : vector<512x512xi1>, vector<512x512xi32>
    %reduce_min3A_60 = arith.constant dense<2147483647> : vector<512xi32>
    %reduce_min3A_61 = vector.multi_reduction <minsi>, %select_n3A_59, %reduce_min3A_60 [1] : vector<512x512xi32> to vector<512xi32>
    %broadcast_in_dim3A_62 = vector.shape_cast %reduce_min3A_61 : vector<512xi32> to vector<512x1xi32>
    %lt3A_63 = arith.cmpf olt, %broadcast_in_dim3A_50, %select_n3A_36 : vector<512x1xf32>
    %select_n3A_64 = arith.select %lt3A_63, %broadcast_in_dim3A_50, %select_n3A_36 : vector<512x1xi1>, vector<512x1xf32>
    %select_n3A_65 = arith.select %lt3A_63, %broadcast_in_dim3A_62, %select_n3A_37 : vector<512x1xi1>, vector<512x1xi32>
    %get3A_66 = arith.constant 0 : index
    %get3A_67 = arith.constant 1024 : index
    %get3A_68 = vector.load %arg2[%get3A_66, %get3A_67] : memref<8x8192xf32, #tpu.memory_space<vmem>>, vector<8x512xf32>
    %get3A_69 = arith.constant 0 : index
    %get3A_70 = arith.constant 1024 : index
    %get3A_71 = vector.load %arg4[%get3A_69, %get3A_70] : memref<1x8192xf32, #tpu.memory_space<vmem>>, vector<1x512xf32>
    %dot_general3A_72 = arith.constant dense<0.000000e+00> : vector<512x512xf32>
    %dot_general3A_73 = tpu.matmul %mul3A_13, %get3A_68, %dot_general3A_72 {dimension_numbers = #tpu.dot_dimension_numbers<[1], [0], [0], [1], [0, 0, 1, 1], [], []>, transpose_lhs_hint = false} : vector<512x8xf32>, vector<8x512xf32>, vector<512x512xf32> -> vector<512x512xf32>
    %add3A_74 = vector.broadcast %get3A_71 : vector<1x512xf32> to vector<512x512xf32>
    %add3A_75 = arith.addf %add3A_74, %dot_general3A_73 : vector<512x512xf32>
    %reduce_min3A_76 = arith.constant dense<0x7F800000> : vector<512xf32>
    %reduce_min3A_77 = vector.multi_reduction <minimumf>, %add3A_75, %reduce_min3A_76 [1] : vector<512x512xf32> to vector<512xf32>
    %broadcast_in_dim3A_78 = vector.shape_cast %reduce_min3A_77 : vector<512xf32> to vector<512x1xf32>
    %iota3A_79 = tpu.iota {dimensions = array<i32: 1>} : vector<512x512xi32>
    %add3A_80 = arith.constant 1024 : i32
    %add3A_81 = vector.broadcast %add3A_80 : i32 to vector<512x512xi32>
    %add3A_82 = arith.addi %iota3A_79, %add3A_81 : vector<512x512xi32>
    %eq3A_83 = vector.broadcast %broadcast_in_dim3A_78 : vector<512x1xf32> to vector<512x512xf32>
    %eq3A_84 = arith.cmpf oeq, %add3A_75, %eq3A_83 : vector<512x512xf32>
    %jit3A_85 = arith.constant 1073741824 : i32
    %broadcast_in_dim3A_86 = vector.broadcast %jit3A_85 : i32 to vector<512x512xi32>
    %select_n3A_87 = arith.select %eq3A_84, %add3A_82, %broadcast_in_dim3A_86 : vector<512x512xi1>, vector<512x512xi32>
    %reduce_min3A_88 = arith.constant dense<2147483647> : vector<512xi32>
    %reduce_min3A_89 = vector.multi_reduction <minsi>, %select_n3A_87, %reduce_min3A_88 [1] : vector<512x512xi32> to vector<512xi32>
    %broadcast_in_dim3A_90 = vector.shape_cast %reduce_min3A_89 : vector<512xi32> to vector<512x1xi32>
    %lt3A_91 = arith.cmpf olt, %broadcast_in_dim3A_78, %select_n3A_64 : vector<512x1xf32>
    %select_n3A_92 = arith.select %lt3A_91, %broadcast_in_dim3A_78, %select_n3A_64 : vector<512x1xi1>, vector<512x1xf32>
    %select_n3A_93 = arith.select %lt3A_91, %broadcast_in_dim3A_90, %select_n3A_65 : vector<512x1xi1>, vector<512x1xi32>
    %get3A_94 = arith.constant 0 : index
    %get3A_95 = arith.constant 1536 : index
    %get3A_96 = vector.load %arg2[%get3A_94, %get3A_95] : memref<8x8192xf32, #tpu.memory_space<vmem>>, vector<8x512xf32>
    %get3A_97 = arith.constant 0 : index
    %get3A_98 = arith.constant 1536 : index
    %get3A_99 = vector.load %arg4[%get3A_97, %get3A_98] : memref<1x8192xf32, #tpu.memory_space<vmem>>, vector<1x512xf32>
    %dot_general3A_100 = arith.constant dense<0.000000e+00> : vector<512x512xf32>
    %dot_general3A_101 = tpu.matmul %mul3A_13, %get3A_96, %dot_general3A_100 {dimension_numbers = #tpu.dot_dimension_numbers<[1], [0], [0], [1], [0, 0, 1, 1], [], []>, transpose_lhs_hint = false} : vector<512x8xf32>, vector<8x512xf32>, vector<512x512xf32> -> vector<512x512xf32>
    %add3A_102 = vector.broadcast %get3A_99 : vector<1x512xf32> to vector<512x512xf32>
    %add3A_103 = arith.addf %add3A_102, %dot_general3A_101 : vector<512x512xf32>
    %reduce_min3A_104 = arith.constant dense<0x7F800000> : vector<512xf32>
    %reduce_min3A_105 = vector.multi_reduction <minimumf>, %add3A_103, %reduce_min3A_104 [1] : vector<512x512xf32> to vector<512xf32>
    %broadcast_in_dim3A_106 = vector.shape_cast %reduce_min3A_105 : vector<512xf32> to vector<512x1xf32>
    %iota3A_107 = tpu.iota {dimensions = array<i32: 1>} : vector<512x512xi32>
    %add3A_108 = arith.constant 1536 : i32
    %add3A_109 = vector.broadcast %add3A_108 : i32 to vector<512x512xi32>
    %add3A_110 = arith.addi %iota3A_107, %add3A_109 : vector<512x512xi32>
    %eq3A_111 = vector.broadcast %broadcast_in_dim3A_106 : vector<512x1xf32> to vector<512x512xf32>
    %eq3A_112 = arith.cmpf oeq, %add3A_103, %eq3A_111 : vector<512x512xf32>
    %jit3A_113 = arith.constant 1073741824 : i32
    %broadcast_in_dim3A_114 = vector.broadcast %jit3A_113 : i32 to vector<512x512xi32>
    %select_n3A_115 = arith.select %eq3A_112, %add3A_110, %broadcast_in_dim3A_114 : vector<512x512xi1>, vector<512x512xi32>
    %reduce_min3A_116 = arith.constant dense<2147483647> : vector<512xi32>
    %reduce_min3A_117 = vector.multi_reduction <minsi>, %select_n3A_115, %reduce_min3A_116 [1] : vector<512x512xi32> to vector<512xi32>
    %broadcast_in_dim3A_118 = vector.shape_cast %reduce_min3A_117 : vector<512xi32> to vector<512x1xi32>
    %lt3A_119 = arith.cmpf olt, %broadcast_in_dim3A_106, %select_n3A_92 : vector<512x1xf32>
    %select_n3A_120 = arith.select %lt3A_119, %broadcast_in_dim3A_106, %select_n3A_92 : vector<512x1xi1>, vector<512x1xf32>
    %select_n3A_121 = arith.select %lt3A_119, %broadcast_in_dim3A_118, %select_n3A_93 : vector<512x1xi1>, vector<512x1xi32>
    %get3A_122 = arith.constant 0 : index
    %get3A_123 = arith.constant 2048 : index
    %get3A_124 = vector.load %arg2[%get3A_122, %get3A_123] : memref<8x8192xf32, #tpu.memory_space<vmem>>, vector<8x512xf32>
    %get3A_125 = arith.constant 0 : index
    %get3A_126 = arith.constant 2048 : index
    %get3A_127 = vector.load %arg4[%get3A_125, %get3A_126] : memref<1x8192xf32, #tpu.memory_space<vmem>>, vector<1x512xf32>
    %dot_general3A_128 = arith.constant dense<0.000000e+00> : vector<512x512xf32>
    %dot_general3A_129 = tpu.matmul %mul3A_13, %get3A_124, %dot_general3A_128 {dimension_numbers = #tpu.dot_dimension_numbers<[1], [0], [0], [1], [0, 0, 1, 1], [], []>, transpose_lhs_hint = false} : vector<512x8xf32>, vector<8x512xf32>, vector<512x512xf32> -> vector<512x512xf32>
    %add3A_130 = vector.broadcast %get3A_127 : vector<1x512xf32> to vector<512x512xf32>
    %add3A_131 = arith.addf %add3A_130, %dot_general3A_129 : vector<512x512xf32>
    %reduce_min3A_132 = arith.constant dense<0x7F800000> : vector<512xf32>
    %reduce_min3A_133 = vector.multi_reduction <minimumf>, %add3A_131, %reduce_min3A_132 [1] : vector<512x512xf32> to vector<512xf32>
    %broadcast_in_dim3A_134 = vector.shape_cast %reduce_min3A_133 : vector<512xf32> to vector<512x1xf32>
    %iota3A_135 = tpu.iota {dimensions = array<i32: 1>} : vector<512x512xi32>
    %add3A_136 = arith.constant 2048 : i32
    %add3A_137 = vector.broadcast %add3A_136 : i32 to vector<512x512xi32>
    %add3A_138 = arith.addi %iota3A_135, %add3A_137 : vector<512x512xi32>
    %eq3A_139 = vector.broadcast %broadcast_in_dim3A_134 : vector<512x1xf32> to vector<512x512xf32>
    %eq3A_140 = arith.cmpf oeq, %add3A_131, %eq3A_139 : vector<512x512xf32>
    %jit3A_141 = arith.constant 1073741824 : i32
    %broadcast_in_dim3A_142 = vector.broadcast %jit3A_141 : i32 to vector<512x512xi32>
    %select_n3A_143 = arith.select %eq3A_140, %add3A_138, %broadcast_in_dim3A_142 : vector<512x512xi1>, vector<512x512xi32>
    %reduce_min3A_144 = arith.constant dense<2147483647> : vector<512xi32>
    %reduce_min3A_145 = vector.multi_reduction <minsi>, %select_n3A_143, %reduce_min3A_144 [1] : vector<512x512xi32> to vector<512xi32>
    %broadcast_in_dim3A_146 = vector.shape_cast %reduce_min3A_145 : vector<512xi32> to vector<512x1xi32>
    %lt3A_147 = arith.cmpf olt, %broadcast_in_dim3A_134, %select_n3A_120 : vector<512x1xf32>
    %select_n3A_148 = arith.select %lt3A_147, %broadcast_in_dim3A_134, %select_n3A_120 : vector<512x1xi1>, vector<512x1xf32>
    %select_n3A_149 = arith.select %lt3A_147, %broadcast_in_dim3A_146, %select_n3A_121 : vector<512x1xi1>, vector<512x1xi32>
    %get3A_150 = arith.constant 0 : index
    %get3A_151 = arith.constant 2560 : index
    %get3A_152 = vector.load %arg2[%get3A_150, %get3A_151] : memref<8x8192xf32, #tpu.memory_space<vmem>>, vector<8x512xf32>
    %get3A_153 = arith.constant 0 : index
    %get3A_154 = arith.constant 2560 : index
    %get3A_155 = vector.load %arg4[%get3A_153, %get3A_154] : memref<1x8192xf32, #tpu.memory_space<vmem>>, vector<1x512xf32>
    %dot_general3A_156 = arith.constant dense<0.000000e+00> : vector<512x512xf32>
    %dot_general3A_157 = tpu.matmul %mul3A_13, %get3A_152, %dot_general3A_156 {dimension_numbers = #tpu.dot_dimension_numbers<[1], [0], [0], [1], [0, 0, 1, 1], [], []>, transpose_lhs_hint = false} : vector<512x8xf32>, vector<8x512xf32>, vector<512x512xf32> -> vector<512x512xf32>
    %add3A_158 = vector.broadcast %get3A_155 : vector<1x512xf32> to vector<512x512xf32>
    %add3A_159 = arith.addf %add3A_158, %dot_general3A_157 : vector<512x512xf32>
    %reduce_min3A_160 = arith.constant dense<0x7F800000> : vector<512xf32>
    %reduce_min3A_161 = vector.multi_reduction <minimumf>, %add3A_159, %reduce_min3A_160 [1] : vector<512x512xf32> to vector<512xf32>
    %broadcast_in_dim3A_162 = vector.shape_cast %reduce_min3A_161 : vector<512xf32> to vector<512x1xf32>
    %iota3A_163 = tpu.iota {dimensions = array<i32: 1>} : vector<512x512xi32>
    %add3A_164 = arith.constant 2560 : i32
    %add3A_165 = vector.broadcast %add3A_164 : i32 to vector<512x512xi32>
    %add3A_166 = arith.addi %iota3A_163, %add3A_165 : vector<512x512xi32>
    %eq3A_167 = vector.broadcast %broadcast_in_dim3A_162 : vector<512x1xf32> to vector<512x512xf32>
    %eq3A_168 = arith.cmpf oeq, %add3A_159, %eq3A_167 : vector<512x512xf32>
    %jit3A_169 = arith.constant 1073741824 : i32
    %broadcast_in_dim3A_170 = vector.broadcast %jit3A_169 : i32 to vector<512x512xi32>
    %select_n3A_171 = arith.select %eq3A_168, %add3A_166, %broadcast_in_dim3A_170 : vector<512x512xi1>, vector<512x512xi32>
    %reduce_min3A_172 = arith.constant dense<2147483647> : vector<512xi32>
    %reduce_min3A_173 = vector.multi_reduction <minsi>, %select_n3A_171, %reduce_min3A_172 [1] : vector<512x512xi32> to vector<512xi32>
    %broadcast_in_dim3A_174 = vector.shape_cast %reduce_min3A_173 : vector<512xi32> to vector<512x1xi32>
    %lt3A_175 = arith.cmpf olt, %broadcast_in_dim3A_162, %select_n3A_148 : vector<512x1xf32>
    %select_n3A_176 = arith.select %lt3A_175, %broadcast_in_dim3A_162, %select_n3A_148 : vector<512x1xi1>, vector<512x1xf32>
    %select_n3A_177 = arith.select %lt3A_175, %broadcast_in_dim3A_174, %select_n3A_149 : vector<512x1xi1>, vector<512x1xi32>
    %get3A_178 = arith.constant 0 : index
    %get3A_179 = arith.constant 3072 : index
    %get3A_180 = vector.load %arg2[%get3A_178, %get3A_179] : memref<8x8192xf32, #tpu.memory_space<vmem>>, vector<8x512xf32>
    %get3A_181 = arith.constant 0 : index
    %get3A_182 = arith.constant 3072 : index
    %get3A_183 = vector.load %arg4[%get3A_181, %get3A_182] : memref<1x8192xf32, #tpu.memory_space<vmem>>, vector<1x512xf32>
    %dot_general3A_184 = arith.constant dense<0.000000e+00> : vector<512x512xf32>
    %dot_general3A_185 = tpu.matmul %mul3A_13, %get3A_180, %dot_general3A_184 {dimension_numbers = #tpu.dot_dimension_numbers<[1], [0], [0], [1], [0, 0, 1, 1], [], []>, transpose_lhs_hint = false} : vector<512x8xf32>, vector<8x512xf32>, vector<512x512xf32> -> vector<512x512xf32>
    %add3A_186 = vector.broadcast %get3A_183 : vector<1x512xf32> to vector<512x512xf32>
    %add3A_187 = arith.addf %add3A_186, %dot_general3A_185 : vector<512x512xf32>
    %reduce_min3A_188 = arith.constant dense<0x7F800000> : vector<512xf32>
    %reduce_min3A_189 = vector.multi_reduction <minimumf>, %add3A_187, %reduce_min3A_188 [1] : vector<512x512xf32> to vector<512xf32>
    %broadcast_in_dim3A_190 = vector.shape_cast %reduce_min3A_189 : vector<512xf32> to vector<512x1xf32>
    %iota3A_191 = tpu.iota {dimensions = array<i32: 1>} : vector<512x512xi32>
    %add3A_192 = arith.constant 3072 : i32
    %add3A_193 = vector.broadcast %add3A_192 : i32 to vector<512x512xi32>
    %add3A_194 = arith.addi %iota3A_191, %add3A_193 : vector<512x512xi32>
    %eq3A_195 = vector.broadcast %broadcast_in_dim3A_190 : vector<512x1xf32> to vector<512x512xf32>
    %eq3A_196 = arith.cmpf oeq, %add3A_187, %eq3A_195 : vector<512x512xf32>
    %jit3A_197 = arith.constant 1073741824 : i32
    %broadcast_in_dim3A_198 = vector.broadcast %jit3A_197 : i32 to vector<512x512xi32>
    %select_n3A_199 = arith.select %eq3A_196, %add3A_194, %broadcast_in_dim3A_198 : vector<512x512xi1>, vector<512x512xi32>
    %reduce_min3A_200 = arith.constant dense<2147483647> : vector<512xi32>
    %reduce_min3A_201 = vector.multi_reduction <minsi>, %select_n3A_199, %reduce_min3A_200 [1] : vector<512x512xi32> to vector<512xi32>
    %broadcast_in_dim3A_202 = vector.shape_cast %reduce_min3A_201 : vector<512xi32> to vector<512x1xi32>
    %lt3A_203 = arith.cmpf olt, %broadcast_in_dim3A_190, %select_n3A_176 : vector<512x1xf32>
    %select_n3A_204 = arith.select %lt3A_203, %broadcast_in_dim3A_190, %select_n3A_176 : vector<512x1xi1>, vector<512x1xf32>
    %select_n3A_205 = arith.select %lt3A_203, %broadcast_in_dim3A_202, %select_n3A_177 : vector<512x1xi1>, vector<512x1xi32>
    %get3A_206 = arith.constant 0 : index
    %get3A_207 = arith.constant 3584 : index
    %get3A_208 = vector.load %arg2[%get3A_206, %get3A_207] : memref<8x8192xf32, #tpu.memory_space<vmem>>, vector<8x512xf32>
    %get3A_209 = arith.constant 0 : index
    %get3A_210 = arith.constant 3584 : index
    %get3A_211 = vector.load %arg4[%get3A_209, %get3A_210] : memref<1x8192xf32, #tpu.memory_space<vmem>>, vector<1x512xf32>
    %dot_general3A_212 = arith.constant dense<0.000000e+00> : vector<512x512xf32>
    %dot_general3A_213 = tpu.matmul %mul3A_13, %get3A_208, %dot_general3A_212 {dimension_numbers = #tpu.dot_dimension_numbers<[1], [0], [0], [1], [0, 0, 1, 1], [], []>, transpose_lhs_hint = false} : vector<512x8xf32>, vector<8x512xf32>, vector<512x512xf32> -> vector<512x512xf32>
    %add3A_214 = vector.broadcast %get3A_211 : vector<1x512xf32> to vector<512x512xf32>
    %add3A_215 = arith.addf %add3A_214, %dot_general3A_213 : vector<512x512xf32>
    %reduce_min3A_216 = arith.constant dense<0x7F800000> : vector<512xf32>
    %reduce_min3A_217 = vector.multi_reduction <minimumf>, %add3A_215, %reduce_min3A_216 [1] : vector<512x512xf32> to vector<512xf32>
    %broadcast_in_dim3A_218 = vector.shape_cast %reduce_min3A_217 : vector<512xf32> to vector<512x1xf32>
    %iota3A_219 = tpu.iota {dimensions = array<i32: 1>} : vector<512x512xi32>
    %add3A_220 = arith.constant 3584 : i32
    %add3A_221 = vector.broadcast %add3A_220 : i32 to vector<512x512xi32>
    %add3A_222 = arith.addi %iota3A_219, %add3A_221 : vector<512x512xi32>
    %eq3A_223 = vector.broadcast %broadcast_in_dim3A_218 : vector<512x1xf32> to vector<512x512xf32>
    %eq3A_224 = arith.cmpf oeq, %add3A_215, %eq3A_223 : vector<512x512xf32>
    %jit3A_225 = arith.constant 1073741824 : i32
    %broadcast_in_dim3A_226 = vector.broadcast %jit3A_225 : i32 to vector<512x512xi32>
    %select_n3A_227 = arith.select %eq3A_224, %add3A_222, %broadcast_in_dim3A_226 : vector<512x512xi1>, vector<512x512xi32>
    %reduce_min3A_228 = arith.constant dense<2147483647> : vector<512xi32>
    %reduce_min3A_229 = vector.multi_reduction <minsi>, %select_n3A_227, %reduce_min3A_228 [1] : vector<512x512xi32> to vector<512xi32>
    %broadcast_in_dim3A_230 = vector.shape_cast %reduce_min3A_229 : vector<512xi32> to vector<512x1xi32>
    %lt3A_231 = arith.cmpf olt, %broadcast_in_dim3A_218, %select_n3A_204 : vector<512x1xf32>
    %select_n3A_232 = arith.select %lt3A_231, %broadcast_in_dim3A_218, %select_n3A_204 : vector<512x1xi1>, vector<512x1xf32>
    %select_n3A_233 = arith.select %lt3A_231, %broadcast_in_dim3A_230, %select_n3A_205 : vector<512x1xi1>, vector<512x1xi32>
    %get3A_234 = arith.constant 0 : index
    %get3A_235 = arith.constant 4096 : index
    %get3A_236 = vector.load %arg2[%get3A_234, %get3A_235] : memref<8x8192xf32, #tpu.memory_space<vmem>>, vector<8x512xf32>
    %get3A_237 = arith.constant 0 : index
    %get3A_238 = arith.constant 4096 : index
    %get3A_239 = vector.load %arg4[%get3A_237, %get3A_238] : memref<1x8192xf32, #tpu.memory_space<vmem>>, vector<1x512xf32>
    %dot_general3A_240 = arith.constant dense<0.000000e+00> : vector<512x512xf32>
    %dot_general3A_241 = tpu.matmul %mul3A_13, %get3A_236, %dot_general3A_240 {dimension_numbers = #tpu.dot_dimension_numbers<[1], [0], [0], [1], [0, 0, 1, 1], [], []>, transpose_lhs_hint = false} : vector<512x8xf32>, vector<8x512xf32>, vector<512x512xf32> -> vector<512x512xf32>
    %add3A_242 = vector.broadcast %get3A_239 : vector<1x512xf32> to vector<512x512xf32>
    %add3A_243 = arith.addf %add3A_242, %dot_general3A_241 : vector<512x512xf32>
    %reduce_min3A_244 = arith.constant dense<0x7F800000> : vector<512xf32>
    %reduce_min3A_245 = vector.multi_reduction <minimumf>, %add3A_243, %reduce_min3A_244 [1] : vector<512x512xf32> to vector<512xf32>
    %broadcast_in_dim3A_246 = vector.shape_cast %reduce_min3A_245 : vector<512xf32> to vector<512x1xf32>
    %iota3A_247 = tpu.iota {dimensions = array<i32: 1>} : vector<512x512xi32>
    %add3A_248 = arith.constant 4096 : i32
    %add3A_249 = vector.broadcast %add3A_248 : i32 to vector<512x512xi32>
    %add3A_250 = arith.addi %iota3A_247, %add3A_249 : vector<512x512xi32>
    %eq3A_251 = vector.broadcast %broadcast_in_dim3A_246 : vector<512x1xf32> to vector<512x512xf32>
    %eq3A_252 = arith.cmpf oeq, %add3A_243, %eq3A_251 : vector<512x512xf32>
    %jit3A_253 = arith.constant 1073741824 : i32
    %broadcast_in_dim3A_254 = vector.broadcast %jit3A_253 : i32 to vector<512x512xi32>
    %select_n3A_255 = arith.select %eq3A_252, %add3A_250, %broadcast_in_dim3A_254 : vector<512x512xi1>, vector<512x512xi32>
    %reduce_min3A_256 = arith.constant dense<2147483647> : vector<512xi32>
    %reduce_min3A_257 = vector.multi_reduction <minsi>, %select_n3A_255, %reduce_min3A_256 [1] : vector<512x512xi32> to vector<512xi32>
    %broadcast_in_dim3A_258 = vector.shape_cast %reduce_min3A_257 : vector<512xi32> to vector<512x1xi32>
    %lt3A_259 = arith.cmpf olt, %broadcast_in_dim3A_246, %select_n3A_232 : vector<512x1xf32>
    %select_n3A_260 = arith.select %lt3A_259, %broadcast_in_dim3A_246, %select_n3A_232 : vector<512x1xi1>, vector<512x1xf32>
    %select_n3A_261 = arith.select %lt3A_259, %broadcast_in_dim3A_258, %select_n3A_233 : vector<512x1xi1>, vector<512x1xi32>
    %get3A_262 = arith.constant 0 : index
    %get3A_263 = arith.constant 4608 : index
    %get3A_264 = vector.load %arg2[%get3A_262, %get3A_263] : memref<8x8192xf32, #tpu.memory_space<vmem>>, vector<8x512xf32>
    %get3A_265 = arith.constant 0 : index
    %get3A_266 = arith.constant 4608 : index
    %get3A_267 = vector.load %arg4[%get3A_265, %get3A_266] : memref<1x8192xf32, #tpu.memory_space<vmem>>, vector<1x512xf32>
    %dot_general3A_268 = arith.constant dense<0.000000e+00> : vector<512x512xf32>
    %dot_general3A_269 = tpu.matmul %mul3A_13, %get3A_264, %dot_general3A_268 {dimension_numbers = #tpu.dot_dimension_numbers<[1], [0], [0], [1], [0, 0, 1, 1], [], []>, transpose_lhs_hint = false} : vector<512x8xf32>, vector<8x512xf32>, vector<512x512xf32> -> vector<512x512xf32>
    %add3A_270 = vector.broadcast %get3A_267 : vector<1x512xf32> to vector<512x512xf32>
    %add3A_271 = arith.addf %add3A_270, %dot_general3A_269 : vector<512x512xf32>
    %reduce_min3A_272 = arith.constant dense<0x7F800000> : vector<512xf32>
    %reduce_min3A_273 = vector.multi_reduction <minimumf>, %add3A_271, %reduce_min3A_272 [1] : vector<512x512xf32> to vector<512xf32>
    %broadcast_in_dim3A_274 = vector.shape_cast %reduce_min3A_273 : vector<512xf32> to vector<512x1xf32>
    %iota3A_275 = tpu.iota {dimensions = array<i32: 1>} : vector<512x512xi32>
    %add3A_276 = arith.constant 4608 : i32
    %add3A_277 = vector.broadcast %add3A_276 : i32 to vector<512x512xi32>
    %add3A_278 = arith.addi %iota3A_275, %add3A_277 : vector<512x512xi32>
    %eq3A_279 = vector.broadcast %broadcast_in_dim3A_274 : vector<512x1xf32> to vector<512x512xf32>
    %eq3A_280 = arith.cmpf oeq, %add3A_271, %eq3A_279 : vector<512x512xf32>
    %jit3A_281 = arith.constant 1073741824 : i32
    %broadcast_in_dim3A_282 = vector.broadcast %jit3A_281 : i32 to vector<512x512xi32>
    %select_n3A_283 = arith.select %eq3A_280, %add3A_278, %broadcast_in_dim3A_282 : vector<512x512xi1>, vector<512x512xi32>
    %reduce_min3A_284 = arith.constant dense<2147483647> : vector<512xi32>
    %reduce_min3A_285 = vector.multi_reduction <minsi>, %select_n3A_283, %reduce_min3A_284 [1] : vector<512x512xi32> to vector<512xi32>
    %broadcast_in_dim3A_286 = vector.shape_cast %reduce_min3A_285 : vector<512xi32> to vector<512x1xi32>
    %lt3A_287 = arith.cmpf olt, %broadcast_in_dim3A_274, %select_n3A_260 : vector<512x1xf32>
    %select_n3A_288 = arith.select %lt3A_287, %broadcast_in_dim3A_274, %select_n3A_260 : vector<512x1xi1>, vector<512x1xf32>
    %select_n3A_289 = arith.select %lt3A_287, %broadcast_in_dim3A_286, %select_n3A_261 : vector<512x1xi1>, vector<512x1xi32>
    %get3A_290 = arith.constant 0 : index
    %get3A_291 = arith.constant 5120 : index
    %get3A_292 = vector.load %arg2[%get3A_290, %get3A_291] : memref<8x8192xf32, #tpu.memory_space<vmem>>, vector<8x512xf32>
    %get3A_293 = arith.constant 0 : index
    %get3A_294 = arith.constant 5120 : index
    %get3A_295 = vector.load %arg4[%get3A_293, %get3A_294] : memref<1x8192xf32, #tpu.memory_space<vmem>>, vector<1x512xf32>
    %dot_general3A_296 = arith.constant dense<0.000000e+00> : vector<512x512xf32>
    %dot_general3A_297 = tpu.matmul %mul3A_13, %get3A_292, %dot_general3A_296 {dimension_numbers = #tpu.dot_dimension_numbers<[1], [0], [0], [1], [0, 0, 1, 1], [], []>, transpose_lhs_hint = false} : vector<512x8xf32>, vector<8x512xf32>, vector<512x512xf32> -> vector<512x512xf32>
    %add3A_298 = vector.broadcast %get3A_295 : vector<1x512xf32> to vector<512x512xf32>
    %add3A_299 = arith.addf %add3A_298, %dot_general3A_297 : vector<512x512xf32>
    %reduce_min3A_300 = arith.constant dense<0x7F800000> : vector<512xf32>
    %reduce_min3A_301 = vector.multi_reduction <minimumf>, %add3A_299, %reduce_min3A_300 [1] : vector<512x512xf32> to vector<512xf32>
    %broadcast_in_dim3A_302 = vector.shape_cast %reduce_min3A_301 : vector<512xf32> to vector<512x1xf32>
    %iota3A_303 = tpu.iota {dimensions = array<i32: 1>} : vector<512x512xi32>
    %add3A_304 = arith.constant 5120 : i32
    %add3A_305 = vector.broadcast %add3A_304 : i32 to vector<512x512xi32>
    %add3A_306 = arith.addi %iota3A_303, %add3A_305 : vector<512x512xi32>
    %eq3A_307 = vector.broadcast %broadcast_in_dim3A_302 : vector<512x1xf32> to vector<512x512xf32>
    %eq3A_308 = arith.cmpf oeq, %add3A_299, %eq3A_307 : vector<512x512xf32>
    %jit3A_309 = arith.constant 1073741824 : i32
    %broadcast_in_dim3A_310 = vector.broadcast %jit3A_309 : i32 to vector<512x512xi32>
    %select_n3A_311 = arith.select %eq3A_308, %add3A_306, %broadcast_in_dim3A_310 : vector<512x512xi1>, vector<512x512xi32>
    %reduce_min3A_312 = arith.constant dense<2147483647> : vector<512xi32>
    %reduce_min3A_313 = vector.multi_reduction <minsi>, %select_n3A_311, %reduce_min3A_312 [1] : vector<512x512xi32> to vector<512xi32>
    %broadcast_in_dim3A_314 = vector.shape_cast %reduce_min3A_313 : vector<512xi32> to vector<512x1xi32>
    %lt3A_315 = arith.cmpf olt, %broadcast_in_dim3A_302, %select_n3A_288 : vector<512x1xf32>
    %select_n3A_316 = arith.select %lt3A_315, %broadcast_in_dim3A_302, %select_n3A_288 : vector<512x1xi1>, vector<512x1xf32>
    %select_n3A_317 = arith.select %lt3A_315, %broadcast_in_dim3A_314, %select_n3A_289 : vector<512x1xi1>, vector<512x1xi32>
    %get3A_318 = arith.constant 0 : index
    %get3A_319 = arith.constant 5632 : index
    %get3A_320 = vector.load %arg2[%get3A_318, %get3A_319] : memref<8x8192xf32, #tpu.memory_space<vmem>>, vector<8x512xf32>
    %get3A_321 = arith.constant 0 : index
    %get3A_322 = arith.constant 5632 : index
    %get3A_323 = vector.load %arg4[%get3A_321, %get3A_322] : memref<1x8192xf32, #tpu.memory_space<vmem>>, vector<1x512xf32>
    %dot_general3A_324 = arith.constant dense<0.000000e+00> : vector<512x512xf32>
    %dot_general3A_325 = tpu.matmul %mul3A_13, %get3A_320, %dot_general3A_324 {dimension_numbers = #tpu.dot_dimension_numbers<[1], [0], [0], [1], [0, 0, 1, 1], [], []>, transpose_lhs_hint = false} : vector<512x8xf32>, vector<8x512xf32>, vector<512x512xf32> -> vector<512x512xf32>
    %add3A_326 = vector.broadcast %get3A_323 : vector<1x512xf32> to vector<512x512xf32>
    %add3A_327 = arith.addf %add3A_326, %dot_general3A_325 : vector<512x512xf32>
    %reduce_min3A_328 = arith.constant dense<0x7F800000> : vector<512xf32>
    %reduce_min3A_329 = vector.multi_reduction <minimumf>, %add3A_327, %reduce_min3A_328 [1] : vector<512x512xf32> to vector<512xf32>
    %broadcast_in_dim3A_330 = vector.shape_cast %reduce_min3A_329 : vector<512xf32> to vector<512x1xf32>
    %iota3A_331 = tpu.iota {dimensions = array<i32: 1>} : vector<512x512xi32>
    %add3A_332 = arith.constant 5632 : i32
    %add3A_333 = vector.broadcast %add3A_332 : i32 to vector<512x512xi32>
    %add3A_334 = arith.addi %iota3A_331, %add3A_333 : vector<512x512xi32>
    %eq3A_335 = vector.broadcast %broadcast_in_dim3A_330 : vector<512x1xf32> to vector<512x512xf32>
    %eq3A_336 = arith.cmpf oeq, %add3A_327, %eq3A_335 : vector<512x512xf32>
    %jit3A_337 = arith.constant 1073741824 : i32
    %broadcast_in_dim3A_338 = vector.broadcast %jit3A_337 : i32 to vector<512x512xi32>
    %select_n3A_339 = arith.select %eq3A_336, %add3A_334, %broadcast_in_dim3A_338 : vector<512x512xi1>, vector<512x512xi32>
    %reduce_min3A_340 = arith.constant dense<2147483647> : vector<512xi32>
    %reduce_min3A_341 = vector.multi_reduction <minsi>, %select_n3A_339, %reduce_min3A_340 [1] : vector<512x512xi32> to vector<512xi32>
    %broadcast_in_dim3A_342 = vector.shape_cast %reduce_min3A_341 : vector<512xi32> to vector<512x1xi32>
    %lt3A_343 = arith.cmpf olt, %broadcast_in_dim3A_330, %select_n3A_316 : vector<512x1xf32>
    %select_n3A_344 = arith.select %lt3A_343, %broadcast_in_dim3A_330, %select_n3A_316 : vector<512x1xi1>, vector<512x1xf32>
    %select_n3A_345 = arith.select %lt3A_343, %broadcast_in_dim3A_342, %select_n3A_317 : vector<512x1xi1>, vector<512x1xi32>
    %get3A_346 = arith.constant 0 : index
    %get3A_347 = arith.constant 6144 : index
    %get3A_348 = vector.load %arg2[%get3A_346, %get3A_347] : memref<8x8192xf32, #tpu.memory_space<vmem>>, vector<8x512xf32>
    %get3A_349 = arith.constant 0 : index
    %get3A_350 = arith.constant 6144 : index
    %get3A_351 = vector.load %arg4[%get3A_349, %get3A_350] : memref<1x8192xf32, #tpu.memory_space<vmem>>, vector<1x512xf32>
    %dot_general3A_352 = arith.constant dense<0.000000e+00> : vector<512x512xf32>
    %dot_general3A_353 = tpu.matmul %mul3A_13, %get3A_348, %dot_general3A_352 {dimension_numbers = #tpu.dot_dimension_numbers<[1], [0], [0], [1], [0, 0, 1, 1], [], []>, transpose_lhs_hint = false} : vector<512x8xf32>, vector<8x512xf32>, vector<512x512xf32> -> vector<512x512xf32>
    %add3A_354 = vector.broadcast %get3A_351 : vector<1x512xf32> to vector<512x512xf32>
    %add3A_355 = arith.addf %add3A_354, %dot_general3A_353 : vector<512x512xf32>
    %reduce_min3A_356 = arith.constant dense<0x7F800000> : vector<512xf32>
    %reduce_min3A_357 = vector.multi_reduction <minimumf>, %add3A_355, %reduce_min3A_356 [1] : vector<512x512xf32> to vector<512xf32>
    %broadcast_in_dim3A_358 = vector.shape_cast %reduce_min3A_357 : vector<512xf32> to vector<512x1xf32>
    %iota3A_359 = tpu.iota {dimensions = array<i32: 1>} : vector<512x512xi32>
    %add3A_360 = arith.constant 6144 : i32
    %add3A_361 = vector.broadcast %add3A_360 : i32 to vector<512x512xi32>
    %add3A_362 = arith.addi %iota3A_359, %add3A_361 : vector<512x512xi32>
    %eq3A_363 = vector.broadcast %broadcast_in_dim3A_358 : vector<512x1xf32> to vector<512x512xf32>
    %eq3A_364 = arith.cmpf oeq, %add3A_355, %eq3A_363 : vector<512x512xf32>
    %jit3A_365 = arith.constant 1073741824 : i32
    %broadcast_in_dim3A_366 = vector.broadcast %jit3A_365 : i32 to vector<512x512xi32>
    %select_n3A_367 = arith.select %eq3A_364, %add3A_362, %broadcast_in_dim3A_366 : vector<512x512xi1>, vector<512x512xi32>
    %reduce_min3A_368 = arith.constant dense<2147483647> : vector<512xi32>
    %reduce_min3A_369 = vector.multi_reduction <minsi>, %select_n3A_367, %reduce_min3A_368 [1] : vector<512x512xi32> to vector<512xi32>
    %broadcast_in_dim3A_370 = vector.shape_cast %reduce_min3A_369 : vector<512xi32> to vector<512x1xi32>
    %lt3A_371 = arith.cmpf olt, %broadcast_in_dim3A_358, %select_n3A_344 : vector<512x1xf32>
    %select_n3A_372 = arith.select %lt3A_371, %broadcast_in_dim3A_358, %select_n3A_344 : vector<512x1xi1>, vector<512x1xf32>
    %select_n3A_373 = arith.select %lt3A_371, %broadcast_in_dim3A_370, %select_n3A_345 : vector<512x1xi1>, vector<512x1xi32>
    %get3A_374 = arith.constant 0 : index
    %get3A_375 = arith.constant 6656 : index
    %get3A_376 = vector.load %arg2[%get3A_374, %get3A_375] : memref<8x8192xf32, #tpu.memory_space<vmem>>, vector<8x512xf32>
    %get3A_377 = arith.constant 0 : index
    %get3A_378 = arith.constant 6656 : index
    %get3A_379 = vector.load %arg4[%get3A_377, %get3A_378] : memref<1x8192xf32, #tpu.memory_space<vmem>>, vector<1x512xf32>
    %dot_general3A_380 = arith.constant dense<0.000000e+00> : vector<512x512xf32>
    %dot_general3A_381 = tpu.matmul %mul3A_13, %get3A_376, %dot_general3A_380 {dimension_numbers = #tpu.dot_dimension_numbers<[1], [0], [0], [1], [0, 0, 1, 1], [], []>, transpose_lhs_hint = false} : vector<512x8xf32>, vector<8x512xf32>, vector<512x512xf32> -> vector<512x512xf32>
    %add3A_382 = vector.broadcast %get3A_379 : vector<1x512xf32> to vector<512x512xf32>
    %add3A_383 = arith.addf %add3A_382, %dot_general3A_381 : vector<512x512xf32>
    %reduce_min3A_384 = arith.constant dense<0x7F800000> : vector<512xf32>
    %reduce_min3A_385 = vector.multi_reduction <minimumf>, %add3A_383, %reduce_min3A_384 [1] : vector<512x512xf32> to vector<512xf32>
    %broadcast_in_dim3A_386 = vector.shape_cast %reduce_min3A_385 : vector<512xf32> to vector<512x1xf32>
    %iota3A_387 = tpu.iota {dimensions = array<i32: 1>} : vector<512x512xi32>
    %add3A_388 = arith.constant 6656 : i32
    %add3A_389 = vector.broadcast %add3A_388 : i32 to vector<512x512xi32>
    %add3A_390 = arith.addi %iota3A_387, %add3A_389 : vector<512x512xi32>
    %eq3A_391 = vector.broadcast %broadcast_in_dim3A_386 : vector<512x1xf32> to vector<512x512xf32>
    %eq3A_392 = arith.cmpf oeq, %add3A_383, %eq3A_391 : vector<512x512xf32>
    %jit3A_393 = arith.constant 1073741824 : i32
    %broadcast_in_dim3A_394 = vector.broadcast %jit3A_393 : i32 to vector<512x512xi32>
    %select_n3A_395 = arith.select %eq3A_392, %add3A_390, %broadcast_in_dim3A_394 : vector<512x512xi1>, vector<512x512xi32>
    %reduce_min3A_396 = arith.constant dense<2147483647> : vector<512xi32>
    %reduce_min3A_397 = vector.multi_reduction <minsi>, %select_n3A_395, %reduce_min3A_396 [1] : vector<512x512xi32> to vector<512xi32>
    %broadcast_in_dim3A_398 = vector.shape_cast %reduce_min3A_397 : vector<512xi32> to vector<512x1xi32>
    %lt3A_399 = arith.cmpf olt, %broadcast_in_dim3A_386, %select_n3A_372 : vector<512x1xf32>
    %select_n3A_400 = arith.select %lt3A_399, %broadcast_in_dim3A_386, %select_n3A_372 : vector<512x1xi1>, vector<512x1xf32>
    %select_n3A_401 = arith.select %lt3A_399, %broadcast_in_dim3A_398, %select_n3A_373 : vector<512x1xi1>, vector<512x1xi32>
    %get3A_402 = arith.constant 0 : index
    %get3A_403 = arith.constant 7168 : index
    %get3A_404 = vector.load %arg2[%get3A_402, %get3A_403] : memref<8x8192xf32, #tpu.memory_space<vmem>>, vector<8x512xf32>
    %get3A_405 = arith.constant 0 : index
    %get3A_406 = arith.constant 7168 : index
    %get3A_407 = vector.load %arg4[%get3A_405, %get3A_406] : memref<1x8192xf32, #tpu.memory_space<vmem>>, vector<1x512xf32>
    %dot_general3A_408 = arith.constant dense<0.000000e+00> : vector<512x512xf32>
    %dot_general3A_409 = tpu.matmul %mul3A_13, %get3A_404, %dot_general3A_408 {dimension_numbers = #tpu.dot_dimension_numbers<[1], [0], [0], [1], [0, 0, 1, 1], [], []>, transpose_lhs_hint = false} : vector<512x8xf32>, vector<8x512xf32>, vector<512x512xf32> -> vector<512x512xf32>
    %add3A_410 = vector.broadcast %get3A_407 : vector<1x512xf32> to vector<512x512xf32>
    %add3A_411 = arith.addf %add3A_410, %dot_general3A_409 : vector<512x512xf32>
    %reduce_min3A_412 = arith.constant dense<0x7F800000> : vector<512xf32>
    %reduce_min3A_413 = vector.multi_reduction <minimumf>, %add3A_411, %reduce_min3A_412 [1] : vector<512x512xf32> to vector<512xf32>
    %broadcast_in_dim3A_414 = vector.shape_cast %reduce_min3A_413 : vector<512xf32> to vector<512x1xf32>
    %iota3A_415 = tpu.iota {dimensions = array<i32: 1>} : vector<512x512xi32>
    %add3A_416 = arith.constant 7168 : i32
    %add3A_417 = vector.broadcast %add3A_416 : i32 to vector<512x512xi32>
    %add3A_418 = arith.addi %iota3A_415, %add3A_417 : vector<512x512xi32>
    %eq3A_419 = vector.broadcast %broadcast_in_dim3A_414 : vector<512x1xf32> to vector<512x512xf32>
    %eq3A_420 = arith.cmpf oeq, %add3A_411, %eq3A_419 : vector<512x512xf32>
    %jit3A_421 = arith.constant 1073741824 : i32
    %broadcast_in_dim3A_422 = vector.broadcast %jit3A_421 : i32 to vector<512x512xi32>
    %select_n3A_423 = arith.select %eq3A_420, %add3A_418, %broadcast_in_dim3A_422 : vector<512x512xi1>, vector<512x512xi32>
    %reduce_min3A_424 = arith.constant dense<2147483647> : vector<512xi32>
    %reduce_min3A_425 = vector.multi_reduction <minsi>, %select_n3A_423, %reduce_min3A_424 [1] : vector<512x512xi32> to vector<512xi32>
    %broadcast_in_dim3A_426 = vector.shape_cast %reduce_min3A_425 : vector<512xi32> to vector<512x1xi32>
    %lt3A_427 = arith.cmpf olt, %broadcast_in_dim3A_414, %select_n3A_400 : vector<512x1xf32>
    %select_n3A_428 = arith.select %lt3A_427, %broadcast_in_dim3A_414, %select_n3A_400 : vector<512x1xi1>, vector<512x1xf32>
    %select_n3A_429 = arith.select %lt3A_427, %broadcast_in_dim3A_426, %select_n3A_401 : vector<512x1xi1>, vector<512x1xi32>
    %get3A_430 = arith.constant 0 : index
    %get3A_431 = arith.constant 7680 : index
    %get3A_432 = vector.load %arg2[%get3A_430, %get3A_431] : memref<8x8192xf32, #tpu.memory_space<vmem>>, vector<8x512xf32>
    %get3A_433 = arith.constant 0 : index
    %get3A_434 = arith.constant 7680 : index
    %get3A_435 = vector.load %arg4[%get3A_433, %get3A_434] : memref<1x8192xf32, #tpu.memory_space<vmem>>, vector<1x512xf32>
    %dot_general3A_436 = arith.constant dense<0.000000e+00> : vector<512x512xf32>
    %dot_general3A_437 = tpu.matmul %mul3A_13, %get3A_432, %dot_general3A_436 {dimension_numbers = #tpu.dot_dimension_numbers<[1], [0], [0], [1], [0, 0, 1, 1], [], []>, transpose_lhs_hint = false} : vector<512x8xf32>, vector<8x512xf32>, vector<512x512xf32> -> vector<512x512xf32>
    %add3A_438 = vector.broadcast %get3A_435 : vector<1x512xf32> to vector<512x512xf32>
    %add3A_439 = arith.addf %add3A_438, %dot_general3A_437 : vector<512x512xf32>
    %reduce_min3A_440 = arith.constant dense<0x7F800000> : vector<512xf32>
    %reduce_min3A_441 = vector.multi_reduction <minimumf>, %add3A_439, %reduce_min3A_440 [1] : vector<512x512xf32> to vector<512xf32>
    %broadcast_in_dim3A_442 = vector.shape_cast %reduce_min3A_441 : vector<512xf32> to vector<512x1xf32>
    %iota3A_443 = tpu.iota {dimensions = array<i32: 1>} : vector<512x512xi32>
    %add3A_444 = arith.constant 7680 : i32
    %add3A_445 = vector.broadcast %add3A_444 : i32 to vector<512x512xi32>
    %add3A_446 = arith.addi %iota3A_443, %add3A_445 : vector<512x512xi32>
    %eq3A_447 = vector.broadcast %broadcast_in_dim3A_442 : vector<512x1xf32> to vector<512x512xf32>
    %eq3A_448 = arith.cmpf oeq, %add3A_439, %eq3A_447 : vector<512x512xf32>
    %jit3A_449 = arith.constant 1073741824 : i32
    %broadcast_in_dim3A_450 = vector.broadcast %jit3A_449 : i32 to vector<512x512xi32>
    %select_n3A_451 = arith.select %eq3A_448, %add3A_446, %broadcast_in_dim3A_450 : vector<512x512xi1>, vector<512x512xi32>
    %reduce_min3A_452 = arith.constant dense<2147483647> : vector<512xi32>
    %reduce_min3A_453 = vector.multi_reduction <minsi>, %select_n3A_451, %reduce_min3A_452 [1] : vector<512x512xi32> to vector<512xi32>
    %broadcast_in_dim3A_454 = vector.shape_cast %reduce_min3A_453 : vector<512xi32> to vector<512x1xi32>
    %lt3A_455 = arith.cmpf olt, %broadcast_in_dim3A_442, %select_n3A_428 : vector<512x1xf32>
    %select_n3A_456 = arith.select %lt3A_455, %broadcast_in_dim3A_454, %select_n3A_429 : vector<512x1xi1>, vector<512x1xi32>
    %swap3A_457 = arith.constant 0 : index
    %swap3A_458 = arith.constant 0 : index
    %swap3A_459 = vector.load %arg3[%swap3A_457, %swap3A_458] : memref<512x1xi32, #tpu.memory_space<vmem>>, vector<512x1xi32>
    tpu.vector_store %arg3[%swap3A_457, %swap3A_458], %select_n3A_456 {strides = array<i32>} : memref<512x1xi32, #tpu.memory_space<vmem>>, vector<512x1xi32>,
    return
  }
  func.func @transform_0(%arg0: i32) -> (i32, i32) {
    %c0_i32 = arith.constant 0 : i32
    %c0_i32_0 = arith.constant 0 : i32
    return %arg0, %c0_i32 : i32, i32
  }
  func.func @transform_1(%arg0: i32) -> (i32, i32) {
    %c0_i32 = arith.constant 0 : i32
    %c0_i32_0 = arith.constant 0 : i32
    %c0_i32_1 = arith.constant 0 : i32
    return %c0_i32, %c0_i32_0 : i32, i32
  }
  func.func @transform_2(%arg0: i32) -> (i32, i32) {
    %c0_i32 = arith.constant 0 : i32
    %c0_i32_0 = arith.constant 0 : i32
    return %arg0, %c0_i32 : i32, i32
  }
}

module attributes {stable_mosaic.version = 14 : i64} {
  func.func @_moments_body(%arg0: memref<8192x8xf32, #tpu.memory_space<vmem>>, %arg1: memref<8192x8xf32, #tpu.memory_space<vmem>>, %arg2: memref<8x128xf32, #tpu.memory_space<vmem>>, %arg3: memref<8x128xf32, #tpu.memory_space<vmem>>, %arg4: memref<8x128xf32, #tpu.memory_space<vmem>>) attributes {dimension_semantics = [], scalar_prefetch = 0 : i64, scratch_operands = 0 : i64, tpu.core_type = #tpu.core_type<tc>} {
    %get3A = arith.constant 0 : index
    %get3A_0 = arith.constant 0 : index
    %get3A_1 = vector.load %arg0[%get3A, %get3A_0] : memref<8192x8xf32, #tpu.memory_space<vmem>>, vector<8192x8xf32>
    %get3A_2 = arith.constant 0 : index
    %get3A_3 = arith.constant 0 : index
    %get3A_4 = vector.load %arg1[%get3A_2, %get3A_3] : memref<8192x8xf32, #tpu.memory_space<vmem>>, vector<8192x8xf32>
    %reduce_sum3A = arith.constant dense<0.000000e+00> : vector<8xf32>
    %reduce_sum3A_5 = vector.multi_reduction <add>, %get3A_1, %reduce_sum3A [0] : vector<8192x8xf32> to vector<8xf32>
    %broadcast_in_dim3A = vector.shape_cast %reduce_sum3A_5 : vector<8xf32> to vector<1x8xf32>
    %div3A = arith.constant 8.192000e+03 : f32
    %div3A_6 = vector.broadcast %div3A : f32 to vector<1x8xf32>
    %div3A_7 = arith.divf %broadcast_in_dim3A, %div3A_6 : vector<1x8xf32>
    %reduce_sum3A_8 = arith.constant dense<0.000000e+00> : vector<8xf32>
    %reduce_sum3A_9 = vector.multi_reduction <add>, %get3A_4, %reduce_sum3A_8 [0] : vector<8192x8xf32> to vector<8xf32>
    %broadcast_in_dim3A_10 = vector.shape_cast %reduce_sum3A_9 : vector<8xf32> to vector<1x8xf32>
    %div3A_11 = arith.constant 8.192000e+03 : f32
    %div3A_12 = vector.broadcast %div3A_11 : f32 to vector<1x8xf32>
    %div3A_13 = arith.divf %broadcast_in_dim3A_10, %div3A_12 : vector<1x8xf32>
    %sub3A = vector.broadcast %div3A_7 : vector<1x8xf32> to vector<8192x8xf32>
    %sub3A_14 = arith.subf %get3A_1, %sub3A : vector<8192x8xf32>
    %sub3A_15 = vector.broadcast %div3A_13 : vector<1x8xf32> to vector<8192x8xf32>
    %sub3A_16 = arith.subf %get3A_4, %sub3A_15 : vector<8192x8xf32>
    %dot_general3A = arith.constant dense<0.000000e+00> : vector<8x8xf32>
    %dot_general3A_17 = tpu.matmul %sub3A_16, %sub3A_14, %dot_general3A {dimension_numbers = #tpu.dot_dimension_numbers<[0], [0], [1], [1], [0, 1, 1, 1], [], []>, transpose_lhs_hint = false} : vector<8192x8xf32>, vector<8192x8xf32>, vector<8x8xf32> -> vector<8x8xf32>
    %div3A_18 = arith.constant 8.192000e+03 : f32
    %div3A_19 = vector.broadcast %div3A_18 : f32 to vector<8x8xf32>
    %div3A_20 = arith.divf %dot_general3A_17, %div3A_19 : vector<8x8xf32>
    %broadcast_in_dim3A_21 = arith.constant 0.000000e+00 : f32
    %broadcast_in_dim3A_22 = vector.broadcast %broadcast_in_dim3A_21 : f32 to vector<8x120xf32>
    %concatenate3A = tpu.concatenate %div3A_20, %broadcast_in_dim3A_22 in 1 : vector<8x8xf32>, vector<8x120xf32> -> vector<8x128xf32>
    %swap3A = arith.constant 0 : index
    %swap3A_23 = arith.constant 0 : index
    %swap3A_24 = vector.load %arg2[%swap3A, %swap3A_23] : memref<8x128xf32, #tpu.memory_space<vmem>>, vector<8x128xf32>
    tpu.vector_store %arg2[%swap3A, %swap3A_23], %concatenate3A {strides = array<i32>} : memref<8x128xf32, #tpu.memory_space<vmem>>, vector<8x128xf32>,
    %broadcast_in_dim3A_25 = arith.constant 0.000000e+00 : f32
    %broadcast_in_dim3A_26 = vector.broadcast %broadcast_in_dim3A_25 : f32 to vector<6x8xf32>
    %concatenate3A_27 = tpu.concatenate %div3A_7, %div3A_13, %broadcast_in_dim3A_26 in 0 : vector<1x8xf32>, vector<1x8xf32>, vector<6x8xf32> -> vector<8x8xf32>
    %concatenate3A_28 = tpu.concatenate %concatenate3A_27, %broadcast_in_dim3A_22 in 1 : vector<8x8xf32>, vector<8x120xf32> -> vector<8x128xf32>
    %swap3A_29 = arith.constant 0 : index
    %swap3A_30 = arith.constant 0 : index
    %swap3A_31 = vector.load %arg3[%swap3A_29, %swap3A_30] : memref<8x128xf32, #tpu.memory_space<vmem>>, vector<8x128xf32>
    tpu.vector_store %arg3[%swap3A_29, %swap3A_30], %concatenate3A_28 {strides = array<i32>} : memref<8x128xf32, #tpu.memory_space<vmem>>, vector<8x128xf32>,
    %mul3A = arith.mulf %sub3A_14, %sub3A_14 : vector<8192x8xf32>
    %reduce_sum3A_32 = vector.shape_cast %mul3A : vector<8192x8xf32> to vector<1x8192x8xf32>
    %reduce_sum3A_33 = arith.constant dense<0.000000e+00> : vector<1xf32>
    %reduce_sum3A_34 = vector.multi_reduction <add>, %reduce_sum3A_32, %reduce_sum3A_33 [1, 2] : vector<1x8192x8xf32> to vector<1xf32>
    %reduce_sum3A_35 = vector.shape_cast %reduce_sum3A_34 : vector<1xf32> to vector<1x1x1xf32>
    %reduce_sum3A_36 = vector.extract %reduce_sum3A_35[0, 0, 0] : f32 from vector<1x1x1xf32>
    %div3A_37 = arith.constant 8.192000e+03 : f32
    %div3A_38 = arith.divf %reduce_sum3A_36, %div3A_37 : f32
    %broadcast_in_dim3A_39 = arith.constant 1.000000e+00 : f32
    %broadcast_in_dim3A_40 = vector.broadcast %broadcast_in_dim3A_39 : f32 to vector<8x128xf32>
    %mul3A_41 = vector.broadcast %div3A_38 : f32 to vector<8x128xf32>
    %mul3A_42 = arith.mulf %mul3A_41, %broadcast_in_dim3A_40 : vector<8x128xf32>
    %swap3A_43 = arith.constant 0 : index
    %swap3A_44 = arith.constant 0 : index
    %swap3A_45 = vector.load %arg4[%swap3A_43, %swap3A_44] : memref<8x128xf32, #tpu.memory_space<vmem>>, vector<8x128xf32>
    tpu.vector_store %arg4[%swap3A_43, %swap3A_44], %mul3A_42 {strides = array<i32>} : memref<8x128xf32, #tpu.memory_space<vmem>>, vector<8x128xf32>,
    return
  }
}

module attributes {stable_mosaic.version = 14 : i64} {
  func.func @_sinkhorn_body(%arg0: i32, %arg1: memref<14xf32, #tpu.memory_space<smem>>, %arg2: memref<1x4096x8xf32, #tpu.memory_space<vmem>>, %arg3: memref<1x8x4096xf32, #tpu.memory_space<vmem>>, %arg4: memref<1x1x128xf32, #tpu.memory_space<vmem>>, %arg5: memref<1x1x128xf32, #tpu.memory_space<vmem>>, %arg6: memref<4096x1xf32, #tpu.memory_space<vmem>>, %arg7: memref<1x4096xf32, #tpu.memory_space<vmem>>, %arg8: memref<4096x1xf32, #tpu.memory_space<vmem>>, %arg9: memref<1x4096xf32, #tpu.memory_space<vmem>>, %arg10: memref<4096x8xf32, #tpu.memory_space<vmem>>, %arg11: memref<4096x8xf32, #tpu.memory_space<vmem>>, %arg12: memref<8x4096xf32, #tpu.memory_space<vmem>>) attributes {dimension_semantics = [#tpu.dimension_semantics<parallel>], iteration_bounds = array<i64: 3>, scalar_prefetch = 0 : i64, scratch_operands = 7 : i64, tpu.core_type = #tpu.core_type<tc>, window_params = [{transform_indices = @transform_0, window_bounds = array<i64: 14>}, {transform_indices = @transform_1, window_bounds = array<i64: 1, 4096, 8>}, {transform_indices = @transform_2, window_bounds = array<i64: 1, 8, 4096>}, {transform_indices = @transform_3, window_bounds = array<i64: 1, 1, 128>}, {transform_indices = @transform_4, window_bounds = array<i64: 1, 1, 128>}]} {
    %get3A = arith.constant 0 : index
    %get3A_0 = arith.constant 0 : index
    %get3A_1 = arith.constant 0 : index
    %get3A_2 = vector.load %arg2[%get3A, %get3A_0, %get3A_1] : memref<1x4096x8xf32, #tpu.memory_space<vmem>>, vector<1x4096x8xf32>
    %get3A_3 = vector.shape_cast %get3A_2 : vector<1x4096x8xf32> to vector<4096x8xf32>
    %get3A_4 = arith.constant 0 : index
    %get3A_5 = arith.constant 0 : index
    %get3A_6 = arith.constant 0 : index
    %get3A_7 = vector.load %arg2[%get3A_4, %get3A_5, %get3A_6] : memref<1x4096x8xf32, #tpu.memory_space<vmem>>, vector<1x4096x8xf32>
    %get3A_8 = vector.shape_cast %get3A_7 : vector<1x4096x8xf32> to vector<4096x8xf32>
    %mul3A = arith.mulf %get3A_3, %get3A_8 : vector<4096x8xf32>
    %reduce_sum3A = arith.constant dense<0.000000e+00> : vector<4096xf32>
    %reduce_sum3A_9 = vector.multi_reduction <add>, %mul3A, %reduce_sum3A [1] : vector<4096x8xf32> to vector<4096xf32>
    %broadcast_in_dim3A = vector.shape_cast %reduce_sum3A_9 : vector<4096xf32> to vector<4096x1xf32>
    %swap3A = arith.constant 0 : index
    %swap3A_10 = arith.constant 0 : index
    %swap3A_11 = vector.load %arg6[%swap3A, %swap3A_10] : memref<4096x1xf32, #tpu.memory_space<vmem>>, vector<4096x1xf32>
    tpu.vector_store %arg6[%swap3A, %swap3A_10], %broadcast_in_dim3A {strides = array<i32>} : memref<4096x1xf32, #tpu.memory_space<vmem>>, vector<4096x1xf32>,
    %get3A_12 = arith.constant 0 : index
    %get3A_13 = arith.constant 0 : index
    %get3A_14 = arith.constant 0 : index
    %get3A_15 = vector.load %arg3[%get3A_12, %get3A_13, %get3A_14] : memref<1x8x4096xf32, #tpu.memory_space<vmem>>, vector<1x8x4096xf32>
    %get3A_16 = vector.shape_cast %get3A_15 : vector<1x8x4096xf32> to vector<8x4096xf32>
    %get3A_17 = arith.constant 0 : index
    %get3A_18 = arith.constant 0 : index
    %get3A_19 = arith.constant 0 : index
    %get3A_20 = vector.load %arg3[%get3A_17, %get3A_18, %get3A_19] : memref<1x8x4096xf32, #tpu.memory_space<vmem>>, vector<1x8x4096xf32>
    %get3A_21 = vector.shape_cast %get3A_20 : vector<1x8x4096xf32> to vector<8x4096xf32>
    %mul3A_22 = arith.mulf %get3A_16, %get3A_21 : vector<8x4096xf32>
    %reduce_sum3A_23 = arith.constant dense<0.000000e+00> : vector<4096xf32>
    %reduce_sum3A_24 = vector.multi_reduction <add>, %mul3A_22, %reduce_sum3A_23 [0] : vector<8x4096xf32> to vector<4096xf32>
    %broadcast_in_dim3A_25 = vector.shape_cast %reduce_sum3A_24 : vector<4096xf32> to vector<1x4096xf32>
    %swap3A_26 = arith.constant 0 : index
    %swap3A_27 = arith.constant 0 : index
    %swap3A_28 = vector.load %arg7[%swap3A_26, %swap3A_27] : memref<1x4096xf32, #tpu.memory_space<vmem>>, vector<1x4096xf32>
    tpu.vector_store %arg7[%swap3A_26, %swap3A_27], %broadcast_in_dim3A_25 {strides = array<i32>} : memref<1x4096xf32, #tpu.memory_space<vmem>>, vector<1x4096xf32>,
    %broadcast_in_dim3A_29 = arith.constant 0.000000e+00 : f32
    %broadcast_in_dim3A_30 = vector.broadcast %broadcast_in_dim3A_29 : f32 to vector<4096x1xf32>
    %swap3A_31 = arith.constant 0 : index
    %swap3A_32 = arith.constant 0 : index
    %swap3A_33 = vector.load %arg8[%swap3A_31, %swap3A_32] : memref<4096x1xf32, #tpu.memory_space<vmem>>, vector<4096x1xf32>
    tpu.vector_store %arg8[%swap3A_31, %swap3A_32], %broadcast_in_dim3A_30 {strides = array<i32>} : memref<4096x1xf32, #tpu.memory_space<vmem>>, vector<4096x1xf32>,
    %broadcast_in_dim3A_34 = arith.constant 0.000000e+00 : f32
    %broadcast_in_dim3A_35 = vector.broadcast %broadcast_in_dim3A_34 : f32 to vector<1x4096xf32>
    %swap3A_36 = arith.constant 0 : index
    %swap3A_37 = arith.constant 0 : index
    %swap3A_38 = vector.load %arg9[%swap3A_36, %swap3A_37] : memref<1x4096xf32, #tpu.memory_space<vmem>>, vector<1x4096xf32>
    tpu.vector_store %arg9[%swap3A_36, %swap3A_37], %broadcast_in_dim3A_35 {strides = array<i32>} : memref<1x4096xf32, #tpu.memory_space<vmem>>, vector<1x4096xf32>,
    %broadcast_in_dim3A_39 = arith.constant 1.000000e+00 : f32
    %broadcast_in_dim3A_40 = vector.broadcast %broadcast_in_dim3A_39 : f32 to vector<4096x1xf32>
    %broadcast_in_dim3A_41 = arith.constant 0.000000e+00 : f32
    %broadcast_in_dim3A_42 = vector.broadcast %broadcast_in_dim3A_41 : f32 to vector<4096x2xf32>
    %broadcast_in_dim3A_43 = arith.constant 1.000000e+00 : f32
    %broadcast_in_dim3A_44 = vector.broadcast %broadcast_in_dim3A_43 : f32 to vector<1x4096xf32>
    %broadcast_in_dim3A_45 = arith.constant 0.000000e+00 : f32
    %broadcast_in_dim3A_46 = vector.broadcast %broadcast_in_dim3A_45 : f32 to vector<2x4096xf32>
    %get3A_47 = arith.constant 0 : index
    %get3A_48 = arith.constant 0 : index
    %get3A_49 = arith.constant 0 : index
    %get3A_50 = vector.load %arg2[%get3A_47, %get3A_48, %get3A_49] : memref<1x4096x8xf32, #tpu.memory_space<vmem>>, vector<1x4096x8xf32>
    %get3A_51 = vector.shape_cast %get3A_50 : vector<1x4096x8xf32> to vector<4096x8xf32>
    %slice3A = vector.extract_strided_slice %get3A_51 {offsets = [0, 0], sizes = [4096, 4], strides = [1, 1]} : vector<4096x8xf32> to vector<4096x4xf32>
    %get3A_52 = arith.constant 0 : index
    %get3A_53 = arith.constant 0 : index
    %get3A_54 = vector.load %arg6[%get3A_52, %get3A_53] : memref<4096x1xf32, #tpu.memory_space<vmem>>, vector<4096x1xf32>
    %mul3A_55 = arith.constant 5.000000e-01 : f32
    %mul3A_56 = vector.broadcast %mul3A_55 : f32 to vector<4096x1xf32>
    %mul3A_57 = arith.mulf %mul3A_56, %get3A_54 : vector<4096x1xf32>
    %neg3A = arith.constant 0.000000e+00 : f32
    %neg3A_58 = vector.broadcast %neg3A : f32 to vector<4096x1xf32>
    %neg3A_59 = arith.subf %neg3A_58, %mul3A_57 : vector<4096x1xf32>
    %concatenate3A = tpu.concatenate %slice3A, %broadcast_in_dim3A_40, %neg3A_59, %broadcast_in_dim3A_42 in 1 : vector<4096x4xf32>, vector<4096x1xf32>, vector<4096x1xf32>, vector<4096x2xf32> -> vector<4096x8xf32>
    %swap3A_60 = arith.constant 0 : index
    %swap3A_61 = arith.constant 0 : index
    %swap3A_62 = vector.load %arg11[%swap3A_60, %swap3A_61] : memref<4096x8xf32, #tpu.memory_space<vmem>>, vector<4096x8xf32>
    tpu.vector_store %arg11[%swap3A_60, %swap3A_61], %concatenate3A {strides = array<i32>} : memref<4096x8xf32, #tpu.memory_space<vmem>>, vector<4096x8xf32>,
    %scan3A = arith.constant 0 : i32
    %scan3A_63 = arith.constant 14 : i32
    %scan3A_64 = arith.addi %scan3A, %scan3A_63 : i32
    %scan3A_65 = arith.constant 1 : i32
    scf.for %scan3A_102 = %scan3A to %scan3A_64 step %scan3A_65  : i32 {
      %get3A_103 = arith.index_cast %scan3A_102 : i32 to index
      %get3A_104 = memref.load %arg1[%get3A_103] : memref<14xf32, #tpu.memory_space<smem>>
      %div3A_105 = arith.constant 1.44269502 : f32
      %div3A_106 = arith.divf %div3A_105, %get3A_104 : f32
      %get3A_107 = arith.constant 0 : index
      %get3A_108 = arith.constant 0 : index
      %get3A_109 = vector.load %arg8[%get3A_107, %get3A_108] : memref<4096x1xf32, #tpu.memory_space<vmem>>, vector<4096x1xf32>
      %sub3A = arith.subf %get3A_109, %mul3A_57 : vector<4096x1xf32>
      %concatenate3A_110 = tpu.concatenate %slice3A, %sub3A, %broadcast_in_dim3A_40, %broadcast_in_dim3A_42 in 1 : vector<4096x4xf32>, vector<4096x1xf32>, vector<4096x1xf32>, vector<4096x2xf32> -> vector<4096x8xf32>
      %swap3A_111 = arith.constant 0 : index
      %swap3A_112 = arith.constant 0 : index
      %swap3A_113 = vector.load %arg10[%swap3A_111, %swap3A_112] : memref<4096x8xf32, #tpu.memory_space<vmem>>, vector<4096x8xf32>
      tpu.vector_store %arg10[%swap3A_111, %swap3A_112], %concatenate3A_110 {strides = array<i32>} : memref<4096x8xf32, #tpu.memory_space<vmem>>, vector<4096x8xf32>,
      %get3A_114 = arith.constant 0 : index
      %get3A_115 = arith.constant 0 : index
      %get3A_116 = arith.constant 0 : index
      %get3A_117 = vector.load %arg3[%get3A_114, %get3A_115, %get3A_116] : memref<1x8x4096xf32, #tpu.memory_space<vmem>>, vector<1x8x4096xf32>
      %get3A_118 = vector.shape_cast %get3A_117 : vector<1x8x4096xf32> to vector<8x4096xf32>
      %slice3A_119 = vector.extract_strided_slice %get3A_118 {offsets = [0, 0], sizes = [4, 4096], strides = [1, 1]} : vector<8x4096xf32> to vector<4x4096xf32>
      %mul3A_120 = vector.broadcast %div3A_106 : f32 to vector<4x4096xf32>
      %mul3A_121 = arith.mulf %slice3A_119, %mul3A_120 : vector<4x4096xf32>
      %mul3A_122 = vector.broadcast %div3A_106 : f32 to vector<1x4096xf32>
      %mul3A_123 = arith.mulf %mul3A_122, %broadcast_in_dim3A_44 : vector<1x4096xf32>
      %mul3A_124 = arith.constant -5.000000e-01 : f32
      %mul3A_125 = arith.mulf %mul3A_124, %div3A_106 : f32
      %get3A_126 = arith.constant 0 : index
      %get3A_127 = arith.constant 0 : index
      %get3A_128 = vector.load %arg7[%get3A_126, %get3A_127] : memref<1x4096xf32, #tpu.memory_space<vmem>>, vector<1x4096xf32>
      %mul3A_129 = vector.broadcast %mul3A_125 : f32 to vector<1x4096xf32>
      %mul3A_130 = arith.mulf %mul3A_129, %get3A_128 : vector<1x4096xf32>
      %concatenate3A_131 = tpu.concatenate %mul3A_121, %mul3A_123, %mul3A_130, %broadcast_in_dim3A_46 in 0 : vector<4x4096xf32>, vector<1x4096xf32>, vector<1x4096xf32>, vector<2x4096xf32> -> vector<8x4096xf32>
      %swap3A_132 = arith.constant 0 : index
      %swap3A_133 = arith.constant 0 : index
      %swap3A_134 = vector.load %arg12[%swap3A_132, %swap3A_133] : memref<8x4096xf32, #tpu.memory_space<vmem>>, vector<8x4096xf32>
      tpu.vector_store %arg12[%swap3A_132, %swap3A_133], %concatenate3A_131 {strides = array<i32>} : memref<8x4096xf32, #tpu.memory_space<vmem>>, vector<8x4096xf32>,
      %scan3A_135 = arith.constant 0 : i32
      %mul3A_136 = arith.constant 512 : i32
      %mul3A_137 = arith.muli %scan3A_135, %mul3A_136 : i32
      %get3A_138 = arith.constant 0 : index
      %get3A_139 = arith.index_cast %mul3A_137 : i32 to index
      %get3A_140 = vector.load %arg12[%get3A_138, %get3A_139] : memref<8x4096xf32, #tpu.memory_space<vmem>>, vector<8x512xf32>
      %broadcast_in_dim3A_141 = arith.constant -1.000000e+30 : f32
      %broadcast_in_dim3A_142 = vector.broadcast %broadcast_in_dim3A_141 : f32 to vector<1x512xf32>
      %broadcast_in_dim3A_143 = arith.constant 0.000000e+00 : f32
      %broadcast_in_dim3A_144 = vector.broadcast %broadcast_in_dim3A_143 : f32 to vector<1x512xf32>
      %get3A_145 = arith.constant 0 : index
      %get3A_146 = arith.constant 0 : index
      %get3A_147 = vector.load %arg10[%get3A_145, %get3A_146] : memref<4096x8xf32, #tpu.memory_space<vmem>>, vector<512x8xf32>
      %dot_general3A = arith.constant dense<0.000000e+00> : vector<512x512xf32>
      %dot_general3A_148 = tpu.matmul %get3A_147, %get3A_140, %dot_general3A {dimension_numbers = #tpu.dot_dimension_numbers<[1], [0], [0], [1], [0, 0, 1, 1], [], []>, transpose_lhs_hint = false} : vector<512x8xf32>, vector<8x512xf32>, vector<512x512xf32> -> vector<512x512xf32>
      %reduce_max3A = arith.constant dense<0xFF800000> : vector<512xf32>
      %reduce_max3A_149 = vector.multi_reduction <maximumf>, %dot_general3A_148, %reduce_max3A [0] : vector<512x512xf32> to vector<512xf32>
      %broadcast_in_dim3A_150 = vector.shape_cast %reduce_max3A_149 : vector<512xf32> to vector<1x512xf32>
      %max3A = arith.maximumf %broadcast_in_dim3A_142, %broadcast_in_dim3A_150 : vector<1x512xf32>
      %sub3A_151 = arith.subf %broadcast_in_dim3A_142, %max3A : vector<1x512xf32>
      %exp23A = math.exp2 %sub3A_151 : vector<1x512xf32>
      %mul3A_152 = arith.mulf %broadcast_in_dim3A_144, %exp23A : vector<1x512xf32>
      %sub3A_153 = vector.broadcast %max3A : vector<1x512xf32> to vector<512x512xf32>
      %sub3A_154 = arith.subf %dot_general3A_148, %sub3A_153 : vector<512x512xf32>
      %exp23A_155 = math.exp2 %sub3A_154 : vector<512x512xf32>
      %reduce_sum3A_156 = arith.constant dense<0.000000e+00> : vector<512xf32>
      %reduce_sum3A_157 = vector.multi_reduction <add>, %exp23A_155, %reduce_sum3A_156 [0] : vector<512x512xf32> to vector<512xf32>
      %broadcast_in_dim3A_158 = vector.shape_cast %reduce_sum3A_157 : vector<512xf32> to vector<1x512xf32>
      %add3A = arith.addf %mul3A_152, %broadcast_in_dim3A_158 : vector<1x512xf32>
      %get3A_159 = arith.constant 512 : index
      %get3A_160 = arith.constant 0 : index
      %get3A_161 = vector.load %arg10[%get3A_159, %get3A_160] : memref<4096x8xf32, #tpu.memory_space<vmem>>, vector<512x8xf32>
      %dot_general3A_162 = arith.constant dense<0.000000e+00> : vector<512x512xf32>
      %dot_general3A_163 = tpu.matmul %get3A_161, %get3A_140, %dot_general3A_162 {dimension_numbers = #tpu.dot_dimension_numbers<[1], [0], [0], [1], [0, 0, 1, 1], [], []>, transpose_lhs_hint = false} : vector<512x8xf32>, vector<8x512xf32>, vector<512x512xf32> -> vector<512x512xf32>
      %reduce_max3A_164 = arith.constant dense<0xFF800000> : vector<512xf32>
      %reduce_max3A_165 = vector.multi_reduction <maximumf>, %dot_general3A_163, %reduce_max3A_164 [0] : vector<512x512xf32> to vector<512xf32>
      %broadcast_in_dim3A_166 = vector.shape_cast %reduce_max3A_165 : vector<512xf32> to vector<1x512xf32>
      %max3A_167 = arith.maximumf %max3A, %broadcast_in_dim3A_166 : vector<1x512xf32>
      %sub3A_168 = arith.subf %max3A, %max3A_167 : vector<1x512xf32>
      %exp23A_169 = math.exp2 %sub3A_168 : vector<1x512xf32>
      %mul3A_170 = arith.mulf %add3A, %exp23A_169 : vector<1x512xf32>
      %sub3A_171 = vector.broadcast %max3A_167 : vector<1x512xf32> to vector<512x512xf32>
      %sub3A_172 = arith.subf %dot_general3A_163, %sub3A_171 : vector<512x512xf32>
      %exp23A_173 = math.exp2 %sub3A_172 : vector<512x512xf32>
      %reduce_sum3A_174 = arith.constant dense<0.000000e+00> : vector<512xf32>
      %reduce_sum3A_175 = vector.multi_reduction <add>, %exp23A_173, %reduce_sum3A_174 [0] : vector<512x512xf32> to vector<512xf32>
      %broadcast_in_dim3A_176 = vector.shape_cast %reduce_sum3A_175 : vector<512xf32> to vector<1x512xf32>
      %add3A_177 = arith.addf %mul3A_170, %broadcast_in_dim3A_176 : vector<1x512xf32>
      %get3A_178 = arith.constant 1024 : index
      %get3A_179 = arith.constant 0 : index
      %get3A_180 = vector.load %arg10[%get3A_178, %get3A_179] : memref<4096x8xf32, #tpu.memory_space<vmem>>, vector<512x8xf32>
      %dot_general3A_181 = arith.constant dense<0.000000e+00> : vector<512x512xf32>
      %dot_general3A_182 = tpu.matmul %get3A_180, %get3A_140, %dot_general3A_181 {dimension_numbers = #tpu.dot_dimension_numbers<[1], [0], [0], [1], [0, 0, 1, 1], [], []>, transpose_lhs_hint = false} : vector<512x8xf32>, vector<8x512xf32>, vector<512x512xf32> -> vector<512x512xf32>
      %reduce_max3A_183 = arith.constant dense<0xFF800000> : vector<512xf32>
      %reduce_max3A_184 = vector.multi_reduction <maximumf>, %dot_general3A_182, %reduce_max3A_183 [0] : vector<512x512xf32> to vector<512xf32>
      %broadcast_in_dim3A_185 = vector.shape_cast %reduce_max3A_184 : vector<512xf32> to vector<1x512xf32>
      %max3A_186 = arith.maximumf %max3A_167, %broadcast_in_dim3A_185 : vector<1x512xf32>
      %sub3A_187 = arith.subf %max3A_167, %max3A_186 : vector<1x512xf32>
      %exp23A_188 = math.exp2 %sub3A_187 : vector<1x512xf32>
      %mul3A_189 = arith.mulf %add3A_177, %exp23A_188 : vector<1x512xf32>
      %sub3A_190 = vector.broadcast %max3A_186 : vector<1x512xf32> to vector<512x512xf32>
      %sub3A_191 = arith.subf %dot_general3A_182, %sub3A_190 : vector<512x512xf32>
      %exp23A_192 = math.exp2 %sub3A_191 : vector<512x512xf32>
      %reduce_sum3A_193 = arith.constant dense<0.000000e+00> : vector<512xf32>
      %reduce_sum3A_194 = vector.multi_reduction <add>, %exp23A_192, %reduce_sum3A_193 [0] : vector<512x512xf32> to vector<512xf32>
      %broadcast_in_dim3A_195 = vector.shape_cast %reduce_sum3A_194 : vector<512xf32> to vector<1x512xf32>
      %add3A_196 = arith.addf %mul3A_189, %broadcast_in_dim3A_195 : vector<1x512xf32>
      %get3A_197 = arith.constant 1536 : index
      %get3A_198 = arith.constant 0 : index
      %get3A_199 = vector.load %arg10[%get3A_197, %get3A_198] : memref<4096x8xf32, #tpu.memory_space<vmem>>, vector<512x8xf32>
      %dot_general3A_200 = arith.constant dense<0.000000e+00> : vector<512x512xf32>
      %dot_general3A_201 = tpu.matmul %get3A_199, %get3A_140, %dot_general3A_200 {dimension_numbers = #tpu.dot_dimension_numbers<[1], [0], [0], [1], [0, 0, 1, 1], [], []>, transpose_lhs_hint = false} : vector<512x8xf32>, vector<8x512xf32>, vector<512x512xf32> -> vector<512x512xf32>
      %reduce_max3A_202 = arith.constant dense<0xFF800000> : vector<512xf32>
      %reduce_max3A_203 = vector.multi_reduction <maximumf>, %dot_general3A_201, %reduce_max3A_202 [0] : vector<512x512xf32> to vector<512xf32>
      %broadcast_in_dim3A_204 = vector.shape_cast %reduce_max3A_203 : vector<512xf32> to vector<1x512xf32>
      %max3A_205 = arith.maximumf %max3A_186, %broadcast_in_dim3A_204 : vector<1x512xf32>
      %sub3A_206 = arith.subf %max3A_186, %max3A_205 : vector<1x512xf32>
      %exp23A_207 = math.exp2 %sub3A_206 : vector<1x512xf32>
      %mul3A_208 = arith.mulf %add3A_196, %exp23A_207 : vector<1x512xf32>
      %sub3A_209 = vector.broadcast %max3A_205 : vector<1x512xf32> to vector<512x512xf32>
      %sub3A_210 = arith.subf %dot_general3A_201, %sub3A_209 : vector<512x512xf32>
      %exp23A_211 = math.exp2 %sub3A_210 : vector<512x512xf32>
      %reduce_sum3A_212 = arith.constant dense<0.000000e+00> : vector<512xf32>
      %reduce_sum3A_213 = vector.multi_reduction <add>, %exp23A_211, %reduce_sum3A_212 [0] : vector<512x512xf32> to vector<512xf32>
      %broadcast_in_dim3A_214 = vector.shape_cast %reduce_sum3A_213 : vector<512xf32> to vector<1x512xf32>
      %add3A_215 = arith.addf %mul3A_208, %broadcast_in_dim3A_214 : vector<1x512xf32>
      %get3A_216 = arith.constant 2048 : index
      %get3A_217 = arith.constant 0 : index
      %get3A_218 = vector.load %arg10[%get3A_216, %get3A_217] : memref<4096x8xf32, #tpu.memory_space<vmem>>, vector<512x8xf32>
      %dot_general3A_219 = arith.constant dense<0.000000e+00> : vector<512x512xf32>
      %dot_general3A_220 = tpu.matmul %get3A_218, %get3A_140, %dot_general3A_219 {dimension_numbers = #tpu.dot_dimension_numbers<[1], [0], [0], [1], [0, 0, 1, 1], [], []>, transpose_lhs_hint = false} : vector<512x8xf32>, vector<8x512xf32>, vector<512x512xf32> -> vector<512x512xf32>
      %reduce_max3A_221 = arith.constant dense<0xFF800000> : vector<512xf32>
      %reduce_max3A_222 = vector.multi_reduction <maximumf>, %dot_general3A_220, %reduce_max3A_221 [0] : vector<512x512xf32> to vector<512xf32>
      %broadcast_in_dim3A_223 = vector.shape_cast %reduce_max3A_222 : vector<512xf32> to vector<1x512xf32>
      %max3A_224 = arith.maximumf %max3A_205, %broadcast_in_dim3A_223 : vector<1x512xf32>
      %sub3A_225 = arith.subf %max3A_205, %max3A_224 : vector<1x512xf32>
      %exp23A_226 = math.exp2 %sub3A_225 : vector<1x512xf32>
      %mul3A_227 = arith.mulf %add3A_215, %exp23A_226 : vector<1x512xf32>
      %sub3A_228 = vector.broadcast %max3A_224 : vector<1x512xf32> to vector<512x512xf32>
      %sub3A_229 = arith.subf %dot_general3A_220, %sub3A_228 : vector<512x512xf32>
      %exp23A_230 = math.exp2 %sub3A_229 : vector<512x512xf32>
      %reduce_sum3A_231 = arith.constant dense<0.000000e+00> : vector<512xf32>
      %reduce_sum3A_232 = vector.multi_reduction <add>, %exp23A_230, %reduce_sum3A_231 [0] : vector<512x512xf32> to vector<512xf32>
      %broadcast_in_dim3A_233 = vector.shape_cast %reduce_sum3A_232 : vector<512xf32> to vector<1x512xf32>
      %add3A_234 = arith.addf %mul3A_227, %broadcast_in_dim3A_233 : vector<1x512xf32>
      %get3A_235 = arith.constant 2560 : index
      %get3A_236 = arith.constant 0 : index
      %get3A_237 = vector.load %arg10[%get3A_235, %get3A_236] : memref<4096x8xf32, #tpu.memory_space<vmem>>, vector<512x8xf32>
      %dot_general3A_238 = arith.constant dense<0.000000e+00> : vector<512x512xf32>
      %dot_general3A_239 = tpu.matmul %get3A_237, %get3A_140, %dot_general3A_238 {dimension_numbers = #tpu.dot_dimension_numbers<[1], [0], [0], [1], [0, 0, 1, 1], [], []>, transpose_lhs_hint = false} : vector<512x8xf32>, vector<8x512xf32>, vector<512x512xf32> -> vector<512x512xf32>
      %reduce_max3A_240 = arith.constant dense<0xFF800000> : vector<512xf32>
      %reduce_max3A_241 = vector.multi_reduction <maximumf>, %dot_general3A_239, %reduce_max3A_240 [0] : vector<512x512xf32> to vector<512xf32>
      %broadcast_in_dim3A_242 = vector.shape_cast %reduce_max3A_241 : vector<512xf32> to vector<1x512xf32>
      %max3A_243 = arith.maximumf %max3A_224, %broadcast_in_dim3A_242 : vector<1x512xf32>
      %sub3A_244 = arith.subf %max3A_224, %max3A_243 : vector<1x512xf32>
      %exp23A_245 = math.exp2 %sub3A_244 : vector<1x512xf32>
      %mul3A_246 = arith.mulf %add3A_234, %exp23A_245 : vector<1x512xf32>
      %sub3A_247 = vector.broadcast %max3A_243 : vector<1x512xf32> to vector<512x512xf32>
      %sub3A_248 = arith.subf %dot_general3A_239, %sub3A_247 : vector<512x512xf32>
      %exp23A_249 = math.exp2 %sub3A_248 : vector<512x512xf32>
      %reduce_sum3A_250 = arith.constant dense<0.000000e+00> : vector<512xf32>
      %reduce_sum3A_251 = vector.multi_reduction <add>, %exp23A_249, %reduce_sum3A_250 [0] : vector<512x512xf32> to vector<512xf32>
      %broadcast_in_dim3A_252 = vector.shape_cast %reduce_sum3A_251 : vector<512xf32> to vector<1x512xf32>
      %add3A_253 = arith.addf %mul3A_246, %broadcast_in_dim3A_252 : vector<1x512xf32>
      %get3A_254 = arith.constant 3072 : index
      %get3A_255 = arith.constant 0 : index
      %get3A_256 = vector.load %arg10[%get3A_254, %get3A_255] : memref<4096x8xf32, #tpu.memory_space<vmem>>, vector<512x8xf32>
      %dot_general3A_257 = arith.constant dense<0.000000e+00> : vector<512x512xf32>
      %dot_general3A_258 = tpu.matmul %get3A_256, %get3A_140, %dot_general3A_257 {dimension_numbers = #tpu.dot_dimension_numbers<[1], [0], [0], [1], [0, 0, 1, 1], [], []>, transpose_lhs_hint = false} : vector<512x8xf32>, vector<8x512xf32>, vector<512x512xf32> -> vector<512x512xf32>
      %reduce_max3A_259 = arith.constant dense<0xFF800000> : vector<512xf32>
      %reduce_max3A_260 = vector.multi_reduction <maximumf>, %dot_general3A_258, %reduce_max3A_259 [0] : vector<512x512xf32> to vector<512xf32>
      %broadcast_in_dim3A_261 = vector.shape_cast %reduce_max3A_260 : vector<512xf32> to vector<1x512xf32>
      %max3A_262 = arith.maximumf %max3A_243, %broadcast_in_dim3A_261 : vector<1x512xf32>
      %sub3A_263 = arith.subf %max3A_243, %max3A_262 : vector<1x512xf32>
      %exp23A_264 = math.exp2 %sub3A_263 : vector<1x512xf32>
      %mul3A_265 = arith.mulf %add3A_253, %exp23A_264 : vector<1x512xf32>
      %sub3A_266 = vector.broadcast %max3A_262 : vector<1x512xf32> to vector<512x512xf32>
      %sub3A_267 = arith.subf %dot_general3A_258, %sub3A_266 : vector<512x512xf32>
      %exp23A_268 = math.exp2 %sub3A_267 : vector<512x512xf32>
      %reduce_sum3A_269 = arith.constant dense<0.000000e+00> : vector<512xf32>
      %reduce_sum3A_270 = vector.multi_reduction <add>, %exp23A_268, %reduce_sum3A_269 [0] : vector<512x512xf32> to vector<512xf32>
      %broadcast_in_dim3A_271 = vector.shape_cast %reduce_sum3A_270 : vector<512xf32> to vector<1x512xf32>
      %add3A_272 = arith.addf %mul3A_265, %broadcast_in_dim3A_271 : vector<1x512xf32>
      %get3A_273 = arith.constant 3584 : index
      %get3A_274 = arith.constant 0 : index
      %get3A_275 = vector.load %arg10[%get3A_273, %get3A_274] : memref<4096x8xf32, #tpu.memory_space<vmem>>, vector<512x8xf32>
      %dot_general3A_276 = arith.constant dense<0.000000e+00> : vector<512x512xf32>
      %dot_general3A_277 = tpu.matmul %get3A_275, %get3A_140, %dot_general3A_276 {dimension_numbers = #tpu.dot_dimension_numbers<[1], [0], [0], [1], [0, 0, 1, 1], [], []>, transpose_lhs_hint = false} : vector<512x8xf32>, vector<8x512xf32>, vector<512x512xf32> -> vector<512x512xf32>
      %reduce_max3A_278 = arith.constant dense<0xFF800000> : vector<512xf32>
      %reduce_max3A_279 = vector.multi_reduction <maximumf>, %dot_general3A_277, %reduce_max3A_278 [0] : vector<512x512xf32> to vector<512xf32>
      %broadcast_in_dim3A_280 = vector.shape_cast %reduce_max3A_279 : vector<512xf32> to vector<1x512xf32>
      %max3A_281 = arith.maximumf %max3A_262, %broadcast_in_dim3A_280 : vector<1x512xf32>
      %sub3A_282 = arith.subf %max3A_262, %max3A_281 : vector<1x512xf32>
      %exp23A_283 = math.exp2 %sub3A_282 : vector<1x512xf32>
      %mul3A_284 = arith.mulf %add3A_272, %exp23A_283 : vector<1x512xf32>
      %sub3A_285 = vector.broadcast %max3A_281 : vector<1x512xf32> to vector<512x512xf32>
      %sub3A_286 = arith.subf %dot_general3A_277, %sub3A_285 : vector<512x512xf32>
      %exp23A_287 = math.exp2 %sub3A_286 : vector<512x512xf32>
      %reduce_sum3A_288 = arith.constant dense<0.000000e+00> : vector<512xf32>
      %reduce_sum3A_289 = vector.multi_reduction <add>, %exp23A_287, %reduce_sum3A_288 [0] : vector<512x512xf32> to vector<512xf32>
      %broadcast_in_dim3A_290 = vector.shape_cast %reduce_sum3A_289 : vector<512xf32> to vector<1x512xf32>
      %add3A_291 = arith.addf %mul3A_284, %broadcast_in_dim3A_290 : vector<1x512xf32>
      %neg3A_292 = arith.constant 0.000000e+00 : f32
      %neg3A_293 = arith.subf %neg3A_292, %get3A_104 : f32
      %log3A = math.log %add3A_291 : vector<1x512xf32>
      %log3A_294 = arith.constant 2.000000e+00 : f32
      %log3A_295 = math.log %log3A_294 : f32
      %div3A_296 = vector.broadcast %log3A_295 : f32 to vector<1x512xf32>
      %div3A_297 = arith.divf %log3A, %div3A_296 : vector<1x512xf32>
      %add3A_298 = arith.addf %div3A_297, %max3A_281 : vector<1x512xf32>
      %mul3A_299 = arith.constant 0.693147182 : f32
      %mul3A_300 = vector.broadcast %mul3A_299 : f32 to vector<1x512xf32>
      %mul3A_301 = arith.mulf %add3A_298, %mul3A_300 : vector<1x512xf32>
      %add3A_302 = arith.constant -8.31776618 : f32
      %add3A_303 = vector.broadcast %add3A_302 : f32 to vector<1x512xf32>
      %add3A_304 = arith.addf %mul3A_301, %add3A_303 : vector<1x512xf32>
      %mul3A_305 = vector.broadcast %neg3A_293 : f32 to vector<1x512xf32>
      %mul3A_306 = arith.mulf %mul3A_305, %add3A_304 : vector<1x512xf32>
      %swap3A_307 = arith.constant 0 : index
      %swap3A_308 = arith.index_cast %mul3A_137 : i32 to index
      %swap3A_309 = vector.load %arg9[%swap3A_307, %swap3A_308] : memref<1x4096xf32, #tpu.memory_space<vmem>>, vector<1x512xf32>
      tpu.vector_store %arg9[%swap3A_307, %swap3A_308], %mul3A_306 {strides = array<i32>} : memref<1x4096xf32, #tpu.memory_space<vmem>>, vector<1x512xf32>,
      %scan3A_310 = arith.constant 1 : i32
      %mul3A_311 = arith.constant 512 : i32
      %mul3A_312 = arith.muli %scan3A_310, %mul3A_311 : i32
      %get3A_313 = arith.constant 0 : index
      %get3A_314 = arith.index_cast %mul3A_312 : i32 to index
      %get3A_315 = vector.load %arg12[%get3A_313, %get3A_314] : memref<8x4096xf32, #tpu.memory_space<vmem>>, vector<8x512xf32>
      %broadcast_in_dim3A_316 = arith.constant -1.000000e+30 : f32
      %broadcast_in_dim3A_317 = vector.broadcast %broadcast_in_dim3A_316 : f32 to vector<1x512xf32>
      %broadcast_in_dim3A_318 = arith.constant 0.000000e+00 : f32
      %broadcast_in_dim3A_319 = vector.broadcast %broadcast_in_dim3A_318 : f32 to vector<1x512xf32>
      %get3A_320 = arith.constant 0 : index
      %get3A_321 = arith.constant 0 : index
      %get3A_322 = vector.load %arg10[%get3A_320, %get3A_321] : memref<4096x8xf32, #tpu.memory_space<vmem>>, vector<512x8xf32>
      %dot_general3A_323 = arith.constant dense<0.000000e+00> : vector<512x512xf32>
      %dot_general3A_324 = tpu.matmul %get3A_322, %get3A_315, %dot_general3A_323 {dimension_numbers = #tpu.dot_dimension_numbers<[1], [0], [0], [1], [0, 0, 1, 1], [], []>, transpose_lhs_hint = false} : vector<512x8xf32>, vector<8x512xf32>, vector<512x512xf32> -> vector<512x512xf32>
      %reduce_max3A_325 = arith.constant dense<0xFF800000> : vector<512xf32>
      %reduce_max3A_326 = vector.multi_reduction <maximumf>, %dot_general3A_324, %reduce_max3A_325 [0] : vector<512x512xf32> to vector<512xf32>
      %broadcast_in_dim3A_327 = vector.shape_cast %reduce_max3A_326 : vector<512xf32> to vector<1x512xf32>
      %max3A_328 = arith.maximumf %broadcast_in_dim3A_317, %broadcast_in_dim3A_327 : vector<1x512xf32>
      %sub3A_329 = arith.subf %broadcast_in_dim3A_317, %max3A_328 : vector<1x512xf32>
      %exp23A_330 = math.exp2 %sub3A_329 : vector<1x512xf32>
      %mul3A_331 = arith.mulf %broadcast_in_dim3A_319, %exp23A_330 : vector<1x512xf32>
      %sub3A_332 = vector.broadcast %max3A_328 : vector<1x512xf32> to vector<512x512xf32>
      %sub3A_333 = arith.subf %dot_general3A_324, %sub3A_332 : vector<512x512xf32>
      %exp23A_334 = math.exp2 %sub3A_333 : vector<512x512xf32>
      %reduce_sum3A_335 = arith.constant dense<0.000000e+00> : vector<512xf32>
      %reduce_sum3A_336 = vector.multi_reduction <add>, %exp23A_334, %reduce_sum3A_335 [0] : vector<512x512xf32> to vector<512xf32>
      %broadcast_in_dim3A_337 = vector.shape_cast %reduce_sum3A_336 : vector<512xf32> to vector<1x512xf32>
      %add3A_338 = arith.addf %mul3A_331, %broadcast_in_dim3A_337 : vector<1x512xf32>
      %get3A_339 = arith.constant 512 : index
      %get3A_340 = arith.constant 0 : index
      %get3A_341 = vector.load %arg10[%get3A_339, %get3A_340] : memref<4096x8xf32, #tpu.memory_space<vmem>>, vector<512x8xf32>
      %dot_general3A_342 = arith.constant dense<0.000000e+00> : vector<512x512xf32>
      %dot_general3A_343 = tpu.matmul %get3A_341, %get3A_315, %dot_general3A_342 {dimension_numbers = #tpu.dot_dimension_numbers<[1], [0], [0], [1], [0, 0, 1, 1], [], []>, transpose_lhs_hint = false} : vector<512x8xf32>, vector<8x512xf32>, vector<512x512xf32> -> vector<512x512xf32>
      %reduce_max3A_344 = arith.constant dense<0xFF800000> : vector<512xf32>
      %reduce_max3A_345 = vector.multi_reduction <maximumf>, %dot_general3A_343, %reduce_max3A_344 [0] : vector<512x512xf32> to vector<512xf32>
      %broadcast_in_dim3A_346 = vector.shape_cast %reduce_max3A_345 : vector<512xf32> to vector<1x512xf32>
      %max3A_347 = arith.maximumf %max3A_328, %broadcast_in_dim3A_346 : vector<1x512xf32>
      %sub3A_348 = arith.subf %max3A_328, %max3A_347 : vector<1x512xf32>
      %exp23A_349 = math.exp2 %sub3A_348 : vector<1x512xf32>
      %mul3A_350 = arith.mulf %add3A_338, %exp23A_349 : vector<1x512xf32>
      %sub3A_351 = vector.broadcast %max3A_347 : vector<1x512xf32> to vector<512x512xf32>
      %sub3A_352 = arith.subf %dot_general3A_343, %sub3A_351 : vector<512x512xf32>
      %exp23A_353 = math.exp2 %sub3A_352 : vector<512x512xf32>
      %reduce_sum3A_354 = arith.constant dense<0.000000e+00> : vector<512xf32>
      %reduce_sum3A_355 = vector.multi_reduction <add>, %exp23A_353, %reduce_sum3A_354 [0] : vector<512x512xf32> to vector<512xf32>
      %broadcast_in_dim3A_356 = vector.shape_cast %reduce_sum3A_355 : vector<512xf32> to vector<1x512xf32>
      %add3A_357 = arith.addf %mul3A_350, %broadcast_in_dim3A_356 : vector<1x512xf32>
      %get3A_358 = arith.constant 1024 : index
      %get3A_359 = arith.constant 0 : index
      %get3A_360 = vector.load %arg10[%get3A_358, %get3A_359] : memref<4096x8xf32, #tpu.memory_space<vmem>>, vector<512x8xf32>
      %dot_general3A_361 = arith.constant dense<0.000000e+00> : vector<512x512xf32>
      %dot_general3A_362 = tpu.matmul %get3A_360, %get3A_315, %dot_general3A_361 {dimension_numbers = #tpu.dot_dimension_numbers<[1], [0], [0], [1], [0, 0, 1, 1], [], []>, transpose_lhs_hint = false} : vector<512x8xf32>, vector<8x512xf32>, vector<512x512xf32> -> vector<512x512xf32>
      %reduce_max3A_363 = arith.constant dense<0xFF800000> : vector<512xf32>
      %reduce_max3A_364 = vector.multi_reduction <maximumf>, %dot_general3A_362, %reduce_max3A_363 [0] : vector<512x512xf32> to vector<512xf32>
      %broadcast_in_dim3A_365 = vector.shape_cast %reduce_max3A_364 : vector<512xf32> to vector<1x512xf32>
      %max3A_366 = arith.maximumf %max3A_347, %broadcast_in_dim3A_365 : vector<1x512xf32>
      %sub3A_367 = arith.subf %max3A_347, %max3A_366 : vector<1x512xf32>
      %exp23A_368 = math.exp2 %sub3A_367 : vector<1x512xf32>
      %mul3A_369 = arith.mulf %add3A_357, %exp23A_368 : vector<1x512xf32>
      %sub3A_370 = vector.broadcast %max3A_366 : vector<1x512xf32> to vector<512x512xf32>
      %sub3A_371 = arith.subf %dot_general3A_362, %sub3A_370 : vector<512x512xf32>
      %exp23A_372 = math.exp2 %sub3A_371 : vector<512x512xf32>
      %reduce_sum3A_373 = arith.constant dense<0.000000e+00> : vector<512xf32>
      %reduce_sum3A_374 = vector.multi_reduction <add>, %exp23A_372, %reduce_sum3A_373 [0] : vector<512x512xf32> to vector<512xf32>
      %broadcast_in_dim3A_375 = vector.shape_cast %reduce_sum3A_374 : vector<512xf32> to vector<1x512xf32>
      %add3A_376 = arith.addf %mul3A_369, %broadcast_in_dim3A_375 : vector<1x512xf32>
      %get3A_377 = arith.constant 1536 : index
      %get3A_378 = arith.constant 0 : index
      %get3A_379 = vector.load %arg10[%get3A_377, %get3A_378] : memref<4096x8xf32, #tpu.memory_space<vmem>>, vector<512x8xf32>
      %dot_general3A_380 = arith.constant dense<0.000000e+00> : vector<512x512xf32>
      %dot_general3A_381 = tpu.matmul %get3A_379, %get3A_315, %dot_general3A_380 {dimension_numbers = #tpu.dot_dimension_numbers<[1], [0], [0], [1], [0, 0, 1, 1], [], []>, transpose_lhs_hint = false} : vector<512x8xf32>, vector<8x512xf32>, vector<512x512xf32> -> vector<512x512xf32>
      %reduce_max3A_382 = arith.constant dense<0xFF800000> : vector<512xf32>
      %reduce_max3A_383 = vector.multi_reduction <maximumf>, %dot_general3A_381, %reduce_max3A_382 [0] : vector<512x512xf32> to vector<512xf32>
      %broadcast_in_dim3A_384 = vector.shape_cast %reduce_max3A_383 : vector<512xf32> to vector<1x512xf32>
      %max3A_385 = arith.maximumf %max3A_366, %broadcast_in_dim3A_384 : vector<1x512xf32>
      %sub3A_386 = arith.subf %max3A_366, %max3A_385 : vector<1x512xf32>
      %exp23A_387 = math.exp2 %sub3A_386 : vector<1x512xf32>
      %mul3A_388 = arith.mulf %add3A_376, %exp23A_387 : vector<1x512xf32>
      %sub3A_389 = vector.broadcast %max3A_385 : vector<1x512xf32> to vector<512x512xf32>
      %sub3A_390 = arith.subf %dot_general3A_381, %sub3A_389 : vector<512x512xf32>
      %exp23A_391 = math.exp2 %sub3A_390 : vector<512x512xf32>
      %reduce_sum3A_392 = arith.constant dense<0.000000e+00> : vector<512xf32>
      %reduce_sum3A_393 = vector.multi_reduction <add>, %exp23A_391, %reduce_sum3A_392 [0] : vector<512x512xf32> to vector<512xf32>
      %broadcast_in_dim3A_394 = vector.shape_cast %reduce_sum3A_393 : vector<512xf32> to vector<1x512xf32>
      %add3A_395 = arith.addf %mul3A_388, %broadcast_in_dim3A_394 : vector<1x512xf32>
      %get3A_396 = arith.constant 2048 : index
      %get3A_397 = arith.constant 0 : index
      %get3A_398 = vector.load %arg10[%get3A_396, %get3A_397] : memref<4096x8xf32, #tpu.memory_space<vmem>>, vector<512x8xf32>
      %dot_general3A_399 = arith.constant dense<0.000000e+00> : vector<512x512xf32>
      %dot_general3A_400 = tpu.matmul %get3A_398, %get3A_315, %dot_general3A_399 {dimension_numbers = #tpu.dot_dimension_numbers<[1], [0], [0], [1], [0, 0, 1, 1], [], []>, transpose_lhs_hint = false} : vector<512x8xf32>, vector<8x512xf32>, vector<512x512xf32> -> vector<512x512xf32>
      %reduce_max3A_401 = arith.constant dense<0xFF800000> : vector<512xf32>
      %reduce_max3A_402 = vector.multi_reduction <maximumf>, %dot_general3A_400, %reduce_max3A_401 [0] : vector<512x512xf32> to vector<512xf32>
      %broadcast_in_dim3A_403 = vector.shape_cast %reduce_max3A_402 : vector<512xf32> to vector<1x512xf32>
      %max3A_404 = arith.maximumf %max3A_385, %broadcast_in_dim3A_403 : vector<1x512xf32>
      %sub3A_405 = arith.subf %max3A_385, %max3A_404 : vector<1x512xf32>
      %exp23A_406 = math.exp2 %sub3A_405 : vector<1x512xf32>
      %mul3A_407 = arith.mulf %add3A_395, %exp23A_406 : vector<1x512xf32>
      %sub3A_408 = vector.broadcast %max3A_404 : vector<1x512xf32> to vector<512x512xf32>
      %sub3A_409 = arith.subf %dot_general3A_400, %sub3A_408 : vector<512x512xf32>
      %exp23A_410 = math.exp2 %sub3A_409 : vector<512x512xf32>
      %reduce_sum3A_411 = arith.constant dense<0.000000e+00> : vector<512xf32>
      %reduce_sum3A_412 = vector.multi_reduction <add>, %exp23A_410, %reduce_sum3A_411 [0] : vector<512x512xf32> to vector<512xf32>
      %broadcast_in_dim3A_413 = vector.shape_cast %reduce_sum3A_412 : vector<512xf32> to vector<1x512xf32>
      %add3A_414 = arith.addf %mul3A_407, %broadcast_in_dim3A_413 : vector<1x512xf32>
      %get3A_415 = arith.constant 2560 : index
      %get3A_416 = arith.constant 0 : index
      %get3A_417 = vector.load %arg10[%get3A_415, %get3A_416] : memref<4096x8xf32, #tpu.memory_space<vmem>>, vector<512x8xf32>
      %dot_general3A_418 = arith.constant dense<0.000000e+00> : vector<512x512xf32>
      %dot_general3A_419 = tpu.matmul %get3A_417, %get3A_315, %dot_general3A_418 {dimension_numbers = #tpu.dot_dimension_numbers<[1], [0], [0], [1], [0, 0, 1, 1], [], []>, transpose_lhs_hint = false} : vector<512x8xf32>, vector<8x512xf32>, vector<512x512xf32> -> vector<512x512xf32>
      %reduce_max3A_420 = arith.constant dense<0xFF800000> : vector<512xf32>
      %reduce_max3A_421 = vector.multi_reduction <maximumf>, %dot_general3A_419, %reduce_max3A_420 [0] : vector<512x512xf32> to vector<512xf32>
      %broadcast_in_dim3A_422 = vector.shape_cast %reduce_max3A_421 : vector<512xf32> to vector<1x512xf32>
      %max3A_423 = arith.maximumf %max3A_404, %broadcast_in_dim3A_422 : vector<1x512xf32>
      %sub3A_424 = arith.subf %max3A_404, %max3A_423 : vector<1x512xf32>
      %exp23A_425 = math.exp2 %sub3A_424 : vector<1x512xf32>
      %mul3A_426 = arith.mulf %add3A_414, %exp23A_425 : vector<1x512xf32>
      %sub3A_427 = vector.broadcast %max3A_423 : vector<1x512xf32> to vector<512x512xf32>
      %sub3A_428 = arith.subf %dot_general3A_419, %sub3A_427 : vector<512x512xf32>
      %exp23A_429 = math.exp2 %sub3A_428 : vector<512x512xf32>
      %reduce_sum3A_430 = arith.constant dense<0.000000e+00> : vector<512xf32>
      %reduce_sum3A_431 = vector.multi_reduction <add>, %exp23A_429, %reduce_sum3A_430 [0] : vector<512x512xf32> to vector<512xf32>
      %broadcast_in_dim3A_432 = vector.shape_cast %reduce_sum3A_431 : vector<512xf32> to vector<1x512xf32>
      %add3A_433 = arith.addf %mul3A_426, %broadcast_in_dim3A_432 : vector<1x512xf32>
      %get3A_434 = arith.constant 3072 : index
      %get3A_435 = arith.constant 0 : index
      %get3A_436 = vector.load %arg10[%get3A_434, %get3A_435] : memref<4096x8xf32, #tpu.memory_space<vmem>>, vector<512x8xf32>
      %dot_general3A_437 = arith.constant dense<0.000000e+00> : vector<512x512xf32>
      %dot_general3A_438 = tpu.matmul %get3A_436, %get3A_315, %dot_general3A_437 {dimension_numbers = #tpu.dot_dimension_numbers<[1], [0], [0], [1], [0, 0, 1, 1], [], []>, transpose_lhs_hint = false} : vector<512x8xf32>, vector<8x512xf32>, vector<512x512xf32> -> vector<512x512xf32>
      %reduce_max3A_439 = arith.constant dense<0xFF800000> : vector<512xf32>
      %reduce_max3A_440 = vector.multi_reduction <maximumf>, %dot_general3A_438, %reduce_max3A_439 [0] : vector<512x512xf32> to vector<512xf32>
      %broadcast_in_dim3A_441 = vector.shape_cast %reduce_max3A_440 : vector<512xf32> to vector<1x512xf32>
      %max3A_442 = arith.maximumf %max3A_423, %broadcast_in_dim3A_441 : vector<1x512xf32>
      %sub3A_443 = arith.subf %max3A_423, %max3A_442 : vector<1x512xf32>
      %exp23A_444 = math.exp2 %sub3A_443 : vector<1x512xf32>
      %mul3A_445 = arith.mulf %add3A_433, %exp23A_444 : vector<1x512xf32>
      %sub3A_446 = vector.broadcast %max3A_442 : vector<1x512xf32> to vector<512x512xf32>
      %sub3A_447 = arith.subf %dot_general3A_438, %sub3A_446 : vector<512x512xf32>
      %exp23A_448 = math.exp2 %sub3A_447 : vector<512x512xf32>
      %reduce_sum3A_449 = arith.constant dense<0.000000e+00> : vector<512xf32>
      %reduce_sum3A_450 = vector.multi_reduction <add>, %exp23A_448, %reduce_sum3A_449 [0] : vector<512x512xf32> to vector<512xf32>
      %broadcast_in_dim3A_451 = vector.shape_cast %reduce_sum3A_450 : vector<512xf32> to vector<1x512xf32>
      %add3A_452 = arith.addf %mul3A_445, %broadcast_in_dim3A_451 : vector<1x512xf32>
      %get3A_453 = arith.constant 3584 : index
      %get3A_454 = arith.constant 0 : index
      %get3A_455 = vector.load %arg10[%get3A_453, %get3A_454] : memref<4096x8xf32, #tpu.memory_space<vmem>>, vector<512x8xf32>
      %dot_general3A_456 = arith.constant dense<0.000000e+00> : vector<512x512xf32>
      %dot_general3A_457 = tpu.matmul %get3A_455, %get3A_315, %dot_general3A_456 {dimension_numbers = #tpu.dot_dimension_numbers<[1], [0], [0], [1], [0, 0, 1, 1], [], []>, transpose_lhs_hint = false} : vector<512x8xf32>, vector<8x512xf32>, vector<512x512xf32> -> vector<512x512xf32>
      %reduce_max3A_458 = arith.constant dense<0xFF800000> : vector<512xf32>
      %reduce_max3A_459 = vector.multi_reduction <maximumf>, %dot_general3A_457, %reduce_max3A_458 [0] : vector<512x512xf32> to vector<512xf32>
      %broadcast_in_dim3A_460 = vector.shape_cast %reduce_max3A_459 : vector<512xf32> to vector<1x512xf32>
      %max3A_461 = arith.maximumf %max3A_442, %broadcast_in_dim3A_460 : vector<1x512xf32>
      %sub3A_462 = arith.subf %max3A_442, %max3A_461 : vector<1x512xf32>
      %exp23A_463 = math.exp2 %sub3A_462 : vector<1x512xf32>
      %mul3A_464 = arith.mulf %add3A_452, %exp23A_463 : vector<1x512xf32>
      %sub3A_465 = vector.broadcast %max3A_461 : vector<1x512xf32> to vector<512x512xf32>
      %sub3A_466 = arith.subf %dot_general3A_457, %sub3A_465 : vector<512x512xf32>
      %exp23A_467 = math.exp2 %sub3A_466 : vector<512x512xf32>
      %reduce_sum3A_468 = arith.constant dense<0.000000e+00> : vector<512xf32>
      %reduce_sum3A_469 = vector.multi_reduction <add>, %exp23A_467, %reduce_sum3A_468 [0] : vector<512x512xf32> to vector<512xf32>
      %broadcast_in_dim3A_470 = vector.shape_cast %reduce_sum3A_469 : vector<512xf32> to vector<1x512xf32>
      %add3A_471 = arith.addf %mul3A_464, %broadcast_in_dim3A_470 : vector<1x512xf32>
      %neg3A_472 = arith.constant 0.000000e+00 : f32
      %neg3A_473 = arith.subf %neg3A_472, %get3A_104 : f32
      %log3A_474 = math.log %add3A_471 : vector<1x512xf32>
      %log3A_475 = arith.constant 2.000000e+00 : f32
      %log3A_476 = math.log %log3A_475 : f32
      %div3A_477 = vector.broadcast %log3A_476 : f32 to vector<1x512xf32>
      %div3A_478 = arith.divf %log3A_474, %div3A_477 : vector<1x512xf32>
      %add3A_479 = arith.addf %div3A_478, %max3A_461 : vector<1x512xf32>
      %mul3A_480 = arith.constant 0.693147182 : f32
      %mul3A_481 = vector.broadcast %mul3A_480 : f32 to vector<1x512xf32>
      %mul3A_482 = arith.mulf %add3A_479, %mul3A_481 : vector<1x512xf32>
      %add3A_483 = arith.constant -8.31776618 : f32
      %add3A_484 = vector.broadcast %add3A_483 : f32 to vector<1x512xf32>
      %add3A_485 = arith.addf %mul3A_482, %add3A_484 : vector<1x512xf32>
      %mul3A_486 = vector.broadcast %neg3A_473 : f32 to vector<1x512xf32>
      %mul3A_487 = arith.mulf %mul3A_486, %add3A_485 : vector<1x512xf32>
      %swap3A_488 = arith.constant 0 : index
      %swap3A_489 = arith.index_cast %mul3A_312 : i32 to index
      %swap3A_490 = vector.load %arg9[%swap3A_488, %swap3A_489] : memref<1x4096xf32, #tpu.memory_space<vmem>>, vector<1x512xf32>
      tpu.vector_store %arg9[%swap3A_488, %swap3A_489], %mul3A_487 {strides = array<i32>} : memref<1x4096xf32, #tpu.memory_space<vmem>>, vector<1x512xf32>,
      %scan3A_491 = arith.constant 2 : i32
      %mul3A_492 = arith.constant 512 : i32
      %mul3A_493 = arith.muli %scan3A_491, %mul3A_492 : i32
      %get3A_494 = arith.constant 0 : index
      %get3A_495 = arith.index_cast %mul3A_493 : i32 to index
      %get3A_496 = vector.load %arg12[%get3A_494, %get3A_495] : memref<8x4096xf32, #tpu.memory_space<vmem>>, vector<8x512xf32>
      %broadcast_in_dim3A_497 = arith.constant -1.000000e+30 : f32
      %broadcast_in_dim3A_498 = vector.broadcast %broadcast_in_dim3A_497 : f32 to vector<1x512xf32>
      %broadcast_in_dim3A_499 = arith.constant 0.000000e+00 : f32
      %broadcast_in_dim3A_500 = vector.broadcast %broadcast_in_dim3A_499 : f32 to vector<1x512xf32>
      %get3A_501 = arith.constant 0 : index
      %get3A_502 = arith.constant 0 : index
      %get3A_503 = vector.load %arg10[%get3A_501, %get3A_502] : memref<4096x8xf32, #tpu.memory_space<vmem>>, vector<512x8xf32>
      %dot_general3A_504 = arith.constant dense<0.000000e+00> : vector<512x512xf32>
      %dot_general3A_505 = tpu.matmul %get3A_503, %get3A_496, %dot_general3A_504 {dimension_numbers = #tpu.dot_dimension_numbers<[1], [0], [0], [1], [0, 0, 1, 1], [], []>, transpose_lhs_hint = false} : vector<512x8xf32>, vector<8x512xf32>, vector<512x512xf32> -> vector<512x512xf32>
      %reduce_max3A_506 = arith.constant dense<0xFF800000> : vector<512xf32>
      %reduce_max3A_507 = vector.multi_reduction <maximumf>, %dot_general3A_505, %reduce_max3A_506 [0] : vector<512x512xf32> to vector<512xf32>
      %broadcast_in_dim3A_508 = vector.shape_cast %reduce_max3A_507 : vector<512xf32> to vector<1x512xf32>
      %max3A_509 = arith.maximumf %broadcast_in_dim3A_498, %broadcast_in_dim3A_508 : vector<1x512xf32>
      %sub3A_510 = arith.subf %broadcast_in_dim3A_498, %max3A_509 : vector<1x512xf32>
      %exp23A_511 = math.exp2 %sub3A_510 : vector<1x512xf32>
      %mul3A_512 = arith.mulf %broadcast_in_dim3A_500, %exp23A_511 : vector<1x512xf32>
      %sub3A_513 = vector.broadcast %max3A_509 : vector<1x512xf32> to vector<512x512xf32>
      %sub3A_514 = arith.subf %dot_general3A_505, %sub3A_513 : vector<512x512xf32>
      %exp23A_515 = math.exp2 %sub3A_514 : vector<512x512xf32>
      %reduce_sum3A_516 = arith.constant dense<0.000000e+00> : vector<512xf32>
      %reduce_sum3A_517 = vector.multi_reduction <add>, %exp23A_515, %reduce_sum3A_516 [0] : vector<512x512xf32> to vector<512xf32>
      %broadcast_in_dim3A_518 = vector.shape_cast %reduce_sum3A_517 : vector<512xf32> to vector<1x512xf32>
      %add3A_519 = arith.addf %mul3A_512, %broadcast_in_dim3A_518 : vector<1x512xf32>
      %get3A_520 = arith.constant 512 : index
      %get3A_521 = arith.constant 0 : index
      %get3A_522 = vector.load %arg10[%get3A_520, %get3A_521] : memref<4096x8xf32, #tpu.memory_space<vmem>>, vector<512x8xf32>
      %dot_general3A_523 = arith.constant dense<0.000000e+00> : vector<512x512xf32>
      %dot_general3A_524 = tpu.matmul %get3A_522, %get3A_496, %dot_general3A_523 {dimension_numbers = #tpu.dot_dimension_numbers<[1], [0], [0], [1], [0, 0, 1, 1], [], []>, transpose_lhs_hint = false} : vector<512x8xf32>, vector<8x512xf32>, vector<512x512xf32> -> vector<512x512xf32>
      %reduce_max3A_525 = arith.constant dense<0xFF800000> : vector<512xf32>
      %reduce_max3A_526 = vector.multi_reduction <maximumf>, %dot_general3A_524, %reduce_max3A_525 [0] : vector<512x512xf32> to vector<512xf32>
      %broadcast_in_dim3A_527 = vector.shape_cast %reduce_max3A_526 : vector<512xf32> to vector<1x512xf32>
      %max3A_528 = arith.maximumf %max3A_509, %broadcast_in_dim3A_527 : vector<1x512xf32>
      %sub3A_529 = arith.subf %max3A_509, %max3A_528 : vector<1x512xf32>
      %exp23A_530 = math.exp2 %sub3A_529 : vector<1x512xf32>
      %mul3A_531 = arith.mulf %add3A_519, %exp23A_530 : vector<1x512xf32>
      %sub3A_532 = vector.broadcast %max3A_528 : vector<1x512xf32> to vector<512x512xf32>
      %sub3A_533 = arith.subf %dot_general3A_524, %sub3A_532 : vector<512x512xf32>
      %exp23A_534 = math.exp2 %sub3A_533 : vector<512x512xf32>
      %reduce_sum3A_535 = arith.constant dense<0.000000e+00> : vector<512xf32>
      %reduce_sum3A_536 = vector.multi_reduction <add>, %exp23A_534, %reduce_sum3A_535 [0] : vector<512x512xf32> to vector<512xf32>
      %broadcast_in_dim3A_537 = vector.shape_cast %reduce_sum3A_536 : vector<512xf32> to vector<1x512xf32>
      %add3A_538 = arith.addf %mul3A_531, %broadcast_in_dim3A_537 : vector<1x512xf32>
      %get3A_539 = arith.constant 1024 : index
      %get3A_540 = arith.constant 0 : index
      %get3A_541 = vector.load %arg10[%get3A_539, %get3A_540] : memref<4096x8xf32, #tpu.memory_space<vmem>>, vector<512x8xf32>
      %dot_general3A_542 = arith.constant dense<0.000000e+00> : vector<512x512xf32>
      %dot_general3A_543 = tpu.matmul %get3A_541, %get3A_496, %dot_general3A_542 {dimension_numbers = #tpu.dot_dimension_numbers<[1], [0], [0], [1], [0, 0, 1, 1], [], []>, transpose_lhs_hint = false} : vector<512x8xf32>, vector<8x512xf32>, vector<512x512xf32> -> vector<512x512xf32>
      %reduce_max3A_544 = arith.constant dense<0xFF800000> : vector<512xf32>
      %reduce_max3A_545 = vector.multi_reduction <maximumf>, %dot_general3A_543, %reduce_max3A_544 [0] : vector<512x512xf32> to vector<512xf32>
      %broadcast_in_dim3A_546 = vector.shape_cast %reduce_max3A_545 : vector<512xf32> to vector<1x512xf32>
      %max3A_547 = arith.maximumf %max3A_528, %broadcast_in_dim3A_546 : vector<1x512xf32>
      %sub3A_548 = arith.subf %max3A_528, %max3A_547 : vector<1x512xf32>
      %exp23A_549 = math.exp2 %sub3A_548 : vector<1x512xf32>
      %mul3A_550 = arith.mulf %add3A_538, %exp23A_549 : vector<1x512xf32>
      %sub3A_551 = vector.broadcast %max3A_547 : vector<1x512xf32> to vector<512x512xf32>
      %sub3A_552 = arith.subf %dot_general3A_543, %sub3A_551 : vector<512x512xf32>
      %exp23A_553 = math.exp2 %sub3A_552 : vector<512x512xf32>
      %reduce_sum3A_554 = arith.constant dense<0.000000e+00> : vector<512xf32>
      %reduce_sum3A_555 = vector.multi_reduction <add>, %exp23A_553, %reduce_sum3A_554 [0] : vector<512x512xf32> to vector<512xf32>
      %broadcast_in_dim3A_556 = vector.shape_cast %reduce_sum3A_555 : vector<512xf32> to vector<1x512xf32>
      %add3A_557 = arith.addf %mul3A_550, %broadcast_in_dim3A_556 : vector<1x512xf32>
      %get3A_558 = arith.constant 1536 : index
      %get3A_559 = arith.constant 0 : index
      %get3A_560 = vector.load %arg10[%get3A_558, %get3A_559] : memref<4096x8xf32, #tpu.memory_space<vmem>>, vector<512x8xf32>
      %dot_general3A_561 = arith.constant dense<0.000000e+00> : vector<512x512xf32>
      %dot_general3A_562 = tpu.matmul %get3A_560, %get3A_496, %dot_general3A_561 {dimension_numbers = #tpu.dot_dimension_numbers<[1], [0], [0], [1], [0, 0, 1, 1], [], []>, transpose_lhs_hint = false} : vector<512x8xf32>, vector<8x512xf32>, vector<512x512xf32> -> vector<512x512xf32>
      %reduce_max3A_563 = arith.constant dense<0xFF800000> : vector<512xf32>
      %reduce_max3A_564 = vector.multi_reduction <maximumf>, %dot_general3A_562, %reduce_max3A_563 [0] : vector<512x512xf32> to vector<512xf32>
      %broadcast_in_dim3A_565 = vector.shape_cast %reduce_max3A_564 : vector<512xf32> to vector<1x512xf32>
      %max3A_566 = arith.maximumf %max3A_547, %broadcast_in_dim3A_565 : vector<1x512xf32>
      %sub3A_567 = arith.subf %max3A_547, %max3A_566 : vector<1x512xf32>
      %exp23A_568 = math.exp2 %sub3A_567 : vector<1x512xf32>
      %mul3A_569 = arith.mulf %add3A_557, %exp23A_568 : vector<1x512xf32>
      %sub3A_570 = vector.broadcast %max3A_566 : vector<1x512xf32> to vector<512x512xf32>
      %sub3A_571 = arith.subf %dot_general3A_562, %sub3A_570 : vector<512x512xf32>
      %exp23A_572 = math.exp2 %sub3A_571 : vector<512x512xf32>
      %reduce_sum3A_573 = arith.constant dense<0.000000e+00> : vector<512xf32>
      %reduce_sum3A_574 = vector.multi_reduction <add>, %exp23A_572, %reduce_sum3A_573 [0] : vector<512x512xf32> to vector<512xf32>
      %broadcast_in_dim3A_575 = vector.shape_cast %reduce_sum3A_574 : vector<512xf32> to vector<1x512xf32>
      %add3A_576 = arith.addf %mul3A_569, %broadcast_in_dim3A_575 : vector<1x512xf32>
      %get3A_577 = arith.constant 2048 : index
      %get3A_578 = arith.constant 0 : index
      %get3A_579 = vector.load %arg10[%get3A_577, %get3A_578] : memref<4096x8xf32, #tpu.memory_space<vmem>>, vector<512x8xf32>
      %dot_general3A_580 = arith.constant dense<0.000000e+00> : vector<512x512xf32>
      %dot_general3A_581 = tpu.matmul %get3A_579, %get3A_496, %dot_general3A_580 {dimension_numbers = #tpu.dot_dimension_numbers<[1], [0], [0], [1], [0, 0, 1, 1], [], []>, transpose_lhs_hint = false} : vector<512x8xf32>, vector<8x512xf32>, vector<512x512xf32> -> vector<512x512xf32>
      %reduce_max3A_582 = arith.constant dense<0xFF800000> : vector<512xf32>
      %reduce_max3A_583 = vector.multi_reduction <maximumf>, %dot_general3A_581, %reduce_max3A_582 [0] : vector<512x512xf32> to vector<512xf32>
      %broadcast_in_dim3A_584 = vector.shape_cast %reduce_max3A_583 : vector<512xf32> to vector<1x512xf32>
      %max3A_585 = arith.maximumf %max3A_566, %broadcast_in_dim3A_584 : vector<1x512xf32>
      %sub3A_586 = arith.subf %max3A_566, %max3A_585 : vector<1x512xf32>
      %exp23A_587 = math.exp2 %sub3A_586 : vector<1x512xf32>
      %mul3A_588 = arith.mulf %add3A_576, %exp23A_587 : vector<1x512xf32>
      %sub3A_589 = vector.broadcast %max3A_585 : vector<1x512xf32> to vector<512x512xf32>
      %sub3A_590 = arith.subf %dot_general3A_581, %sub3A_589 : vector<512x512xf32>
      %exp23A_591 = math.exp2 %sub3A_590 : vector<512x512xf32>
      %reduce_sum3A_592 = arith.constant dense<0.000000e+00> : vector<512xf32>
      %reduce_sum3A_593 = vector.multi_reduction <add>, %exp23A_591, %reduce_sum3A_592 [0] : vector<512x512xf32> to vector<512xf32>
      %broadcast_in_dim3A_594 = vector.shape_cast %reduce_sum3A_593 : vector<512xf32> to vector<1x512xf32>
      %add3A_595 = arith.addf %mul3A_588, %broadcast_in_dim3A_594 : vector<1x512xf32>
      %get3A_596 = arith.constant 2560 : index
      %get3A_597 = arith.constant 0 : index
      %get3A_598 = vector.load %arg10[%get3A_596, %get3A_597] : memref<4096x8xf32, #tpu.memory_space<vmem>>, vector<512x8xf32>
      %dot_general3A_599 = arith.constant dense<0.000000e+00> : vector<512x512xf32>
      %dot_general3A_600 = tpu.matmul %get3A_598, %get3A_496, %dot_general3A_599 {dimension_numbers = #tpu.dot_dimension_numbers<[1], [0], [0], [1], [0, 0, 1, 1], [], []>, transpose_lhs_hint = false} : vector<512x8xf32>, vector<8x512xf32>, vector<512x512xf32> -> vector<512x512xf32>
      %reduce_max3A_601 = arith.constant dense<0xFF800000> : vector<512xf32>
      %reduce_max3A_602 = vector.multi_reduction <maximumf>, %dot_general3A_600, %reduce_max3A_601 [0] : vector<512x512xf32> to vector<512xf32>
      %broadcast_in_dim3A_603 = vector.shape_cast %reduce_max3A_602 : vector<512xf32> to vector<1x512xf32>
      %max3A_604 = arith.maximumf %max3A_585, %broadcast_in_dim3A_603 : vector<1x512xf32>
      %sub3A_605 = arith.subf %max3A_585, %max3A_604 : vector<1x512xf32>
      %exp23A_606 = math.exp2 %sub3A_605 : vector<1x512xf32>
      %mul3A_607 = arith.mulf %add3A_595, %exp23A_606 : vector<1x512xf32>
      %sub3A_608 = vector.broadcast %max3A_604 : vector<1x512xf32> to vector<512x512xf32>
      %sub3A_609 = arith.subf %dot_general3A_600, %sub3A_608 : vector<512x512xf32>
      %exp23A_610 = math.exp2 %sub3A_609 : vector<512x512xf32>
      %reduce_sum3A_611 = arith.constant dense<0.000000e+00> : vector<512xf32>
      %reduce_sum3A_612 = vector.multi_reduction <add>, %exp23A_610, %reduce_sum3A_611 [0] : vector<512x512xf32> to vector<512xf32>
      %broadcast_in_dim3A_613 = vector.shape_cast %reduce_sum3A_612 : vector<512xf32> to vector<1x512xf32>
      %add3A_614 = arith.addf %mul3A_607, %broadcast_in_dim3A_613 : vector<1x512xf32>
      %get3A_615 = arith.constant 3072 : index
      %get3A_616 = arith.constant 0 : index
      %get3A_617 = vector.load %arg10[%get3A_615, %get3A_616] : memref<4096x8xf32, #tpu.memory_space<vmem>>, vector<512x8xf32>
      %dot_general3A_618 = arith.constant dense<0.000000e+00> : vector<512x512xf32>
      %dot_general3A_619 = tpu.matmul %get3A_617, %get3A_496, %dot_general3A_618 {dimension_numbers = #tpu.dot_dimension_numbers<[1], [0], [0], [1], [0, 0, 1, 1], [], []>, transpose_lhs_hint = false} : vector<512x8xf32>, vector<8x512xf32>, vector<512x512xf32> -> vector<512x512xf32>
      %reduce_max3A_620 = arith.constant dense<0xFF800000> : vector<512xf32>
      %reduce_max3A_621 = vector.multi_reduction <maximumf>, %dot_general3A_619, %reduce_max3A_620 [0] : vector<512x512xf32> to vector<512xf32>
      %broadcast_in_dim3A_622 = vector.shape_cast %reduce_max3A_621 : vector<512xf32> to vector<1x512xf32>
      %max3A_623 = arith.maximumf %max3A_604, %broadcast_in_dim3A_622 : vector<1x512xf32>
      %sub3A_624 = arith.subf %max3A_604, %max3A_623 : vector<1x512xf32>
      %exp23A_625 = math.exp2 %sub3A_624 : vector<1x512xf32>
      %mul3A_626 = arith.mulf %add3A_614, %exp23A_625 : vector<1x512xf32>
      %sub3A_627 = vector.broadcast %max3A_623 : vector<1x512xf32> to vector<512x512xf32>
      %sub3A_628 = arith.subf %dot_general3A_619, %sub3A_627 : vector<512x512xf32>
      %exp23A_629 = math.exp2 %sub3A_628 : vector<512x512xf32>
      %reduce_sum3A_630 = arith.constant dense<0.000000e+00> : vector<512xf32>
      %reduce_sum3A_631 = vector.multi_reduction <add>, %exp23A_629, %reduce_sum3A_630 [0] : vector<512x512xf32> to vector<512xf32>
      %broadcast_in_dim3A_632 = vector.shape_cast %reduce_sum3A_631 : vector<512xf32> to vector<1x512xf32>
      %add3A_633 = arith.addf %mul3A_626, %broadcast_in_dim3A_632 : vector<1x512xf32>
      %get3A_634 = arith.constant 3584 : index
      %get3A_635 = arith.constant 0 : index
      %get3A_636 = vector.load %arg10[%get3A_634, %get3A_635] : memref<4096x8xf32, #tpu.memory_space<vmem>>, vector<512x8xf32>
      %dot_general3A_637 = arith.constant dense<0.000000e+00> : vector<512x512xf32>
      %dot_general3A_638 = tpu.matmul %get3A_636, %get3A_496, %dot_general3A_637 {dimension_numbers = #tpu.dot_dimension_numbers<[1], [0], [0], [1], [0, 0, 1, 1], [], []>, transpose_lhs_hint = false} : vector<512x8xf32>, vector<8x512xf32>, vector<512x512xf32> -> vector<512x512xf32>
      %reduce_max3A_639 = arith.constant dense<0xFF800000> : vector<512xf32>
      %reduce_max3A_640 = vector.multi_reduction <maximumf>, %dot_general3A_638, %reduce_max3A_639 [0] : vector<512x512xf32> to vector<512xf32>
      %broadcast_in_dim3A_641 = vector.shape_cast %reduce_max3A_640 : vector<512xf32> to vector<1x512xf32>
      %max3A_642 = arith.maximumf %max3A_623, %broadcast_in_dim3A_641 : vector<1x512xf32>
      %sub3A_643 = arith.subf %max3A_623, %max3A_642 : vector<1x512xf32>
      %exp23A_644 = math.exp2 %sub3A_643 : vector<1x512xf32>
      %mul3A_645 = arith.mulf %add3A_633, %exp23A_644 : vector<1x512xf32>
      %sub3A_646 = vector.broadcast %max3A_642 : vector<1x512xf32> to vector<512x512xf32>
      %sub3A_647 = arith.subf %dot_general3A_638, %sub3A_646 : vector<512x512xf32>
      %exp23A_648 = math.exp2 %sub3A_647 : vector<512x512xf32>
      %reduce_sum3A_649 = arith.constant dense<0.000000e+00> : vector<512xf32>
      %reduce_sum3A_650 = vector.multi_reduction <add>, %exp23A_648, %reduce_sum3A_649 [0] : vector<512x512xf32> to vector<512xf32>
      %broadcast_in_dim3A_651 = vector.shape_cast %reduce_sum3A_650 : vector<512xf32> to vector<1x512xf32>
      %add3A_652 = arith.addf %mul3A_645, %broadcast_in_dim3A_651 : vector<1x512xf32>
      %neg3A_653 = arith.constant 0.000000e+00 : f32
      %neg3A_654 = arith.subf %neg3A_653, %get3A_104 : f32
      %log3A_655 = math.log %add3A_652 : vector<1x512xf32>
      %log3A_656 = arith.constant 2.000000e+00 : f32
      %log3A_657 = math.log %log3A_656 : f32
      %div3A_658 = vector.broadcast %log3A_657 : f32 to vector<1x512xf32>
      %div3A_659 = arith.divf %log3A_655, %div3A_658 : vector<1x512xf32>
      %add3A_660 = arith.addf %div3A_659, %max3A_642 : vector<1x512xf32>
      %mul3A_661 = arith.constant 0.693147182 : f32
      %mul3A_662 = vector.broadcast %mul3A_661 : f32 to vector<1x512xf32>
      %mul3A_663 = arith.mulf %add3A_660, %mul3A_662 : vector<1x512xf32>
      %add3A_664 = arith.constant -8.31776618 : f32
      %add3A_665 = vector.broadcast %add3A_664 : f32 to vector<1x512xf32>
      %add3A_666 = arith.addf %mul3A_663, %add3A_665 : vector<1x512xf32>
      %mul3A_667 = vector.broadcast %neg3A_654 : f32 to vector<1x512xf32>
      %mul3A_668 = arith.mulf %mul3A_667, %add3A_666 : vector<1x512xf32>
      %swap3A_669 = arith.constant 0 : index
      %swap3A_670 = arith.index_cast %mul3A_493 : i32 to index
      %swap3A_671 = vector.load %arg9[%swap3A_669, %swap3A_670] : memref<1x4096xf32, #tpu.memory_space<vmem>>, vector<1x512xf32>
      tpu.vector_store %arg9[%swap3A_669, %swap3A_670], %mul3A_668 {strides = array<i32>} : memref<1x4096xf32, #tpu.memory_space<vmem>>, vector<1x512xf32>,
      %scan3A_672 = arith.constant 3 : i32
      %mul3A_673 = arith.constant 512 : i32
      %mul3A_674 = arith.muli %scan3A_672, %mul3A_673 : i32
      %get3A_675 = arith.constant 0 : index
      %get3A_676 = arith.index_cast %mul3A_674 : i32 to index
      %get3A_677 = vector.load %arg12[%get3A_675, %get3A_676] : memref<8x4096xf32, #tpu.memory_space<vmem>>, vector<8x512xf32>
      %broadcast_in_dim3A_678 = arith.constant -1.000000e+30 : f32
      %broadcast_in_dim3A_679 = vector.broadcast %broadcast_in_dim3A_678 : f32 to vector<1x512xf32>
      %broadcast_in_dim3A_680 = arith.constant 0.000000e+00 : f32
      %broadcast_in_dim3A_681 = vector.broadcast %broadcast_in_dim3A_680 : f32 to vector<1x512xf32>
      %get3A_682 = arith.constant 0 : index
      %get3A_683 = arith.constant 0 : index
      %get3A_684 = vector.load %arg10[%get3A_682, %get3A_683] : memref<4096x8xf32, #tpu.memory_space<vmem>>, vector<512x8xf32>
      %dot_general3A_685 = arith.constant dense<0.000000e+00> : vector<512x512xf32>
      %dot_general3A_686 = tpu.matmul %get3A_684, %get3A_677, %dot_general3A_685 {dimension_numbers = #tpu.dot_dimension_numbers<[1], [0], [0], [1], [0, 0, 1, 1], [], []>, transpose_lhs_hint = false} : vector<512x8xf32>, vector<8x512xf32>, vector<512x512xf32> -> vector<512x512xf32>
      %reduce_max3A_687 = arith.constant dense<0xFF800000> : vector<512xf32>
      %reduce_max3A_688 = vector.multi_reduction <maximumf>, %dot_general3A_686, %reduce_max3A_687 [0] : vector<512x512xf32> to vector<512xf32>
      %broadcast_in_dim3A_689 = vector.shape_cast %reduce_max3A_688 : vector<512xf32> to vector<1x512xf32>
      %max3A_690 = arith.maximumf %broadcast_in_dim3A_679, %broadcast_in_dim3A_689 : vector<1x512xf32>
      %sub3A_691 = arith.subf %broadcast_in_dim3A_679, %max3A_690 : vector<1x512xf32>
      %exp23A_692 = math.exp2 %sub3A_691 : vector<1x512xf32>
      %mul3A_693 = arith.mulf %broadcast_in_dim3A_681, %exp23A_692 : vector<1x512xf32>
      %sub3A_694 = vector.broadcast %max3A_690 : vector<1x512xf32> to vector<512x512xf32>
      %sub3A_695 = arith.subf %dot_general3A_686, %sub3A_694 : vector<512x512xf32>
      %exp23A_696 = math.exp2 %sub3A_695 : vector<512x512xf32>
      %reduce_sum3A_697 = arith.constant dense<0.000000e+00> : vector<512xf32>
      %reduce_sum3A_698 = vector.multi_reduction <add>, %exp23A_696, %reduce_sum3A_697 [0] : vector<512x512xf32> to vector<512xf32>
      %broadcast_in_dim3A_699 = vector.shape_cast %reduce_sum3A_698 : vector<512xf32> to vector<1x512xf32>
      %add3A_700 = arith.addf %mul3A_693, %broadcast_in_dim3A_699 : vector<1x512xf32>
      %get3A_701 = arith.constant 512 : index
      %get3A_702 = arith.constant 0 : index
      %get3A_703 = vector.load %arg10[%get3A_701, %get3A_702] : memref<4096x8xf32, #tpu.memory_space<vmem>>, vector<512x8xf32>
      %dot_general3A_704 = arith.constant dense<0.000000e+00> : vector<512x512xf32>
      %dot_general3A_705 = tpu.matmul %get3A_703, %get3A_677, %dot_general3A_704 {dimension_numbers = #tpu.dot_dimension_numbers<[1], [0], [0], [1], [0, 0, 1, 1], [], []>, transpose_lhs_hint = false} : vector<512x8xf32>, vector<8x512xf32>, vector<512x512xf32> -> vector<512x512xf32>
      %reduce_max3A_706 = arith.constant dense<0xFF800000> : vector<512xf32>
      %reduce_max3A_707 = vector.multi_reduction <maximumf>, %dot_general3A_705, %reduce_max3A_706 [0] : vector<512x512xf32> to vector<512xf32>
      %broadcast_in_dim3A_708 = vector.shape_cast %reduce_max3A_707 : vector<512xf32> to vector<1x512xf32>
      %max3A_709 = arith.maximumf %max3A_690, %broadcast_in_dim3A_708 : vector<1x512xf32>
      %sub3A_710 = arith.subf %max3A_690, %max3A_709 : vector<1x512xf32>
      %exp23A_711 = math.exp2 %sub3A_710 : vector<1x512xf32>
      %mul3A_712 = arith.mulf %add3A_700, %exp23A_711 : vector<1x512xf32>
      %sub3A_713 = vector.broadcast %max3A_709 : vector<1x512xf32> to vector<512x512xf32>
      %sub3A_714 = arith.subf %dot_general3A_705, %sub3A_713 : vector<512x512xf32>
      %exp23A_715 = math.exp2 %sub3A_714 : vector<512x512xf32>
      %reduce_sum3A_716 = arith.constant dense<0.000000e+00> : vector<512xf32>
      %reduce_sum3A_717 = vector.multi_reduction <add>, %exp23A_715, %reduce_sum3A_716 [0] : vector<512x512xf32> to vector<512xf32>
      %broadcast_in_dim3A_718 = vector.shape_cast %reduce_sum3A_717 : vector<512xf32> to vector<1x512xf32>
      %add3A_719 = arith.addf %mul3A_712, %broadcast_in_dim3A_718 : vector<1x512xf32>
      %get3A_720 = arith.constant 1024 : index
      %get3A_721 = arith.constant 0 : index
      %get3A_722 = vector.load %arg10[%get3A_720, %get3A_721] : memref<4096x8xf32, #tpu.memory_space<vmem>>, vector<512x8xf32>
      %dot_general3A_723 = arith.constant dense<0.000000e+00> : vector<512x512xf32>
      %dot_general3A_724 = tpu.matmul %get3A_722, %get3A_677, %dot_general3A_723 {dimension_numbers = #tpu.dot_dimension_numbers<[1], [0], [0], [1], [0, 0, 1, 1], [], []>, transpose_lhs_hint = false} : vector<512x8xf32>, vector<8x512xf32>, vector<512x512xf32> -> vector<512x512xf32>
      %reduce_max3A_725 = arith.constant dense<0xFF800000> : vector<512xf32>
      %reduce_max3A_726 = vector.multi_reduction <maximumf>, %dot_general3A_724, %reduce_max3A_725 [0] : vector<512x512xf32> to vector<512xf32>
      %broadcast_in_dim3A_727 = vector.shape_cast %reduce_max3A_726 : vector<512xf32> to vector<1x512xf32>
      %max3A_728 = arith.maximumf %max3A_709, %broadcast_in_dim3A_727 : vector<1x512xf32>
      %sub3A_729 = arith.subf %max3A_709, %max3A_728 : vector<1x512xf32>
      %exp23A_730 = math.exp2 %sub3A_729 : vector<1x512xf32>
      %mul3A_731 = arith.mulf %add3A_719, %exp23A_730 : vector<1x512xf32>
      %sub3A_732 = vector.broadcast %max3A_728 : vector<1x512xf32> to vector<512x512xf32>
      %sub3A_733 = arith.subf %dot_general3A_724, %sub3A_732 : vector<512x512xf32>
      %exp23A_734 = math.exp2 %sub3A_733 : vector<512x512xf32>
      %reduce_sum3A_735 = arith.constant dense<0.000000e+00> : vector<512xf32>
      %reduce_sum3A_736 = vector.multi_reduction <add>, %exp23A_734, %reduce_sum3A_735 [0] : vector<512x512xf32> to vector<512xf32>
      %broadcast_in_dim3A_737 = vector.shape_cast %reduce_sum3A_736 : vector<512xf32> to vector<1x512xf32>
      %add3A_738 = arith.addf %mul3A_731, %broadcast_in_dim3A_737 : vector<1x512xf32>
      %get3A_739 = arith.constant 1536 : index
      %get3A_740 = arith.constant 0 : index
      %get3A_741 = vector.load %arg10[%get3A_739, %get3A_740] : memref<4096x8xf32, #tpu.memory_space<vmem>>, vector<512x8xf32>
      %dot_general3A_742 = arith.constant dense<0.000000e+00> : vector<512x512xf32>
      %dot_general3A_743 = tpu.matmul %get3A_741, %get3A_677, %dot_general3A_742 {dimension_numbers = #tpu.dot_dimension_numbers<[1], [0], [0], [1], [0, 0, 1, 1], [], []>, transpose_lhs_hint = false} : vector<512x8xf32>, vector<8x512xf32>, vector<512x512xf32> -> vector<512x512xf32>
      %reduce_max3A_744 = arith.constant dense<0xFF800000> : vector<512xf32>
      %reduce_max3A_745 = vector.multi_reduction <maximumf>, %dot_general3A_743, %reduce_max3A_744 [0] : vector<512x512xf32> to vector<512xf32>
      %broadcast_in_dim3A_746 = vector.shape_cast %reduce_max3A_745 : vector<512xf32> to vector<1x512xf32>
      %max3A_747 = arith.maximumf %max3A_728, %broadcast_in_dim3A_746 : vector<1x512xf32>
      %sub3A_748 = arith.subf %max3A_728, %max3A_747 : vector<1x512xf32>
      %exp23A_749 = math.exp2 %sub3A_748 : vector<1x512xf32>
      %mul3A_750 = arith.mulf %add3A_738, %exp23A_749 : vector<1x512xf32>
      %sub3A_751 = vector.broadcast %max3A_747 : vector<1x512xf32> to vector<512x512xf32>
      %sub3A_752 = arith.subf %dot_general3A_743, %sub3A_751 : vector<512x512xf32>
      %exp23A_753 = math.exp2 %sub3A_752 : vector<512x512xf32>
      %reduce_sum3A_754 = arith.constant dense<0.000000e+00> : vector<512xf32>
      %reduce_sum3A_755 = vector.multi_reduction <add>, %exp23A_753, %reduce_sum3A_754 [0] : vector<512x512xf32> to vector<512xf32>
      %broadcast_in_dim3A_756 = vector.shape_cast %reduce_sum3A_755 : vector<512xf32> to vector<1x512xf32>
      %add3A_757 = arith.addf %mul3A_750, %broadcast_in_dim3A_756 : vector<1x512xf32>
      %get3A_758 = arith.constant 2048 : index
      %get3A_759 = arith.constant 0 : index
      %get3A_760 = vector.load %arg10[%get3A_758, %get3A_759] : memref<4096x8xf32, #tpu.memory_space<vmem>>, vector<512x8xf32>
      %dot_general3A_761 = arith.constant dense<0.000000e+00> : vector<512x512xf32>
      %dot_general3A_762 = tpu.matmul %get3A_760, %get3A_677, %dot_general3A_761 {dimension_numbers = #tpu.dot_dimension_numbers<[1], [0], [0], [1], [0, 0, 1, 1], [], []>, transpose_lhs_hint = false} : vector<512x8xf32>, vector<8x512xf32>, vector<512x512xf32> -> vector<512x512xf32>
      %reduce_max3A_763 = arith.constant dense<0xFF800000> : vector<512xf32>
      %reduce_max3A_764 = vector.multi_reduction <maximumf>, %dot_general3A_762, %reduce_max3A_763 [0] : vector<512x512xf32> to vector<512xf32>
      %broadcast_in_dim3A_765 = vector.shape_cast %reduce_max3A_764 : vector<512xf32> to vector<1x512xf32>
      %max3A_766 = arith.maximumf %max3A_747, %broadcast_in_dim3A_765 : vector<1x512xf32>
      %sub3A_767 = arith.subf %max3A_747, %max3A_766 : vector<1x512xf32>
      %exp23A_768 = math.exp2 %sub3A_767 : vector<1x512xf32>
      %mul3A_769 = arith.mulf %add3A_757, %exp23A_768 : vector<1x512xf32>
      %sub3A_770 = vector.broadcast %max3A_766 : vector<1x512xf32> to vector<512x512xf32>
      %sub3A_771 = arith.subf %dot_general3A_762, %sub3A_770 : vector<512x512xf32>
      %exp23A_772 = math.exp2 %sub3A_771 : vector<512x512xf32>
      %reduce_sum3A_773 = arith.constant dense<0.000000e+00> : vector<512xf32>
      %reduce_sum3A_774 = vector.multi_reduction <add>, %exp23A_772, %reduce_sum3A_773 [0] : vector<512x512xf32> to vector<512xf32>
      %broadcast_in_dim3A_775 = vector.shape_cast %reduce_sum3A_774 : vector<512xf32> to vector<1x512xf32>
      %add3A_776 = arith.addf %mul3A_769, %broadcast_in_dim3A_775 : vector<1x512xf32>
      %get3A_777 = arith.constant 2560 : index
      %get3A_778 = arith.constant 0 : index
      %get3A_779 = vector.load %arg10[%get3A_777, %get3A_778] : memref<4096x8xf32, #tpu.memory_space<vmem>>, vector<512x8xf32>
      %dot_general3A_780 = arith.constant dense<0.000000e+00> : vector<512x512xf32>
      %dot_general3A_781 = tpu.matmul %get3A_779, %get3A_677, %dot_general3A_780 {dimension_numbers = #tpu.dot_dimension_numbers<[1], [0], [0], [1], [0, 0, 1, 1], [], []>, transpose_lhs_hint = false} : vector<512x8xf32>, vector<8x512xf32>, vector<512x512xf32> -> vector<512x512xf32>
      %reduce_max3A_782 = arith.constant dense<0xFF800000> : vector<512xf32>
      %reduce_max3A_783 = vector.multi_reduction <maximumf>, %dot_general3A_781, %reduce_max3A_782 [0] : vector<512x512xf32> to vector<512xf32>
      %broadcast_in_dim3A_784 = vector.shape_cast %reduce_max3A_783 : vector<512xf32> to vector<1x512xf32>
      %max3A_785 = arith.maximumf %max3A_766, %broadcast_in_dim3A_784 : vector<1x512xf32>
      %sub3A_786 = arith.subf %max3A_766, %max3A_785 : vector<1x512xf32>
      %exp23A_787 = math.exp2 %sub3A_786 : vector<1x512xf32>
      %mul3A_788 = arith.mulf %add3A_776, %exp23A_787 : vector<1x512xf32>
      %sub3A_789 = vector.broadcast %max3A_785 : vector<1x512xf32> to vector<512x512xf32>
      %sub3A_790 = arith.subf %dot_general3A_781, %sub3A_789 : vector<512x512xf32>
      %exp23A_791 = math.exp2 %sub3A_790 : vector<512x512xf32>
      %reduce_sum3A_792 = arith.constant dense<0.000000e+00> : vector<512xf32>
      %reduce_sum3A_793 = vector.multi_reduction <add>, %exp23A_791, %reduce_sum3A_792 [0] : vector<512x512xf32> to vector<512xf32>
      %broadcast_in_dim3A_794 = vector.shape_cast %reduce_sum3A_793 : vector<512xf32> to vector<1x512xf32>
      %add3A_795 = arith.addf %mul3A_788, %broadcast_in_dim3A_794 : vector<1x512xf32>
      %get3A_796 = arith.constant 3072 : index
      %get3A_797 = arith.constant 0 : index
      %get3A_798 = vector.load %arg10[%get3A_796, %get3A_797] : memref<4096x8xf32, #tpu.memory_space<vmem>>, vector<512x8xf32>
      %dot_general3A_799 = arith.constant dense<0.000000e+00> : vector<512x512xf32>
      %dot_general3A_800 = tpu.matmul %get3A_798, %get3A_677, %dot_general3A_799 {dimension_numbers = #tpu.dot_dimension_numbers<[1], [0], [0], [1], [0, 0, 1, 1], [], []>, transpose_lhs_hint = false} : vector<512x8xf32>, vector<8x512xf32>, vector<512x512xf32> -> vector<512x512xf32>
      %reduce_max3A_801 = arith.constant dense<0xFF800000> : vector<512xf32>
      %reduce_max3A_802 = vector.multi_reduction <maximumf>, %dot_general3A_800, %reduce_max3A_801 [0] : vector<512x512xf32> to vector<512xf32>
      %broadcast_in_dim3A_803 = vector.shape_cast %reduce_max3A_802 : vector<512xf32> to vector<1x512xf32>
      %max3A_804 = arith.maximumf %max3A_785, %broadcast_in_dim3A_803 : vector<1x512xf32>
      %sub3A_805 = arith.subf %max3A_785, %max3A_804 : vector<1x512xf32>
      %exp23A_806 = math.exp2 %sub3A_805 : vector<1x512xf32>
      %mul3A_807 = arith.mulf %add3A_795, %exp23A_806 : vector<1x512xf32>
      %sub3A_808 = vector.broadcast %max3A_804 : vector<1x512xf32> to vector<512x512xf32>
      %sub3A_809 = arith.subf %dot_general3A_800, %sub3A_808 : vector<512x512xf32>
      %exp23A_810 = math.exp2 %sub3A_809 : vector<512x512xf32>
      %reduce_sum3A_811 = arith.constant dense<0.000000e+00> : vector<512xf32>
      %reduce_sum3A_812 = vector.multi_reduction <add>, %exp23A_810, %reduce_sum3A_811 [0] : vector<512x512xf32> to vector<512xf32>
      %broadcast_in_dim3A_813 = vector.shape_cast %reduce_sum3A_812 : vector<512xf32> to vector<1x512xf32>
      %add3A_814 = arith.addf %mul3A_807, %broadcast_in_dim3A_813 : vector<1x512xf32>
      %get3A_815 = arith.constant 3584 : index
      %get3A_816 = arith.constant 0 : index
      %get3A_817 = vector.load %arg10[%get3A_815, %get3A_816] : memref<4096x8xf32, #tpu.memory_space<vmem>>, vector<512x8xf32>
      %dot_general3A_818 = arith.constant dense<0.000000e+00> : vector<512x512xf32>
      %dot_general3A_819 = tpu.matmul %get3A_817, %get3A_677, %dot_general3A_818 {dimension_numbers = #tpu.dot_dimension_numbers<[1], [0], [0], [1], [0, 0, 1, 1], [], []>, transpose_lhs_hint = false} : vector<512x8xf32>, vector<8x512xf32>, vector<512x512xf32> -> vector<512x512xf32>
      %reduce_max3A_820 = arith.constant dense<0xFF800000> : vector<512xf32>
      %reduce_max3A_821 = vector.multi_reduction <maximumf>, %dot_general3A_819, %reduce_max3A_820 [0] : vector<512x512xf32> to vector<512xf32>
      %broadcast_in_dim3A_822 = vector.shape_cast %reduce_max3A_821 : vector<512xf32> to vector<1x512xf32>
      %max3A_823 = arith.maximumf %max3A_804, %broadcast_in_dim3A_822 : vector<1x512xf32>
      %sub3A_824 = arith.subf %max3A_804, %max3A_823 : vector<1x512xf32>
      %exp23A_825 = math.exp2 %sub3A_824 : vector<1x512xf32>
      %mul3A_826 = arith.mulf %add3A_814, %exp23A_825 : vector<1x512xf32>
      %sub3A_827 = vector.broadcast %max3A_823 : vector<1x512xf32> to vector<512x512xf32>
      %sub3A_828 = arith.subf %dot_general3A_819, %sub3A_827 : vector<512x512xf32>
      %exp23A_829 = math.exp2 %sub3A_828 : vector<512x512xf32>
      %reduce_sum3A_830 = arith.constant dense<0.000000e+00> : vector<512xf32>
      %reduce_sum3A_831 = vector.multi_reduction <add>, %exp23A_829, %reduce_sum3A_830 [0] : vector<512x512xf32> to vector<512xf32>
      %broadcast_in_dim3A_832 = vector.shape_cast %reduce_sum3A_831 : vector<512xf32> to vector<1x512xf32>
      %add3A_833 = arith.addf %mul3A_826, %broadcast_in_dim3A_832 : vector<1x512xf32>
      %neg3A_834 = arith.constant 0.000000e+00 : f32
      %neg3A_835 = arith.subf %neg3A_834, %get3A_104 : f32
      %log3A_836 = math.log %add3A_833 : vector<1x512xf32>
      %log3A_837 = arith.constant 2.000000e+00 : f32
      %log3A_838 = math.log %log3A_837 : f32
      %div3A_839 = vector.broadcast %log3A_838 : f32 to vector<1x512xf32>
      %div3A_840 = arith.divf %log3A_836, %div3A_839 : vector<1x512xf32>
      %add3A_841 = arith.addf %div3A_840, %max3A_823 : vector<1x512xf32>
      %mul3A_842 = arith.constant 0.693147182 : f32
      %mul3A_843 = vector.broadcast %mul3A_842 : f32 to vector<1x512xf32>
      %mul3A_844 = arith.mulf %add3A_841, %mul3A_843 : vector<1x512xf32>
      %add3A_845 = arith.constant -8.31776618 : f32
      %add3A_846 = vector.broadcast %add3A_845 : f32 to vector<1x512xf32>
      %add3A_847 = arith.addf %mul3A_844, %add3A_846 : vector<1x512xf32>
      %mul3A_848 = vector.broadcast %neg3A_835 : f32 to vector<1x512xf32>
      %mul3A_849 = arith.mulf %mul3A_848, %add3A_847 : vector<1x512xf32>
      %swap3A_850 = arith.constant 0 : index
      %swap3A_851 = arith.index_cast %mul3A_674 : i32 to index
      %swap3A_852 = vector.load %arg9[%swap3A_850, %swap3A_851] : memref<1x4096xf32, #tpu.memory_space<vmem>>, vector<1x512xf32>
      tpu.vector_store %arg9[%swap3A_850, %swap3A_851], %mul3A_849 {strides = array<i32>} : memref<1x4096xf32, #tpu.memory_space<vmem>>, vector<1x512xf32>,
      %scan3A_853 = arith.constant 4 : i32
      %mul3A_854 = arith.constant 512 : i32
      %mul3A_855 = arith.muli %scan3A_853, %mul3A_854 : i32
      %get3A_856 = arith.constant 0 : index
      %get3A_857 = arith.index_cast %mul3A_855 : i32 to index
      %get3A_858 = vector.load %arg12[%get3A_856, %get3A_857] : memref<8x4096xf32, #tpu.memory_space<vmem>>, vector<8x512xf32>
      %broadcast_in_dim3A_859 = arith.constant -1.000000e+30 : f32
      %broadcast_in_dim3A_860 = vector.broadcast %broadcast_in_dim3A_859 : f32 to vector<1x512xf32>
      %broadcast_in_dim3A_861 = arith.constant 0.000000e+00 : f32
      %broadcast_in_dim3A_862 = vector.broadcast %broadcast_in_dim3A_861 : f32 to vector<1x512xf32>
      %get3A_863 = arith.constant 0 : index
      %get3A_864 = arith.constant 0 : index
      %get3A_865 = vector.load %arg10[%get3A_863, %get3A_864] : memref<4096x8xf32, #tpu.memory_space<vmem>>, vector<512x8xf32>
      %dot_general3A_866 = arith.constant dense<0.000000e+00> : vector<512x512xf32>
      %dot_general3A_867 = tpu.matmul %get3A_865, %get3A_858, %dot_general3A_866 {dimension_numbers = #tpu.dot_dimension_numbers<[1], [0], [0], [1], [0, 0, 1, 1], [], []>, transpose_lhs_hint = false} : vector<512x8xf32>, vector<8x512xf32>, vector<512x512xf32> -> vector<512x512xf32>
      %reduce_max3A_868 = arith.constant dense<0xFF800000> : vector<512xf32>
      %reduce_max3A_869 = vector.multi_reduction <maximumf>, %dot_general3A_867, %reduce_max3A_868 [0] : vector<512x512xf32> to vector<512xf32>
      %broadcast_in_dim3A_870 = vector.shape_cast %reduce_max3A_869 : vector<512xf32> to vector<1x512xf32>
      %max3A_871 = arith.maximumf %broadcast_in_dim3A_860, %broadcast_in_dim3A_870 : vector<1x512xf32>
      %sub3A_872 = arith.subf %broadcast_in_dim3A_860, %max3A_871 : vector<1x512xf32>
      %exp23A_873 = math.exp2 %sub3A_872 : vector<1x512xf32>
      %mul3A_874 = arith.mulf %broadcast_in_dim3A_862, %exp23A_873 : vector<1x512xf32>
      %sub3A_875 = vector.broadcast %max3A_871 : vector<1x512xf32> to vector<512x512xf32>
      %sub3A_876 = arith.subf %dot_general3A_867, %sub3A_875 : vector<512x512xf32>
      %exp23A_877 = math.exp2 %sub3A_876 : vector<512x512xf32>
      %reduce_sum3A_878 = arith.constant dense<0.000000e+00> : vector<512xf32>
      %reduce_sum3A_879 = vector.multi_reduction <add>, %exp23A_877, %reduce_sum3A_878 [0] : vector<512x512xf32> to vector<512xf32>
      %broadcast_in_dim3A_880 = vector.shape_cast %reduce_sum3A_879 : vector<512xf32> to vector<1x512xf32>
      %add3A_881 = arith.addf %mul3A_874, %broadcast_in_dim3A_880 : vector<1x512xf32>
      %get3A_882 = arith.constant 512 : index
      %get3A_883 = arith.constant 0 : index
      %get3A_884 = vector.load %arg10[%get3A_882, %get3A_883] : memref<4096x8xf32, #tpu.memory_space<vmem>>, vector<512x8xf32>
      %dot_general3A_885 = arith.constant dense<0.000000e+00> : vector<512x512xf32>
      %dot_general3A_886 = tpu.matmul %get3A_884, %get3A_858, %dot_general3A_885 {dimension_numbers = #tpu.dot_dimension_numbers<[1], [0], [0], [1], [0, 0, 1, 1], [], []>, transpose_lhs_hint = false} : vector<512x8xf32>, vector<8x512xf32>, vector<512x512xf32> -> vector<512x512xf32>
      %reduce_max3A_887 = arith.constant dense<0xFF800000> : vector<512xf32>
      %reduce_max3A_888 = vector.multi_reduction <maximumf>, %dot_general3A_886, %reduce_max3A_887 [0] : vector<512x512xf32> to vector<512xf32>
      %broadcast_in_dim3A_889 = vector.shape_cast %reduce_max3A_888 : vector<512xf32> to vector<1x512xf32>
      %max3A_890 = arith.maximumf %max3A_871, %broadcast_in_dim3A_889 : vector<1x512xf32>
      %sub3A_891 = arith.subf %max3A_871, %max3A_890 : vector<1x512xf32>
      %exp23A_892 = math.exp2 %sub3A_891 : vector<1x512xf32>
      %mul3A_893 = arith.mulf %add3A_881, %exp23A_892 : vector<1x512xf32>
      %sub3A_894 = vector.broadcast %max3A_890 : vector<1x512xf32> to vector<512x512xf32>
      %sub3A_895 = arith.subf %dot_general3A_886, %sub3A_894 : vector<512x512xf32>
      %exp23A_896 = math.exp2 %sub3A_895 : vector<512x512xf32>
      %reduce_sum3A_897 = arith.constant dense<0.000000e+00> : vector<512xf32>
      %reduce_sum3A_898 = vector.multi_reduction <add>, %exp23A_896, %reduce_sum3A_897 [0] : vector<512x512xf32> to vector<512xf32>
      %broadcast_in_dim3A_899 = vector.shape_cast %reduce_sum3A_898 : vector<512xf32> to vector<1x512xf32>
      %add3A_900 = arith.addf %mul3A_893, %broadcast_in_dim3A_899 : vector<1x512xf32>
      %get3A_901 = arith.constant 1024 : index
      %get3A_902 = arith.constant 0 : index
      %get3A_903 = vector.load %arg10[%get3A_901, %get3A_902] : memref<4096x8xf32, #tpu.memory_space<vmem>>, vector<512x8xf32>
      %dot_general3A_904 = arith.constant dense<0.000000e+00> : vector<512x512xf32>
      %dot_general3A_905 = tpu.matmul %get3A_903, %get3A_858, %dot_general3A_904 {dimension_numbers = #tpu.dot_dimension_numbers<[1], [0], [0], [1], [0, 0, 1, 1], [], []>, transpose_lhs_hint = false} : vector<512x8xf32>, vector<8x512xf32>, vector<512x512xf32> -> vector<512x512xf32>
      %reduce_max3A_906 = arith.constant dense<0xFF800000> : vector<512xf32>
      %reduce_max3A_907 = vector.multi_reduction <maximumf>, %dot_general3A_905, %reduce_max3A_906 [0] : vector<512x512xf32> to vector<512xf32>
      %broadcast_in_dim3A_908 = vector.shape_cast %reduce_max3A_907 : vector<512xf32> to vector<1x512xf32>
      %max3A_909 = arith.maximumf %max3A_890, %broadcast_in_dim3A_908 : vector<1x512xf32>
      %sub3A_910 = arith.subf %max3A_890, %max3A_909 : vector<1x512xf32>
      %exp23A_911 = math.exp2 %sub3A_910 : vector<1x512xf32>
      %mul3A_912 = arith.mulf %add3A_900, %exp23A_911 : vector<1x512xf32>
      %sub3A_913 = vector.broadcast %max3A_909 : vector<1x512xf32> to vector<512x512xf32>
      %sub3A_914 = arith.subf %dot_general3A_905, %sub3A_913 : vector<512x512xf32>
      %exp23A_915 = math.exp2 %sub3A_914 : vector<512x512xf32>
      %reduce_sum3A_916 = arith.constant dense<0.000000e+00> : vector<512xf32>
      %reduce_sum3A_917 = vector.multi_reduction <add>, %exp23A_915, %reduce_sum3A_916 [0] : vector<512x512xf32> to vector<512xf32>
      %broadcast_in_dim3A_918 = vector.shape_cast %reduce_sum3A_917 : vector<512xf32> to vector<1x512xf32>
      %add3A_919 = arith.addf %mul3A_912, %broadcast_in_dim3A_918 : vector<1x512xf32>
      %get3A_920 = arith.constant 1536 : index
      %get3A_921 = arith.constant 0 : index
      %get3A_922 = vector.load %arg10[%get3A_920, %get3A_921] : memref<4096x8xf32, #tpu.memory_space<vmem>>, vector<512x8xf32>
      %dot_general3A_923 = arith.constant dense<0.000000e+00> : vector<512x512xf32>
      %dot_general3A_924 = tpu.matmul %get3A_922, %get3A_858, %dot_general3A_923 {dimension_numbers = #tpu.dot_dimension_numbers<[1], [0], [0], [1], [0, 0, 1, 1], [], []>, transpose_lhs_hint = false} : vector<512x8xf32>, vector<8x512xf32>, vector<512x512xf32> -> vector<512x512xf32>
      %reduce_max3A_925 = arith.constant dense<0xFF800000> : vector<512xf32>
      %reduce_max3A_926 = vector.multi_reduction <maximumf>, %dot_general3A_924, %reduce_max3A_925 [0] : vector<512x512xf32> to vector<512xf32>
      %broadcast_in_dim3A_927 = vector.shape_cast %reduce_max3A_926 : vector<512xf32> to vector<1x512xf32>
      %max3A_928 = arith.maximumf %max3A_909, %broadcast_in_dim3A_927 : vector<1x512xf32>
      %sub3A_929 = arith.subf %max3A_909, %max3A_928 : vector<1x512xf32>
      %exp23A_930 = math.exp2 %sub3A_929 : vector<1x512xf32>
      %mul3A_931 = arith.mulf %add3A_919, %exp23A_930 : vector<1x512xf32>
      %sub3A_932 = vector.broadcast %max3A_928 : vector<1x512xf32> to vector<512x512xf32>
      %sub3A_933 = arith.subf %dot_general3A_924, %sub3A_932 : vector<512x512xf32>
      %exp23A_934 = math.exp2 %sub3A_933 : vector<512x512xf32>
      %reduce_sum3A_935 = arith.constant dense<0.000000e+00> : vector<512xf32>
      %reduce_sum3A_936 = vector.multi_reduction <add>, %exp23A_934, %reduce_sum3A_935 [0] : vector<512x512xf32> to vector<512xf32>
      %broadcast_in_dim3A_937 = vector.shape_cast %reduce_sum3A_936 : vector<512xf32> to vector<1x512xf32>
      %add3A_938 = arith.addf %mul3A_931, %broadcast_in_dim3A_937 : vector<1x512xf32>
      %get3A_939 = arith.constant 2048 : index
      %get3A_940 = arith.constant 0 : index
      %get3A_941 = vector.load %arg10[%get3A_939, %get3A_940] : memref<4096x8xf32, #tpu.memory_space<vmem>>, vector<512x8xf32>
      %dot_general3A_942 = arith.constant dense<0.000000e+00> : vector<512x512xf32>
      %dot_general3A_943 = tpu.matmul %get3A_941, %get3A_858, %dot_general3A_942 {dimension_numbers = #tpu.dot_dimension_numbers<[1], [0], [0], [1], [0, 0, 1, 1], [], []>, transpose_lhs_hint = false} : vector<512x8xf32>, vector<8x512xf32>, vector<512x512xf32> -> vector<512x512xf32>
      %reduce_max3A_944 = arith.constant dense<0xFF800000> : vector<512xf32>
      %reduce_max3A_945 = vector.multi_reduction <maximumf>, %dot_general3A_943, %reduce_max3A_944 [0] : vector<512x512xf32> to vector<512xf32>
      %broadcast_in_dim3A_946 = vector.shape_cast %reduce_max3A_945 : vector<512xf32> to vector<1x512xf32>
      %max3A_947 = arith.maximumf %max3A_928, %broadcast_in_dim3A_946 : vector<1x512xf32>
      %sub3A_948 = arith.subf %max3A_928, %max3A_947 : vector<1x512xf32>
      %exp23A_949 = math.exp2 %sub3A_948 : vector<1x512xf32>
      %mul3A_950 = arith.mulf %add3A_938, %exp23A_949 : vector<1x512xf32>
      %sub3A_951 = vector.broadcast %max3A_947 : vector<1x512xf32> to vector<512x512xf32>
      %sub3A_952 = arith.subf %dot_general3A_943, %sub3A_951 : vector<512x512xf32>
      %exp23A_953 = math.exp2 %sub3A_952 : vector<512x512xf32>
      %reduce_sum3A_954 = arith.constant dense<0.000000e+00> : vector<512xf32>
      %reduce_sum3A_955 = vector.multi_reduction <add>, %exp23A_953, %reduce_sum3A_954 [0] : vector<512x512xf32> to vector<512xf32>
      %broadcast_in_dim3A_956 = vector.shape_cast %reduce_sum3A_955 : vector<512xf32> to vector<1x512xf32>
      %add3A_957 = arith.addf %mul3A_950, %broadcast_in_dim3A_956 : vector<1x512xf32>
      %get3A_958 = arith.constant 2560 : index
      %get3A_959 = arith.constant 0 : index
      %get3A_960 = vector.load %arg10[%get3A_958, %get3A_959] : memref<4096x8xf32, #tpu.memory_space<vmem>>, vector<512x8xf32>
      %dot_general3A_961 = arith.constant dense<0.000000e+00> : vector<512x512xf32>
      %dot_general3A_962 = tpu.matmul %get3A_960, %get3A_858, %dot_general3A_961 {dimension_numbers = #tpu.dot_dimension_numbers<[1], [0], [0], [1], [0, 0, 1, 1], [], []>, transpose_lhs_hint = false} : vector<512x8xf32>, vector<8x512xf32>, vector<512x512xf32> -> vector<512x512xf32>
      %reduce_max3A_963 = arith.constant dense<0xFF800000> : vector<512xf32>
      %reduce_max3A_964 = vector.multi_reduction <maximumf>, %dot_general3A_962, %reduce_max3A_963 [0] : vector<512x512xf32> to vector<512xf32>
      %broadcast_in_dim3A_965 = vector.shape_cast %reduce_max3A_964 : vector<512xf32> to vector<1x512xf32>
      %max3A_966 = arith.maximumf %max3A_947, %broadcast_in_dim3A_965 : vector<1x512xf32>
      %sub3A_967 = arith.subf %max3A_947, %max3A_966 : vector<1x512xf32>
      %exp23A_968 = math.exp2 %sub3A_967 : vector<1x512xf32>
      %mul3A_969 = arith.mulf %add3A_957, %exp23A_968 : vector<1x512xf32>
      %sub3A_970 = vector.broadcast %max3A_966 : vector<1x512xf32> to vector<512x512xf32>
      %sub3A_971 = arith.subf %dot_general3A_962, %sub3A_970 : vector<512x512xf32>
      %exp23A_972 = math.exp2 %sub3A_971 : vector<512x512xf32>
      %reduce_sum3A_973 = arith.constant dense<0.000000e+00> : vector<512xf32>
      %reduce_sum3A_974 = vector.multi_reduction <add>, %exp23A_972, %reduce_sum3A_973 [0] : vector<512x512xf32> to vector<512xf32>
      %broadcast_in_dim3A_975 = vector.shape_cast %reduce_sum3A_974 : vector<512xf32> to vector<1x512xf32>
      %add3A_976 = arith.addf %mul3A_969, %broadcast_in_dim3A_975 : vector<1x512xf32>
      %get3A_977 = arith.constant 3072 : index
      %get3A_978 = arith.constant 0 : index
      %get3A_979 = vector.load %arg10[%get3A_977, %get3A_978] : memref<4096x8xf32, #tpu.memory_space<vmem>>, vector<512x8xf32>
      %dot_general3A_980 = arith.constant dense<0.000000e+00> : vector<512x512xf32>
      %dot_general3A_981 = tpu.matmul %get3A_979, %get3A_858, %dot_general3A_980 {dimension_numbers = #tpu.dot_dimension_numbers<[1], [0], [0], [1], [0, 0, 1, 1], [], []>, transpose_lhs_hint = false} : vector<512x8xf32>, vector<8x512xf32>, vector<512x512xf32> -> vector<512x512xf32>
      %reduce_max3A_982 = arith.constant dense<0xFF800000> : vector<512xf32>
      %reduce_max3A_983 = vector.multi_reduction <maximumf>, %dot_general3A_981, %reduce_max3A_982 [0] : vector<512x512xf32> to vector<512xf32>
      %broadcast_in_dim3A_984 = vector.shape_cast %reduce_max3A_983 : vector<512xf32> to vector<1x512xf32>
      %max3A_985 = arith.maximumf %max3A_966, %broadcast_in_dim3A_984 : vector<1x512xf32>
      %sub3A_986 = arith.subf %max3A_966, %max3A_985 : vector<1x512xf32>
      %exp23A_987 = math.exp2 %sub3A_986 : vector<1x512xf32>
      %mul3A_988 = arith.mulf %add3A_976, %exp23A_987 : vector<1x512xf32>
      %sub3A_989 = vector.broadcast %max3A_985 : vector<1x512xf32> to vector<512x512xf32>
      %sub3A_990 = arith.subf %dot_general3A_981, %sub3A_989 : vector<512x512xf32>
      %exp23A_991 = math.exp2 %sub3A_990 : vector<512x512xf32>
      %reduce_sum3A_992 = arith.constant dense<0.000000e+00> : vector<512xf32>
      %reduce_sum3A_993 = vector.multi_reduction <add>, %exp23A_991, %reduce_sum3A_992 [0] : vector<512x512xf32> to vector<512xf32>
      %broadcast_in_dim3A_994 = vector.shape_cast %reduce_sum3A_993 : vector<512xf32> to vector<1x512xf32>
      %add3A_995 = arith.addf %mul3A_988, %broadcast_in_dim3A_994 : vector<1x512xf32>
      %get3A_996 = arith.constant 3584 : index
      %get3A_997 = arith.constant 0 : index
      %get3A_998 = vector.load %arg10[%get3A_996, %get3A_997] : memref<4096x8xf32, #tpu.memory_space<vmem>>, vector<512x8xf32>
      %dot_general3A_999 = arith.constant dense<0.000000e+00> : vector<512x512xf32>
      %dot_general3A_1000 = tpu.matmul %get3A_998, %get3A_858, %dot_general3A_999 {dimension_numbers = #tpu.dot_dimension_numbers<[1], [0], [0], [1], [0, 0, 1, 1], [], []>, transpose_lhs_hint = false} : vector<512x8xf32>, vector<8x512xf32>, vector<512x512xf32> -> vector<512x512xf32>
      %reduce_max3A_1001 = arith.constant dense<0xFF800000> : vector<512xf32>
      %reduce_max3A_1002 = vector.multi_reduction <maximumf>, %dot_general3A_1000, %reduce_max3A_1001 [0] : vector<512x512xf32> to vector<512xf32>
      %broadcast_in_dim3A_1003 = vector.shape_cast %reduce_max3A_1002 : vector<512xf32> to vector<1x512xf32>
      %max3A_1004 = arith.maximumf %max3A_985, %broadcast_in_dim3A_1003 : vector<1x512xf32>
      %sub3A_1005 = arith.subf %max3A_985, %max3A_1004 : vector<1x512xf32>
      %exp23A_1006 = math.exp2 %sub3A_1005 : vector<1x512xf32>
      %mul3A_1007 = arith.mulf %add3A_995, %exp23A_1006 : vector<1x512xf32>
      %sub3A_1008 = vector.broadcast %max3A_1004 : vector<1x512xf32> to vector<512x512xf32>
      %sub3A_1009 = arith.subf %dot_general3A_1000, %sub3A_1008 : vector<512x512xf32>
      %exp23A_1010 = math.exp2 %sub3A_1009 : vector<512x512xf32>
      %reduce_sum3A_1011 = arith.constant dense<0.000000e+00> : vector<512xf32>
      %reduce_sum3A_1012 = vector.multi_reduction <add>, %exp23A_1010, %reduce_sum3A_1011 [0] : vector<512x512xf32> to vector<512xf32>
      %broadcast_in_dim3A_1013 = vector.shape_cast %reduce_sum3A_1012 : vector<512xf32> to vector<1x512xf32>
      %add3A_1014 = arith.addf %mul3A_1007, %broadcast_in_dim3A_1013 : vector<1x512xf32>
      %neg3A_1015 = arith.constant 0.000000e+00 : f32
      %neg3A_1016 = arith.subf %neg3A_1015, %get3A_104 : f32
      %log3A_1017 = math.log %add3A_1014 : vector<1x512xf32>
      %log3A_1018 = arith.constant 2.000000e+00 : f32
      %log3A_1019 = math.log %log3A_1018 : f32
      %div3A_1020 = vector.broadcast %log3A_1019 : f32 to vector<1x512xf32>
      %div3A_1021 = arith.divf %log3A_1017, %div3A_1020 : vector<1x512xf32>
      %add3A_1022 = arith.addf %div3A_1021, %max3A_1004 : vector<1x512xf32>
      %mul3A_1023 = arith.constant 0.693147182 : f32
      %mul3A_1024 = vector.broadcast %mul3A_1023 : f32 to vector<1x512xf32>
      %mul3A_1025 = arith.mulf %add3A_1022, %mul3A_1024 : vector<1x512xf32>
      %add3A_1026 = arith.constant -8.31776618 : f32
      %add3A_1027 = vector.broadcast %add3A_1026 : f32 to vector<1x512xf32>
      %add3A_1028 = arith.addf %mul3A_1025, %add3A_1027 : vector<1x512xf32>
      %mul3A_1029 = vector.broadcast %neg3A_1016 : f32 to vector<1x512xf32>
      %mul3A_1030 = arith.mulf %mul3A_1029, %add3A_1028 : vector<1x512xf32>
      %swap3A_1031 = arith.constant 0 : index
      %swap3A_1032 = arith.index_cast %mul3A_855 : i32 to index
      %swap3A_1033 = vector.load %arg9[%swap3A_1031, %swap3A_1032] : memref<1x4096xf32, #tpu.memory_space<vmem>>, vector<1x512xf32>
      tpu.vector_store %arg9[%swap3A_1031, %swap3A_1032], %mul3A_1030 {strides = array<i32>} : memref<1x4096xf32, #tpu.memory_space<vmem>>, vector<1x512xf32>,
      %scan3A_1034 = arith.constant 5 : i32
      %mul3A_1035 = arith.constant 512 : i32
      %mul3A_1036 = arith.muli %scan3A_1034, %mul3A_1035 : i32
      %get3A_1037 = arith.constant 0 : index
      %get3A_1038 = arith.index_cast %mul3A_1036 : i32 to index
      %get3A_1039 = vector.load %arg12[%get3A_1037, %get3A_1038] : memref<8x4096xf32, #tpu.memory_space<vmem>>, vector<8x512xf32>
      %broadcast_in_dim3A_1040 = arith.constant -1.000000e+30 : f32
      %broadcast_in_dim3A_1041 = vector.broadcast %broadcast_in_dim3A_1040 : f32 to vector<1x512xf32>
      %broadcast_in_dim3A_1042 = arith.constant 0.000000e+00 : f32
      %broadcast_in_dim3A_1043 = vector.broadcast %broadcast_in_dim3A_1042 : f32 to vector<1x512xf32>
      %get3A_1044 = arith.constant 0 : index
      %get3A_1045 = arith.constant 0 : index
      %get3A_1046 = vector.load %arg10[%get3A_1044, %get3A_1045] : memref<4096x8xf32, #tpu.memory_space<vmem>>, vector<512x8xf32>
      %dot_general3A_1047 = arith.constant dense<0.000000e+00> : vector<512x512xf32>
      %dot_general3A_1048 = tpu.matmul %get3A_1046, %get3A_1039, %dot_general3A_1047 {dimension_numbers = #tpu.dot_dimension_numbers<[1], [0], [0], [1], [0, 0, 1, 1], [], []>, transpose_lhs_hint = false} : vector<512x8xf32>, vector<8x512xf32>, vector<512x512xf32> -> vector<512x512xf32>
      %reduce_max3A_1049 = arith.constant dense<0xFF800000> : vector<512xf32>
      %reduce_max3A_1050 = vector.multi_reduction <maximumf>, %dot_general3A_1048, %reduce_max3A_1049 [0] : vector<512x512xf32> to vector<512xf32>
      %broadcast_in_dim3A_1051 = vector.shape_cast %reduce_max3A_1050 : vector<512xf32> to vector<1x512xf32>
      %max3A_1052 = arith.maximumf %broadcast_in_dim3A_1041, %broadcast_in_dim3A_1051 : vector<1x512xf32>
      %sub3A_1053 = arith.subf %broadcast_in_dim3A_1041, %max3A_1052 : vector<1x512xf32>
      %exp23A_1054 = math.exp2 %sub3A_1053 : vector<1x512xf32>
      %mul3A_1055 = arith.mulf %broadcast_in_dim3A_1043, %exp23A_1054 : vector<1x512xf32>
      %sub3A_1056 = vector.broadcast %max3A_1052 : vector<1x512xf32> to vector<512x512xf32>
      %sub3A_1057 = arith.subf %dot_general3A_1048, %sub3A_1056 : vector<512x512xf32>
      %exp23A_1058 = math.exp2 %sub3A_1057 : vector<512x512xf32>
      %reduce_sum3A_1059 = arith.constant dense<0.000000e+00> : vector<512xf32>
      %reduce_sum3A_1060 = vector.multi_reduction <add>, %exp23A_1058, %reduce_sum3A_1059 [0] : vector<512x512xf32> to vector<512xf32>
      %broadcast_in_dim3A_1061 = vector.shape_cast %reduce_sum3A_1060 : vector<512xf32> to vector<1x512xf32>
      %add3A_1062 = arith.addf %mul3A_1055, %broadcast_in_dim3A_1061 : vector<1x512xf32>
      %get3A_1063 = arith.constant 512 : index
      %get3A_1064 = arith.constant 0 : index
      %get3A_1065 = vector.load %arg10[%get3A_1063, %get3A_1064] : memref<4096x8xf32, #tpu.memory_space<vmem>>, vector<512x8xf32>
      %dot_general3A_1066 = arith.constant dense<0.000000e+00> : vector<512x512xf32>
      %dot_general3A_1067 = tpu.matmul %get3A_1065, %get3A_1039, %dot_general3A_1066 {dimension_numbers = #tpu.dot_dimension_numbers<[1], [0], [0], [1], [0, 0, 1, 1], [], []>, transpose_lhs_hint = false} : vector<512x8xf32>, vector<8x512xf32>, vector<512x512xf32> -> vector<512x512xf32>
      %reduce_max3A_1068 = arith.constant dense<0xFF800000> : vector<512xf32>
      %reduce_max3A_1069 = vector.multi_reduction <maximumf>, %dot_general3A_1067, %reduce_max3A_1068 [0] : vector<512x512xf32> to vector<512xf32>
      %broadcast_in_dim3A_1070 = vector.shape_cast %reduce_max3A_1069 : vector<512xf32> to vector<1x512xf32>
      %max3A_1071 = arith.maximumf %max3A_1052, %broadcast_in_dim3A_1070 : vector<1x512xf32>
      %sub3A_1072 = arith.subf %max3A_1052, %max3A_1071 : vector<1x512xf32>
      %exp23A_1073 = math.exp2 %sub3A_1072 : vector<1x512xf32>
      %mul3A_1074 = arith.mulf %add3A_1062, %exp23A_1073 : vector<1x512xf32>
      %sub3A_1075 = vector.broadcast %max3A_1071 : vector<1x512xf32> to vector<512x512xf32>
      %sub3A_1076 = arith.subf %dot_general3A_1067, %sub3A_1075 : vector<512x512xf32>
      %exp23A_1077 = math.exp2 %sub3A_1076 : vector<512x512xf32>
      %reduce_sum3A_1078 = arith.constant dense<0.000000e+00> : vector<512xf32>
      %reduce_sum3A_1079 = vector.multi_reduction <add>, %exp23A_1077, %reduce_sum3A_1078 [0] : vector<512x512xf32> to vector<512xf32>
      %broadcast_in_dim3A_1080 = vector.shape_cast %reduce_sum3A_1079 : vector<512xf32> to vector<1x512xf32>
      %add3A_1081 = arith.addf %mul3A_1074, %broadcast_in_dim3A_1080 : vector<1x512xf32>
      %get3A_1082 = arith.constant 1024 : index
      %get3A_1083 = arith.constant 0 : index
      %get3A_1084 = vector.load %arg10[%get3A_1082, %get3A_1083] : memref<4096x8xf32, #tpu.memory_space<vmem>>, vector<512x8xf32>
      %dot_general3A_1085 = arith.constant dense<0.000000e+00> : vector<512x512xf32>
      %dot_general3A_1086 = tpu.matmul %get3A_1084, %get3A_1039, %dot_general3A_1085 {dimension_numbers = #tpu.dot_dimension_numbers<[1], [0], [0], [1], [0, 0, 1, 1], [], []>, transpose_lhs_hint = false} : vector<512x8xf32>, vector<8x512xf32>, vector<512x512xf32> -> vector<512x512xf32>
      %reduce_max3A_1087 = arith.constant dense<0xFF800000> : vector<512xf32>
      %reduce_max3A_1088 = vector.multi_reduction <maximumf>, %dot_general3A_1086, %reduce_max3A_1087 [0] : vector<512x512xf32> to vector<512xf32>
      %broadcast_in_dim3A_1089 = vector.shape_cast %reduce_max3A_1088 : vector<512xf32> to vector<1x512xf32>
      %max3A_1090 = arith.maximumf %max3A_1071, %broadcast_in_dim3A_1089 : vector<1x512xf32>
      %sub3A_1091 = arith.subf %max3A_1071, %max3A_1090 : vector<1x512xf32>
      %exp23A_1092 = math.exp2 %sub3A_1091 : vector<1x512xf32>
      %mul3A_1093 = arith.mulf %add3A_1081, %exp23A_1092 : vector<1x512xf32>
      %sub3A_1094 = vector.broadcast %max3A_1090 : vector<1x512xf32> to vector<512x512xf32>
      %sub3A_1095 = arith.subf %dot_general3A_1086, %sub3A_1094 : vector<512x512xf32>
      %exp23A_1096 = math.exp2 %sub3A_1095 : vector<512x512xf32>
      %reduce_sum3A_1097 = arith.constant dense<0.000000e+00> : vector<512xf32>
      %reduce_sum3A_1098 = vector.multi_reduction <add>, %exp23A_1096, %reduce_sum3A_1097 [0] : vector<512x512xf32> to vector<512xf32>
      %broadcast_in_dim3A_1099 = vector.shape_cast %reduce_sum3A_1098 : vector<512xf32> to vector<1x512xf32>
      %add3A_1100 = arith.addf %mul3A_1093, %broadcast_in_dim3A_1099 : vector<1x512xf32>
      %get3A_1101 = arith.constant 1536 : index
      %get3A_1102 = arith.constant 0 : index
      %get3A_1103 = vector.load %arg10[%get3A_1101, %get3A_1102] : memref<4096x8xf32, #tpu.memory_space<vmem>>, vector<512x8xf32>
      %dot_general3A_1104 = arith.constant dense<0.000000e+00> : vector<512x512xf32>
      %dot_general3A_1105 = tpu.matmul %get3A_1103, %get3A_1039, %dot_general3A_1104 {dimension_numbers = #tpu.dot_dimension_numbers<[1], [0], [0], [1], [0, 0, 1, 1], [], []>, transpose_lhs_hint = false} : vector<512x8xf32>, vector<8x512xf32>, vector<512x512xf32> -> vector<512x512xf32>
      %reduce_max3A_1106 = arith.constant dense<0xFF800000> : vector<512xf32>
      %reduce_max3A_1107 = vector.multi_reduction <maximumf>, %dot_general3A_1105, %reduce_max3A_1106 [0] : vector<512x512xf32> to vector<512xf32>
      %broadcast_in_dim3A_1108 = vector.shape_cast %reduce_max3A_1107 : vector<512xf32> to vector<1x512xf32>
      %max3A_1109 = arith.maximumf %max3A_1090, %broadcast_in_dim3A_1108 : vector<1x512xf32>
      %sub3A_1110 = arith.subf %max3A_1090, %max3A_1109 : vector<1x512xf32>
      %exp23A_1111 = math.exp2 %sub3A_1110 : vector<1x512xf32>
      %mul3A_1112 = arith.mulf %add3A_1100, %exp23A_1111 : vector<1x512xf32>
      %sub3A_1113 = vector.broadcast %max3A_1109 : vector<1x512xf32> to vector<512x512xf32>
      %sub3A_1114 = arith.subf %dot_general3A_1105, %sub3A_1113 : vector<512x512xf32>
      %exp23A_1115 = math.exp2 %sub3A_1114 : vector<512x512xf32>
      %reduce_sum3A_1116 = arith.constant dense<0.000000e+00> : vector<512xf32>
      %reduce_sum3A_1117 = vector.multi_reduction <add>, %exp23A_1115, %reduce_sum3A_1116 [0] : vector<512x512xf32> to vector<512xf32>
      %broadcast_in_dim3A_1118 = vector.shape_cast %reduce_sum3A_1117 : vector<512xf32> to vector<1x512xf32>
      %add3A_1119 = arith.addf %mul3A_1112, %broadcast_in_dim3A_1118 : vector<1x512xf32>
      %get3A_1120 = arith.constant 2048 : index
      %get3A_1121 = arith.constant 0 : index
      %get3A_1122 = vector.load %arg10[%get3A_1120, %get3A_1121] : memref<4096x8xf32, #tpu.memory_space<vmem>>, vector<512x8xf32>
      %dot_general3A_1123 = arith.constant dense<0.000000e+00> : vector<512x512xf32>
      %dot_general3A_1124 = tpu.matmul %get3A_1122, %get3A_1039, %dot_general3A_1123 {dimension_numbers = #tpu.dot_dimension_numbers<[1], [0], [0], [1], [0, 0, 1, 1], [], []>, transpose_lhs_hint = false} : vector<512x8xf32>, vector<8x512xf32>, vector<512x512xf32> -> vector<512x512xf32>
      %reduce_max3A_1125 = arith.constant dense<0xFF800000> : vector<512xf32>
      %reduce_max3A_1126 = vector.multi_reduction <maximumf>, %dot_general3A_1124, %reduce_max3A_1125 [0] : vector<512x512xf32> to vector<512xf32>
      %broadcast_in_dim3A_1127 = vector.shape_cast %reduce_max3A_1126 : vector<512xf32> to vector<1x512xf32>
      %max3A_1128 = arith.maximumf %max3A_1109, %broadcast_in_dim3A_1127 : vector<1x512xf32>
      %sub3A_1129 = arith.subf %max3A_1109, %max3A_1128 : vector<1x512xf32>
      %exp23A_1130 = math.exp2 %sub3A_1129 : vector<1x512xf32>
      %mul3A_1131 = arith.mulf %add3A_1119, %exp23A_1130 : vector<1x512xf32>
      %sub3A_1132 = vector.broadcast %max3A_1128 : vector<1x512xf32> to vector<512x512xf32>
      %sub3A_1133 = arith.subf %dot_general3A_1124, %sub3A_1132 : vector<512x512xf32>
      %exp23A_1134 = math.exp2 %sub3A_1133 : vector<512x512xf32>
      %reduce_sum3A_1135 = arith.constant dense<0.000000e+00> : vector<512xf32>
      %reduce_sum3A_1136 = vector.multi_reduction <add>, %exp23A_1134, %reduce_sum3A_1135 [0] : vector<512x512xf32> to vector<512xf32>
      %broadcast_in_dim3A_1137 = vector.shape_cast %reduce_sum3A_1136 : vector<512xf32> to vector<1x512xf32>
      %add3A_1138 = arith.addf %mul3A_1131, %broadcast_in_dim3A_1137 : vector<1x512xf32>
      %get3A_1139 = arith.constant 2560 : index
      %get3A_1140 = arith.constant 0 : index
      %get3A_1141 = vector.load %arg10[%get3A_1139, %get3A_1140] : memref<4096x8xf32, #tpu.memory_space<vmem>>, vector<512x8xf32>
      %dot_general3A_1142 = arith.constant dense<0.000000e+00> : vector<512x512xf32>
      %dot_general3A_1143 = tpu.matmul %get3A_1141, %get3A_1039, %dot_general3A_1142 {dimension_numbers = #tpu.dot_dimension_numbers<[1], [0], [0], [1], [0, 0, 1, 1], [], []>, transpose_lhs_hint = false} : vector<512x8xf32>, vector<8x512xf32>, vector<512x512xf32> -> vector<512x512xf32>
      %reduce_max3A_1144 = arith.constant dense<0xFF800000> : vector<512xf32>
      %reduce_max3A_1145 = vector.multi_reduction <maximumf>, %dot_general3A_1143, %reduce_max3A_1144 [0] : vector<512x512xf32> to vector<512xf32>
      %broadcast_in_dim3A_1146 = vector.shape_cast %reduce_max3A_1145 : vector<512xf32> to vector<1x512xf32>
      %max3A_1147 = arith.maximumf %max3A_1128, %broadcast_in_dim3A_1146 : vector<1x512xf32>
      %sub3A_1148 = arith.subf %max3A_1128, %max3A_1147 : vector<1x512xf32>
      %exp23A_1149 = math.exp2 %sub3A_1148 : vector<1x512xf32>
      %mul3A_1150 = arith.mulf %add3A_1138, %exp23A_1149 : vector<1x512xf32>
      %sub3A_1151 = vector.broadcast %max3A_1147 : vector<1x512xf32> to vector<512x512xf32>
      %sub3A_1152 = arith.subf %dot_general3A_1143, %sub3A_1151 : vector<512x512xf32>
      %exp23A_1153 = math.exp2 %sub3A_1152 : vector<512x512xf32>
      %reduce_sum3A_1154 = arith.constant dense<0.000000e+00> : vector<512xf32>
      %reduce_sum3A_1155 = vector.multi_reduction <add>, %exp23A_1153, %reduce_sum3A_1154 [0] : vector<512x512xf32> to vector<512xf32>
      %broadcast_in_dim3A_1156 = vector.shape_cast %reduce_sum3A_1155 : vector<512xf32> to vector<1x512xf32>
      %add3A_1157 = arith.addf %mul3A_1150, %broadcast_in_dim3A_1156 : vector<1x512xf32>
      %get3A_1158 = arith.constant 3072 : index
      %get3A_1159 = arith.constant 0 : index
      %get3A_1160 = vector.load %arg10[%get3A_1158, %get3A_1159] : memref<4096x8xf32, #tpu.memory_space<vmem>>, vector<512x8xf32>
      %dot_general3A_1161 = arith.constant dense<0.000000e+00> : vector<512x512xf32>
      %dot_general3A_1162 = tpu.matmul %get3A_1160, %get3A_1039, %dot_general3A_1161 {dimension_numbers = #tpu.dot_dimension_numbers<[1], [0], [0], [1], [0, 0, 1, 1], [], []>, transpose_lhs_hint = false} : vector<512x8xf32>, vector<8x512xf32>, vector<512x512xf32> -> vector<512x512xf32>
      %reduce_max3A_1163 = arith.constant dense<0xFF800000> : vector<512xf32>
      %reduce_max3A_1164 = vector.multi_reduction <maximumf>, %dot_general3A_1162, %reduce_max3A_1163 [0] : vector<512x512xf32> to vector<512xf32>
      %broadcast_in_dim3A_1165 = vector.shape_cast %reduce_max3A_1164 : vector<512xf32> to vector<1x512xf32>
      %max3A_1166 = arith.maximumf %max3A_1147, %broadcast_in_dim3A_1165 : vector<1x512xf32>
      %sub3A_1167 = arith.subf %max3A_1147, %max3A_1166 : vector<1x512xf32>
      %exp23A_1168 = math.exp2 %sub3A_1167 : vector<1x512xf32>
      %mul3A_1169 = arith.mulf %add3A_1157, %exp23A_1168 : vector<1x512xf32>
      %sub3A_1170 = vector.broadcast %max3A_1166 : vector<1x512xf32> to vector<512x512xf32>
      %sub3A_1171 = arith.subf %dot_general3A_1162, %sub3A_1170 : vector<512x512xf32>
      %exp23A_1172 = math.exp2 %sub3A_1171 : vector<512x512xf32>
      %reduce_sum3A_1173 = arith.constant dense<0.000000e+00> : vector<512xf32>
      %reduce_sum3A_1174 = vector.multi_reduction <add>, %exp23A_1172, %reduce_sum3A_1173 [0] : vector<512x512xf32> to vector<512xf32>
      %broadcast_in_dim3A_1175 = vector.shape_cast %reduce_sum3A_1174 : vector<512xf32> to vector<1x512xf32>
      %add3A_1176 = arith.addf %mul3A_1169, %broadcast_in_dim3A_1175 : vector<1x512xf32>
      %get3A_1177 = arith.constant 3584 : index
      %get3A_1178 = arith.constant 0 : index
      %get3A_1179 = vector.load %arg10[%get3A_1177, %get3A_1178] : memref<4096x8xf32, #tpu.memory_space<vmem>>, vector<512x8xf32>
      %dot_general3A_1180 = arith.constant dense<0.000000e+00> : vector<512x512xf32>
      %dot_general3A_1181 = tpu.matmul %get3A_1179, %get3A_1039, %dot_general3A_1180 {dimension_numbers = #tpu.dot_dimension_numbers<[1], [0], [0], [1], [0, 0, 1, 1], [], []>, transpose_lhs_hint = false} : vector<512x8xf32>, vector<8x512xf32>, vector<512x512xf32> -> vector<512x512xf32>
      %reduce_max3A_1182 = arith.constant dense<0xFF800000> : vector<512xf32>
      %reduce_max3A_1183 = vector.multi_reduction <maximumf>, %dot_general3A_1181, %reduce_max3A_1182 [0] : vector<512x512xf32> to vector<512xf32>
      %broadcast_in_dim3A_1184 = vector.shape_cast %reduce_max3A_1183 : vector<512xf32> to vector<1x512xf32>
      %max3A_1185 = arith.maximumf %max3A_1166, %broadcast_in_dim3A_1184 : vector<1x512xf32>
      %sub3A_1186 = arith.subf %max3A_1166, %max3A_1185 : vector<1x512xf32>
      %exp23A_1187 = math.exp2 %sub3A_1186 : vector<1x512xf32>
      %mul3A_1188 = arith.mulf %add3A_1176, %exp23A_1187 : vector<1x512xf32>
      %sub3A_1189 = vector.broadcast %max3A_1185 : vector<1x512xf32> to vector<512x512xf32>
      %sub3A_1190 = arith.subf %dot_general3A_1181, %sub3A_1189 : vector<512x512xf32>
      %exp23A_1191 = math.exp2 %sub3A_1190 : vector<512x512xf32>
      %reduce_sum3A_1192 = arith.constant dense<0.000000e+00> : vector<512xf32>
      %reduce_sum3A_1193 = vector.multi_reduction <add>, %exp23A_1191, %reduce_sum3A_1192 [0] : vector<512x512xf32> to vector<512xf32>
      %broadcast_in_dim3A_1194 = vector.shape_cast %reduce_sum3A_1193 : vector<512xf32> to vector<1x512xf32>
      %add3A_1195 = arith.addf %mul3A_1188, %broadcast_in_dim3A_1194 : vector<1x512xf32>
      %neg3A_1196 = arith.constant 0.000000e+00 : f32
      %neg3A_1197 = arith.subf %neg3A_1196, %get3A_104 : f32
      %log3A_1198 = math.log %add3A_1195 : vector<1x512xf32>
      %log3A_1199 = arith.constant 2.000000e+00 : f32
      %log3A_1200 = math.log %log3A_1199 : f32
      %div3A_1201 = vector.broadcast %log3A_1200 : f32 to vector<1x512xf32>
      %div3A_1202 = arith.divf %log3A_1198, %div3A_1201 : vector<1x512xf32>
      %add3A_1203 = arith.addf %div3A_1202, %max3A_1185 : vector<1x512xf32>
      %mul3A_1204 = arith.constant 0.693147182 : f32
      %mul3A_1205 = vector.broadcast %mul3A_1204 : f32 to vector<1x512xf32>
      %mul3A_1206 = arith.mulf %add3A_1203, %mul3A_1205 : vector<1x512xf32>
      %add3A_1207 = arith.constant -8.31776618 : f32
      %add3A_1208 = vector.broadcast %add3A_1207 : f32 to vector<1x512xf32>
      %add3A_1209 = arith.addf %mul3A_1206, %add3A_1208 : vector<1x512xf32>
      %mul3A_1210 = vector.broadcast %neg3A_1197 : f32 to vector<1x512xf32>
      %mul3A_1211 = arith.mulf %mul3A_1210, %add3A_1209 : vector<1x512xf32>
      %swap3A_1212 = arith.constant 0 : index
      %swap3A_1213 = arith.index_cast %mul3A_1036 : i32 to index
      %swap3A_1214 = vector.load %arg9[%swap3A_1212, %swap3A_1213] : memref<1x4096xf32, #tpu.memory_space<vmem>>, vector<1x512xf32>
      tpu.vector_store %arg9[%swap3A_1212, %swap3A_1213], %mul3A_1211 {strides = array<i32>} : memref<1x4096xf32, #tpu.memory_space<vmem>>, vector<1x512xf32>,
      %scan3A_1215 = arith.constant 6 : i32
      %mul3A_1216 = arith.constant 512 : i32
      %mul3A_1217 = arith.muli %scan3A_1215, %mul3A_1216 : i32
      %get3A_1218 = arith.constant 0 : index
      %get3A_1219 = arith.index_cast %mul3A_1217 : i32 to index
      %get3A_1220 = vector.load %arg12[%get3A_1218, %get3A_1219] : memref<8x4096xf32, #tpu.memory_space<vmem>>, vector<8x512xf32>
      %broadcast_in_dim3A_1221 = arith.constant -1.000000e+30 : f32
      %broadcast_in_dim3A_1222 = vector.broadcast %broadcast_in_dim3A_1221 : f32 to vector<1x512xf32>
      %broadcast_in_dim3A_1223 = arith.constant 0.000000e+00 : f32
      %broadcast_in_dim3A_1224 = vector.broadcast %broadcast_in_dim3A_1223 : f32 to vector<1x512xf32>
      %get3A_1225 = arith.constant 0 : index
      %get3A_1226 = arith.constant 0 : index
      %get3A_1227 = vector.load %arg10[%get3A_1225, %get3A_1226] : memref<4096x8xf32, #tpu.memory_space<vmem>>, vector<512x8xf32>
      %dot_general3A_1228 = arith.constant dense<0.000000e+00> : vector<512x512xf32>
      %dot_general3A_1229 = tpu.matmul %get3A_1227, %get3A_1220, %dot_general3A_1228 {dimension_numbers = #tpu.dot_dimension_numbers<[1], [0], [0], [1], [0, 0, 1, 1], [], []>, transpose_lhs_hint = false} : vector<512x8xf32>, vector<8x512xf32>, vector<512x512xf32> -> vector<512x512xf32>
      %reduce_max3A_1230 = arith.constant dense<0xFF800000> : vector<512xf32>
      %reduce_max3A_1231 = vector.multi_reduction <maximumf>, %dot_general3A_1229, %reduce_max3A_1230 [0] : vector<512x512xf32> to vector<512xf32>
      %broadcast_in_dim3A_1232 = vector.shape_cast %reduce_max3A_1231 : vector<512xf32> to vector<1x512xf32>
      %max3A_1233 = arith.maximumf %broadcast_in_dim3A_1222, %broadcast_in_dim3A_1232 : vector<1x512xf32>
      %sub3A_1234 = arith.subf %broadcast_in_dim3A_1222, %max3A_1233 : vector<1x512xf32>
      %exp23A_1235 = math.exp2 %sub3A_1234 : vector<1x512xf32>
      %mul3A_1236 = arith.mulf %broadcast_in_dim3A_1224, %exp23A_1235 : vector<1x512xf32>
      %sub3A_1237 = vector.broadcast %max3A_1233 : vector<1x512xf32> to vector<512x512xf32>
      %sub3A_1238 = arith.subf %dot_general3A_1229, %sub3A_1237 : vector<512x512xf32>
      %exp23A_1239 = math.exp2 %sub3A_1238 : vector<512x512xf32>
      %reduce_sum3A_1240 = arith.constant dense<0.000000e+00> : vector<512xf32>
      %reduce_sum3A_1241 = vector.multi_reduction <add>, %exp23A_1239, %reduce_sum3A_1240 [0] : vector<512x512xf32> to vector<512xf32>
      %broadcast_in_dim3A_1242 = vector.shape_cast %reduce_sum3A_1241 : vector<512xf32> to vector<1x512xf32>
      %add3A_1243 = arith.addf %mul3A_1236, %broadcast_in_dim3A_1242 : vector<1x512xf32>
      %get3A_1244 = arith.constant 512 : index
      %get3A_1245 = arith.constant 0 : index
      %get3A_1246 = vector.load %arg10[%get3A_1244, %get3A_1245] : memref<4096x8xf32, #tpu.memory_space<vmem>>, vector<512x8xf32>
      %dot_general3A_1247 = arith.constant dense<0.000000e+00> : vector<512x512xf32>
      %dot_general3A_1248 = tpu.matmul %get3A_1246, %get3A_1220, %dot_general3A_1247 {dimension_numbers = #tpu.dot_dimension_numbers<[1], [0], [0], [1], [0, 0, 1, 1], [], []>, transpose_lhs_hint = false} : vector<512x8xf32>, vector<8x512xf32>, vector<512x512xf32> -> vector<512x512xf32>
      %reduce_max3A_1249 = arith.constant dense<0xFF800000> : vector<512xf32>
      %reduce_max3A_1250 = vector.multi_reduction <maximumf>, %dot_general3A_1248, %reduce_max3A_1249 [0] : vector<512x512xf32> to vector<512xf32>
      %broadcast_in_dim3A_1251 = vector.shape_cast %reduce_max3A_1250 : vector<512xf32> to vector<1x512xf32>
      %max3A_1252 = arith.maximumf %max3A_1233, %broadcast_in_dim3A_1251 : vector<1x512xf32>
      %sub3A_1253 = arith.subf %max3A_1233, %max3A_1252 : vector<1x512xf32>
      %exp23A_1254 = math.exp2 %sub3A_1253 : vector<1x512xf32>
      %mul3A_1255 = arith.mulf %add3A_1243, %exp23A_1254 : vector<1x512xf32>
      %sub3A_1256 = vector.broadcast %max3A_1252 : vector<1x512xf32> to vector<512x512xf32>
      %sub3A_1257 = arith.subf %dot_general3A_1248, %sub3A_1256 : vector<512x512xf32>
      %exp23A_1258 = math.exp2 %sub3A_1257 : vector<512x512xf32>
      %reduce_sum3A_1259 = arith.constant dense<0.000000e+00> : vector<512xf32>
      %reduce_sum3A_1260 = vector.multi_reduction <add>, %exp23A_1258, %reduce_sum3A_1259 [0] : vector<512x512xf32> to vector<512xf32>
      %broadcast_in_dim3A_1261 = vector.shape_cast %reduce_sum3A_1260 : vector<512xf32> to vector<1x512xf32>
      %add3A_1262 = arith.addf %mul3A_1255, %broadcast_in_dim3A_1261 : vector<1x512xf32>
      %get3A_1263 = arith.constant 1024 : index
      %get3A_1264 = arith.constant 0 : index
      %get3A_1265 = vector.load %arg10[%get3A_1263, %get3A_1264] : memref<4096x8xf32, #tpu.memory_space<vmem>>, vector<512x8xf32>
      %dot_general3A_1266 = arith.constant dense<0.000000e+00> : vector<512x512xf32>
      %dot_general3A_1267 = tpu.matmul %get3A_1265, %get3A_1220, %dot_general3A_1266 {dimension_numbers = #tpu.dot_dimension_numbers<[1], [0], [0], [1], [0, 0, 1, 1], [], []>, transpose_lhs_hint = false} : vector<512x8xf32>, vector<8x512xf32>, vector<512x512xf32> -> vector<512x512xf32>
      %reduce_max3A_1268 = arith.constant dense<0xFF800000> : vector<512xf32>
      %reduce_max3A_1269 = vector.multi_reduction <maximumf>, %dot_general3A_1267, %reduce_max3A_1268 [0] : vector<512x512xf32> to vector<512xf32>
      %broadcast_in_dim3A_1270 = vector.shape_cast %reduce_max3A_1269 : vector<512xf32> to vector<1x512xf32>
      %max3A_1271 = arith.maximumf %max3A_1252, %broadcast_in_dim3A_1270 : vector<1x512xf32>
      %sub3A_1272 = arith.subf %max3A_1252, %max3A_1271 : vector<1x512xf32>
      %exp23A_1273 = math.exp2 %sub3A_1272 : vector<1x512xf32>
      %mul3A_1274 = arith.mulf %add3A_1262, %exp23A_1273 : vector<1x512xf32>
      %sub3A_1275 = vector.broadcast %max3A_1271 : vector<1x512xf32> to vector<512x512xf32>
      %sub3A_1276 = arith.subf %dot_general3A_1267, %sub3A_1275 : vector<512x512xf32>
      %exp23A_1277 = math.exp2 %sub3A_1276 : vector<512x512xf32>
      %reduce_sum3A_1278 = arith.constant dense<0.000000e+00> : vector<512xf32>
      %reduce_sum3A_1279 = vector.multi_reduction <add>, %exp23A_1277, %reduce_sum3A_1278 [0] : vector<512x512xf32> to vector<512xf32>
      %broadcast_in_dim3A_1280 = vector.shape_cast %reduce_sum3A_1279 : vector<512xf32> to vector<1x512xf32>
      %add3A_1281 = arith.addf %mul3A_1274, %broadcast_in_dim3A_1280 : vector<1x512xf32>
      %get3A_1282 = arith.constant 1536 : index
      %get3A_1283 = arith.constant 0 : index
      %get3A_1284 = vector.load %arg10[%get3A_1282, %get3A_1283] : memref<4096x8xf32, #tpu.memory_space<vmem>>, vector<512x8xf32>
      %dot_general3A_1285 = arith.constant dense<0.000000e+00> : vector<512x512xf32>
      %dot_general3A_1286 = tpu.matmul %get3A_1284, %get3A_1220, %dot_general3A_1285 {dimension_numbers = #tpu.dot_dimension_numbers<[1], [0], [0], [1], [0, 0, 1, 1], [], []>, transpose_lhs_hint = false} : vector<512x8xf32>, vector<8x512xf32>, vector<512x512xf32> -> vector<512x512xf32>
      %reduce_max3A_1287 = arith.constant dense<0xFF800000> : vector<512xf32>
      %reduce_max3A_1288 = vector.multi_reduction <maximumf>, %dot_general3A_1286, %reduce_max3A_1287 [0] : vector<512x512xf32> to vector<512xf32>
      %broadcast_in_dim3A_1289 = vector.shape_cast %reduce_max3A_1288 : vector<512xf32> to vector<1x512xf32>
      %max3A_1290 = arith.maximumf %max3A_1271, %broadcast_in_dim3A_1289 : vector<1x512xf32>
      %sub3A_1291 = arith.subf %max3A_1271, %max3A_1290 : vector<1x512xf32>
      %exp23A_1292 = math.exp2 %sub3A_1291 : vector<1x512xf32>
      %mul3A_1293 = arith.mulf %add3A_1281, %exp23A_1292 : vector<1x512xf32>
      %sub3A_1294 = vector.broadcast %max3A_1290 : vector<1x512xf32> to vector<512x512xf32>
      %sub3A_1295 = arith.subf %dot_general3A_1286, %sub3A_1294 : vector<512x512xf32>
      %exp23A_1296 = math.exp2 %sub3A_1295 : vector<512x512xf32>
      %reduce_sum3A_1297 = arith.constant dense<0.000000e+00> : vector<512xf32>
      %reduce_sum3A_1298 = vector.multi_reduction <add>, %exp23A_1296, %reduce_sum3A_1297 [0] : vector<512x512xf32> to vector<512xf32>
      %broadcast_in_dim3A_1299 = vector.shape_cast %reduce_sum3A_1298 : vector<512xf32> to vector<1x512xf32>
      %add3A_1300 = arith.addf %mul3A_1293, %broadcast_in_dim3A_1299 : vector<1x512xf32>
      %get3A_1301 = arith.constant 2048 : index
      %get3A_1302 = arith.constant 0 : index
      %get3A_1303 = vector.load %arg10[%get3A_1301, %get3A_1302] : memref<4096x8xf32, #tpu.memory_space<vmem>>, vector<512x8xf32>
      %dot_general3A_1304 = arith.constant dense<0.000000e+00> : vector<512x512xf32>
      %dot_general3A_1305 = tpu.matmul %get3A_1303, %get3A_1220, %dot_general3A_1304 {dimension_numbers = #tpu.dot_dimension_numbers<[1], [0], [0], [1], [0, 0, 1, 1], [], []>, transpose_lhs_hint = false} : vector<512x8xf32>, vector<8x512xf32>, vector<512x512xf32> -> vector<512x512xf32>
      %reduce_max3A_1306 = arith.constant dense<0xFF800000> : vector<512xf32>
      %reduce_max3A_1307 = vector.multi_reduction <maximumf>, %dot_general3A_1305, %reduce_max3A_1306 [0] : vector<512x512xf32> to vector<512xf32>
      %broadcast_in_dim3A_1308 = vector.shape_cast %reduce_max3A_1307 : vector<512xf32> to vector<1x512xf32>
      %max3A_1309 = arith.maximumf %max3A_1290, %broadcast_in_dim3A_1308 : vector<1x512xf32>
      %sub3A_1310 = arith.subf %max3A_1290, %max3A_1309 : vector<1x512xf32>
      %exp23A_1311 = math.exp2 %sub3A_1310 : vector<1x512xf32>
      %mul3A_1312 = arith.mulf %add3A_1300, %exp23A_1311 : vector<1x512xf32>
      %sub3A_1313 = vector.broadcast %max3A_1309 : vector<1x512xf32> to vector<512x512xf32>
      %sub3A_1314 = arith.subf %dot_general3A_1305, %sub3A_1313 : vector<512x512xf32>
      %exp23A_1315 = math.exp2 %sub3A_1314 : vector<512x512xf32>
      %reduce_sum3A_1316 = arith.constant dense<0.000000e+00> : vector<512xf32>
      %reduce_sum3A_1317 = vector.multi_reduction <add>, %exp23A_1315, %reduce_sum3A_1316 [0] : vector<512x512xf32> to vector<512xf32>
      %broadcast_in_dim3A_1318 = vector.shape_cast %reduce_sum3A_1317 : vector<512xf32> to vector<1x512xf32>
      %add3A_1319 = arith.addf %mul3A_1312, %broadcast_in_dim3A_1318 : vector<1x512xf32>
      %get3A_1320 = arith.constant 2560 : index
      %get3A_1321 = arith.constant 0 : index
      %get3A_1322 = vector.load %arg10[%get3A_1320, %get3A_1321] : memref<4096x8xf32, #tpu.memory_space<vmem>>, vector<512x8xf32>
      %dot_general3A_1323 = arith.constant dense<0.000000e+00> : vector<512x512xf32>
      %dot_general3A_1324 = tpu.matmul %get3A_1322, %get3A_1220, %dot_general3A_1323 {dimension_numbers = #tpu.dot_dimension_numbers<[1], [0], [0], [1], [0, 0, 1, 1], [], []>, transpose_lhs_hint = false} : vector<512x8xf32>, vector<8x512xf32>, vector<512x512xf32> -> vector<512x512xf32>
      %reduce_max3A_1325 = arith.constant dense<0xFF800000> : vector<512xf32>
      %reduce_max3A_1326 = vector.multi_reduction <maximumf>, %dot_general3A_1324, %reduce_max3A_1325 [0] : vector<512x512xf32> to vector<512xf32>
      %broadcast_in_dim3A_1327 = vector.shape_cast %reduce_max3A_1326 : vector<512xf32> to vector<1x512xf32>
      %max3A_1328 = arith.maximumf %max3A_1309, %broadcast_in_dim3A_1327 : vector<1x512xf32>
      %sub3A_1329 = arith.subf %max3A_1309, %max3A_1328 : vector<1x512xf32>
      %exp23A_1330 = math.exp2 %sub3A_1329 : vector<1x512xf32>
      %mul3A_1331 = arith.mulf %add3A_1319, %exp23A_1330 : vector<1x512xf32>
      %sub3A_1332 = vector.broadcast %max3A_1328 : vector<1x512xf32> to vector<512x512xf32>
      %sub3A_1333 = arith.subf %dot_general3A_1324, %sub3A_1332 : vector<512x512xf32>
      %exp23A_1334 = math.exp2 %sub3A_1333 : vector<512x512xf32>
      %reduce_sum3A_1335 = arith.constant dense<0.000000e+00> : vector<512xf32>
      %reduce_sum3A_1336 = vector.multi_reduction <add>, %exp23A_1334, %reduce_sum3A_1335 [0] : vector<512x512xf32> to vector<512xf32>
      %broadcast_in_dim3A_1337 = vector.shape_cast %reduce_sum3A_1336 : vector<512xf32> to vector<1x512xf32>
      %add3A_1338 = arith.addf %mul3A_1331, %broadcast_in_dim3A_1337 : vector<1x512xf32>
      %get3A_1339 = arith.constant 3072 : index
      %get3A_1340 = arith.constant 0 : index
      %get3A_1341 = vector.load %arg10[%get3A_1339, %get3A_1340] : memref<4096x8xf32, #tpu.memory_space<vmem>>, vector<512x8xf32>
      %dot_general3A_1342 = arith.constant dense<0.000000e+00> : vector<512x512xf32>
      %dot_general3A_1343 = tpu.matmul %get3A_1341, %get3A_1220, %dot_general3A_1342 {dimension_numbers = #tpu.dot_dimension_numbers<[1], [0], [0], [1], [0, 0, 1, 1], [], []>, transpose_lhs_hint = false} : vector<512x8xf32>, vector<8x512xf32>, vector<512x512xf32> -> vector<512x512xf32>
      %reduce_max3A_1344 = arith.constant dense<0xFF800000> : vector<512xf32>
      %reduce_max3A_1345 = vector.multi_reduction <maximumf>, %dot_general3A_1343, %reduce_max3A_1344 [0] : vector<512x512xf32> to vector<512xf32>
      %broadcast_in_dim3A_1346 = vector.shape_cast %reduce_max3A_1345 : vector<512xf32> to vector<1x512xf32>
      %max3A_1347 = arith.maximumf %max3A_1328, %broadcast_in_dim3A_1346 : vector<1x512xf32>
      %sub3A_1348 = arith.subf %max3A_1328, %max3A_1347 : vector<1x512xf32>
      %exp23A_1349 = math.exp2 %sub3A_1348 : vector<1x512xf32>
      %mul3A_1350 = arith.mulf %add3A_1338, %exp23A_1349 : vector<1x512xf32>
      %sub3A_1351 = vector.broadcast %max3A_1347 : vector<1x512xf32> to vector<512x512xf32>
      %sub3A_1352 = arith.subf %dot_general3A_1343, %sub3A_1351 : vector<512x512xf32>
      %exp23A_1353 = math.exp2 %sub3A_1352 : vector<512x512xf32>
      %reduce_sum3A_1354 = arith.constant dense<0.000000e+00> : vector<512xf32>
      %reduce_sum3A_1355 = vector.multi_reduction <add>, %exp23A_1353, %reduce_sum3A_1354 [0] : vector<512x512xf32> to vector<512xf32>
      %broadcast_in_dim3A_1356 = vector.shape_cast %reduce_sum3A_1355 : vector<512xf32> to vector<1x512xf32>
      %add3A_1357 = arith.addf %mul3A_1350, %broadcast_in_dim3A_1356 : vector<1x512xf32>
      %get3A_1358 = arith.constant 3584 : index
      %get3A_1359 = arith.constant 0 : index
      %get3A_1360 = vector.load %arg10[%get3A_1358, %get3A_1359] : memref<4096x8xf32, #tpu.memory_space<vmem>>, vector<512x8xf32>
      %dot_general3A_1361 = arith.constant dense<0.000000e+00> : vector<512x512xf32>
      %dot_general3A_1362 = tpu.matmul %get3A_1360, %get3A_1220, %dot_general3A_1361 {dimension_numbers = #tpu.dot_dimension_numbers<[1], [0], [0], [1], [0, 0, 1, 1], [], []>, transpose_lhs_hint = false} : vector<512x8xf32>, vector<8x512xf32>, vector<512x512xf32> -> vector<512x512xf32>
      %reduce_max3A_1363 = arith.constant dense<0xFF800000> : vector<512xf32>
      %reduce_max3A_1364 = vector.multi_reduction <maximumf>, %dot_general3A_1362, %reduce_max3A_1363 [0] : vector<512x512xf32> to vector<512xf32>
      %broadcast_in_dim3A_1365 = vector.shape_cast %reduce_max3A_1364 : vector<512xf32> to vector<1x512xf32>
      %max3A_1366 = arith.maximumf %max3A_1347, %broadcast_in_dim3A_1365 : vector<1x512xf32>
      %sub3A_1367 = arith.subf %max3A_1347, %max3A_1366 : vector<1x512xf32>
      %exp23A_1368 = math.exp2 %sub3A_1367 : vector<1x512xf32>
      %mul3A_1369 = arith.mulf %add3A_1357, %exp23A_1368 : vector<1x512xf32>
      %sub3A_1370 = vector.broadcast %max3A_1366 : vector<1x512xf32> to vector<512x512xf32>
      %sub3A_1371 = arith.subf %dot_general3A_1362, %sub3A_1370 : vector<512x512xf32>
      %exp23A_1372 = math.exp2 %sub3A_1371 : vector<512x512xf32>
      %reduce_sum3A_1373 = arith.constant dense<0.000000e+00> : vector<512xf32>
      %reduce_sum3A_1374 = vector.multi_reduction <add>, %exp23A_1372, %reduce_sum3A_1373 [0] : vector<512x512xf32> to vector<512xf32>
      %broadcast_in_dim3A_1375 = vector.shape_cast %reduce_sum3A_1374 : vector<512xf32> to vector<1x512xf32>
      %add3A_1376 = arith.addf %mul3A_1369, %broadcast_in_dim3A_1375 : vector<1x512xf32>
      %neg3A_1377 = arith.constant 0.000000e+00 : f32
      %neg3A_1378 = arith.subf %neg3A_1377, %get3A_104 : f32
      %log3A_1379 = math.log %add3A_1376 : vector<1x512xf32>
      %log3A_1380 = arith.constant 2.000000e+00 : f32
      %log3A_1381 = math.log %log3A_1380 : f32
      %div3A_1382 = vector.broadcast %log3A_1381 : f32 to vector<1x512xf32>
      %div3A_1383 = arith.divf %log3A_1379, %div3A_1382 : vector<1x512xf32>
      %add3A_1384 = arith.addf %div3A_1383, %max3A_1366 : vector<1x512xf32>
      %mul3A_1385 = arith.constant 0.693147182 : f32
      %mul3A_1386 = vector.broadcast %mul3A_1385 : f32 to vector<1x512xf32>
      %mul3A_1387 = arith.mulf %add3A_1384, %mul3A_1386 : vector<1x512xf32>
      %add3A_1388 = arith.constant -8.31776618 : f32
      %add3A_1389 = vector.broadcast %add3A_1388 : f32 to vector<1x512xf32>
      %add3A_1390 = arith.addf %mul3A_1387, %add3A_1389 : vector<1x512xf32>
      %mul3A_1391 = vector.broadcast %neg3A_1378 : f32 to vector<1x512xf32>
      %mul3A_1392 = arith.mulf %mul3A_1391, %add3A_1390 : vector<1x512xf32>
      %swap3A_1393 = arith.constant 0 : index
      %swap3A_1394 = arith.index_cast %mul3A_1217 : i32 to index
      %swap3A_1395 = vector.load %arg9[%swap3A_1393, %swap3A_1394] : memref<1x4096xf32, #tpu.memory_space<vmem>>, vector<1x512xf32>
      tpu.vector_store %arg9[%swap3A_1393, %swap3A_1394], %mul3A_1392 {strides = array<i32>} : memref<1x4096xf32, #tpu.memory_space<vmem>>, vector<1x512xf32>,
      %scan3A_1396 = arith.constant 7 : i32
      %mul3A_1397 = arith.constant 512 : i32
      %mul3A_1398 = arith.muli %scan3A_1396, %mul3A_1397 : i32
      %get3A_1399 = arith.constant 0 : index
      %get3A_1400 = arith.index_cast %mul3A_1398 : i32 to index
      %get3A_1401 = vector.load %arg12[%get3A_1399, %get3A_1400] : memref<8x4096xf32, #tpu.memory_space<vmem>>, vector<8x512xf32>
      %broadcast_in_dim3A_1402 = arith.constant -1.000000e+30 : f32
      %broadcast_in_dim3A_1403 = vector.broadcast %broadcast_in_dim3A_1402 : f32 to vector<1x512xf32>
      %broadcast_in_dim3A_1404 = arith.constant 0.000000e+00 : f32
      %broadcast_in_dim3A_1405 = vector.broadcast %broadcast_in_dim3A_1404 : f32 to vector<1x512xf32>
      %get3A_1406 = arith.constant 0 : index
      %get3A_1407 = arith.constant 0 : index
      %get3A_1408 = vector.load %arg10[%get3A_1406, %get3A_1407] : memref<4096x8xf32, #tpu.memory_space<vmem>>, vector<512x8xf32>
      %dot_general3A_1409 = arith.constant dense<0.000000e+00> : vector<512x512xf32>
      %dot_general3A_1410 = tpu.matmul %get3A_1408, %get3A_1401, %dot_general3A_1409 {dimension_numbers = #tpu.dot_dimension_numbers<[1], [0], [0], [1], [0, 0, 1, 1], [], []>, transpose_lhs_hint = false} : vector<512x8xf32>, vector<8x512xf32>, vector<512x512xf32> -> vector<512x512xf32>
      %reduce_max3A_1411 = arith.constant dense<0xFF800000> : vector<512xf32>
      %reduce_max3A_1412 = vector.multi_reduction <maximumf>, %dot_general3A_1410, %reduce_max3A_1411 [0] : vector<512x512xf32> to vector<512xf32>
      %broadcast_in_dim3A_1413 = vector.shape_cast %reduce_max3A_1412 : vector<512xf32> to vector<1x512xf32>
      %max3A_1414 = arith.maximumf %broadcast_in_dim3A_1403, %broadcast_in_dim3A_1413 : vector<1x512xf32>
      %sub3A_1415 = arith.subf %broadcast_in_dim3A_1403, %max3A_1414 : vector<1x512xf32>
      %exp23A_1416 = math.exp2 %sub3A_1415 : vector<1x512xf32>
      %mul3A_1417 = arith.mulf %broadcast_in_dim3A_1405, %exp23A_1416 : vector<1x512xf32>
      %sub3A_1418 = vector.broadcast %max3A_1414 : vector<1x512xf32> to vector<512x512xf32>
      %sub3A_1419 = arith.subf %dot_general3A_1410, %sub3A_1418 : vector<512x512xf32>
      %exp23A_1420 = math.exp2 %sub3A_1419 : vector<512x512xf32>
      %reduce_sum3A_1421 = arith.constant dense<0.000000e+00> : vector<512xf32>
      %reduce_sum3A_1422 = vector.multi_reduction <add>, %exp23A_1420, %reduce_sum3A_1421 [0] : vector<512x512xf32> to vector<512xf32>
      %broadcast_in_dim3A_1423 = vector.shape_cast %reduce_sum3A_1422 : vector<512xf32> to vector<1x512xf32>
      %add3A_1424 = arith.addf %mul3A_1417, %broadcast_in_dim3A_1423 : vector<1x512xf32>
      %get3A_1425 = arith.constant 512 : index
      %get3A_1426 = arith.constant 0 : index
      %get3A_1427 = vector.load %arg10[%get3A_1425, %get3A_1426] : memref<4096x8xf32, #tpu.memory_space<vmem>>, vector<512x8xf32>
      %dot_general3A_1428 = arith.constant dense<0.000000e+00> : vector<512x512xf32>
      %dot_general3A_1429 = tpu.matmul %get3A_1427, %get3A_1401, %dot_general3A_1428 {dimension_numbers = #tpu.dot_dimension_numbers<[1], [0], [0], [1], [0, 0, 1, 1], [], []>, transpose_lhs_hint = false} : vector<512x8xf32>, vector<8x512xf32>, vector<512x512xf32> -> vector<512x512xf32>
      %reduce_max3A_1430 = arith.constant dense<0xFF800000> : vector<512xf32>
      %reduce_max3A_1431 = vector.multi_reduction <maximumf>, %dot_general3A_1429, %reduce_max3A_1430 [0] : vector<512x512xf32> to vector<512xf32>
      %broadcast_in_dim3A_1432 = vector.shape_cast %reduce_max3A_1431 : vector<512xf32> to vector<1x512xf32>
      %max3A_1433 = arith.maximumf %max3A_1414, %broadcast_in_dim3A_1432 : vector<1x512xf32>
      %sub3A_1434 = arith.subf %max3A_1414, %max3A_1433 : vector<1x512xf32>
      %exp23A_1435 = math.exp2 %sub3A_1434 : vector<1x512xf32>
      %mul3A_1436 = arith.mulf %add3A_1424, %exp23A_1435 : vector<1x512xf32>
      %sub3A_1437 = vector.broadcast %max3A_1433 : vector<1x512xf32> to vector<512x512xf32>
      %sub3A_1438 = arith.subf %dot_general3A_1429, %sub3A_1437 : vector<512x512xf32>
      %exp23A_1439 = math.exp2 %sub3A_1438 : vector<512x512xf32>
      %reduce_sum3A_1440 = arith.constant dense<0.000000e+00> : vector<512xf32>
      %reduce_sum3A_1441 = vector.multi_reduction <add>, %exp23A_1439, %reduce_sum3A_1440 [0] : vector<512x512xf32> to vector<512xf32>
      %broadcast_in_dim3A_1442 = vector.shape_cast %reduce_sum3A_1441 : vector<512xf32> to vector<1x512xf32>
      %add3A_1443 = arith.addf %mul3A_1436, %broadcast_in_dim3A_1442 : vector<1x512xf32>
      %get3A_1444 = arith.constant 1024 : index
      %get3A_1445 = arith.constant 0 : index
      %get3A_1446 = vector.load %arg10[%get3A_1444, %get3A_1445] : memref<4096x8xf32, #tpu.memory_space<vmem>>, vector<512x8xf32>
      %dot_general3A_1447 = arith.constant dense<0.000000e+00> : vector<512x512xf32>
      %dot_general3A_1448 = tpu.matmul %get3A_1446, %get3A_1401, %dot_general3A_1447 {dimension_numbers = #tpu.dot_dimension_numbers<[1], [0], [0], [1], [0, 0, 1, 1], [], []>, transpose_lhs_hint = false} : vector<512x8xf32>, vector<8x512xf32>, vector<512x512xf32> -> vector<512x512xf32>
      %reduce_max3A_1449 = arith.constant dense<0xFF800000> : vector<512xf32>
      %reduce_max3A_1450 = vector.multi_reduction <maximumf>, %dot_general3A_1448, %reduce_max3A_1449 [0] : vector<512x512xf32> to vector<512xf32>
      %broadcast_in_dim3A_1451 = vector.shape_cast %reduce_max3A_1450 : vector<512xf32> to vector<1x512xf32>
      %max3A_1452 = arith.maximumf %max3A_1433, %broadcast_in_dim3A_1451 : vector<1x512xf32>
      %sub3A_1453 = arith.subf %max3A_1433, %max3A_1452 : vector<1x512xf32>
      %exp23A_1454 = math.exp2 %sub3A_1453 : vector<1x512xf32>
      %mul3A_1455 = arith.mulf %add3A_1443, %exp23A_1454 : vector<1x512xf32>
      %sub3A_1456 = vector.broadcast %max3A_1452 : vector<1x512xf32> to vector<512x512xf32>
      %sub3A_1457 = arith.subf %dot_general3A_1448, %sub3A_1456 : vector<512x512xf32>
      %exp23A_1458 = math.exp2 %sub3A_1457 : vector<512x512xf32>
      %reduce_sum3A_1459 = arith.constant dense<0.000000e+00> : vector<512xf32>
      %reduce_sum3A_1460 = vector.multi_reduction <add>, %exp23A_1458, %reduce_sum3A_1459 [0] : vector<512x512xf32> to vector<512xf32>
      %broadcast_in_dim3A_1461 = vector.shape_cast %reduce_sum3A_1460 : vector<512xf32> to vector<1x512xf32>
      %add3A_1462 = arith.addf %mul3A_1455, %broadcast_in_dim3A_1461 : vector<1x512xf32>
      %get3A_1463 = arith.constant 1536 : index
      %get3A_1464 = arith.constant 0 : index
      %get3A_1465 = vector.load %arg10[%get3A_1463, %get3A_1464] : memref<4096x8xf32, #tpu.memory_space<vmem>>, vector<512x8xf32>
      %dot_general3A_1466 = arith.constant dense<0.000000e+00> : vector<512x512xf32>
      %dot_general3A_1467 = tpu.matmul %get3A_1465, %get3A_1401, %dot_general3A_1466 {dimension_numbers = #tpu.dot_dimension_numbers<[1], [0], [0], [1], [0, 0, 1, 1], [], []>, transpose_lhs_hint = false} : vector<512x8xf32>, vector<8x512xf32>, vector<512x512xf32> -> vector<512x512xf32>
      %reduce_max3A_1468 = arith.constant dense<0xFF800000> : vector<512xf32>
      %reduce_max3A_1469 = vector.multi_reduction <maximumf>, %dot_general3A_1467, %reduce_max3A_1468 [0] : vector<512x512xf32> to vector<512xf32>
      %broadcast_in_dim3A_1470 = vector.shape_cast %reduce_max3A_1469 : vector<512xf32> to vector<1x512xf32>
      %max3A_1471 = arith.maximumf %max3A_1452, %broadcast_in_dim3A_1470 : vector<1x512xf32>
      %sub3A_1472 = arith.subf %max3A_1452, %max3A_1471 : vector<1x512xf32>
      %exp23A_1473 = math.exp2 %sub3A_1472 : vector<1x512xf32>
      %mul3A_1474 = arith.mulf %add3A_1462, %exp23A_1473 : vector<1x512xf32>
      %sub3A_1475 = vector.broadcast %max3A_1471 : vector<1x512xf32> to vector<512x512xf32>
      %sub3A_1476 = arith.subf %dot_general3A_1467, %sub3A_1475 : vector<512x512xf32>
      %exp23A_1477 = math.exp2 %sub3A_1476 : vector<512x512xf32>
      %reduce_sum3A_1478 = arith.constant dense<0.000000e+00> : vector<512xf32>
      %reduce_sum3A_1479 = vector.multi_reduction <add>, %exp23A_1477, %reduce_sum3A_1478 [0] : vector<512x512xf32> to vector<512xf32>
      %broadcast_in_dim3A_1480 = vector.shape_cast %reduce_sum3A_1479 : vector<512xf32> to vector<1x512xf32>
      %add3A_1481 = arith.addf %mul3A_1474, %broadcast_in_dim3A_1480 : vector<1x512xf32>
      %get3A_1482 = arith.constant 2048 : index
      %get3A_1483 = arith.constant 0 : index
      %get3A_1484 = vector.load %arg10[%get3A_1482, %get3A_1483] : memref<4096x8xf32, #tpu.memory_space<vmem>>, vector<512x8xf32>
      %dot_general3A_1485 = arith.constant dense<0.000000e+00> : vector<512x512xf32>
      %dot_general3A_1486 = tpu.matmul %get3A_1484, %get3A_1401, %dot_general3A_1485 {dimension_numbers = #tpu.dot_dimension_numbers<[1], [0], [0], [1], [0, 0, 1, 1], [], []>, transpose_lhs_hint = false} : vector<512x8xf32>, vector<8x512xf32>, vector<512x512xf32> -> vector<512x512xf32>
      %reduce_max3A_1487 = arith.constant dense<0xFF800000> : vector<512xf32>
      %reduce_max3A_1488 = vector.multi_reduction <maximumf>, %dot_general3A_1486, %reduce_max3A_1487 [0] : vector<512x512xf32> to vector<512xf32>
      %broadcast_in_dim3A_1489 = vector.shape_cast %reduce_max3A_1488 : vector<512xf32> to vector<1x512xf32>
      %max3A_1490 = arith.maximumf %max3A_1471, %broadcast_in_dim3A_1489 : vector<1x512xf32>
      %sub3A_1491 = arith.subf %max3A_1471, %max3A_1490 : vector<1x512xf32>
      %exp23A_1492 = math.exp2 %sub3A_1491 : vector<1x512xf32>
      %mul3A_1493 = arith.mulf %add3A_1481, %exp23A_1492 : vector<1x512xf32>
      %sub3A_1494 = vector.broadcast %max3A_1490 : vector<1x512xf32> to vector<512x512xf32>
      %sub3A_1495 = arith.subf %dot_general3A_1486, %sub3A_1494 : vector<512x512xf32>
      %exp23A_1496 = math.exp2 %sub3A_1495 : vector<512x512xf32>
      %reduce_sum3A_1497 = arith.constant dense<0.000000e+00> : vector<512xf32>
      %reduce_sum3A_1498 = vector.multi_reduction <add>, %exp23A_1496, %reduce_sum3A_1497 [0] : vector<512x512xf32> to vector<512xf32>
      %broadcast_in_dim3A_1499 = vector.shape_cast %reduce_sum3A_1498 : vector<512xf32> to vector<1x512xf32>
      %add3A_1500 = arith.addf %mul3A_1493, %broadcast_in_dim3A_1499 : vector<1x512xf32>
      %get3A_1501 = arith.constant 2560 : index
      %get3A_1502 = arith.constant 0 : index
      %get3A_1503 = vector.load %arg10[%get3A_1501, %get3A_1502] : memref<4096x8xf32, #tpu.memory_space<vmem>>, vector<512x8xf32>
      %dot_general3A_1504 = arith.constant dense<0.000000e+00> : vector<512x512xf32>
      %dot_general3A_1505 = tpu.matmul %get3A_1503, %get3A_1401, %dot_general3A_1504 {dimension_numbers = #tpu.dot_dimension_numbers<[1], [0], [0], [1], [0, 0, 1, 1], [], []>, transpose_lhs_hint = false} : vector<512x8xf32>, vector<8x512xf32>, vector<512x512xf32> -> vector<512x512xf32>
      %reduce_max3A_1506 = arith.constant dense<0xFF800000> : vector<512xf32>
      %reduce_max3A_1507 = vector.multi_reduction <maximumf>, %dot_general3A_1505, %reduce_max3A_1506 [0] : vector<512x512xf32> to vector<512xf32>
      %broadcast_in_dim3A_1508 = vector.shape_cast %reduce_max3A_1507 : vector<512xf32> to vector<1x512xf32>
      %max3A_1509 = arith.maximumf %max3A_1490, %broadcast_in_dim3A_1508 : vector<1x512xf32>
      %sub3A_1510 = arith.subf %max3A_1490, %max3A_1509 : vector<1x512xf32>
      %exp23A_1511 = math.exp2 %sub3A_1510 : vector<1x512xf32>
      %mul3A_1512 = arith.mulf %add3A_1500, %exp23A_1511 : vector<1x512xf32>
      %sub3A_1513 = vector.broadcast %max3A_1509 : vector<1x512xf32> to vector<512x512xf32>
      %sub3A_1514 = arith.subf %dot_general3A_1505, %sub3A_1513 : vector<512x512xf32>
      %exp23A_1515 = math.exp2 %sub3A_1514 : vector<512x512xf32>
      %reduce_sum3A_1516 = arith.constant dense<0.000000e+00> : vector<512xf32>
      %reduce_sum3A_1517 = vector.multi_reduction <add>, %exp23A_1515, %reduce_sum3A_1516 [0] : vector<512x512xf32> to vector<512xf32>
      %broadcast_in_dim3A_1518 = vector.shape_cast %reduce_sum3A_1517 : vector<512xf32> to vector<1x512xf32>
      %add3A_1519 = arith.addf %mul3A_1512, %broadcast_in_dim3A_1518 : vector<1x512xf32>
      %get3A_1520 = arith.constant 3072 : index
      %get3A_1521 = arith.constant 0 : index
      %get3A_1522 = vector.load %arg10[%get3A_1520, %get3A_1521] : memref<4096x8xf32, #tpu.memory_space<vmem>>, vector<512x8xf32>
      %dot_general3A_1523 = arith.constant dense<0.000000e+00> : vector<512x512xf32>
      %dot_general3A_1524 = tpu.matmul %get3A_1522, %get3A_1401, %dot_general3A_1523 {dimension_numbers = #tpu.dot_dimension_numbers<[1], [0], [0], [1], [0, 0, 1, 1], [], []>, transpose_lhs_hint = false} : vector<512x8xf32>, vector<8x512xf32>, vector<512x512xf32> -> vector<512x512xf32>
      %reduce_max3A_1525 = arith.constant dense<0xFF800000> : vector<512xf32>
      %reduce_max3A_1526 = vector.multi_reduction <maximumf>, %dot_general3A_1524, %reduce_max3A_1525 [0] : vector<512x512xf32> to vector<512xf32>
      %broadcast_in_dim3A_1527 = vector.shape_cast %reduce_max3A_1526 : vector<512xf32> to vector<1x512xf32>
      %max3A_1528 = arith.maximumf %max3A_1509, %broadcast_in_dim3A_1527 : vector<1x512xf32>
      %sub3A_1529 = arith.subf %max3A_1509, %max3A_1528 : vector<1x512xf32>
      %exp23A_1530 = math.exp2 %sub3A_1529 : vector<1x512xf32>
      %mul3A_1531 = arith.mulf %add3A_1519, %exp23A_1530 : vector<1x512xf32>
      %sub3A_1532 = vector.broadcast %max3A_1528 : vector<1x512xf32> to vector<512x512xf32>
      %sub3A_1533 = arith.subf %dot_general3A_1524, %sub3A_1532 : vector<512x512xf32>
      %exp23A_1534 = math.exp2 %sub3A_1533 : vector<512x512xf32>
      %reduce_sum3A_1535 = arith.constant dense<0.000000e+00> : vector<512xf32>
      %reduce_sum3A_1536 = vector.multi_reduction <add>, %exp23A_1534, %reduce_sum3A_1535 [0] : vector<512x512xf32> to vector<512xf32>
      %broadcast_in_dim3A_1537 = vector.shape_cast %reduce_sum3A_1536 : vector<512xf32> to vector<1x512xf32>
      %add3A_1538 = arith.addf %mul3A_1531, %broadcast_in_dim3A_1537 : vector<1x512xf32>
      %get3A_1539 = arith.constant 3584 : index
      %get3A_1540 = arith.constant 0 : index
      %get3A_1541 = vector.load %arg10[%get3A_1539, %get3A_1540] : memref<4096x8xf32, #tpu.memory_space<vmem>>, vector<512x8xf32>
      %dot_general3A_1542 = arith.constant dense<0.000000e+00> : vector<512x512xf32>
      %dot_general3A_1543 = tpu.matmul %get3A_1541, %get3A_1401, %dot_general3A_1542 {dimension_numbers = #tpu.dot_dimension_numbers<[1], [0], [0], [1], [0, 0, 1, 1], [], []>, transpose_lhs_hint = false} : vector<512x8xf32>, vector<8x512xf32>, vector<512x512xf32> -> vector<512x512xf32>
      %reduce_max3A_1544 = arith.constant dense<0xFF800000> : vector<512xf32>
      %reduce_max3A_1545 = vector.multi_reduction <maximumf>, %dot_general3A_1543, %reduce_max3A_1544 [0] : vector<512x512xf32> to vector<512xf32>
      %broadcast_in_dim3A_1546 = vector.shape_cast %reduce_max3A_1545 : vector<512xf32> to vector<1x512xf32>
      %max3A_1547 = arith.maximumf %max3A_1528, %broadcast_in_dim3A_1546 : vector<1x512xf32>
      %sub3A_1548 = arith.subf %max3A_1528, %max3A_1547 : vector<1x512xf32>
      %exp23A_1549 = math.exp2 %sub3A_1548 : vector<1x512xf32>
      %mul3A_1550 = arith.mulf %add3A_1538, %exp23A_1549 : vector<1x512xf32>
      %sub3A_1551 = vector.broadcast %max3A_1547 : vector<1x512xf32> to vector<512x512xf32>
      %sub3A_1552 = arith.subf %dot_general3A_1543, %sub3A_1551 : vector<512x512xf32>
      %exp23A_1553 = math.exp2 %sub3A_1552 : vector<512x512xf32>
      %reduce_sum3A_1554 = arith.constant dense<0.000000e+00> : vector<512xf32>
      %reduce_sum3A_1555 = vector.multi_reduction <add>, %exp23A_1553, %reduce_sum3A_1554 [0] : vector<512x512xf32> to vector<512xf32>
      %broadcast_in_dim3A_1556 = vector.shape_cast %reduce_sum3A_1555 : vector<512xf32> to vector<1x512xf32>
      %add3A_1557 = arith.addf %mul3A_1550, %broadcast_in_dim3A_1556 : vector<1x512xf32>
      %neg3A_1558 = arith.constant 0.000000e+00 : f32
      %neg3A_1559 = arith.subf %neg3A_1558, %get3A_104 : f32
      %log3A_1560 = math.log %add3A_1557 : vector<1x512xf32>
      %log3A_1561 = arith.constant 2.000000e+00 : f32
      %log3A_1562 = math.log %log3A_1561 : f32
      %div3A_1563 = vector.broadcast %log3A_1562 : f32 to vector<1x512xf32>
      %div3A_1564 = arith.divf %log3A_1560, %div3A_1563 : vector<1x512xf32>
      %add3A_1565 = arith.addf %div3A_1564, %max3A_1547 : vector<1x512xf32>
      %mul3A_1566 = arith.constant 0.693147182 : f32
      %mul3A_1567 = vector.broadcast %mul3A_1566 : f32 to vector<1x512xf32>
      %mul3A_1568 = arith.mulf %add3A_1565, %mul3A_1567 : vector<1x512xf32>
      %add3A_1569 = arith.constant -8.31776618 : f32
      %add3A_1570 = vector.broadcast %add3A_1569 : f32 to vector<1x512xf32>
      %add3A_1571 = arith.addf %mul3A_1568, %add3A_1570 : vector<1x512xf32>
      %mul3A_1572 = vector.broadcast %neg3A_1559 : f32 to vector<1x512xf32>
      %mul3A_1573 = arith.mulf %mul3A_1572, %add3A_1571 : vector<1x512xf32>
      %swap3A_1574 = arith.constant 0 : index
      %swap3A_1575 = arith.index_cast %mul3A_1398 : i32 to index
      %swap3A_1576 = vector.load %arg9[%swap3A_1574, %swap3A_1575] : memref<1x4096xf32, #tpu.memory_space<vmem>>, vector<1x512xf32>
      tpu.vector_store %arg9[%swap3A_1574, %swap3A_1575], %mul3A_1573 {strides = array<i32>} : memref<1x4096xf32, #tpu.memory_space<vmem>>, vector<1x512xf32>,
      %scan3A_1577 = arith.constant 8 : i32
      %get3A_1578 = arith.constant 0 : index
      %get3A_1579 = arith.constant 0 : index
      %get3A_1580 = arith.constant 0 : index
      %get3A_1581 = vector.load %arg3[%get3A_1578, %get3A_1579, %get3A_1580] : memref<1x8x4096xf32, #tpu.memory_space<vmem>>, vector<1x8x4096xf32>
      %get3A_1582 = vector.shape_cast %get3A_1581 : vector<1x8x4096xf32> to vector<8x4096xf32>
      %slice3A_1583 = vector.extract_strided_slice %get3A_1582 {offsets = [0, 0], sizes = [4, 4096], strides = [1, 1]} : vector<8x4096xf32> to vector<4x4096xf32>
      %mul3A_1584 = vector.broadcast %div3A_106 : f32 to vector<4x4096xf32>
      %mul3A_1585 = arith.mulf %slice3A_1583, %mul3A_1584 : vector<4x4096xf32>
      %get3A_1586 = arith.constant 0 : index
      %get3A_1587 = arith.constant 0 : index
      %get3A_1588 = vector.load %arg9[%get3A_1586, %get3A_1587] : memref<1x4096xf32, #tpu.memory_space<vmem>>, vector<1x4096xf32>
      %get3A_1589 = arith.constant 0 : index
      %get3A_1590 = arith.constant 0 : index
      %get3A_1591 = vector.load %arg7[%get3A_1589, %get3A_1590] : memref<1x4096xf32, #tpu.memory_space<vmem>>, vector<1x4096xf32>
      %mul3A_1592 = arith.constant 5.000000e-01 : f32
      %mul3A_1593 = vector.broadcast %mul3A_1592 : f32 to vector<1x4096xf32>
      %mul3A_1594 = arith.mulf %mul3A_1593, %get3A_1591 : vector<1x4096xf32>
      %sub3A_1595 = arith.subf %get3A_1588, %mul3A_1594 : vector<1x4096xf32>
      %mul3A_1596 = vector.broadcast %div3A_106 : f32 to vector<1x4096xf32>
      %mul3A_1597 = arith.mulf %sub3A_1595, %mul3A_1596 : vector<1x4096xf32>
      %mul3A_1598 = vector.broadcast %div3A_106 : f32 to vector<1x4096xf32>
      %mul3A_1599 = arith.mulf %mul3A_1598, %broadcast_in_dim3A_44 : vector<1x4096xf32>
      %concatenate3A_1600 = tpu.concatenate %mul3A_1585, %mul3A_1597, %mul3A_1599, %broadcast_in_dim3A_46 in 0 : vector<4x4096xf32>, vector<1x4096xf32>, vector<1x4096xf32>, vector<2x4096xf32> -> vector<8x4096xf32>
      %swap3A_1601 = arith.constant 0 : index
      %swap3A_1602 = arith.constant 0 : index
      %swap3A_1603 = vector.load %arg12[%swap3A_1601, %swap3A_1602] : memref<8x4096xf32, #tpu.memory_space<vmem>>, vector<8x4096xf32>
      tpu.vector_store %arg12[%swap3A_1601, %swap3A_1602], %concatenate3A_1600 {strides = array<i32>} : memref<8x4096xf32, #tpu.memory_space<vmem>>, vector<8x4096xf32>,
      %scan3A_1604 = arith.constant 0 : i32
      %mul3A_1605 = arith.constant 512 : i32
      %mul3A_1606 = arith.muli %scan3A_1604, %mul3A_1605 : i32
      %get3A_1607 = arith.index_cast %mul3A_1606 : i32 to index
      %get3A_1608 = arith.constant 0 : index
      %get3A_1609 = vector.load %arg11[%get3A_1607, %get3A_1608] : memref<4096x8xf32, #tpu.memory_space<vmem>>, vector<512x8xf32>
      %broadcast_in_dim3A_1610 = arith.constant -1.000000e+30 : f32
      %broadcast_in_dim3A_1611 = vector.broadcast %broadcast_in_dim3A_1610 : f32 to vector<512x1xf32>
      %broadcast_in_dim3A_1612 = arith.constant 0.000000e+00 : f32
      %broadcast_in_dim3A_1613 = vector.broadcast %broadcast_in_dim3A_1612 : f32 to vector<512x1xf32>
      %get3A_1614 = arith.constant 0 : index
      %get3A_1615 = arith.constant 0 : index
      %get3A_1616 = vector.load %arg12[%get3A_1614, %get3A_1615] : memref<8x4096xf32, #tpu.memory_space<vmem>>, vector<8x512xf32>
      %dot_general3A_1617 = arith.constant dense<0.000000e+00> : vector<512x512xf32>
      %dot_general3A_1618 = tpu.matmul %get3A_1609, %get3A_1616, %dot_general3A_1617 {dimension_numbers = #tpu.dot_dimension_numbers<[1], [0], [0], [1], [0, 0, 1, 1], [], []>, transpose_lhs_hint = false} : vector<512x8xf32>, vector<8x512xf32>, vector<512x512xf32> -> vector<512x512xf32>
      %reduce_max3A_1619 = arith.constant dense<0xFF800000> : vector<512xf32>
      %reduce_max3A_1620 = vector.multi_reduction <maximumf>, %dot_general3A_1618, %reduce_max3A_1619 [1] : vector<512x512xf32> to vector<512xf32>
      %broadcast_in_dim3A_1621 = vector.shape_cast %reduce_max3A_1620 : vector<512xf32> to vector<512x1xf32>
      %max3A_1622 = arith.maximumf %broadcast_in_dim3A_1611, %broadcast_in_dim3A_1621 : vector<512x1xf32>
      %sub3A_1623 = arith.subf %broadcast_in_dim3A_1611, %max3A_1622 : vector<512x1xf32>
      %exp23A_1624 = math.exp2 %sub3A_1623 : vector<512x1xf32>
      %mul3A_1625 = arith.mulf %broadcast_in_dim3A_1613, %exp23A_1624 : vector<512x1xf32>
      %sub3A_1626 = vector.broadcast %max3A_1622 : vector<512x1xf32> to vector<512x512xf32>
      %sub3A_1627 = arith.subf %dot_general3A_1618, %sub3A_1626 : vector<512x512xf32>
      %exp23A_1628 = math.exp2 %sub3A_1627 : vector<512x512xf32>
      %reduce_sum3A_1629 = arith.constant dense<0.000000e+00> : vector<512xf32>
      %reduce_sum3A_1630 = vector.multi_reduction <add>, %exp23A_1628, %reduce_sum3A_1629 [1] : vector<512x512xf32> to vector<512xf32>
      %broadcast_in_dim3A_1631 = vector.shape_cast %reduce_sum3A_1630 : vector<512xf32> to vector<512x1xf32>
      %add3A_1632 = arith.addf %mul3A_1625, %broadcast_in_dim3A_1631 : vector<512x1xf32>
      %get3A_1633 = arith.constant 0 : index
      %get3A_1634 = arith.constant 512 : index
      %get3A_1635 = vector.load %arg12[%get3A_1633, %get3A_1634] : memref<8x4096xf32, #tpu.memory_space<vmem>>, vector<8x512xf32>
      %dot_general3A_1636 = arith.constant dense<0.000000e+00> : vector<512x512xf32>
      %dot_general3A_1637 = tpu.matmul %get3A_1609, %get3A_1635, %dot_general3A_1636 {dimension_numbers = #tpu.dot_dimension_numbers<[1], [0], [0], [1], [0, 0, 1, 1], [], []>, transpose_lhs_hint = false} : vector<512x8xf32>, vector<8x512xf32>, vector<512x512xf32> -> vector<512x512xf32>
      %reduce_max3A_1638 = arith.constant dense<0xFF800000> : vector<512xf32>
      %reduce_max3A_1639 = vector.multi_reduction <maximumf>, %dot_general3A_1637, %reduce_max3A_1638 [1] : vector<512x512xf32> to vector<512xf32>
      %broadcast_in_dim3A_1640 = vector.shape_cast %reduce_max3A_1639 : vector<512xf32> to vector<512x1xf32>
      %max3A_1641 = arith.maximumf %max3A_1622, %broadcast_in_dim3A_1640 : vector<512x1xf32>
      %sub3A_1642 = arith.subf %max3A_1622, %max3A_1641 : vector<512x1xf32>
      %exp23A_1643 = math.exp2 %sub3A_1642 : vector<512x1xf32>
      %mul3A_1644 = arith.mulf %add3A_1632, %exp23A_1643 : vector<512x1xf32>
      %sub3A_1645 = vector.broadcast %max3A_1641 : vector<512x1xf32> to vector<512x512xf32>
      %sub3A_1646 = arith.subf %dot_general3A_1637, %sub3A_1645 : vector<512x512xf32>
      %exp23A_1647 = math.exp2 %sub3A_1646 : vector<512x512xf32>
      %reduce_sum3A_1648 = arith.constant dense<0.000000e+00> : vector<512xf32>
      %reduce_sum3A_1649 = vector.multi_reduction <add>, %exp23A_1647, %reduce_sum3A_1648 [1] : vector<512x512xf32> to vector<512xf32>
      %broadcast_in_dim3A_1650 = vector.shape_cast %reduce_sum3A_1649 : vector<512xf32> to vector<512x1xf32>
      %add3A_1651 = arith.addf %mul3A_1644, %broadcast_in_dim3A_1650 : vector<512x1xf32>
      %get3A_1652 = arith.constant 0 : index
      %get3A_1653 = arith.constant 1024 : index
      %get3A_1654 = vector.load %arg12[%get3A_1652, %get3A_1653] : memref<8x4096xf32, #tpu.memory_space<vmem>>, vector<8x512xf32>
      %dot_general3A_1655 = arith.constant dense<0.000000e+00> : vector<512x512xf32>
      %dot_general3A_1656 = tpu.matmul %get3A_1609, %get3A_1654, %dot_general3A_1655 {dimension_numbers = #tpu.dot_dimension_numbers<[1], [0], [0], [1], [0, 0, 1, 1], [], []>, transpose_lhs_hint = false} : vector<512x8xf32>, vector<8x512xf32>, vector<512x512xf32> -> vector<512x512xf32>
      %reduce_max3A_1657 = arith.constant dense<0xFF800000> : vector<512xf32>
      %reduce_max3A_1658 = vector.multi_reduction <maximumf>, %dot_general3A_1656, %reduce_max3A_1657 [1] : vector<512x512xf32> to vector<512xf32>
      %broadcast_in_dim3A_1659 = vector.shape_cast %reduce_max3A_1658 : vector<512xf32> to vector<512x1xf32>
      %max3A_1660 = arith.maximumf %max3A_1641, %broadcast_in_dim3A_1659 : vector<512x1xf32>
      %sub3A_1661 = arith.subf %max3A_1641, %max3A_1660 : vector<512x1xf32>
      %exp23A_1662 = math.exp2 %sub3A_1661 : vector<512x1xf32>
      %mul3A_1663 = arith.mulf %add3A_1651, %exp23A_1662 : vector<512x1xf32>
      %sub3A_1664 = vector.broadcast %max3A_1660 : vector<512x1xf32> to vector<512x512xf32>
      %sub3A_1665 = arith.subf %dot_general3A_1656, %sub3A_1664 : vector<512x512xf32>
      %exp23A_1666 = math.exp2 %sub3A_1665 : vector<512x512xf32>
      %reduce_sum3A_1667 = arith.constant dense<0.000000e+00> : vector<512xf32>
      %reduce_sum3A_1668 = vector.multi_reduction <add>, %exp23A_1666, %reduce_sum3A_1667 [1] : vector<512x512xf32> to vector<512xf32>
      %broadcast_in_dim3A_1669 = vector.shape_cast %reduce_sum3A_1668 : vector<512xf32> to vector<512x1xf32>
      %add3A_1670 = arith.addf %mul3A_1663, %broadcast_in_dim3A_1669 : vector<512x1xf32>
      %get3A_1671 = arith.constant 0 : index
      %get3A_1672 = arith.constant 1536 : index
      %get3A_1673 = vector.load %arg12[%get3A_1671, %get3A_1672] : memref<8x4096xf32, #tpu.memory_space<vmem>>, vector<8x512xf32>
      %dot_general3A_1674 = arith.constant dense<0.000000e+00> : vector<512x512xf32>
      %dot_general3A_1675 = tpu.matmul %get3A_1609, %get3A_1673, %dot_general3A_1674 {dimension_numbers = #tpu.dot_dimension_numbers<[1], [0], [0], [1], [0, 0, 1, 1], [], []>, transpose_lhs_hint = false} : vector<512x8xf32>, vector<8x512xf32>, vector<512x512xf32> -> vector<512x512xf32>
      %reduce_max3A_1676 = arith.constant dense<0xFF800000> : vector<512xf32>
      %reduce_max3A_1677 = vector.multi_reduction <maximumf>, %dot_general3A_1675, %reduce_max3A_1676 [1] : vector<512x512xf32> to vector<512xf32>
      %broadcast_in_dim3A_1678 = vector.shape_cast %reduce_max3A_1677 : vector<512xf32> to vector<512x1xf32>
      %max3A_1679 = arith.maximumf %max3A_1660, %broadcast_in_dim3A_1678 : vector<512x1xf32>
      %sub3A_1680 = arith.subf %max3A_1660, %max3A_1679 : vector<512x1xf32>
      %exp23A_1681 = math.exp2 %sub3A_1680 : vector<512x1xf32>
      %mul3A_1682 = arith.mulf %add3A_1670, %exp23A_1681 : vector<512x1xf32>
      %sub3A_1683 = vector.broadcast %max3A_1679 : vector<512x1xf32> to vector<512x512xf32>
      %sub3A_1684 = arith.subf %dot_general3A_1675, %sub3A_1683 : vector<512x512xf32>
      %exp23A_1685 = math.exp2 %sub3A_1684 : vector<512x512xf32>
      %reduce_sum3A_1686 = arith.constant dense<0.000000e+00> : vector<512xf32>
      %reduce_sum3A_1687 = vector.multi_reduction <add>, %exp23A_1685, %reduce_sum3A_1686 [1] : vector<512x512xf32> to vector<512xf32>
      %broadcast_in_dim3A_1688 = vector.shape_cast %reduce_sum3A_1687 : vector<512xf32> to vector<512x1xf32>
      %add3A_1689 = arith.addf %mul3A_1682, %broadcast_in_dim3A_1688 : vector<512x1xf32>
      %get3A_1690 = arith.constant 0 : index
      %get3A_1691 = arith.constant 2048 : index
      %get3A_1692 = vector.load %arg12[%get3A_1690, %get3A_1691] : memref<8x4096xf32, #tpu.memory_space<vmem>>, vector<8x512xf32>
      %dot_general3A_1693 = arith.constant dense<0.000000e+00> : vector<512x512xf32>
      %dot_general3A_1694 = tpu.matmul %get3A_1609, %get3A_1692, %dot_general3A_1693 {dimension_numbers = #tpu.dot_dimension_numbers<[1], [0], [0], [1], [0, 0, 1, 1], [], []>, transpose_lhs_hint = false} : vector<512x8xf32>, vector<8x512xf32>, vector<512x512xf32> -> vector<512x512xf32>
      %reduce_max3A_1695 = arith.constant dense<0xFF800000> : vector<512xf32>
      %reduce_max3A_1696 = vector.multi_reduction <maximumf>, %dot_general3A_1694, %reduce_max3A_1695 [1] : vector<512x512xf32> to vector<512xf32>
      %broadcast_in_dim3A_1697 = vector.shape_cast %reduce_max3A_1696 : vector<512xf32> to vector<512x1xf32>
      %max3A_1698 = arith.maximumf %max3A_1679, %broadcast_in_dim3A_1697 : vector<512x1xf32>
      %sub3A_1699 = arith.subf %max3A_1679, %max3A_1698 : vector<512x1xf32>
      %exp23A_1700 = math.exp2 %sub3A_1699 : vector<512x1xf32>
      %mul3A_1701 = arith.mulf %add3A_1689, %exp23A_1700 : vector<512x1xf32>
      %sub3A_1702 = vector.broadcast %max3A_1698 : vector<512x1xf32> to vector<512x512xf32>
      %sub3A_1703 = arith.subf %dot_general3A_1694, %sub3A_1702 : vector<512x512xf32>
      %exp23A_1704 = math.exp2 %sub3A_1703 : vector<512x512xf32>
      %reduce_sum3A_1705 = arith.constant dense<0.000000e+00> : vector<512xf32>
      %reduce_sum3A_1706 = vector.multi_reduction <add>, %exp23A_1704, %reduce_sum3A_1705 [1] : vector<512x512xf32> to vector<512xf32>
      %broadcast_in_dim3A_1707 = vector.shape_cast %reduce_sum3A_1706 : vector<512xf32> to vector<512x1xf32>
      %add3A_1708 = arith.addf %mul3A_1701, %broadcast_in_dim3A_1707 : vector<512x1xf32>
      %get3A_1709 = arith.constant 0 : index
      %get3A_1710 = arith.constant 2560 : index
      %get3A_1711 = vector.load %arg12[%get3A_1709, %get3A_1710] : memref<8x4096xf32, #tpu.memory_space<vmem>>, vector<8x512xf32>
      %dot_general3A_1712 = arith.constant dense<0.000000e+00> : vector<512x512xf32>
      %dot_general3A_1713 = tpu.matmul %get3A_1609, %get3A_1711, %dot_general3A_1712 {dimension_numbers = #tpu.dot_dimension_numbers<[1], [0], [0], [1], [0, 0, 1, 1], [], []>, transpose_lhs_hint = false} : vector<512x8xf32>, vector<8x512xf32>, vector<512x512xf32> -> vector<512x512xf32>
      %reduce_max3A_1714 = arith.constant dense<0xFF800000> : vector<512xf32>
      %reduce_max3A_1715 = vector.multi_reduction <maximumf>, %dot_general3A_1713, %reduce_max3A_1714 [1] : vector<512x512xf32> to vector<512xf32>
      %broadcast_in_dim3A_1716 = vector.shape_cast %reduce_max3A_1715 : vector<512xf32> to vector<512x1xf32>
      %max3A_1717 = arith.maximumf %max3A_1698, %broadcast_in_dim3A_1716 : vector<512x1xf32>
      %sub3A_1718 = arith.subf %max3A_1698, %max3A_1717 : vector<512x1xf32>
      %exp23A_1719 = math.exp2 %sub3A_1718 : vector<512x1xf32>
      %mul3A_1720 = arith.mulf %add3A_1708, %exp23A_1719 : vector<512x1xf32>
      %sub3A_1721 = vector.broadcast %max3A_1717 : vector<512x1xf32> to vector<512x512xf32>
      %sub3A_1722 = arith.subf %dot_general3A_1713, %sub3A_1721 : vector<512x512xf32>
      %exp23A_1723 = math.exp2 %sub3A_1722 : vector<512x512xf32>
      %reduce_sum3A_1724 = arith.constant dense<0.000000e+00> : vector<512xf32>
      %reduce_sum3A_1725 = vector.multi_reduction <add>, %exp23A_1723, %reduce_sum3A_1724 [1] : vector<512x512xf32> to vector<512xf32>
      %broadcast_in_dim3A_1726 = vector.shape_cast %reduce_sum3A_1725 : vector<512xf32> to vector<512x1xf32>
      %add3A_1727 = arith.addf %mul3A_1720, %broadcast_in_dim3A_1726 : vector<512x1xf32>
      %get3A_1728 = arith.constant 0 : index
      %get3A_1729 = arith.constant 3072 : index
      %get3A_1730 = vector.load %arg12[%get3A_1728, %get3A_1729] : memref<8x4096xf32, #tpu.memory_space<vmem>>, vector<8x512xf32>
      %dot_general3A_1731 = arith.constant dense<0.000000e+00> : vector<512x512xf32>
      %dot_general3A_1732 = tpu.matmul %get3A_1609, %get3A_1730, %dot_general3A_1731 {dimension_numbers = #tpu.dot_dimension_numbers<[1], [0], [0], [1], [0, 0, 1, 1], [], []>, transpose_lhs_hint = false} : vector<512x8xf32>, vector<8x512xf32>, vector<512x512xf32> -> vector<512x512xf32>
      %reduce_max3A_1733 = arith.constant dense<0xFF800000> : vector<512xf32>
      %reduce_max3A_1734 = vector.multi_reduction <maximumf>, %dot_general3A_1732, %reduce_max3A_1733 [1] : vector<512x512xf32> to vector<512xf32>
      %broadcast_in_dim3A_1735 = vector.shape_cast %reduce_max3A_1734 : vector<512xf32> to vector<512x1xf32>
      %max3A_1736 = arith.maximumf %max3A_1717, %broadcast_in_dim3A_1735 : vector<512x1xf32>
      %sub3A_1737 = arith.subf %max3A_1717, %max3A_1736 : vector<512x1xf32>
      %exp23A_1738 = math.exp2 %sub3A_1737 : vector<512x1xf32>
      %mul3A_1739 = arith.mulf %add3A_1727, %exp23A_1738 : vector<512x1xf32>
      %sub3A_1740 = vector.broadcast %max3A_1736 : vector<512x1xf32> to vector<512x512xf32>
      %sub3A_1741 = arith.subf %dot_general3A_1732, %sub3A_1740 : vector<512x512xf32>
      %exp23A_1742 = math.exp2 %sub3A_1741 : vector<512x512xf32>
      %reduce_sum3A_1743 = arith.constant dense<0.000000e+00> : vector<512xf32>
      %reduce_sum3A_1744 = vector.multi_reduction <add>, %exp23A_1742, %reduce_sum3A_1743 [1] : vector<512x512xf32> to vector<512xf32>
      %broadcast_in_dim3A_1745 = vector.shape_cast %reduce_sum3A_1744 : vector<512xf32> to vector<512x1xf32>
      %add3A_1746 = arith.addf %mul3A_1739, %broadcast_in_dim3A_1745 : vector<512x1xf32>
      %get3A_1747 = arith.constant 0 : index
      %get3A_1748 = arith.constant 3584 : index
      %get3A_1749 = vector.load %arg12[%get3A_1747, %get3A_1748] : memref<8x4096xf32, #tpu.memory_space<vmem>>, vector<8x512xf32>
      %dot_general3A_1750 = arith.constant dense<0.000000e+00> : vector<512x512xf32>
      %dot_general3A_1751 = tpu.matmul %get3A_1609, %get3A_1749, %dot_general3A_1750 {dimension_numbers = #tpu.dot_dimension_numbers<[1], [0], [0], [1], [0, 0, 1, 1], [], []>, transpose_lhs_hint = false} : vector<512x8xf32>, vector<8x512xf32>, vector<512x512xf32> -> vector<512x512xf32>
      %reduce_max3A_1752 = arith.constant dense<0xFF800000> : vector<512xf32>
      %reduce_max3A_1753 = vector.multi_reduction <maximumf>, %dot_general3A_1751, %reduce_max3A_1752 [1] : vector<512x512xf32> to vector<512xf32>
      %broadcast_in_dim3A_1754 = vector.shape_cast %reduce_max3A_1753 : vector<512xf32> to vector<512x1xf32>
      %max3A_1755 = arith.maximumf %max3A_1736, %broadcast_in_dim3A_1754 : vector<512x1xf32>
      %sub3A_1756 = arith.subf %max3A_1736, %max3A_1755 : vector<512x1xf32>
      %exp23A_1757 = math.exp2 %sub3A_1756 : vector<512x1xf32>
      %mul3A_1758 = arith.mulf %add3A_1746, %exp23A_1757 : vector<512x1xf32>
      %sub3A_1759 = vector.broadcast %max3A_1755 : vector<512x1xf32> to vector<512x512xf32>
      %sub3A_1760 = arith.subf %dot_general3A_1751, %sub3A_1759 : vector<512x512xf32>
      %exp23A_1761 = math.exp2 %sub3A_1760 : vector<512x512xf32>
      %reduce_sum3A_1762 = arith.constant dense<0.000000e+00> : vector<512xf32>
      %reduce_sum3A_1763 = vector.multi_reduction <add>, %exp23A_1761, %reduce_sum3A_1762 [1] : vector<512x512xf32> to vector<512xf32>
      %broadcast_in_dim3A_1764 = vector.shape_cast %reduce_sum3A_1763 : vector<512xf32> to vector<512x1xf32>
      %add3A_1765 = arith.addf %mul3A_1758, %broadcast_in_dim3A_1764 : vector<512x1xf32>
      %neg3A_1766 = arith.constant 0.000000e+00 : f32
      %neg3A_1767 = arith.subf %neg3A_1766, %get3A_104 : f32
      %log3A_1768 = math.log %add3A_1765 : vector<512x1xf32>
      %log3A_1769 = arith.constant 2.000000e+00 : f32
      %log3A_1770 = math.log %log3A_1769 : f32
      %div3A_1771 = vector.broadcast %log3A_1770 : f32 to vector<512x1xf32>
      %div3A_1772 = arith.divf %log3A_1768, %div3A_1771 : vector<512x1xf32>
      %add3A_1773 = arith.addf %div3A_1772, %max3A_1755 : vector<512x1xf32>
      %mul3A_1774 = arith.constant 0.693147182 : f32
      %mul3A_1775 = vector.broadcast %mul3A_1774 : f32 to vector<512x1xf32>
      %mul3A_1776 = arith.mulf %add3A_1773, %mul3A_1775 : vector<512x1xf32>
      %add3A_1777 = arith.constant -8.31776618 : f32
      %add3A_1778 = vector.broadcast %add3A_1777 : f32 to vector<512x1xf32>
      %add3A_1779 = arith.addf %mul3A_1776, %add3A_1778 : vector<512x1xf32>
      %mul3A_1780 = vector.broadcast %neg3A_1767 : f32 to vector<512x1xf32>
      %mul3A_1781 = arith.mulf %mul3A_1780, %add3A_1779 : vector<512x1xf32>
      %swap3A_1782 = arith.index_cast %mul3A_1606 : i32 to index
      %swap3A_1783 = arith.constant 0 : index
      %swap3A_1784 = vector.load %arg8[%swap3A_1782, %swap3A_1783] : memref<4096x1xf32, #tpu.memory_space<vmem>>, vector<512x1xf32>
      tpu.vector_store %arg8[%swap3A_1782, %swap3A_1783], %mul3A_1781 {strides = array<i32>} : memref<4096x1xf32, #tpu.memory_space<vmem>>, vector<512x1xf32>,
      %scan3A_1785 = arith.constant 1 : i32
      %mul3A_1786 = arith.constant 512 : i32
      %mul3A_1787 = arith.muli %scan3A_1785, %mul3A_1786 : i32
      %get3A_1788 = arith.index_cast %mul3A_1787 : i32 to index
      %get3A_1789 = arith.constant 0 : index
      %get3A_1790 = vector.load %arg11[%get3A_1788, %get3A_1789] : memref<4096x8xf32, #tpu.memory_space<vmem>>, vector<512x8xf32>
      %broadcast_in_dim3A_1791 = arith.constant -1.000000e+30 : f32
      %broadcast_in_dim3A_1792 = vector.broadcast %broadcast_in_dim3A_1791 : f32 to vector<512x1xf32>
      %broadcast_in_dim3A_1793 = arith.constant 0.000000e+00 : f32
      %broadcast_in_dim3A_1794 = vector.broadcast %broadcast_in_dim3A_1793 : f32 to vector<512x1xf32>
      %get3A_1795 = arith.constant 0 : index
      %get3A_1796 = arith.constant 0 : index
      %get3A_1797 = vector.load %arg12[%get3A_1795, %get3A_1796] : memref<8x4096xf32, #tpu.memory_space<vmem>>, vector<8x512xf32>
      %dot_general3A_1798 = arith.constant dense<0.000000e+00> : vector<512x512xf32>
      %dot_general3A_1799 = tpu.matmul %get3A_1790, %get3A_1797, %dot_general3A_1798 {dimension_numbers = #tpu.dot_dimension_numbers<[1], [0], [0], [1], [0, 0, 1, 1], [], []>, transpose_lhs_hint = false} : vector<512x8xf32>, vector<8x512xf32>, vector<512x512xf32> -> vector<512x512xf32>
      %reduce_max3A_1800 = arith.constant dense<0xFF800000> : vector<512xf32>
      %reduce_max3A_1801 = vector.multi_reduction <maximumf>, %dot_general3A_1799, %reduce_max3A_1800 [1] : vector<512x512xf32> to vector<512xf32>
      %broadcast_in_dim3A_1802 = vector.shape_cast %reduce_max3A_1801 : vector<512xf32> to vector<512x1xf32>
      %max3A_1803 = arith.maximumf %broadcast_in_dim3A_1792, %broadcast_in_dim3A_1802 : vector<512x1xf32>
      %sub3A_1804 = arith.subf %broadcast_in_dim3A_1792, %max3A_1803 : vector<512x1xf32>
      %exp23A_1805 = math.exp2 %sub3A_1804 : vector<512x1xf32>
      %mul3A_1806 = arith.mulf %broadcast_in_dim3A_1794, %exp23A_1805 : vector<512x1xf32>
      %sub3A_1807 = vector.broadcast %max3A_1803 : vector<512x1xf32> to vector<512x512xf32>
      %sub3A_1808 = arith.subf %dot_general3A_1799, %sub3A_1807 : vector<512x512xf32>
      %exp23A_1809 = math.exp2 %sub3A_1808 : vector<512x512xf32>
      %reduce_sum3A_1810 = arith.constant dense<0.000000e+00> : vector<512xf32>
      %reduce_sum3A_1811 = vector.multi_reduction <add>, %exp23A_1809, %reduce_sum3A_1810 [1] : vector<512x512xf32> to vector<512xf32>
      %broadcast_in_dim3A_1812 = vector.shape_cast %reduce_sum3A_1811 : vector<512xf32> to vector<512x1xf32>
      %add3A_1813 = arith.addf %mul3A_1806, %broadcast_in_dim3A_1812 : vector<512x1xf32>
      %get3A_1814 = arith.constant 0 : index
      %get3A_1815 = arith.constant 512 : index
      %get3A_1816 = vector.load %arg12[%get3A_1814, %get3A_1815] : memref<8x4096xf32, #tpu.memory_space<vmem>>, vector<8x512xf32>
      %dot_general3A_1817 = arith.constant dense<0.000000e+00> : vector<512x512xf32>
      %dot_general3A_1818 = tpu.matmul %get3A_1790, %get3A_1816, %dot_general3A_1817 {dimension_numbers = #tpu.dot_dimension_numbers<[1], [0], [0], [1], [0, 0, 1, 1], [], []>, transpose_lhs_hint = false} : vector<512x8xf32>, vector<8x512xf32>, vector<512x512xf32> -> vector<512x512xf32>
      %reduce_max3A_1819 = arith.constant dense<0xFF800000> : vector<512xf32>
      %reduce_max3A_1820 = vector.multi_reduction <maximumf>, %dot_general3A_1818, %reduce_max3A_1819 [1] : vector<512x512xf32> to vector<512xf32>
      %broadcast_in_dim3A_1821 = vector.shape_cast %reduce_max3A_1820 : vector<512xf32> to vector<512x1xf32>
      %max3A_1822 = arith.maximumf %max3A_1803, %broadcast_in_dim3A_1821 : vector<512x1xf32>
      %sub3A_1823 = arith.subf %max3A_1803, %max3A_1822 : vector<512x1xf32>
      %exp23A_1824 = math.exp2 %sub3A_1823 : vector<512x1xf32>
      %mul3A_1825 = arith.mulf %add3A_1813, %exp23A_1824 : vector<512x1xf32>
      %sub3A_1826 = vector.broadcast %max3A_1822 : vector<512x1xf32> to vector<512x512xf32>
      %sub3A_1827 = arith.subf %dot_general3A_1818, %sub3A_1826 : vector<512x512xf32>
      %exp23A_1828 = math.exp2 %sub3A_1827 : vector<512x512xf32>
      %reduce_sum3A_1829 = arith.constant dense<0.000000e+00> : vector<512xf32>
      %reduce_sum3A_1830 = vector.multi_reduction <add>, %exp23A_1828, %reduce_sum3A_1829 [1] : vector<512x512xf32> to vector<512xf32>
      %broadcast_in_dim3A_1831 = vector.shape_cast %reduce_sum3A_1830 : vector<512xf32> to vector<512x1xf32>
      %add3A_1832 = arith.addf %mul3A_1825, %broadcast_in_dim3A_1831 : vector<512x1xf32>
      %get3A_1833 = arith.constant 0 : index
      %get3A_1834 = arith.constant 1024 : index
      %get3A_1835 = vector.load %arg12[%get3A_1833, %get3A_1834] : memref<8x4096xf32, #tpu.memory_space<vmem>>, vector<8x512xf32>
      %dot_general3A_1836 = arith.constant dense<0.000000e+00> : vector<512x512xf32>
      %dot_general3A_1837 = tpu.matmul %get3A_1790, %get3A_1835, %dot_general3A_1836 {dimension_numbers = #tpu.dot_dimension_numbers<[1], [0], [0], [1], [0, 0, 1, 1], [], []>, transpose_lhs_hint = false} : vector<512x8xf32>, vector<8x512xf32>, vector<512x512xf32> -> vector<512x512xf32>
      %reduce_max3A_1838 = arith.constant dense<0xFF800000> : vector<512xf32>
      %reduce_max3A_1839 = vector.multi_reduction <maximumf>, %dot_general3A_1837, %reduce_max3A_1838 [1] : vector<512x512xf32> to vector<512xf32>
      %broadcast_in_dim3A_1840 = vector.shape_cast %reduce_max3A_1839 : vector<512xf32> to vector<512x1xf32>
      %max3A_1841 = arith.maximumf %max3A_1822, %broadcast_in_dim3A_1840 : vector<512x1xf32>
      %sub3A_1842 = arith.subf %max3A_1822, %max3A_1841 : vector<512x1xf32>
      %exp23A_1843 = math.exp2 %sub3A_1842 : vector<512x1xf32>
      %mul3A_1844 = arith.mulf %add3A_1832, %exp23A_1843 : vector<512x1xf32>
      %sub3A_1845 = vector.broadcast %max3A_1841 : vector<512x1xf32> to vector<512x512xf32>
      %sub3A_1846 = arith.subf %dot_general3A_1837, %sub3A_1845 : vector<512x512xf32>
      %exp23A_1847 = math.exp2 %sub3A_1846 : vector<512x512xf32>
      %reduce_sum3A_1848 = arith.constant dense<0.000000e+00> : vector<512xf32>
      %reduce_sum3A_1849 = vector.multi_reduction <add>, %exp23A_1847, %reduce_sum3A_1848 [1] : vector<512x512xf32> to vector<512xf32>
      %broadcast_in_dim3A_1850 = vector.shape_cast %reduce_sum3A_1849 : vector<512xf32> to vector<512x1xf32>
      %add3A_1851 = arith.addf %mul3A_1844, %broadcast_in_dim3A_1850 : vector<512x1xf32>
      %get3A_1852 = arith.constant 0 : index
      %get3A_1853 = arith.constant 1536 : index
      %get3A_1854 = vector.load %arg12[%get3A_1852, %get3A_1853] : memref<8x4096xf32, #tpu.memory_space<vmem>>, vector<8x512xf32>
      %dot_general3A_1855 = arith.constant dense<0.000000e+00> : vector<512x512xf32>
      %dot_general3A_1856 = tpu.matmul %get3A_1790, %get3A_1854, %dot_general3A_1855 {dimension_numbers = #tpu.dot_dimension_numbers<[1], [0], [0], [1], [0, 0, 1, 1], [], []>, transpose_lhs_hint = false} : vector<512x8xf32>, vector<8x512xf32>, vector<512x512xf32> -> vector<512x512xf32>
      %reduce_max3A_1857 = arith.constant dense<0xFF800000> : vector<512xf32>
      %reduce_max3A_1858 = vector.multi_reduction <maximumf>, %dot_general3A_1856, %reduce_max3A_1857 [1] : vector<512x512xf32> to vector<512xf32>
      %broadcast_in_dim3A_1859 = vector.shape_cast %reduce_max3A_1858 : vector<512xf32> to vector<512x1xf32>
      %max3A_1860 = arith.maximumf %max3A_1841, %broadcast_in_dim3A_1859 : vector<512x1xf32>
      %sub3A_1861 = arith.subf %max3A_1841, %max3A_1860 : vector<512x1xf32>
      %exp23A_1862 = math.exp2 %sub3A_1861 : vector<512x1xf32>
      %mul3A_1863 = arith.mulf %add3A_1851, %exp23A_1862 : vector<512x1xf32>
      %sub3A_1864 = vector.broadcast %max3A_1860 : vector<512x1xf32> to vector<512x512xf32>
      %sub3A_1865 = arith.subf %dot_general3A_1856, %sub3A_1864 : vector<512x512xf32>
      %exp23A_1866 = math.exp2 %sub3A_1865 : vector<512x512xf32>
      %reduce_sum3A_1867 = arith.constant dense<0.000000e+00> : vector<512xf32>
      %reduce_sum3A_1868 = vector.multi_reduction <add>, %exp23A_1866, %reduce_sum3A_1867 [1] : vector<512x512xf32> to vector<512xf32>
      %broadcast_in_dim3A_1869 = vector.shape_cast %reduce_sum3A_1868 : vector<512xf32> to vector<512x1xf32>
      %add3A_1870 = arith.addf %mul3A_1863, %broadcast_in_dim3A_1869 : vector<512x1xf32>
      %get3A_1871 = arith.constant 0 : index
      %get3A_1872 = arith.constant 2048 : index
      %get3A_1873 = vector.load %arg12[%get3A_1871, %get3A_1872] : memref<8x4096xf32, #tpu.memory_space<vmem>>, vector<8x512xf32>
      %dot_general3A_1874 = arith.constant dense<0.000000e+00> : vector<512x512xf32>
      %dot_general3A_1875 = tpu.matmul %get3A_1790, %get3A_1873, %dot_general3A_1874 {dimension_numbers = #tpu.dot_dimension_numbers<[1], [0], [0], [1], [0, 0, 1, 1], [], []>, transpose_lhs_hint = false} : vector<512x8xf32>, vector<8x512xf32>, vector<512x512xf32> -> vector<512x512xf32>
      %reduce_max3A_1876 = arith.constant dense<0xFF800000> : vector<512xf32>
      %reduce_max3A_1877 = vector.multi_reduction <maximumf>, %dot_general3A_1875, %reduce_max3A_1876 [1] : vector<512x512xf32> to vector<512xf32>
      %broadcast_in_dim3A_1878 = vector.shape_cast %reduce_max3A_1877 : vector<512xf32> to vector<512x1xf32>
      %max3A_1879 = arith.maximumf %max3A_1860, %broadcast_in_dim3A_1878 : vector<512x1xf32>
      %sub3A_1880 = arith.subf %max3A_1860, %max3A_1879 : vector<512x1xf32>
      %exp23A_1881 = math.exp2 %sub3A_1880 : vector<512x1xf32>
      %mul3A_1882 = arith.mulf %add3A_1870, %exp23A_1881 : vector<512x1xf32>
      %sub3A_1883 = vector.broadcast %max3A_1879 : vector<512x1xf32> to vector<512x512xf32>
      %sub3A_1884 = arith.subf %dot_general3A_1875, %sub3A_1883 : vector<512x512xf32>
      %exp23A_1885 = math.exp2 %sub3A_1884 : vector<512x512xf32>
      %reduce_sum3A_1886 = arith.constant dense<0.000000e+00> : vector<512xf32>
      %reduce_sum3A_1887 = vector.multi_reduction <add>, %exp23A_1885, %reduce_sum3A_1886 [1] : vector<512x512xf32> to vector<512xf32>
      %broadcast_in_dim3A_1888 = vector.shape_cast %reduce_sum3A_1887 : vector<512xf32> to vector<512x1xf32>
      %add3A_1889 = arith.addf %mul3A_1882, %broadcast_in_dim3A_1888 : vector<512x1xf32>
      %get3A_1890 = arith.constant 0 : index
      %get3A_1891 = arith.constant 2560 : index
      %get3A_1892 = vector.load %arg12[%get3A_1890, %get3A_1891] : memref<8x4096xf32, #tpu.memory_space<vmem>>, vector<8x512xf32>
      %dot_general3A_1893 = arith.constant dense<0.000000e+00> : vector<512x512xf32>
      %dot_general3A_1894 = tpu.matmul %get3A_1790, %get3A_1892, %dot_general3A_1893 {dimension_numbers = #tpu.dot_dimension_numbers<[1], [0], [0], [1], [0, 0, 1, 1], [], []>, transpose_lhs_hint = false} : vector<512x8xf32>, vector<8x512xf32>, vector<512x512xf32> -> vector<512x512xf32>
      %reduce_max3A_1895 = arith.constant dense<0xFF800000> : vector<512xf32>
      %reduce_max3A_1896 = vector.multi_reduction <maximumf>, %dot_general3A_1894, %reduce_max3A_1895 [1] : vector<512x512xf32> to vector<512xf32>
      %broadcast_in_dim3A_1897 = vector.shape_cast %reduce_max3A_1896 : vector<512xf32> to vector<512x1xf32>
      %max3A_1898 = arith.maximumf %max3A_1879, %broadcast_in_dim3A_1897 : vector<512x1xf32>
      %sub3A_1899 = arith.subf %max3A_1879, %max3A_1898 : vector<512x1xf32>
      %exp23A_1900 = math.exp2 %sub3A_1899 : vector<512x1xf32>
      %mul3A_1901 = arith.mulf %add3A_1889, %exp23A_1900 : vector<512x1xf32>
      %sub3A_1902 = vector.broadcast %max3A_1898 : vector<512x1xf32> to vector<512x512xf32>
      %sub3A_1903 = arith.subf %dot_general3A_1894, %sub3A_1902 : vector<512x512xf32>
      %exp23A_1904 = math.exp2 %sub3A_1903 : vector<512x512xf32>
      %reduce_sum3A_1905 = arith.constant dense<0.000000e+00> : vector<512xf32>
      %reduce_sum3A_1906 = vector.multi_reduction <add>, %exp23A_1904, %reduce_sum3A_1905 [1] : vector<512x512xf32> to vector<512xf32>
      %broadcast_in_dim3A_1907 = vector.shape_cast %reduce_sum3A_1906 : vector<512xf32> to vector<512x1xf32>
      %add3A_1908 = arith.addf %mul3A_1901, %broadcast_in_dim3A_1907 : vector<512x1xf32>
      %get3A_1909 = arith.constant 0 : index
      %get3A_1910 = arith.constant 3072 : index
      %get3A_1911 = vector.load %arg12[%get3A_1909, %get3A_1910] : memref<8x4096xf32, #tpu.memory_space<vmem>>, vector<8x512xf32>
      %dot_general3A_1912 = arith.constant dense<0.000000e+00> : vector<512x512xf32>
      %dot_general3A_1913 = tpu.matmul %get3A_1790, %get3A_1911, %dot_general3A_1912 {dimension_numbers = #tpu.dot_dimension_numbers<[1], [0], [0], [1], [0, 0, 1, 1], [], []>, transpose_lhs_hint = false} : vector<512x8xf32>, vector<8x512xf32>, vector<512x512xf32> -> vector<512x512xf32>
      %reduce_max3A_1914 = arith.constant dense<0xFF800000> : vector<512xf32>
      %reduce_max3A_1915 = vector.multi_reduction <maximumf>, %dot_general3A_1913, %reduce_max3A_1914 [1] : vector<512x512xf32> to vector<512xf32>
      %broadcast_in_dim3A_1916 = vector.shape_cast %reduce_max3A_1915 : vector<512xf32> to vector<512x1xf32>
      %max3A_1917 = arith.maximumf %max3A_1898, %broadcast_in_dim3A_1916 : vector<512x1xf32>
      %sub3A_1918 = arith.subf %max3A_1898, %max3A_1917 : vector<512x1xf32>
      %exp23A_1919 = math.exp2 %sub3A_1918 : vector<512x1xf32>
      %mul3A_1920 = arith.mulf %add3A_1908, %exp23A_1919 : vector<512x1xf32>
      %sub3A_1921 = vector.broadcast %max3A_1917 : vector<512x1xf32> to vector<512x512xf32>
      %sub3A_1922 = arith.subf %dot_general3A_1913, %sub3A_1921 : vector<512x512xf32>
      %exp23A_1923 = math.exp2 %sub3A_1922 : vector<512x512xf32>
      %reduce_sum3A_1924 = arith.constant dense<0.000000e+00> : vector<512xf32>
      %reduce_sum3A_1925 = vector.multi_reduction <add>, %exp23A_1923, %reduce_sum3A_1924 [1] : vector<512x512xf32> to vector<512xf32>
      %broadcast_in_dim3A_1926 = vector.shape_cast %reduce_sum3A_1925 : vector<512xf32> to vector<512x1xf32>
      %add3A_1927 = arith.addf %mul3A_1920, %broadcast_in_dim3A_1926 : vector<512x1xf32>
      %get3A_1928 = arith.constant 0 : index
      %get3A_1929 = arith.constant 3584 : index
      %get3A_1930 = vector.load %arg12[%get3A_1928, %get3A_1929] : memref<8x4096xf32, #tpu.memory_space<vmem>>, vector<8x512xf32>
      %dot_general3A_1931 = arith.constant dense<0.000000e+00> : vector<512x512xf32>
      %dot_general3A_1932 = tpu.matmul %get3A_1790, %get3A_1930, %dot_general3A_1931 {dimension_numbers = #tpu.dot_dimension_numbers<[1], [0], [0], [1], [0, 0, 1, 1], [], []>, transpose_lhs_hint = false} : vector<512x8xf32>, vector<8x512xf32>, vector<512x512xf32> -> vector<512x512xf32>
      %reduce_max3A_1933 = arith.constant dense<0xFF800000> : vector<512xf32>
      %reduce_max3A_1934 = vector.multi_reduction <maximumf>, %dot_general3A_1932, %reduce_max3A_1933 [1] : vector<512x512xf32> to vector<512xf32>
      %broadcast_in_dim3A_1935 = vector.shape_cast %reduce_max3A_1934 : vector<512xf32> to vector<512x1xf32>
      %max3A_1936 = arith.maximumf %max3A_1917, %broadcast_in_dim3A_1935 : vector<512x1xf32>
      %sub3A_1937 = arith.subf %max3A_1917, %max3A_1936 : vector<512x1xf32>
      %exp23A_1938 = math.exp2 %sub3A_1937 : vector<512x1xf32>
      %mul3A_1939 = arith.mulf %add3A_1927, %exp23A_1938 : vector<512x1xf32>
      %sub3A_1940 = vector.broadcast %max3A_1936 : vector<512x1xf32> to vector<512x512xf32>
      %sub3A_1941 = arith.subf %dot_general3A_1932, %sub3A_1940 : vector<512x512xf32>
      %exp23A_1942 = math.exp2 %sub3A_1941 : vector<512x512xf32>
      %reduce_sum3A_1943 = arith.constant dense<0.000000e+00> : vector<512xf32>
      %reduce_sum3A_1944 = vector.multi_reduction <add>, %exp23A_1942, %reduce_sum3A_1943 [1] : vector<512x512xf32> to vector<512xf32>
      %broadcast_in_dim3A_1945 = vector.shape_cast %reduce_sum3A_1944 : vector<512xf32> to vector<512x1xf32>
      %add3A_1946 = arith.addf %mul3A_1939, %broadcast_in_dim3A_1945 : vector<512x1xf32>
      %neg3A_1947 = arith.constant 0.000000e+00 : f32
      %neg3A_1948 = arith.subf %neg3A_1947, %get3A_104 : f32
      %log3A_1949 = math.log %add3A_1946 : vector<512x1xf32>
      %log3A_1950 = arith.constant 2.000000e+00 : f32
      %log3A_1951 = math.log %log3A_1950 : f32
      %div3A_1952 = vector.broadcast %log3A_1951 : f32 to vector<512x1xf32>
      %div3A_1953 = arith.divf %log3A_1949, %div3A_1952 : vector<512x1xf32>
      %add3A_1954 = arith.addf %div3A_1953, %max3A_1936 : vector<512x1xf32>
      %mul3A_1955 = arith.constant 0.693147182 : f32
      %mul3A_1956 = vector.broadcast %mul3A_1955 : f32 to vector<512x1xf32>
      %mul3A_1957 = arith.mulf %add3A_1954, %mul3A_1956 : vector<512x1xf32>
      %add3A_1958 = arith.constant -8.31776618 : f32
      %add3A_1959 = vector.broadcast %add3A_1958 : f32 to vector<512x1xf32>
      %add3A_1960 = arith.addf %mul3A_1957, %add3A_1959 : vector<512x1xf32>
      %mul3A_1961 = vector.broadcast %neg3A_1948 : f32 to vector<512x1xf32>
      %mul3A_1962 = arith.mulf %mul3A_1961, %add3A_1960 : vector<512x1xf32>
      %swap3A_1963 = arith.index_cast %mul3A_1787 : i32 to index
      %swap3A_1964 = arith.constant 0 : index
      %swap3A_1965 = vector.load %arg8[%swap3A_1963, %swap3A_1964] : memref<4096x1xf32, #tpu.memory_space<vmem>>, vector<512x1xf32>
      tpu.vector_store %arg8[%swap3A_1963, %swap3A_1964], %mul3A_1962 {strides = array<i32>} : memref<4096x1xf32, #tpu.memory_space<vmem>>, vector<512x1xf32>,
      %scan3A_1966 = arith.constant 2 : i32
      %mul3A_1967 = arith.constant 512 : i32
      %mul3A_1968 = arith.muli %scan3A_1966, %mul3A_1967 : i32
      %get3A_1969 = arith.index_cast %mul3A_1968 : i32 to index
      %get3A_1970 = arith.constant 0 : index
      %get3A_1971 = vector.load %arg11[%get3A_1969, %get3A_1970] : memref<4096x8xf32, #tpu.memory_space<vmem>>, vector<512x8xf32>
      %broadcast_in_dim3A_1972 = arith.constant -1.000000e+30 : f32
      %broadcast_in_dim3A_1973 = vector.broadcast %broadcast_in_dim3A_1972 : f32 to vector<512x1xf32>
      %broadcast_in_dim3A_1974 = arith.constant 0.000000e+00 : f32
      %broadcast_in_dim3A_1975 = vector.broadcast %broadcast_in_dim3A_1974 : f32 to vector<512x1xf32>
      %get3A_1976 = arith.constant 0 : index
      %get3A_1977 = arith.constant 0 : index
      %get3A_1978 = vector.load %arg12[%get3A_1976, %get3A_1977] : memref<8x4096xf32, #tpu.memory_space<vmem>>, vector<8x512xf32>
      %dot_general3A_1979 = arith.constant dense<0.000000e+00> : vector<512x512xf32>
      %dot_general3A_1980 = tpu.matmul %get3A_1971, %get3A_1978, %dot_general3A_1979 {dimension_numbers = #tpu.dot_dimension_numbers<[1], [0], [0], [1], [0, 0, 1, 1], [], []>, transpose_lhs_hint = false} : vector<512x8xf32>, vector<8x512xf32>, vector<512x512xf32> -> vector<512x512xf32>
      %reduce_max3A_1981 = arith.constant dense<0xFF800000> : vector<512xf32>
      %reduce_max3A_1982 = vector.multi_reduction <maximumf>, %dot_general3A_1980, %reduce_max3A_1981 [1] : vector<512x512xf32> to vector<512xf32>
      %broadcast_in_dim3A_1983 = vector.shape_cast %reduce_max3A_1982 : vector<512xf32> to vector<512x1xf32>
      %max3A_1984 = arith.maximumf %broadcast_in_dim3A_1973, %broadcast_in_dim3A_1983 : vector<512x1xf32>
      %sub3A_1985 = arith.subf %broadcast_in_dim3A_1973, %max3A_1984 : vector<512x1xf32>
      %exp23A_1986 = math.exp2 %sub3A_1985 : vector<512x1xf32>
      %mul3A_1987 = arith.mulf %broadcast_in_dim3A_1975, %exp23A_1986 : vector<512x1xf32>
      %sub3A_1988 = vector.broadcast %max3A_1984 : vector<512x1xf32> to vector<512x512xf32>
      %sub3A_1989 = arith.subf %dot_general3A_1980, %sub3A_1988 : vector<512x512xf32>
      %exp23A_1990 = math.exp2 %sub3A_1989 : vector<512x512xf32>
      %reduce_sum3A_1991 = arith.constant dense<0.000000e+00> : vector<512xf32>
      %reduce_sum3A_1992 = vector.multi_reduction <add>, %exp23A_1990, %reduce_sum3A_1991 [1] : vector<512x512xf32> to vector<512xf32>
      %broadcast_in_dim3A_1993 = vector.shape_cast %reduce_sum3A_1992 : vector<512xf32> to vector<512x1xf32>
      %add3A_1994 = arith.addf %mul3A_1987, %broadcast_in_dim3A_1993 : vector<512x1xf32>
      %get3A_1995 = arith.constant 0 : index
      %get3A_1996 = arith.constant 512 : index
      %get3A_1997 = vector.load %arg12[%get3A_1995, %get3A_1996] : memref<8x4096xf32, #tpu.memory_space<vmem>>, vector<8x512xf32>
      %dot_general3A_1998 = arith.constant dense<0.000000e+00> : vector<512x512xf32>
      %dot_general3A_1999 = tpu.matmul %get3A_1971, %get3A_1997, %dot_general3A_1998 {dimension_numbers = #tpu.dot_dimension_numbers<[1], [0], [0], [1], [0, 0, 1, 1], [], []>, transpose_lhs_hint = false} : vector<512x8xf32>, vector<8x512xf32>, vector<512x512xf32> -> vector<512x512xf32>
      %reduce_max3A_2000 = arith.constant dense<0xFF800000> : vector<512xf32>
      %reduce_max3A_2001 = vector.multi_reduction <maximumf>, %dot_general3A_1999, %reduce_max3A_2000 [1] : vector<512x512xf32> to vector<512xf32>
      %broadcast_in_dim3A_2002 = vector.shape_cast %reduce_max3A_2001 : vector<512xf32> to vector<512x1xf32>
      %max3A_2003 = arith.maximumf %max3A_1984, %broadcast_in_dim3A_2002 : vector<512x1xf32>
      %sub3A_2004 = arith.subf %max3A_1984, %max3A_2003 : vector<512x1xf32>
      %exp23A_2005 = math.exp2 %sub3A_2004 : vector<512x1xf32>
      %mul3A_2006 = arith.mulf %add3A_1994, %exp23A_2005 : vector<512x1xf32>
      %sub3A_2007 = vector.broadcast %max3A_2003 : vector<512x1xf32> to vector<512x512xf32>
      %sub3A_2008 = arith.subf %dot_general3A_1999, %sub3A_2007 : vector<512x512xf32>
      %exp23A_2009 = math.exp2 %sub3A_2008 : vector<512x512xf32>
      %reduce_sum3A_2010 = arith.constant dense<0.000000e+00> : vector<512xf32>
      %reduce_sum3A_2011 = vector.multi_reduction <add>, %exp23A_2009, %reduce_sum3A_2010 [1] : vector<512x512xf32> to vector<512xf32>
      %broadcast_in_dim3A_2012 = vector.shape_cast %reduce_sum3A_2011 : vector<512xf32> to vector<512x1xf32>
      %add3A_2013 = arith.addf %mul3A_2006, %broadcast_in_dim3A_2012 : vector<512x1xf32>
      %get3A_2014 = arith.constant 0 : index
      %get3A_2015 = arith.constant 1024 : index
      %get3A_2016 = vector.load %arg12[%get3A_2014, %get3A_2015] : memref<8x4096xf32, #tpu.memory_space<vmem>>, vector<8x512xf32>
      %dot_general3A_2017 = arith.constant dense<0.000000e+00> : vector<512x512xf32>
      %dot_general3A_2018 = tpu.matmul %get3A_1971, %get3A_2016, %dot_general3A_2017 {dimension_numbers = #tpu.dot_dimension_numbers<[1], [0], [0], [1], [0, 0, 1, 1], [], []>, transpose_lhs_hint = false} : vector<512x8xf32>, vector<8x512xf32>, vector<512x512xf32> -> vector<512x512xf32>
      %reduce_max3A_2019 = arith.constant dense<0xFF800000> : vector<512xf32>
      %reduce_max3A_2020 = vector.multi_reduction <maximumf>, %dot_general3A_2018, %reduce_max3A_2019 [1] : vector<512x512xf32> to vector<512xf32>
      %broadcast_in_dim3A_2021 = vector.shape_cast %reduce_max3A_2020 : vector<512xf32> to vector<512x1xf32>
      %max3A_2022 = arith.maximumf %max3A_2003, %broadcast_in_dim3A_2021 : vector<512x1xf32>
      %sub3A_2023 = arith.subf %max3A_2003, %max3A_2022 : vector<512x1xf32>
      %exp23A_2024 = math.exp2 %sub3A_2023 : vector<512x1xf32>
      %mul3A_2025 = arith.mulf %add3A_2013, %exp23A_2024 : vector<512x1xf32>
      %sub3A_2026 = vector.broadcast %max3A_2022 : vector<512x1xf32> to vector<512x512xf32>
      %sub3A_2027 = arith.subf %dot_general3A_2018, %sub3A_2026 : vector<512x512xf32>
      %exp23A_2028 = math.exp2 %sub3A_2027 : vector<512x512xf32>
      %reduce_sum3A_2029 = arith.constant dense<0.000000e+00> : vector<512xf32>
      %reduce_sum3A_2030 = vector.multi_reduction <add>, %exp23A_2028, %reduce_sum3A_2029 [1] : vector<512x512xf32> to vector<512xf32>
      %broadcast_in_dim3A_2031 = vector.shape_cast %reduce_sum3A_2030 : vector<512xf32> to vector<512x1xf32>
      %add3A_2032 = arith.addf %mul3A_2025, %broadcast_in_dim3A_2031 : vector<512x1xf32>
      %get3A_2033 = arith.constant 0 : index
      %get3A_2034 = arith.constant 1536 : index
      %get3A_2035 = vector.load %arg12[%get3A_2033, %get3A_2034] : memref<8x4096xf32, #tpu.memory_space<vmem>>, vector<8x512xf32>
      %dot_general3A_2036 = arith.constant dense<0.000000e+00> : vector<512x512xf32>
      %dot_general3A_2037 = tpu.matmul %get3A_1971, %get3A_2035, %dot_general3A_2036 {dimension_numbers = #tpu.dot_dimension_numbers<[1], [0], [0], [1], [0, 0, 1, 1], [], []>, transpose_lhs_hint = false} : vector<512x8xf32>, vector<8x512xf32>, vector<512x512xf32> -> vector<512x512xf32>
      %reduce_max3A_2038 = arith.constant dense<0xFF800000> : vector<512xf32>
      %reduce_max3A_2039 = vector.multi_reduction <maximumf>, %dot_general3A_2037, %reduce_max3A_2038 [1] : vector<512x512xf32> to vector<512xf32>
      %broadcast_in_dim3A_2040 = vector.shape_cast %reduce_max3A_2039 : vector<512xf32> to vector<512x1xf32>
      %max3A_2041 = arith.maximumf %max3A_2022, %broadcast_in_dim3A_2040 : vector<512x1xf32>
      %sub3A_2042 = arith.subf %max3A_2022, %max3A_2041 : vector<512x1xf32>
      %exp23A_2043 = math.exp2 %sub3A_2042 : vector<512x1xf32>
      %mul3A_2044 = arith.mulf %add3A_2032, %exp23A_2043 : vector<512x1xf32>
      %sub3A_2045 = vector.broadcast %max3A_2041 : vector<512x1xf32> to vector<512x512xf32>
      %sub3A_2046 = arith.subf %dot_general3A_2037, %sub3A_2045 : vector<512x512xf32>
      %exp23A_2047 = math.exp2 %sub3A_2046 : vector<512x512xf32>
      %reduce_sum3A_2048 = arith.constant dense<0.000000e+00> : vector<512xf32>
      %reduce_sum3A_2049 = vector.multi_reduction <add>, %exp23A_2047, %reduce_sum3A_2048 [1] : vector<512x512xf32> to vector<512xf32>
      %broadcast_in_dim3A_2050 = vector.shape_cast %reduce_sum3A_2049 : vector<512xf32> to vector<512x1xf32>
      %add3A_2051 = arith.addf %mul3A_2044, %broadcast_in_dim3A_2050 : vector<512x1xf32>
      %get3A_2052 = arith.constant 0 : index
      %get3A_2053 = arith.constant 2048 : index
      %get3A_2054 = vector.load %arg12[%get3A_2052, %get3A_2053] : memref<8x4096xf32, #tpu.memory_space<vmem>>, vector<8x512xf32>
      %dot_general3A_2055 = arith.constant dense<0.000000e+00> : vector<512x512xf32>
      %dot_general3A_2056 = tpu.matmul %get3A_1971, %get3A_2054, %dot_general3A_2055 {dimension_numbers = #tpu.dot_dimension_numbers<[1], [0], [0], [1], [0, 0, 1, 1], [], []>, transpose_lhs_hint = false} : vector<512x8xf32>, vector<8x512xf32>, vector<512x512xf32> -> vector<512x512xf32>
      %reduce_max3A_2057 = arith.constant dense<0xFF800000> : vector<512xf32>
      %reduce_max3A_2058 = vector.multi_reduction <maximumf>, %dot_general3A_2056, %reduce_max3A_2057 [1] : vector<512x512xf32> to vector<512xf32>
      %broadcast_in_dim3A_2059 = vector.shape_cast %reduce_max3A_2058 : vector<512xf32> to vector<512x1xf32>
      %max3A_2060 = arith.maximumf %max3A_2041, %broadcast_in_dim3A_2059 : vector<512x1xf32>
      %sub3A_2061 = arith.subf %max3A_2041, %max3A_2060 : vector<512x1xf32>
      %exp23A_2062 = math.exp2 %sub3A_2061 : vector<512x1xf32>
      %mul3A_2063 = arith.mulf %add3A_2051, %exp23A_2062 : vector<512x1xf32>
      %sub3A_2064 = vector.broadcast %max3A_2060 : vector<512x1xf32> to vector<512x512xf32>
      %sub3A_2065 = arith.subf %dot_general3A_2056, %sub3A_2064 : vector<512x512xf32>
      %exp23A_2066 = math.exp2 %sub3A_2065 : vector<512x512xf32>
      %reduce_sum3A_2067 = arith.constant dense<0.000000e+00> : vector<512xf32>
      %reduce_sum3A_2068 = vector.multi_reduction <add>, %exp23A_2066, %reduce_sum3A_2067 [1] : vector<512x512xf32> to vector<512xf32>
      %broadcast_in_dim3A_2069 = vector.shape_cast %reduce_sum3A_2068 : vector<512xf32> to vector<512x1xf32>
      %add3A_2070 = arith.addf %mul3A_2063, %broadcast_in_dim3A_2069 : vector<512x1xf32>
      %get3A_2071 = arith.constant 0 : index
      %get3A_2072 = arith.constant 2560 : index
      %get3A_2073 = vector.load %arg12[%get3A_2071, %get3A_2072] : memref<8x4096xf32, #tpu.memory_space<vmem>>, vector<8x512xf32>
      %dot_general3A_2074 = arith.constant dense<0.000000e+00> : vector<512x512xf32>
      %dot_general3A_2075 = tpu.matmul %get3A_1971, %get3A_2073, %dot_general3A_2074 {dimension_numbers = #tpu.dot_dimension_numbers<[1], [0], [0], [1], [0, 0, 1, 1], [], []>, transpose_lhs_hint = false} : vector<512x8xf32>, vector<8x512xf32>, vector<512x512xf32> -> vector<512x512xf32>
      %reduce_max3A_2076 = arith.constant dense<0xFF800000> : vector<512xf32>
      %reduce_max3A_2077 = vector.multi_reduction <maximumf>, %dot_general3A_2075, %reduce_max3A_2076 [1] : vector<512x512xf32> to vector<512xf32>
      %broadcast_in_dim3A_2078 = vector.shape_cast %reduce_max3A_2077 : vector<512xf32> to vector<512x1xf32>
      %max3A_2079 = arith.maximumf %max3A_2060, %broadcast_in_dim3A_2078 : vector<512x1xf32>
      %sub3A_2080 = arith.subf %max3A_2060, %max3A_2079 : vector<512x1xf32>
      %exp23A_2081 = math.exp2 %sub3A_2080 : vector<512x1xf32>
      %mul3A_2082 = arith.mulf %add3A_2070, %exp23A_2081 : vector<512x1xf32>
      %sub3A_2083 = vector.broadcast %max3A_2079 : vector<512x1xf32> to vector<512x512xf32>
      %sub3A_2084 = arith.subf %dot_general3A_2075, %sub3A_2083 : vector<512x512xf32>
      %exp23A_2085 = math.exp2 %sub3A_2084 : vector<512x512xf32>
      %reduce_sum3A_2086 = arith.constant dense<0.000000e+00> : vector<512xf32>
      %reduce_sum3A_2087 = vector.multi_reduction <add>, %exp23A_2085, %reduce_sum3A_2086 [1] : vector<512x512xf32> to vector<512xf32>
      %broadcast_in_dim3A_2088 = vector.shape_cast %reduce_sum3A_2087 : vector<512xf32> to vector<512x1xf32>
      %add3A_2089 = arith.addf %mul3A_2082, %broadcast_in_dim3A_2088 : vector<512x1xf32>
      %get3A_2090 = arith.constant 0 : index
      %get3A_2091 = arith.constant 3072 : index
      %get3A_2092 = vector.load %arg12[%get3A_2090, %get3A_2091] : memref<8x4096xf32, #tpu.memory_space<vmem>>, vector<8x512xf32>
      %dot_general3A_2093 = arith.constant dense<0.000000e+00> : vector<512x512xf32>
      %dot_general3A_2094 = tpu.matmul %get3A_1971, %get3A_2092, %dot_general3A_2093 {dimension_numbers = #tpu.dot_dimension_numbers<[1], [0], [0], [1], [0, 0, 1, 1], [], []>, transpose_lhs_hint = false} : vector<512x8xf32>, vector<8x512xf32>, vector<512x512xf32> -> vector<512x512xf32>
      %reduce_max3A_2095 = arith.constant dense<0xFF800000> : vector<512xf32>
      %reduce_max3A_2096 = vector.multi_reduction <maximumf>, %dot_general3A_2094, %reduce_max3A_2095 [1] : vector<512x512xf32> to vector<512xf32>
      %broadcast_in_dim3A_2097 = vector.shape_cast %reduce_max3A_2096 : vector<512xf32> to vector<512x1xf32>
      %max3A_2098 = arith.maximumf %max3A_2079, %broadcast_in_dim3A_2097 : vector<512x1xf32>
      %sub3A_2099 = arith.subf %max3A_2079, %max3A_2098 : vector<512x1xf32>
      %exp23A_2100 = math.exp2 %sub3A_2099 : vector<512x1xf32>
      %mul3A_2101 = arith.mulf %add3A_2089, %exp23A_2100 : vector<512x1xf32>
      %sub3A_2102 = vector.broadcast %max3A_2098 : vector<512x1xf32> to vector<512x512xf32>
      %sub3A_2103 = arith.subf %dot_general3A_2094, %sub3A_2102 : vector<512x512xf32>
      %exp23A_2104 = math.exp2 %sub3A_2103 : vector<512x512xf32>
      %reduce_sum3A_2105 = arith.constant dense<0.000000e+00> : vector<512xf32>
      %reduce_sum3A_2106 = vector.multi_reduction <add>, %exp23A_2104, %reduce_sum3A_2105 [1] : vector<512x512xf32> to vector<512xf32>
      %broadcast_in_dim3A_2107 = vector.shape_cast %reduce_sum3A_2106 : vector<512xf32> to vector<512x1xf32>
      %add3A_2108 = arith.addf %mul3A_2101, %broadcast_in_dim3A_2107 : vector<512x1xf32>
      %get3A_2109 = arith.constant 0 : index
      %get3A_2110 = arith.constant 3584 : index
      %get3A_2111 = vector.load %arg12[%get3A_2109, %get3A_2110] : memref<8x4096xf32, #tpu.memory_space<vmem>>, vector<8x512xf32>
      %dot_general3A_2112 = arith.constant dense<0.000000e+00> : vector<512x512xf32>
      %dot_general3A_2113 = tpu.matmul %get3A_1971, %get3A_2111, %dot_general3A_2112 {dimension_numbers = #tpu.dot_dimension_numbers<[1], [0], [0], [1], [0, 0, 1, 1], [], []>, transpose_lhs_hint = false} : vector<512x8xf32>, vector<8x512xf32>, vector<512x512xf32> -> vector<512x512xf32>
      %reduce_max3A_2114 = arith.constant dense<0xFF800000> : vector<512xf32>
      %reduce_max3A_2115 = vector.multi_reduction <maximumf>, %dot_general3A_2113, %reduce_max3A_2114 [1] : vector<512x512xf32> to vector<512xf32>
      %broadcast_in_dim3A_2116 = vector.shape_cast %reduce_max3A_2115 : vector<512xf32> to vector<512x1xf32>
      %max3A_2117 = arith.maximumf %max3A_2098, %broadcast_in_dim3A_2116 : vector<512x1xf32>
      %sub3A_2118 = arith.subf %max3A_2098, %max3A_2117 : vector<512x1xf32>
      %exp23A_2119 = math.exp2 %sub3A_2118 : vector<512x1xf32>
      %mul3A_2120 = arith.mulf %add3A_2108, %exp23A_2119 : vector<512x1xf32>
      %sub3A_2121 = vector.broadcast %max3A_2117 : vector<512x1xf32> to vector<512x512xf32>
      %sub3A_2122 = arith.subf %dot_general3A_2113, %sub3A_2121 : vector<512x512xf32>
      %exp23A_2123 = math.exp2 %sub3A_2122 : vector<512x512xf32>
      %reduce_sum3A_2124 = arith.constant dense<0.000000e+00> : vector<512xf32>
      %reduce_sum3A_2125 = vector.multi_reduction <add>, %exp23A_2123, %reduce_sum3A_2124 [1] : vector<512x512xf32> to vector<512xf32>
      %broadcast_in_dim3A_2126 = vector.shape_cast %reduce_sum3A_2125 : vector<512xf32> to vector<512x1xf32>
      %add3A_2127 = arith.addf %mul3A_2120, %broadcast_in_dim3A_2126 : vector<512x1xf32>
      %neg3A_2128 = arith.constant 0.000000e+00 : f32
      %neg3A_2129 = arith.subf %neg3A_2128, %get3A_104 : f32
      %log3A_2130 = math.log %add3A_2127 : vector<512x1xf32>
      %log3A_2131 = arith.constant 2.000000e+00 : f32
      %log3A_2132 = math.log %log3A_2131 : f32
      %div3A_2133 = vector.broadcast %log3A_2132 : f32 to vector<512x1xf32>
      %div3A_2134 = arith.divf %log3A_2130, %div3A_2133 : vector<512x1xf32>
      %add3A_2135 = arith.addf %div3A_2134, %max3A_2117 : vector<512x1xf32>
      %mul3A_2136 = arith.constant 0.693147182 : f32
      %mul3A_2137 = vector.broadcast %mul3A_2136 : f32 to vector<512x1xf32>
      %mul3A_2138 = arith.mulf %add3A_2135, %mul3A_2137 : vector<512x1xf32>
      %add3A_2139 = arith.constant -8.31776618 : f32
      %add3A_2140 = vector.broadcast %add3A_2139 : f32 to vector<512x1xf32>
      %add3A_2141 = arith.addf %mul3A_2138, %add3A_2140 : vector<512x1xf32>
      %mul3A_2142 = vector.broadcast %neg3A_2129 : f32 to vector<512x1xf32>
      %mul3A_2143 = arith.mulf %mul3A_2142, %add3A_2141 : vector<512x1xf32>
      %swap3A_2144 = arith.index_cast %mul3A_1968 : i32 to index
      %swap3A_2145 = arith.constant 0 : index
      %swap3A_2146 = vector.load %arg8[%swap3A_2144, %swap3A_2145] : memref<4096x1xf32, #tpu.memory_space<vmem>>, vector<512x1xf32>
      tpu.vector_store %arg8[%swap3A_2144, %swap3A_2145], %mul3A_2143 {strides = array<i32>} : memref<4096x1xf32, #tpu.memory_space<vmem>>, vector<512x1xf32>,
      %scan3A_2147 = arith.constant 3 : i32
      %mul3A_2148 = arith.constant 512 : i32
      %mul3A_2149 = arith.muli %scan3A_2147, %mul3A_2148 : i32
      %get3A_2150 = arith.index_cast %mul3A_2149 : i32 to index
      %get3A_2151 = arith.constant 0 : index
      %get3A_2152 = vector.load %arg11[%get3A_2150, %get3A_2151] : memref<4096x8xf32, #tpu.memory_space<vmem>>, vector<512x8xf32>
      %broadcast_in_dim3A_2153 = arith.constant -1.000000e+30 : f32
      %broadcast_in_dim3A_2154 = vector.broadcast %broadcast_in_dim3A_2153 : f32 to vector<512x1xf32>
      %broadcast_in_dim3A_2155 = arith.constant 0.000000e+00 : f32
      %broadcast_in_dim3A_2156 = vector.broadcast %broadcast_in_dim3A_2155 : f32 to vector<512x1xf32>
      %get3A_2157 = arith.constant 0 : index
      %get3A_2158 = arith.constant 0 : index
      %get3A_2159 = vector.load %arg12[%get3A_2157, %get3A_2158] : memref<8x4096xf32, #tpu.memory_space<vmem>>, vector<8x512xf32>
      %dot_general3A_2160 = arith.constant dense<0.000000e+00> : vector<512x512xf32>
      %dot_general3A_2161 = tpu.matmul %get3A_2152, %get3A_2159, %dot_general3A_2160 {dimension_numbers = #tpu.dot_dimension_numbers<[1], [0], [0], [1], [0, 0, 1, 1], [], []>, transpose_lhs_hint = false} : vector<512x8xf32>, vector<8x512xf32>, vector<512x512xf32> -> vector<512x512xf32>
      %reduce_max3A_2162 = arith.constant dense<0xFF800000> : vector<512xf32>
      %reduce_max3A_2163 = vector.multi_reduction <maximumf>, %dot_general3A_2161, %reduce_max3A_2162 [1] : vector<512x512xf32> to vector<512xf32>
      %broadcast_in_dim3A_2164 = vector.shape_cast %reduce_max3A_2163 : vector<512xf32> to vector<512x1xf32>
      %max3A_2165 = arith.maximumf %broadcast_in_dim3A_2154, %broadcast_in_dim3A_2164 : vector<512x1xf32>
      %sub3A_2166 = arith.subf %broadcast_in_dim3A_2154, %max3A_2165 : vector<512x1xf32>
      %exp23A_2167 = math.exp2 %sub3A_2166 : vector<512x1xf32>
      %mul3A_2168 = arith.mulf %broadcast_in_dim3A_2156, %exp23A_2167 : vector<512x1xf32>
      %sub3A_2169 = vector.broadcast %max3A_2165 : vector<512x1xf32> to vector<512x512xf32>
      %sub3A_2170 = arith.subf %dot_general3A_2161, %sub3A_2169 : vector<512x512xf32>
      %exp23A_2171 = math.exp2 %sub3A_2170 : vector<512x512xf32>
      %reduce_sum3A_2172 = arith.constant dense<0.000000e+00> : vector<512xf32>
      %reduce_sum3A_2173 = vector.multi_reduction <add>, %exp23A_2171, %reduce_sum3A_2172 [1] : vector<512x512xf32> to vector<512xf32>
      %broadcast_in_dim3A_2174 = vector.shape_cast %reduce_sum3A_2173 : vector<512xf32> to vector<512x1xf32>
      %add3A_2175 = arith.addf %mul3A_2168, %broadcast_in_dim3A_2174 : vector<512x1xf32>
      %get3A_2176 = arith.constant 0 : index
      %get3A_2177 = arith.constant 512 : index
      %get3A_2178 = vector.load %arg12[%get3A_2176, %get3A_2177] : memref<8x4096xf32, #tpu.memory_space<vmem>>, vector<8x512xf32>
      %dot_general3A_2179 = arith.constant dense<0.000000e+00> : vector<512x512xf32>
      %dot_general3A_2180 = tpu.matmul %get3A_2152, %get3A_2178, %dot_general3A_2179 {dimension_numbers = #tpu.dot_dimension_numbers<[1], [0], [0], [1], [0, 0, 1, 1], [], []>, transpose_lhs_hint = false} : vector<512x8xf32>, vector<8x512xf32>, vector<512x512xf32> -> vector<512x512xf32>
      %reduce_max3A_2181 = arith.constant dense<0xFF800000> : vector<512xf32>
      %reduce_max3A_2182 = vector.multi_reduction <maximumf>, %dot_general3A_2180, %reduce_max3A_2181 [1] : vector<512x512xf32> to vector<512xf32>
      %broadcast_in_dim3A_2183 = vector.shape_cast %reduce_max3A_2182 : vector<512xf32> to vector<512x1xf32>
      %max3A_2184 = arith.maximumf %max3A_2165, %broadcast_in_dim3A_2183 : vector<512x1xf32>
      %sub3A_2185 = arith.subf %max3A_2165, %max3A_2184 : vector<512x1xf32>
      %exp23A_2186 = math.exp2 %sub3A_2185 : vector<512x1xf32>
      %mul3A_2187 = arith.mulf %add3A_2175, %exp23A_2186 : vector<512x1xf32>
      %sub3A_2188 = vector.broadcast %max3A_2184 : vector<512x1xf32> to vector<512x512xf32>
      %sub3A_2189 = arith.subf %dot_general3A_2180, %sub3A_2188 : vector<512x512xf32>
      %exp23A_2190 = math.exp2 %sub3A_2189 : vector<512x512xf32>
      %reduce_sum3A_2191 = arith.constant dense<0.000000e+00> : vector<512xf32>
      %reduce_sum3A_2192 = vector.multi_reduction <add>, %exp23A_2190, %reduce_sum3A_2191 [1] : vector<512x512xf32> to vector<512xf32>
      %broadcast_in_dim3A_2193 = vector.shape_cast %reduce_sum3A_2192 : vector<512xf32> to vector<512x1xf32>
      %add3A_2194 = arith.addf %mul3A_2187, %broadcast_in_dim3A_2193 : vector<512x1xf32>
      %get3A_2195 = arith.constant 0 : index
      %get3A_2196 = arith.constant 1024 : index
      %get3A_2197 = vector.load %arg12[%get3A_2195, %get3A_2196] : memref<8x4096xf32, #tpu.memory_space<vmem>>, vector<8x512xf32>
      %dot_general3A_2198 = arith.constant dense<0.000000e+00> : vector<512x512xf32>
      %dot_general3A_2199 = tpu.matmul %get3A_2152, %get3A_2197, %dot_general3A_2198 {dimension_numbers = #tpu.dot_dimension_numbers<[1], [0], [0], [1], [0, 0, 1, 1], [], []>, transpose_lhs_hint = false} : vector<512x8xf32>, vector<8x512xf32>, vector<512x512xf32> -> vector<512x512xf32>
      %reduce_max3A_2200 = arith.constant dense<0xFF800000> : vector<512xf32>
      %reduce_max3A_2201 = vector.multi_reduction <maximumf>, %dot_general3A_2199, %reduce_max3A_2200 [1] : vector<512x512xf32> to vector<512xf32>
      %broadcast_in_dim3A_2202 = vector.shape_cast %reduce_max3A_2201 : vector<512xf32> to vector<512x1xf32>
      %max3A_2203 = arith.maximumf %max3A_2184, %broadcast_in_dim3A_2202 : vector<512x1xf32>
      %sub3A_2204 = arith.subf %max3A_2184, %max3A_2203 : vector<512x1xf32>
      %exp23A_2205 = math.exp2 %sub3A_2204 : vector<512x1xf32>
      %mul3A_2206 = arith.mulf %add3A_2194, %exp23A_2205 : vector<512x1xf32>
      %sub3A_2207 = vector.broadcast %max3A_2203 : vector<512x1xf32> to vector<512x512xf32>
      %sub3A_2208 = arith.subf %dot_general3A_2199, %sub3A_2207 : vector<512x512xf32>
      %exp23A_2209 = math.exp2 %sub3A_2208 : vector<512x512xf32>
      %reduce_sum3A_2210 = arith.constant dense<0.000000e+00> : vector<512xf32>
      %reduce_sum3A_2211 = vector.multi_reduction <add>, %exp23A_2209, %reduce_sum3A_2210 [1] : vector<512x512xf32> to vector<512xf32>
      %broadcast_in_dim3A_2212 = vector.shape_cast %reduce_sum3A_2211 : vector<512xf32> to vector<512x1xf32>
      %add3A_2213 = arith.addf %mul3A_2206, %broadcast_in_dim3A_2212 : vector<512x1xf32>
      %get3A_2214 = arith.constant 0 : index
      %get3A_2215 = arith.constant 1536 : index
      %get3A_2216 = vector.load %arg12[%get3A_2214, %get3A_2215] : memref<8x4096xf32, #tpu.memory_space<vmem>>, vector<8x512xf32>
      %dot_general3A_2217 = arith.constant dense<0.000000e+00> : vector<512x512xf32>
      %dot_general3A_2218 = tpu.matmul %get3A_2152, %get3A_2216, %dot_general3A_2217 {dimension_numbers = #tpu.dot_dimension_numbers<[1], [0], [0], [1], [0, 0, 1, 1], [], []>, transpose_lhs_hint = false} : vector<512x8xf32>, vector<8x512xf32>, vector<512x512xf32> -> vector<512x512xf32>
      %reduce_max3A_2219 = arith.constant dense<0xFF800000> : vector<512xf32>
      %reduce_max3A_2220 = vector.multi_reduction <maximumf>, %dot_general3A_2218, %reduce_max3A_2219 [1] : vector<512x512xf32> to vector<512xf32>
      %broadcast_in_dim3A_2221 = vector.shape_cast %reduce_max3A_2220 : vector<512xf32> to vector<512x1xf32>
      %max3A_2222 = arith.maximumf %max3A_2203, %broadcast_in_dim3A_2221 : vector<512x1xf32>
      %sub3A_2223 = arith.subf %max3A_2203, %max3A_2222 : vector<512x1xf32>
      %exp23A_2224 = math.exp2 %sub3A_2223 : vector<512x1xf32>
      %mul3A_2225 = arith.mulf %add3A_2213, %exp23A_2224 : vector<512x1xf32>
      %sub3A_2226 = vector.broadcast %max3A_2222 : vector<512x1xf32> to vector<512x512xf32>
      %sub3A_2227 = arith.subf %dot_general3A_2218, %sub3A_2226 : vector<512x512xf32>
      %exp23A_2228 = math.exp2 %sub3A_2227 : vector<512x512xf32>
      %reduce_sum3A_2229 = arith.constant dense<0.000000e+00> : vector<512xf32>
      %reduce_sum3A_2230 = vector.multi_reduction <add>, %exp23A_2228, %reduce_sum3A_2229 [1] : vector<512x512xf32> to vector<512xf32>
      %broadcast_in_dim3A_2231 = vector.shape_cast %reduce_sum3A_2230 : vector<512xf32> to vector<512x1xf32>
      %add3A_2232 = arith.addf %mul3A_2225, %broadcast_in_dim3A_2231 : vector<512x1xf32>
      %get3A_2233 = arith.constant 0 : index
      %get3A_2234 = arith.constant 2048 : index
      %get3A_2235 = vector.load %arg12[%get3A_2233, %get3A_2234] : memref<8x4096xf32, #tpu.memory_space<vmem>>, vector<8x512xf32>
      %dot_general3A_2236 = arith.constant dense<0.000000e+00> : vector<512x512xf32>
      %dot_general3A_2237 = tpu.matmul %get3A_2152, %get3A_2235, %dot_general3A_2236 {dimension_numbers = #tpu.dot_dimension_numbers<[1], [0], [0], [1], [0, 0, 1, 1], [], []>, transpose_lhs_hint = false} : vector<512x8xf32>, vector<8x512xf32>, vector<512x512xf32> -> vector<512x512xf32>
      %reduce_max3A_2238 = arith.constant dense<0xFF800000> : vector<512xf32>
      %reduce_max3A_2239 = vector.multi_reduction <maximumf>, %dot_general3A_2237, %reduce_max3A_2238 [1] : vector<512x512xf32> to vector<512xf32>
      %broadcast_in_dim3A_2240 = vector.shape_cast %reduce_max3A_2239 : vector<512xf32> to vector<512x1xf32>
      %max3A_2241 = arith.maximumf %max3A_2222, %broadcast_in_dim3A_2240 : vector<512x1xf32>
      %sub3A_2242 = arith.subf %max3A_2222, %max3A_2241 : vector<512x1xf32>
      %exp23A_2243 = math.exp2 %sub3A_2242 : vector<512x1xf32>
      %mul3A_2244 = arith.mulf %add3A_2232, %exp23A_2243 : vector<512x1xf32>
      %sub3A_2245 = vector.broadcast %max3A_2241 : vector<512x1xf32> to vector<512x512xf32>
      %sub3A_2246 = arith.subf %dot_general3A_2237, %sub3A_2245 : vector<512x512xf32>
      %exp23A_2247 = math.exp2 %sub3A_2246 : vector<512x512xf32>
      %reduce_sum3A_2248 = arith.constant dense<0.000000e+00> : vector<512xf32>
      %reduce_sum3A_2249 = vector.multi_reduction <add>, %exp23A_2247, %reduce_sum3A_2248 [1] : vector<512x512xf32> to vector<512xf32>
      %broadcast_in_dim3A_2250 = vector.shape_cast %reduce_sum3A_2249 : vector<512xf32> to vector<512x1xf32>
      %add3A_2251 = arith.addf %mul3A_2244, %broadcast_in_dim3A_2250 : vector<512x1xf32>
      %get3A_2252 = arith.constant 0 : index
      %get3A_2253 = arith.constant 2560 : index
      %get3A_2254 = vector.load %arg12[%get3A_2252, %get3A_2253] : memref<8x4096xf32, #tpu.memory_space<vmem>>, vector<8x512xf32>
      %dot_general3A_2255 = arith.constant dense<0.000000e+00> : vector<512x512xf32>
      %dot_general3A_2256 = tpu.matmul %get3A_2152, %get3A_2254, %dot_general3A_2255 {dimension_numbers = #tpu.dot_dimension_numbers<[1], [0], [0], [1], [0, 0, 1, 1], [], []>, transpose_lhs_hint = false} : vector<512x8xf32>, vector<8x512xf32>, vector<512x512xf32> -> vector<512x512xf32>
      %reduce_max3A_2257 = arith.constant dense<0xFF800000> : vector<512xf32>
      %reduce_max3A_2258 = vector.multi_reduction <maximumf>, %dot_general3A_2256, %reduce_max3A_2257 [1] : vector<512x512xf32> to vector<512xf32>
      %broadcast_in_dim3A_2259 = vector.shape_cast %reduce_max3A_2258 : vector<512xf32> to vector<512x1xf32>
      %max3A_2260 = arith.maximumf %max3A_2241, %broadcast_in_dim3A_2259 : vector<512x1xf32>
      %sub3A_2261 = arith.subf %max3A_2241, %max3A_2260 : vector<512x1xf32>
      %exp23A_2262 = math.exp2 %sub3A_2261 : vector<512x1xf32>
      %mul3A_2263 = arith.mulf %add3A_2251, %exp23A_2262 : vector<512x1xf32>
      %sub3A_2264 = vector.broadcast %max3A_2260 : vector<512x1xf32> to vector<512x512xf32>
      %sub3A_2265 = arith.subf %dot_general3A_2256, %sub3A_2264 : vector<512x512xf32>
      %exp23A_2266 = math.exp2 %sub3A_2265 : vector<512x512xf32>
      %reduce_sum3A_2267 = arith.constant dense<0.000000e+00> : vector<512xf32>
      %reduce_sum3A_2268 = vector.multi_reduction <add>, %exp23A_2266, %reduce_sum3A_2267 [1] : vector<512x512xf32> to vector<512xf32>
      %broadcast_in_dim3A_2269 = vector.shape_cast %reduce_sum3A_2268 : vector<512xf32> to vector<512x1xf32>
      %add3A_2270 = arith.addf %mul3A_2263, %broadcast_in_dim3A_2269 : vector<512x1xf32>
      %get3A_2271 = arith.constant 0 : index
      %get3A_2272 = arith.constant 3072 : index
      %get3A_2273 = vector.load %arg12[%get3A_2271, %get3A_2272] : memref<8x4096xf32, #tpu.memory_space<vmem>>, vector<8x512xf32>
      %dot_general3A_2274 = arith.constant dense<0.000000e+00> : vector<512x512xf32>
      %dot_general3A_2275 = tpu.matmul %get3A_2152, %get3A_2273, %dot_general3A_2274 {dimension_numbers = #tpu.dot_dimension_numbers<[1], [0], [0], [1], [0, 0, 1, 1], [], []>, transpose_lhs_hint = false} : vector<512x8xf32>, vector<8x512xf32>, vector<512x512xf32> -> vector<512x512xf32>
      %reduce_max3A_2276 = arith.constant dense<0xFF800000> : vector<512xf32>
      %reduce_max3A_2277 = vector.multi_reduction <maximumf>, %dot_general3A_2275, %reduce_max3A_2276 [1] : vector<512x512xf32> to vector<512xf32>
      %broadcast_in_dim3A_2278 = vector.shape_cast %reduce_max3A_2277 : vector<512xf32> to vector<512x1xf32>
      %max3A_2279 = arith.maximumf %max3A_2260, %broadcast_in_dim3A_2278 : vector<512x1xf32>
      %sub3A_2280 = arith.subf %max3A_2260, %max3A_2279 : vector<512x1xf32>
      %exp23A_2281 = math.exp2 %sub3A_2280 : vector<512x1xf32>
      %mul3A_2282 = arith.mulf %add3A_2270, %exp23A_2281 : vector<512x1xf32>
      %sub3A_2283 = vector.broadcast %max3A_2279 : vector<512x1xf32> to vector<512x512xf32>
      %sub3A_2284 = arith.subf %dot_general3A_2275, %sub3A_2283 : vector<512x512xf32>
      %exp23A_2285 = math.exp2 %sub3A_2284 : vector<512x512xf32>
      %reduce_sum3A_2286 = arith.constant dense<0.000000e+00> : vector<512xf32>
      %reduce_sum3A_2287 = vector.multi_reduction <add>, %exp23A_2285, %reduce_sum3A_2286 [1] : vector<512x512xf32> to vector<512xf32>
      %broadcast_in_dim3A_2288 = vector.shape_cast %reduce_sum3A_2287 : vector<512xf32> to vector<512x1xf32>
      %add3A_2289 = arith.addf %mul3A_2282, %broadcast_in_dim3A_2288 : vector<512x1xf32>
      %get3A_2290 = arith.constant 0 : index
      %get3A_2291 = arith.constant 3584 : index
      %get3A_2292 = vector.load %arg12[%get3A_2290, %get3A_2291] : memref<8x4096xf32, #tpu.memory_space<vmem>>, vector<8x512xf32>
      %dot_general3A_2293 = arith.constant dense<0.000000e+00> : vector<512x512xf32>
      %dot_general3A_2294 = tpu.matmul %get3A_2152, %get3A_2292, %dot_general3A_2293 {dimension_numbers = #tpu.dot_dimension_numbers<[1], [0], [0], [1], [0, 0, 1, 1], [], []>, transpose_lhs_hint = false} : vector<512x8xf32>, vector<8x512xf32>, vector<512x512xf32> -> vector<512x512xf32>
      %reduce_max3A_2295 = arith.constant dense<0xFF800000> : vector<512xf32>
      %reduce_max3A_2296 = vector.multi_reduction <maximumf>, %dot_general3A_2294, %reduce_max3A_2295 [1] : vector<512x512xf32> to vector<512xf32>
      %broadcast_in_dim3A_2297 = vector.shape_cast %reduce_max3A_2296 : vector<512xf32> to vector<512x1xf32>
      %max3A_2298 = arith.maximumf %max3A_2279, %broadcast_in_dim3A_2297 : vector<512x1xf32>
      %sub3A_2299 = arith.subf %max3A_2279, %max3A_2298 : vector<512x1xf32>
      %exp23A_2300 = math.exp2 %sub3A_2299 : vector<512x1xf32>
      %mul3A_2301 = arith.mulf %add3A_2289, %exp23A_2300 : vector<512x1xf32>
      %sub3A_2302 = vector.broadcast %max3A_2298 : vector<512x1xf32> to vector<512x512xf32>
      %sub3A_2303 = arith.subf %dot_general3A_2294, %sub3A_2302 : vector<512x512xf32>
      %exp23A_2304 = math.exp2 %sub3A_2303 : vector<512x512xf32>
      %reduce_sum3A_2305 = arith.constant dense<0.000000e+00> : vector<512xf32>
      %reduce_sum3A_2306 = vector.multi_reduction <add>, %exp23A_2304, %reduce_sum3A_2305 [1] : vector<512x512xf32> to vector<512xf32>
      %broadcast_in_dim3A_2307 = vector.shape_cast %reduce_sum3A_2306 : vector<512xf32> to vector<512x1xf32>
      %add3A_2308 = arith.addf %mul3A_2301, %broadcast_in_dim3A_2307 : vector<512x1xf32>
      %neg3A_2309 = arith.constant 0.000000e+00 : f32
      %neg3A_2310 = arith.subf %neg3A_2309, %get3A_104 : f32
      %log3A_2311 = math.log %add3A_2308 : vector<512x1xf32>
      %log3A_2312 = arith.constant 2.000000e+00 : f32
      %log3A_2313 = math.log %log3A_2312 : f32
      %div3A_2314 = vector.broadcast %log3A_2313 : f32 to vector<512x1xf32>
      %div3A_2315 = arith.divf %log3A_2311, %div3A_2314 : vector<512x1xf32>
      %add3A_2316 = arith.addf %div3A_2315, %max3A_2298 : vector<512x1xf32>
      %mul3A_2317 = arith.constant 0.693147182 : f32
      %mul3A_2318 = vector.broadcast %mul3A_2317 : f32 to vector<512x1xf32>
      %mul3A_2319 = arith.mulf %add3A_2316, %mul3A_2318 : vector<512x1xf32>
      %add3A_2320 = arith.constant -8.31776618 : f32
      %add3A_2321 = vector.broadcast %add3A_2320 : f32 to vector<512x1xf32>
      %add3A_2322 = arith.addf %mul3A_2319, %add3A_2321 : vector<512x1xf32>
      %mul3A_2323 = vector.broadcast %neg3A_2310 : f32 to vector<512x1xf32>
      %mul3A_2324 = arith.mulf %mul3A_2323, %add3A_2322 : vector<512x1xf32>
      %swap3A_2325 = arith.index_cast %mul3A_2149 : i32 to index
      %swap3A_2326 = arith.constant 0 : index
      %swap3A_2327 = vector.load %arg8[%swap3A_2325, %swap3A_2326] : memref<4096x1xf32, #tpu.memory_space<vmem>>, vector<512x1xf32>
      tpu.vector_store %arg8[%swap3A_2325, %swap3A_2326], %mul3A_2324 {strides = array<i32>} : memref<4096x1xf32, #tpu.memory_space<vmem>>, vector<512x1xf32>,
      %scan3A_2328 = arith.constant 4 : i32
      %mul3A_2329 = arith.constant 512 : i32
      %mul3A_2330 = arith.muli %scan3A_2328, %mul3A_2329 : i32
      %get3A_2331 = arith.index_cast %mul3A_2330 : i32 to index
      %get3A_2332 = arith.constant 0 : index
      %get3A_2333 = vector.load %arg11[%get3A_2331, %get3A_2332] : memref<4096x8xf32, #tpu.memory_space<vmem>>, vector<512x8xf32>
      %broadcast_in_dim3A_2334 = arith.constant -1.000000e+30 : f32
      %broadcast_in_dim3A_2335 = vector.broadcast %broadcast_in_dim3A_2334 : f32 to vector<512x1xf32>
      %broadcast_in_dim3A_2336 = arith.constant 0.000000e+00 : f32
      %broadcast_in_dim3A_2337 = vector.broadcast %broadcast_in_dim3A_2336 : f32 to vector<512x1xf32>
      %get3A_2338 = arith.constant 0 : index
      %get3A_2339 = arith.constant 0 : index
      %get3A_2340 = vector.load %arg12[%get3A_2338, %get3A_2339] : memref<8x4096xf32, #tpu.memory_space<vmem>>, vector<8x512xf32>
      %dot_general3A_2341 = arith.constant dense<0.000000e+00> : vector<512x512xf32>
      %dot_general3A_2342 = tpu.matmul %get3A_2333, %get3A_2340, %dot_general3A_2341 {dimension_numbers = #tpu.dot_dimension_numbers<[1], [0], [0], [1], [0, 0, 1, 1], [], []>, transpose_lhs_hint = false} : vector<512x8xf32>, vector<8x512xf32>, vector<512x512xf32> -> vector<512x512xf32>
      %reduce_max3A_2343 = arith.constant dense<0xFF800000> : vector<512xf32>
      %reduce_max3A_2344 = vector.multi_reduction <maximumf>, %dot_general3A_2342, %reduce_max3A_2343 [1] : vector<512x512xf32> to vector<512xf32>
      %broadcast_in_dim3A_2345 = vector.shape_cast %reduce_max3A_2344 : vector<512xf32> to vector<512x1xf32>
      %max3A_2346 = arith.maximumf %broadcast_in_dim3A_2335, %broadcast_in_dim3A_2345 : vector<512x1xf32>
      %sub3A_2347 = arith.subf %broadcast_in_dim3A_2335, %max3A_2346 : vector<512x1xf32>
      %exp23A_2348 = math.exp2 %sub3A_2347 : vector<512x1xf32>
      %mul3A_2349 = arith.mulf %broadcast_in_dim3A_2337, %exp23A_2348 : vector<512x1xf32>
      %sub3A_2350 = vector.broadcast %max3A_2346 : vector<512x1xf32> to vector<512x512xf32>
      %sub3A_2351 = arith.subf %dot_general3A_2342, %sub3A_2350 : vector<512x512xf32>
      %exp23A_2352 = math.exp2 %sub3A_2351 : vector<512x512xf32>
      %reduce_sum3A_2353 = arith.constant dense<0.000000e+00> : vector<512xf32>
      %reduce_sum3A_2354 = vector.multi_reduction <add>, %exp23A_2352, %reduce_sum3A_2353 [1] : vector<512x512xf32> to vector<512xf32>
      %broadcast_in_dim3A_2355 = vector.shape_cast %reduce_sum3A_2354 : vector<512xf32> to vector<512x1xf32>
      %add3A_2356 = arith.addf %mul3A_2349, %broadcast_in_dim3A_2355 : vector<512x1xf32>
      %get3A_2357 = arith.constant 0 : index
      %get3A_2358 = arith.constant 512 : index
      %get3A_2359 = vector.load %arg12[%get3A_2357, %get3A_2358] : memref<8x4096xf32, #tpu.memory_space<vmem>>, vector<8x512xf32>
      %dot_general3A_2360 = arith.constant dense<0.000000e+00> : vector<512x512xf32>
      %dot_general3A_2361 = tpu.matmul %get3A_2333, %get3A_2359, %dot_general3A_2360 {dimension_numbers = #tpu.dot_dimension_numbers<[1], [0], [0], [1], [0, 0, 1, 1], [], []>, transpose_lhs_hint = false} : vector<512x8xf32>, vector<8x512xf32>, vector<512x512xf32> -> vector<512x512xf32>
      %reduce_max3A_2362 = arith.constant dense<0xFF800000> : vector<512xf32>
      %reduce_max3A_2363 = vector.multi_reduction <maximumf>, %dot_general3A_2361, %reduce_max3A_2362 [1] : vector<512x512xf32> to vector<512xf32>
      %broadcast_in_dim3A_2364 = vector.shape_cast %reduce_max3A_2363 : vector<512xf32> to vector<512x1xf32>
      %max3A_2365 = arith.maximumf %max3A_2346, %broadcast_in_dim3A_2364 : vector<512x1xf32>
      %sub3A_2366 = arith.subf %max3A_2346, %max3A_2365 : vector<512x1xf32>
      %exp23A_2367 = math.exp2 %sub3A_2366 : vector<512x1xf32>
      %mul3A_2368 = arith.mulf %add3A_2356, %exp23A_2367 : vector<512x1xf32>
      %sub3A_2369 = vector.broadcast %max3A_2365 : vector<512x1xf32> to vector<512x512xf32>
      %sub3A_2370 = arith.subf %dot_general3A_2361, %sub3A_2369 : vector<512x512xf32>
      %exp23A_2371 = math.exp2 %sub3A_2370 : vector<512x512xf32>
      %reduce_sum3A_2372 = arith.constant dense<0.000000e+00> : vector<512xf32>
      %reduce_sum3A_2373 = vector.multi_reduction <add>, %exp23A_2371, %reduce_sum3A_2372 [1] : vector<512x512xf32> to vector<512xf32>
      %broadcast_in_dim3A_2374 = vector.shape_cast %reduce_sum3A_2373 : vector<512xf32> to vector<512x1xf32>
      %add3A_2375 = arith.addf %mul3A_2368, %broadcast_in_dim3A_2374 : vector<512x1xf32>
      %get3A_2376 = arith.constant 0 : index
      %get3A_2377 = arith.constant 1024 : index
      %get3A_2378 = vector.load %arg12[%get3A_2376, %get3A_2377] : memref<8x4096xf32, #tpu.memory_space<vmem>>, vector<8x512xf32>
      %dot_general3A_2379 = arith.constant dense<0.000000e+00> : vector<512x512xf32>
      %dot_general3A_2380 = tpu.matmul %get3A_2333, %get3A_2378, %dot_general3A_2379 {dimension_numbers = #tpu.dot_dimension_numbers<[1], [0], [0], [1], [0, 0, 1, 1], [], []>, transpose_lhs_hint = false} : vector<512x8xf32>, vector<8x512xf32>, vector<512x512xf32> -> vector<512x512xf32>
      %reduce_max3A_2381 = arith.constant dense<0xFF800000> : vector<512xf32>
      %reduce_max3A_2382 = vector.multi_reduction <maximumf>, %dot_general3A_2380, %reduce_max3A_2381 [1] : vector<512x512xf32> to vector<512xf32>
      %broadcast_in_dim3A_2383 = vector.shape_cast %reduce_max3A_2382 : vector<512xf32> to vector<512x1xf32>
      %max3A_2384 = arith.maximumf %max3A_2365, %broadcast_in_dim3A_2383 : vector<512x1xf32>
      %sub3A_2385 = arith.subf %max3A_2365, %max3A_2384 : vector<512x1xf32>
      %exp23A_2386 = math.exp2 %sub3A_2385 : vector<512x1xf32>
      %mul3A_2387 = arith.mulf %add3A_2375, %exp23A_2386 : vector<512x1xf32>
      %sub3A_2388 = vector.broadcast %max3A_2384 : vector<512x1xf32> to vector<512x512xf32>
      %sub3A_2389 = arith.subf %dot_general3A_2380, %sub3A_2388 : vector<512x512xf32>
      %exp23A_2390 = math.exp2 %sub3A_2389 : vector<512x512xf32>
      %reduce_sum3A_2391 = arith.constant dense<0.000000e+00> : vector<512xf32>
      %reduce_sum3A_2392 = vector.multi_reduction <add>, %exp23A_2390, %reduce_sum3A_2391 [1] : vector<512x512xf32> to vector<512xf32>
      %broadcast_in_dim3A_2393 = vector.shape_cast %reduce_sum3A_2392 : vector<512xf32> to vector<512x1xf32>
      %add3A_2394 = arith.addf %mul3A_2387, %broadcast_in_dim3A_2393 : vector<512x1xf32>
      %get3A_2395 = arith.constant 0 : index
      %get3A_2396 = arith.constant 1536 : index
      %get3A_2397 = vector.load %arg12[%get3A_2395, %get3A_2396] : memref<8x4096xf32, #tpu.memory_space<vmem>>, vector<8x512xf32>
      %dot_general3A_2398 = arith.constant dense<0.000000e+00> : vector<512x512xf32>
      %dot_general3A_2399 = tpu.matmul %get3A_2333, %get3A_2397, %dot_general3A_2398 {dimension_numbers = #tpu.dot_dimension_numbers<[1], [0], [0], [1], [0, 0, 1, 1], [], []>, transpose_lhs_hint = false} : vector<512x8xf32>, vector<8x512xf32>, vector<512x512xf32> -> vector<512x512xf32>
      %reduce_max3A_2400 = arith.constant dense<0xFF800000> : vector<512xf32>
      %reduce_max3A_2401 = vector.multi_reduction <maximumf>, %dot_general3A_2399, %reduce_max3A_2400 [1] : vector<512x512xf32> to vector<512xf32>
      %broadcast_in_dim3A_2402 = vector.shape_cast %reduce_max3A_2401 : vector<512xf32> to vector<512x1xf32>
      %max3A_2403 = arith.maximumf %max3A_2384, %broadcast_in_dim3A_2402 : vector<512x1xf32>
      %sub3A_2404 = arith.subf %max3A_2384, %max3A_2403 : vector<512x1xf32>
      %exp23A_2405 = math.exp2 %sub3A_2404 : vector<512x1xf32>
      %mul3A_2406 = arith.mulf %add3A_2394, %exp23A_2405 : vector<512x1xf32>
      %sub3A_2407 = vector.broadcast %max3A_2403 : vector<512x1xf32> to vector<512x512xf32>
      %sub3A_2408 = arith.subf %dot_general3A_2399, %sub3A_2407 : vector<512x512xf32>
      %exp23A_2409 = math.exp2 %sub3A_2408 : vector<512x512xf32>
      %reduce_sum3A_2410 = arith.constant dense<0.000000e+00> : vector<512xf32>
      %reduce_sum3A_2411 = vector.multi_reduction <add>, %exp23A_2409, %reduce_sum3A_2410 [1] : vector<512x512xf32> to vector<512xf32>
      %broadcast_in_dim3A_2412 = vector.shape_cast %reduce_sum3A_2411 : vector<512xf32> to vector<512x1xf32>
      %add3A_2413 = arith.addf %mul3A_2406, %broadcast_in_dim3A_2412 : vector<512x1xf32>
      %get3A_2414 = arith.constant 0 : index
      %get3A_2415 = arith.constant 2048 : index
      %get3A_2416 = vector.load %arg12[%get3A_2414, %get3A_2415] : memref<8x4096xf32, #tpu.memory_space<vmem>>, vector<8x512xf32>
      %dot_general3A_2417 = arith.constant dense<0.000000e+00> : vector<512x512xf32>
      %dot_general3A_2418 = tpu.matmul %get3A_2333, %get3A_2416, %dot_general3A_2417 {dimension_numbers = #tpu.dot_dimension_numbers<[1], [0], [0], [1], [0, 0, 1, 1], [], []>, transpose_lhs_hint = false} : vector<512x8xf32>, vector<8x512xf32>, vector<512x512xf32> -> vector<512x512xf32>
      %reduce_max3A_2419 = arith.constant dense<0xFF800000> : vector<512xf32>
      %reduce_max3A_2420 = vector.multi_reduction <maximumf>, %dot_general3A_2418, %reduce_max3A_2419 [1] : vector<512x512xf32> to vector<512xf32>
      %broadcast_in_dim3A_2421 = vector.shape_cast %reduce_max3A_2420 : vector<512xf32> to vector<512x1xf32>
      %max3A_2422 = arith.maximumf %max3A_2403, %broadcast_in_dim3A_2421 : vector<512x1xf32>
      %sub3A_2423 = arith.subf %max3A_2403, %max3A_2422 : vector<512x1xf32>
      %exp23A_2424 = math.exp2 %sub3A_2423 : vector<512x1xf32>
      %mul3A_2425 = arith.mulf %add3A_2413, %exp23A_2424 : vector<512x1xf32>
      %sub3A_2426 = vector.broadcast %max3A_2422 : vector<512x1xf32> to vector<512x512xf32>
      %sub3A_2427 = arith.subf %dot_general3A_2418, %sub3A_2426 : vector<512x512xf32>
      %exp23A_2428 = math.exp2 %sub3A_2427 : vector<512x512xf32>
      %reduce_sum3A_2429 = arith.constant dense<0.000000e+00> : vector<512xf32>
      %reduce_sum3A_2430 = vector.multi_reduction <add>, %exp23A_2428, %reduce_sum3A_2429 [1] : vector<512x512xf32> to vector<512xf32>
      %broadcast_in_dim3A_2431 = vector.shape_cast %reduce_sum3A_2430 : vector<512xf32> to vector<512x1xf32>
      %add3A_2432 = arith.addf %mul3A_2425, %broadcast_in_dim3A_2431 : vector<512x1xf32>
      %get3A_2433 = arith.constant 0 : index
      %get3A_2434 = arith.constant 2560 : index
      %get3A_2435 = vector.load %arg12[%get3A_2433, %get3A_2434] : memref<8x4096xf32, #tpu.memory_space<vmem>>, vector<8x512xf32>
      %dot_general3A_2436 = arith.constant dense<0.000000e+00> : vector<512x512xf32>
      %dot_general3A_2437 = tpu.matmul %get3A_2333, %get3A_2435, %dot_general3A_2436 {dimension_numbers = #tpu.dot_dimension_numbers<[1], [0], [0], [1], [0, 0, 1, 1], [], []>, transpose_lhs_hint = false} : vector<512x8xf32>, vector<8x512xf32>, vector<512x512xf32> -> vector<512x512xf32>
      %reduce_max3A_2438 = arith.constant dense<0xFF800000> : vector<512xf32>
      %reduce_max3A_2439 = vector.multi_reduction <maximumf>, %dot_general3A_2437, %reduce_max3A_2438 [1] : vector<512x512xf32> to vector<512xf32>
      %broadcast_in_dim3A_2440 = vector.shape_cast %reduce_max3A_2439 : vector<512xf32> to vector<512x1xf32>
      %max3A_2441 = arith.maximumf %max3A_2422, %broadcast_in_dim3A_2440 : vector<512x1xf32>
      %sub3A_2442 = arith.subf %max3A_2422, %max3A_2441 : vector<512x1xf32>
      %exp23A_2443 = math.exp2 %sub3A_2442 : vector<512x1xf32>
      %mul3A_2444 = arith.mulf %add3A_2432, %exp23A_2443 : vector<512x1xf32>
      %sub3A_2445 = vector.broadcast %max3A_2441 : vector<512x1xf32> to vector<512x512xf32>
      %sub3A_2446 = arith.subf %dot_general3A_2437, %sub3A_2445 : vector<512x512xf32>
      %exp23A_2447 = math.exp2 %sub3A_2446 : vector<512x512xf32>
      %reduce_sum3A_2448 = arith.constant dense<0.000000e+00> : vector<512xf32>
      %reduce_sum3A_2449 = vector.multi_reduction <add>, %exp23A_2447, %reduce_sum3A_2448 [1] : vector<512x512xf32> to vector<512xf32>
      %broadcast_in_dim3A_2450 = vector.shape_cast %reduce_sum3A_2449 : vector<512xf32> to vector<512x1xf32>
      %add3A_2451 = arith.addf %mul3A_2444, %broadcast_in_dim3A_2450 : vector<512x1xf32>
      %get3A_2452 = arith.constant 0 : index
      %get3A_2453 = arith.constant 3072 : index
      %get3A_2454 = vector.load %arg12[%get3A_2452, %get3A_2453] : memref<8x4096xf32, #tpu.memory_space<vmem>>, vector<8x512xf32>
      %dot_general3A_2455 = arith.constant dense<0.000000e+00> : vector<512x512xf32>
      %dot_general3A_2456 = tpu.matmul %get3A_2333, %get3A_2454, %dot_general3A_2455 {dimension_numbers = #tpu.dot_dimension_numbers<[1], [0], [0], [1], [0, 0, 1, 1], [], []>, transpose_lhs_hint = false} : vector<512x8xf32>, vector<8x512xf32>, vector<512x512xf32> -> vector<512x512xf32>
      %reduce_max3A_2457 = arith.constant dense<0xFF800000> : vector<512xf32>
      %reduce_max3A_2458 = vector.multi_reduction <maximumf>, %dot_general3A_2456, %reduce_max3A_2457 [1] : vector<512x512xf32> to vector<512xf32>
      %broadcast_in_dim3A_2459 = vector.shape_cast %reduce_max3A_2458 : vector<512xf32> to vector<512x1xf32>
      %max3A_2460 = arith.maximumf %max3A_2441, %broadcast_in_dim3A_2459 : vector<512x1xf32>
      %sub3A_2461 = arith.subf %max3A_2441, %max3A_2460 : vector<512x1xf32>
      %exp23A_2462 = math.exp2 %sub3A_2461 : vector<512x1xf32>
      %mul3A_2463 = arith.mulf %add3A_2451, %exp23A_2462 : vector<512x1xf32>
      %sub3A_2464 = vector.broadcast %max3A_2460 : vector<512x1xf32> to vector<512x512xf32>
      %sub3A_2465 = arith.subf %dot_general3A_2456, %sub3A_2464 : vector<512x512xf32>
      %exp23A_2466 = math.exp2 %sub3A_2465 : vector<512x512xf32>
      %reduce_sum3A_2467 = arith.constant dense<0.000000e+00> : vector<512xf32>
      %reduce_sum3A_2468 = vector.multi_reduction <add>, %exp23A_2466, %reduce_sum3A_2467 [1] : vector<512x512xf32> to vector<512xf32>
      %broadcast_in_dim3A_2469 = vector.shape_cast %reduce_sum3A_2468 : vector<512xf32> to vector<512x1xf32>
      %add3A_2470 = arith.addf %mul3A_2463, %broadcast_in_dim3A_2469 : vector<512x1xf32>
      %get3A_2471 = arith.constant 0 : index
      %get3A_2472 = arith.constant 3584 : index
      %get3A_2473 = vector.load %arg12[%get3A_2471, %get3A_2472] : memref<8x4096xf32, #tpu.memory_space<vmem>>, vector<8x512xf32>
      %dot_general3A_2474 = arith.constant dense<0.000000e+00> : vector<512x512xf32>
      %dot_general3A_2475 = tpu.matmul %get3A_2333, %get3A_2473, %dot_general3A_2474 {dimension_numbers = #tpu.dot_dimension_numbers<[1], [0], [0], [1], [0, 0, 1, 1], [], []>, transpose_lhs_hint = false} : vector<512x8xf32>, vector<8x512xf32>, vector<512x512xf32> -> vector<512x512xf32>
      %reduce_max3A_2476 = arith.constant dense<0xFF800000> : vector<512xf32>
      %reduce_max3A_2477 = vector.multi_reduction <maximumf>, %dot_general3A_2475, %reduce_max3A_2476 [1] : vector<512x512xf32> to vector<512xf32>
      %broadcast_in_dim3A_2478 = vector.shape_cast %reduce_max3A_2477 : vector<512xf32> to vector<512x1xf32>
      %max3A_2479 = arith.maximumf %max3A_2460, %broadcast_in_dim3A_2478 : vector<512x1xf32>
      %sub3A_2480 = arith.subf %max3A_2460, %max3A_2479 : vector<512x1xf32>
      %exp23A_2481 = math.exp2 %sub3A_2480 : vector<512x1xf32>
      %mul3A_2482 = arith.mulf %add3A_2470, %exp23A_2481 : vector<512x1xf32>
      %sub3A_2483 = vector.broadcast %max3A_2479 : vector<512x1xf32> to vector<512x512xf32>
      %sub3A_2484 = arith.subf %dot_general3A_2475, %sub3A_2483 : vector<512x512xf32>
      %exp23A_2485 = math.exp2 %sub3A_2484 : vector<512x512xf32>
      %reduce_sum3A_2486 = arith.constant dense<0.000000e+00> : vector<512xf32>
      %reduce_sum3A_2487 = vector.multi_reduction <add>, %exp23A_2485, %reduce_sum3A_2486 [1] : vector<512x512xf32> to vector<512xf32>
      %broadcast_in_dim3A_2488 = vector.shape_cast %reduce_sum3A_2487 : vector<512xf32> to vector<512x1xf32>
      %add3A_2489 = arith.addf %mul3A_2482, %broadcast_in_dim3A_2488 : vector<512x1xf32>
      %neg3A_2490 = arith.constant 0.000000e+00 : f32
      %neg3A_2491 = arith.subf %neg3A_2490, %get3A_104 : f32
      %log3A_2492 = math.log %add3A_2489 : vector<512x1xf32>
      %log3A_2493 = arith.constant 2.000000e+00 : f32
      %log3A_2494 = math.log %log3A_2493 : f32
      %div3A_2495 = vector.broadcast %log3A_2494 : f32 to vector<512x1xf32>
      %div3A_2496 = arith.divf %log3A_2492, %div3A_2495 : vector<512x1xf32>
      %add3A_2497 = arith.addf %div3A_2496, %max3A_2479 : vector<512x1xf32>
      %mul3A_2498 = arith.constant 0.693147182 : f32
      %mul3A_2499 = vector.broadcast %mul3A_2498 : f32 to vector<512x1xf32>
      %mul3A_2500 = arith.mulf %add3A_2497, %mul3A_2499 : vector<512x1xf32>
      %add3A_2501 = arith.constant -8.31776618 : f32
      %add3A_2502 = vector.broadcast %add3A_2501 : f32 to vector<512x1xf32>
      %add3A_2503 = arith.addf %mul3A_2500, %add3A_2502 : vector<512x1xf32>
      %mul3A_2504 = vector.broadcast %neg3A_2491 : f32 to vector<512x1xf32>
      %mul3A_2505 = arith.mulf %mul3A_2504, %add3A_2503 : vector<512x1xf32>
      %swap3A_2506 = arith.index_cast %mul3A_2330 : i32 to index
      %swap3A_2507 = arith.constant 0 : index
      %swap3A_2508 = vector.load %arg8[%swap3A_2506, %swap3A_2507] : memref<4096x1xf32, #tpu.memory_space<vmem>>, vector<512x1xf32>
      tpu.vector_store %arg8[%swap3A_2506, %swap3A_2507], %mul3A_2505 {strides = array<i32>} : memref<4096x1xf32, #tpu.memory_space<vmem>>, vector<512x1xf32>,
      %scan3A_2509 = arith.constant 5 : i32
      %mul3A_2510 = arith.constant 512 : i32
      %mul3A_2511 = arith.muli %scan3A_2509, %mul3A_2510 : i32
      %get3A_2512 = arith.index_cast %mul3A_2511 : i32 to index
      %get3A_2513 = arith.constant 0 : index
      %get3A_2514 = vector.load %arg11[%get3A_2512, %get3A_2513] : memref<4096x8xf32, #tpu.memory_space<vmem>>, vector<512x8xf32>
      %broadcast_in_dim3A_2515 = arith.constant -1.000000e+30 : f32
      %broadcast_in_dim3A_2516 = vector.broadcast %broadcast_in_dim3A_2515 : f32 to vector<512x1xf32>
      %broadcast_in_dim3A_2517 = arith.constant 0.000000e+00 : f32
      %broadcast_in_dim3A_2518 = vector.broadcast %broadcast_in_dim3A_2517 : f32 to vector<512x1xf32>
      %get3A_2519 = arith.constant 0 : index
      %get3A_2520 = arith.constant 0 : index
      %get3A_2521 = vector.load %arg12[%get3A_2519, %get3A_2520] : memref<8x4096xf32, #tpu.memory_space<vmem>>, vector<8x512xf32>
      %dot_general3A_2522 = arith.constant dense<0.000000e+00> : vector<512x512xf32>
      %dot_general3A_2523 = tpu.matmul %get3A_2514, %get3A_2521, %dot_general3A_2522 {dimension_numbers = #tpu.dot_dimension_numbers<[1], [0], [0], [1], [0, 0, 1, 1], [], []>, transpose_lhs_hint = false} : vector<512x8xf32>, vector<8x512xf32>, vector<512x512xf32> -> vector<512x512xf32>
      %reduce_max3A_2524 = arith.constant dense<0xFF800000> : vector<512xf32>
      %reduce_max3A_2525 = vector.multi_reduction <maximumf>, %dot_general3A_2523, %reduce_max3A_2524 [1] : vector<512x512xf32> to vector<512xf32>
      %broadcast_in_dim3A_2526 = vector.shape_cast %reduce_max3A_2525 : vector<512xf32> to vector<512x1xf32>
      %max3A_2527 = arith.maximumf %broadcast_in_dim3A_2516, %broadcast_in_dim3A_2526 : vector<512x1xf32>
      %sub3A_2528 = arith.subf %broadcast_in_dim3A_2516, %max3A_2527 : vector<512x1xf32>
      %exp23A_2529 = math.exp2 %sub3A_2528 : vector<512x1xf32>
      %mul3A_2530 = arith.mulf %broadcast_in_dim3A_2518, %exp23A_2529 : vector<512x1xf32>
      %sub3A_2531 = vector.broadcast %max3A_2527 : vector<512x1xf32> to vector<512x512xf32>
      %sub3A_2532 = arith.subf %dot_general3A_2523, %sub3A_2531 : vector<512x512xf32>
      %exp23A_2533 = math.exp2 %sub3A_2532 : vector<512x512xf32>
      %reduce_sum3A_2534 = arith.constant dense<0.000000e+00> : vector<512xf32>
      %reduce_sum3A_2535 = vector.multi_reduction <add>, %exp23A_2533, %reduce_sum3A_2534 [1] : vector<512x512xf32> to vector<512xf32>
      %broadcast_in_dim3A_2536 = vector.shape_cast %reduce_sum3A_2535 : vector<512xf32> to vector<512x1xf32>
      %add3A_2537 = arith.addf %mul3A_2530, %broadcast_in_dim3A_2536 : vector<512x1xf32>
      %get3A_2538 = arith.constant 0 : index
      %get3A_2539 = arith.constant 512 : index
      %get3A_2540 = vector.load %arg12[%get3A_2538, %get3A_2539] : memref<8x4096xf32, #tpu.memory_space<vmem>>, vector<8x512xf32>
      %dot_general3A_2541 = arith.constant dense<0.000000e+00> : vector<512x512xf32>
      %dot_general3A_2542 = tpu.matmul %get3A_2514, %get3A_2540, %dot_general3A_2541 {dimension_numbers = #tpu.dot_dimension_numbers<[1], [0], [0], [1], [0, 0, 1, 1], [], []>, transpose_lhs_hint = false} : vector<512x8xf32>, vector<8x512xf32>, vector<512x512xf32> -> vector<512x512xf32>
      %reduce_max3A_2543 = arith.constant dense<0xFF800000> : vector<512xf32>
      %reduce_max3A_2544 = vector.multi_reduction <maximumf>, %dot_general3A_2542, %reduce_max3A_2543 [1] : vector<512x512xf32> to vector<512xf32>
      %broadcast_in_dim3A_2545 = vector.shape_cast %reduce_max3A_2544 : vector<512xf32> to vector<512x1xf32>
      %max3A_2546 = arith.maximumf %max3A_2527, %broadcast_in_dim3A_2545 : vector<512x1xf32>
      %sub3A_2547 = arith.subf %max3A_2527, %max3A_2546 : vector<512x1xf32>
      %exp23A_2548 = math.exp2 %sub3A_2547 : vector<512x1xf32>
      %mul3A_2549 = arith.mulf %add3A_2537, %exp23A_2548 : vector<512x1xf32>
      %sub3A_2550 = vector.broadcast %max3A_2546 : vector<512x1xf32> to vector<512x512xf32>
      %sub3A_2551 = arith.subf %dot_general3A_2542, %sub3A_2550 : vector<512x512xf32>
      %exp23A_2552 = math.exp2 %sub3A_2551 : vector<512x512xf32>
      %reduce_sum3A_2553 = arith.constant dense<0.000000e+00> : vector<512xf32>
      %reduce_sum3A_2554 = vector.multi_reduction <add>, %exp23A_2552, %reduce_sum3A_2553 [1] : vector<512x512xf32> to vector<512xf32>
      %broadcast_in_dim3A_2555 = vector.shape_cast %reduce_sum3A_2554 : vector<512xf32> to vector<512x1xf32>
      %add3A_2556 = arith.addf %mul3A_2549, %broadcast_in_dim3A_2555 : vector<512x1xf32>
      %get3A_2557 = arith.constant 0 : index
      %get3A_2558 = arith.constant 1024 : index
      %get3A_2559 = vector.load %arg12[%get3A_2557, %get3A_2558] : memref<8x4096xf32, #tpu.memory_space<vmem>>, vector<8x512xf32>
      %dot_general3A_2560 = arith.constant dense<0.000000e+00> : vector<512x512xf32>
      %dot_general3A_2561 = tpu.matmul %get3A_2514, %get3A_2559, %dot_general3A_2560 {dimension_numbers = #tpu.dot_dimension_numbers<[1], [0], [0], [1], [0, 0, 1, 1], [], []>, transpose_lhs_hint = false} : vector<512x8xf32>, vector<8x512xf32>, vector<512x512xf32> -> vector<512x512xf32>
      %reduce_max3A_2562 = arith.constant dense<0xFF800000> : vector<512xf32>
      %reduce_max3A_2563 = vector.multi_reduction <maximumf>, %dot_general3A_2561, %reduce_max3A_2562 [1] : vector<512x512xf32> to vector<512xf32>
      %broadcast_in_dim3A_2564 = vector.shape_cast %reduce_max3A_2563 : vector<512xf32> to vector<512x1xf32>
      %max3A_2565 = arith.maximumf %max3A_2546, %broadcast_in_dim3A_2564 : vector<512x1xf32>
      %sub3A_2566 = arith.subf %max3A_2546, %max3A_2565 : vector<512x1xf32>
      %exp23A_2567 = math.exp2 %sub3A_2566 : vector<512x1xf32>
      %mul3A_2568 = arith.mulf %add3A_2556, %exp23A_2567 : vector<512x1xf32>
      %sub3A_2569 = vector.broadcast %max3A_2565 : vector<512x1xf32> to vector<512x512xf32>
      %sub3A_2570 = arith.subf %dot_general3A_2561, %sub3A_2569 : vector<512x512xf32>
      %exp23A_2571 = math.exp2 %sub3A_2570 : vector<512x512xf32>
      %reduce_sum3A_2572 = arith.constant dense<0.000000e+00> : vector<512xf32>
      %reduce_sum3A_2573 = vector.multi_reduction <add>, %exp23A_2571, %reduce_sum3A_2572 [1] : vector<512x512xf32> to vector<512xf32>
      %broadcast_in_dim3A_2574 = vector.shape_cast %reduce_sum3A_2573 : vector<512xf32> to vector<512x1xf32>
      %add3A_2575 = arith.addf %mul3A_2568, %broadcast_in_dim3A_2574 : vector<512x1xf32>
      %get3A_2576 = arith.constant 0 : index
      %get3A_2577 = arith.constant 1536 : index
      %get3A_2578 = vector.load %arg12[%get3A_2576, %get3A_2577] : memref<8x4096xf32, #tpu.memory_space<vmem>>, vector<8x512xf32>
      %dot_general3A_2579 = arith.constant dense<0.000000e+00> : vector<512x512xf32>
      %dot_general3A_2580 = tpu.matmul %get3A_2514, %get3A_2578, %dot_general3A_2579 {dimension_numbers = #tpu.dot_dimension_numbers<[1], [0], [0], [1], [0, 0, 1, 1], [], []>, transpose_lhs_hint = false} : vector<512x8xf32>, vector<8x512xf32>, vector<512x512xf32> -> vector<512x512xf32>
      %reduce_max3A_2581 = arith.constant dense<0xFF800000> : vector<512xf32>
      %reduce_max3A_2582 = vector.multi_reduction <maximumf>, %dot_general3A_2580, %reduce_max3A_2581 [1] : vector<512x512xf32> to vector<512xf32>
      %broadcast_in_dim3A_2583 = vector.shape_cast %reduce_max3A_2582 : vector<512xf32> to vector<512x1xf32>
      %max3A_2584 = arith.maximumf %max3A_2565, %broadcast_in_dim3A_2583 : vector<512x1xf32>
      %sub3A_2585 = arith.subf %max3A_2565, %max3A_2584 : vector<512x1xf32>
      %exp23A_2586 = math.exp2 %sub3A_2585 : vector<512x1xf32>
      %mul3A_2587 = arith.mulf %add3A_2575, %exp23A_2586 : vector<512x1xf32>
      %sub3A_2588 = vector.broadcast %max3A_2584 : vector<512x1xf32> to vector<512x512xf32>
      %sub3A_2589 = arith.subf %dot_general3A_2580, %sub3A_2588 : vector<512x512xf32>
      %exp23A_2590 = math.exp2 %sub3A_2589 : vector<512x512xf32>
      %reduce_sum3A_2591 = arith.constant dense<0.000000e+00> : vector<512xf32>
      %reduce_sum3A_2592 = vector.multi_reduction <add>, %exp23A_2590, %reduce_sum3A_2591 [1] : vector<512x512xf32> to vector<512xf32>
      %broadcast_in_dim3A_2593 = vector.shape_cast %reduce_sum3A_2592 : vector<512xf32> to vector<512x1xf32>
      %add3A_2594 = arith.addf %mul3A_2587, %broadcast_in_dim3A_2593 : vector<512x1xf32>
      %get3A_2595 = arith.constant 0 : index
      %get3A_2596 = arith.constant 2048 : index
      %get3A_2597 = vector.load %arg12[%get3A_2595, %get3A_2596] : memref<8x4096xf32, #tpu.memory_space<vmem>>, vector<8x512xf32>
      %dot_general3A_2598 = arith.constant dense<0.000000e+00> : vector<512x512xf32>
      %dot_general3A_2599 = tpu.matmul %get3A_2514, %get3A_2597, %dot_general3A_2598 {dimension_numbers = #tpu.dot_dimension_numbers<[1], [0], [0], [1], [0, 0, 1, 1], [], []>, transpose_lhs_hint = false} : vector<512x8xf32>, vector<8x512xf32>, vector<512x512xf32> -> vector<512x512xf32>
      %reduce_max3A_2600 = arith.constant dense<0xFF800000> : vector<512xf32>
      %reduce_max3A_2601 = vector.multi_reduction <maximumf>, %dot_general3A_2599, %reduce_max3A_2600 [1] : vector<512x512xf32> to vector<512xf32>
      %broadcast_in_dim3A_2602 = vector.shape_cast %reduce_max3A_2601 : vector<512xf32> to vector<512x1xf32>
      %max3A_2603 = arith.maximumf %max3A_2584, %broadcast_in_dim3A_2602 : vector<512x1xf32>
      %sub3A_2604 = arith.subf %max3A_2584, %max3A_2603 : vector<512x1xf32>
      %exp23A_2605 = math.exp2 %sub3A_2604 : vector<512x1xf32>
      %mul3A_2606 = arith.mulf %add3A_2594, %exp23A_2605 : vector<512x1xf32>
      %sub3A_2607 = vector.broadcast %max3A_2603 : vector<512x1xf32> to vector<512x512xf32>
      %sub3A_2608 = arith.subf %dot_general3A_2599, %sub3A_2607 : vector<512x512xf32>
      %exp23A_2609 = math.exp2 %sub3A_2608 : vector<512x512xf32>
      %reduce_sum3A_2610 = arith.constant dense<0.000000e+00> : vector<512xf32>
      %reduce_sum3A_2611 = vector.multi_reduction <add>, %exp23A_2609, %reduce_sum3A_2610 [1] : vector<512x512xf32> to vector<512xf32>
      %broadcast_in_dim3A_2612 = vector.shape_cast %reduce_sum3A_2611 : vector<512xf32> to vector<512x1xf32>
      %add3A_2613 = arith.addf %mul3A_2606, %broadcast_in_dim3A_2612 : vector<512x1xf32>
      %get3A_2614 = arith.constant 0 : index
      %get3A_2615 = arith.constant 2560 : index
      %get3A_2616 = vector.load %arg12[%get3A_2614, %get3A_2615] : memref<8x4096xf32, #tpu.memory_space<vmem>>, vector<8x512xf32>
      %dot_general3A_2617 = arith.constant dense<0.000000e+00> : vector<512x512xf32>
      %dot_general3A_2618 = tpu.matmul %get3A_2514, %get3A_2616, %dot_general3A_2617 {dimension_numbers = #tpu.dot_dimension_numbers<[1], [0], [0], [1], [0, 0, 1, 1], [], []>, transpose_lhs_hint = false} : vector<512x8xf32>, vector<8x512xf32>, vector<512x512xf32> -> vector<512x512xf32>
      %reduce_max3A_2619 = arith.constant dense<0xFF800000> : vector<512xf32>
      %reduce_max3A_2620 = vector.multi_reduction <maximumf>, %dot_general3A_2618, %reduce_max3A_2619 [1] : vector<512x512xf32> to vector<512xf32>
      %broadcast_in_dim3A_2621 = vector.shape_cast %reduce_max3A_2620 : vector<512xf32> to vector<512x1xf32>
      %max3A_2622 = arith.maximumf %max3A_2603, %broadcast_in_dim3A_2621 : vector<512x1xf32>
      %sub3A_2623 = arith.subf %max3A_2603, %max3A_2622 : vector<512x1xf32>
      %exp23A_2624 = math.exp2 %sub3A_2623 : vector<512x1xf32>
      %mul3A_2625 = arith.mulf %add3A_2613, %exp23A_2624 : vector<512x1xf32>
      %sub3A_2626 = vector.broadcast %max3A_2622 : vector<512x1xf32> to vector<512x512xf32>
      %sub3A_2627 = arith.subf %dot_general3A_2618, %sub3A_2626 : vector<512x512xf32>
      %exp23A_2628 = math.exp2 %sub3A_2627 : vector<512x512xf32>
      %reduce_sum3A_2629 = arith.constant dense<0.000000e+00> : vector<512xf32>
      %reduce_sum3A_2630 = vector.multi_reduction <add>, %exp23A_2628, %reduce_sum3A_2629 [1] : vector<512x512xf32> to vector<512xf32>
      %broadcast_in_dim3A_2631 = vector.shape_cast %reduce_sum3A_2630 : vector<512xf32> to vector<512x1xf32>
      %add3A_2632 = arith.addf %mul3A_2625, %broadcast_in_dim3A_2631 : vector<512x1xf32>
      %get3A_2633 = arith.constant 0 : index
      %get3A_2634 = arith.constant 3072 : index
      %get3A_2635 = vector.load %arg12[%get3A_2633, %get3A_2634] : memref<8x4096xf32, #tpu.memory_space<vmem>>, vector<8x512xf32>
      %dot_general3A_2636 = arith.constant dense<0.000000e+00> : vector<512x512xf32>
      %dot_general3A_2637 = tpu.matmul %get3A_2514, %get3A_2635, %dot_general3A_2636 {dimension_numbers = #tpu.dot_dimension_numbers<[1], [0], [0], [1], [0, 0, 1, 1], [], []>, transpose_lhs_hint = false} : vector<512x8xf32>, vector<8x512xf32>, vector<512x512xf32> -> vector<512x512xf32>
      %reduce_max3A_2638 = arith.constant dense<0xFF800000> : vector<512xf32>
      %reduce_max3A_2639 = vector.multi_reduction <maximumf>, %dot_general3A_2637, %reduce_max3A_2638 [1] : vector<512x512xf32> to vector<512xf32>
      %broadcast_in_dim3A_2640 = vector.shape_cast %reduce_max3A_2639 : vector<512xf32> to vector<512x1xf32>
      %max3A_2641 = arith.maximumf %max3A_2622, %broadcast_in_dim3A_2640 : vector<512x1xf32>
      %sub3A_2642 = arith.subf %max3A_2622, %max3A_2641 : vector<512x1xf32>
      %exp23A_2643 = math.exp2 %sub3A_2642 : vector<512x1xf32>
      %mul3A_2644 = arith.mulf %add3A_2632, %exp23A_2643 : vector<512x1xf32>
      %sub3A_2645 = vector.broadcast %max3A_2641 : vector<512x1xf32> to vector<512x512xf32>
      %sub3A_2646 = arith.subf %dot_general3A_2637, %sub3A_2645 : vector<512x512xf32>
      %exp23A_2647 = math.exp2 %sub3A_2646 : vector<512x512xf32>
      %reduce_sum3A_2648 = arith.constant dense<0.000000e+00> : vector<512xf32>
      %reduce_sum3A_2649 = vector.multi_reduction <add>, %exp23A_2647, %reduce_sum3A_2648 [1] : vector<512x512xf32> to vector<512xf32>
      %broadcast_in_dim3A_2650 = vector.shape_cast %reduce_sum3A_2649 : vector<512xf32> to vector<512x1xf32>
      %add3A_2651 = arith.addf %mul3A_2644, %broadcast_in_dim3A_2650 : vector<512x1xf32>
      %get3A_2652 = arith.constant 0 : index
      %get3A_2653 = arith.constant 3584 : index
      %get3A_2654 = vector.load %arg12[%get3A_2652, %get3A_2653] : memref<8x4096xf32, #tpu.memory_space<vmem>>, vector<8x512xf32>
      %dot_general3A_2655 = arith.constant dense<0.000000e+00> : vector<512x512xf32>
      %dot_general3A_2656 = tpu.matmul %get3A_2514, %get3A_2654, %dot_general3A_2655 {dimension_numbers = #tpu.dot_dimension_numbers<[1], [0], [0], [1], [0, 0, 1, 1], [], []>, transpose_lhs_hint = false} : vector<512x8xf32>, vector<8x512xf32>, vector<512x512xf32> -> vector<512x512xf32>
      %reduce_max3A_2657 = arith.constant dense<0xFF800000> : vector<512xf32>
      %reduce_max3A_2658 = vector.multi_reduction <maximumf>, %dot_general3A_2656, %reduce_max3A_2657 [1] : vector<512x512xf32> to vector<512xf32>
      %broadcast_in_dim3A_2659 = vector.shape_cast %reduce_max3A_2658 : vector<512xf32> to vector<512x1xf32>
      %max3A_2660 = arith.maximumf %max3A_2641, %broadcast_in_dim3A_2659 : vector<512x1xf32>
      %sub3A_2661 = arith.subf %max3A_2641, %max3A_2660 : vector<512x1xf32>
      %exp23A_2662 = math.exp2 %sub3A_2661 : vector<512x1xf32>
      %mul3A_2663 = arith.mulf %add3A_2651, %exp23A_2662 : vector<512x1xf32>
      %sub3A_2664 = vector.broadcast %max3A_2660 : vector<512x1xf32> to vector<512x512xf32>
      %sub3A_2665 = arith.subf %dot_general3A_2656, %sub3A_2664 : vector<512x512xf32>
      %exp23A_2666 = math.exp2 %sub3A_2665 : vector<512x512xf32>
      %reduce_sum3A_2667 = arith.constant dense<0.000000e+00> : vector<512xf32>
      %reduce_sum3A_2668 = vector.multi_reduction <add>, %exp23A_2666, %reduce_sum3A_2667 [1] : vector<512x512xf32> to vector<512xf32>
      %broadcast_in_dim3A_2669 = vector.shape_cast %reduce_sum3A_2668 : vector<512xf32> to vector<512x1xf32>
      %add3A_2670 = arith.addf %mul3A_2663, %broadcast_in_dim3A_2669 : vector<512x1xf32>
      %neg3A_2671 = arith.constant 0.000000e+00 : f32
      %neg3A_2672 = arith.subf %neg3A_2671, %get3A_104 : f32
      %log3A_2673 = math.log %add3A_2670 : vector<512x1xf32>
      %log3A_2674 = arith.constant 2.000000e+00 : f32
      %log3A_2675 = math.log %log3A_2674 : f32
      %div3A_2676 = vector.broadcast %log3A_2675 : f32 to vector<512x1xf32>
      %div3A_2677 = arith.divf %log3A_2673, %div3A_2676 : vector<512x1xf32>
      %add3A_2678 = arith.addf %div3A_2677, %max3A_2660 : vector<512x1xf32>
      %mul3A_2679 = arith.constant 0.693147182 : f32
      %mul3A_2680 = vector.broadcast %mul3A_2679 : f32 to vector<512x1xf32>
      %mul3A_2681 = arith.mulf %add3A_2678, %mul3A_2680 : vector<512x1xf32>
      %add3A_2682 = arith.constant -8.31776618 : f32
      %add3A_2683 = vector.broadcast %add3A_2682 : f32 to vector<512x1xf32>
      %add3A_2684 = arith.addf %mul3A_2681, %add3A_2683 : vector<512x1xf32>
      %mul3A_2685 = vector.broadcast %neg3A_2672 : f32 to vector<512x1xf32>
      %mul3A_2686 = arith.mulf %mul3A_2685, %add3A_2684 : vector<512x1xf32>
      %swap3A_2687 = arith.index_cast %mul3A_2511 : i32 to index
      %swap3A_2688 = arith.constant 0 : index
      %swap3A_2689 = vector.load %arg8[%swap3A_2687, %swap3A_2688] : memref<4096x1xf32, #tpu.memory_space<vmem>>, vector<512x1xf32>
      tpu.vector_store %arg8[%swap3A_2687, %swap3A_2688], %mul3A_2686 {strides = array<i32>} : memref<4096x1xf32, #tpu.memory_space<vmem>>, vector<512x1xf32>,
      %scan3A_2690 = arith.constant 6 : i32
      %mul3A_2691 = arith.constant 512 : i32
      %mul3A_2692 = arith.muli %scan3A_2690, %mul3A_2691 : i32
      %get3A_2693 = arith.index_cast %mul3A_2692 : i32 to index
      %get3A_2694 = arith.constant 0 : index
      %get3A_2695 = vector.load %arg11[%get3A_2693, %get3A_2694] : memref<4096x8xf32, #tpu.memory_space<vmem>>, vector<512x8xf32>
      %broadcast_in_dim3A_2696 = arith.constant -1.000000e+30 : f32
      %broadcast_in_dim3A_2697 = vector.broadcast %broadcast_in_dim3A_2696 : f32 to vector<512x1xf32>
      %broadcast_in_dim3A_2698 = arith.constant 0.000000e+00 : f32
      %broadcast_in_dim3A_2699 = vector.broadcast %broadcast_in_dim3A_2698 : f32 to vector<512x1xf32>
      %get3A_2700 = arith.constant 0 : index
      %get3A_2701 = arith.constant 0 : index
      %get3A_2702 = vector.load %arg12[%get3A_2700, %get3A_2701] : memref<8x4096xf32, #tpu.memory_space<vmem>>, vector<8x512xf32>
      %dot_general3A_2703 = arith.constant dense<0.000000e+00> : vector<512x512xf32>
      %dot_general3A_2704 = tpu.matmul %get3A_2695, %get3A_2702, %dot_general3A_2703 {dimension_numbers = #tpu.dot_dimension_numbers<[1], [0], [0], [1], [0, 0, 1, 1], [], []>, transpose_lhs_hint = false} : vector<512x8xf32>, vector<8x512xf32>, vector<512x512xf32> -> vector<512x512xf32>
      %reduce_max3A_2705 = arith.constant dense<0xFF800000> : vector<512xf32>
      %reduce_max3A_2706 = vector.multi_reduction <maximumf>, %dot_general3A_2704, %reduce_max3A_2705 [1] : vector<512x512xf32> to vector<512xf32>
      %broadcast_in_dim3A_2707 = vector.shape_cast %reduce_max3A_2706 : vector<512xf32> to vector<512x1xf32>
      %max3A_2708 = arith.maximumf %broadcast_in_dim3A_2697, %broadcast_in_dim3A_2707 : vector<512x1xf32>
      %sub3A_2709 = arith.subf %broadcast_in_dim3A_2697, %max3A_2708 : vector<512x1xf32>
      %exp23A_2710 = math.exp2 %sub3A_2709 : vector<512x1xf32>
      %mul3A_2711 = arith.mulf %broadcast_in_dim3A_2699, %exp23A_2710 : vector<512x1xf32>
      %sub3A_2712 = vector.broadcast %max3A_2708 : vector<512x1xf32> to vector<512x512xf32>
      %sub3A_2713 = arith.subf %dot_general3A_2704, %sub3A_2712 : vector<512x512xf32>
      %exp23A_2714 = math.exp2 %sub3A_2713 : vector<512x512xf32>
      %reduce_sum3A_2715 = arith.constant dense<0.000000e+00> : vector<512xf32>
      %reduce_sum3A_2716 = vector.multi_reduction <add>, %exp23A_2714, %reduce_sum3A_2715 [1] : vector<512x512xf32> to vector<512xf32>
      %broadcast_in_dim3A_2717 = vector.shape_cast %reduce_sum3A_2716 : vector<512xf32> to vector<512x1xf32>
      %add3A_2718 = arith.addf %mul3A_2711, %broadcast_in_dim3A_2717 : vector<512x1xf32>
      %get3A_2719 = arith.constant 0 : index
      %get3A_2720 = arith.constant 512 : index
      %get3A_2721 = vector.load %arg12[%get3A_2719, %get3A_2720] : memref<8x4096xf32, #tpu.memory_space<vmem>>, vector<8x512xf32>
      %dot_general3A_2722 = arith.constant dense<0.000000e+00> : vector<512x512xf32>
      %dot_general3A_2723 = tpu.matmul %get3A_2695, %get3A_2721, %dot_general3A_2722 {dimension_numbers = #tpu.dot_dimension_numbers<[1], [0], [0], [1], [0, 0, 1, 1], [], []>, transpose_lhs_hint = false} : vector<512x8xf32>, vector<8x512xf32>, vector<512x512xf32> -> vector<512x512xf32>
      %reduce_max3A_2724 = arith.constant dense<0xFF800000> : vector<512xf32>
      %reduce_max3A_2725 = vector.multi_reduction <maximumf>, %dot_general3A_2723, %reduce_max3A_2724 [1] : vector<512x512xf32> to vector<512xf32>
      %broadcast_in_dim3A_2726 = vector.shape_cast %reduce_max3A_2725 : vector<512xf32> to vector<512x1xf32>
      %max3A_2727 = arith.maximumf %max3A_2708, %broadcast_in_dim3A_2726 : vector<512x1xf32>
      %sub3A_2728 = arith.subf %max3A_2708, %max3A_2727 : vector<512x1xf32>
      %exp23A_2729 = math.exp2 %sub3A_2728 : vector<512x1xf32>
      %mul3A_2730 = arith.mulf %add3A_2718, %exp23A_2729 : vector<512x1xf32>
      %sub3A_2731 = vector.broadcast %max3A_2727 : vector<512x1xf32> to vector<512x512xf32>
      %sub3A_2732 = arith.subf %dot_general3A_2723, %sub3A_2731 : vector<512x512xf32>
      %exp23A_2733 = math.exp2 %sub3A_2732 : vector<512x512xf32>
      %reduce_sum3A_2734 = arith.constant dense<0.000000e+00> : vector<512xf32>
      %reduce_sum3A_2735 = vector.multi_reduction <add>, %exp23A_2733, %reduce_sum3A_2734 [1] : vector<512x512xf32> to vector<512xf32>
      %broadcast_in_dim3A_2736 = vector.shape_cast %reduce_sum3A_2735 : vector<512xf32> to vector<512x1xf32>
      %add3A_2737 = arith.addf %mul3A_2730, %broadcast_in_dim3A_2736 : vector<512x1xf32>
      %get3A_2738 = arith.constant 0 : index
      %get3A_2739 = arith.constant 1024 : index
      %get3A_2740 = vector.load %arg12[%get3A_2738, %get3A_2739] : memref<8x4096xf32, #tpu.memory_space<vmem>>, vector<8x512xf32>
      %dot_general3A_2741 = arith.constant dense<0.000000e+00> : vector<512x512xf32>
      %dot_general3A_2742 = tpu.matmul %get3A_2695, %get3A_2740, %dot_general3A_2741 {dimension_numbers = #tpu.dot_dimension_numbers<[1], [0], [0], [1], [0, 0, 1, 1], [], []>, transpose_lhs_hint = false} : vector<512x8xf32>, vector<8x512xf32>, vector<512x512xf32> -> vector<512x512xf32>
      %reduce_max3A_2743 = arith.constant dense<0xFF800000> : vector<512xf32>
      %reduce_max3A_2744 = vector.multi_reduction <maximumf>, %dot_general3A_2742, %reduce_max3A_2743 [1] : vector<512x512xf32> to vector<512xf32>
      %broadcast_in_dim3A_2745 = vector.shape_cast %reduce_max3A_2744 : vector<512xf32> to vector<512x1xf32>
      %max3A_2746 = arith.maximumf %max3A_2727, %broadcast_in_dim3A_2745 : vector<512x1xf32>
      %sub3A_2747 = arith.subf %max3A_2727, %max3A_2746 : vector<512x1xf32>
      %exp23A_2748 = math.exp2 %sub3A_2747 : vector<512x1xf32>
      %mul3A_2749 = arith.mulf %add3A_2737, %exp23A_2748 : vector<512x1xf32>
      %sub3A_2750 = vector.broadcast %max3A_2746 : vector<512x1xf32> to vector<512x512xf32>
      %sub3A_2751 = arith.subf %dot_general3A_2742, %sub3A_2750 : vector<512x512xf32>
      %exp23A_2752 = math.exp2 %sub3A_2751 : vector<512x512xf32>
      %reduce_sum3A_2753 = arith.constant dense<0.000000e+00> : vector<512xf32>
      %reduce_sum3A_2754 = vector.multi_reduction <add>, %exp23A_2752, %reduce_sum3A_2753 [1] : vector<512x512xf32> to vector<512xf32>
      %broadcast_in_dim3A_2755 = vector.shape_cast %reduce_sum3A_2754 : vector<512xf32> to vector<512x1xf32>
      %add3A_2756 = arith.addf %mul3A_2749, %broadcast_in_dim3A_2755 : vector<512x1xf32>
      %get3A_2757 = arith.constant 0 : index
      %get3A_2758 = arith.constant 1536 : index
      %get3A_2759 = vector.load %arg12[%get3A_2757, %get3A_2758] : memref<8x4096xf32, #tpu.memory_space<vmem>>, vector<8x512xf32>
      %dot_general3A_2760 = arith.constant dense<0.000000e+00> : vector<512x512xf32>
      %dot_general3A_2761 = tpu.matmul %get3A_2695, %get3A_2759, %dot_general3A_2760 {dimension_numbers = #tpu.dot_dimension_numbers<[1], [0], [0], [1], [0, 0, 1, 1], [], []>, transpose_lhs_hint = false} : vector<512x8xf32>, vector<8x512xf32>, vector<512x512xf32> -> vector<512x512xf32>
      %reduce_max3A_2762 = arith.constant dense<0xFF800000> : vector<512xf32>
      %reduce_max3A_2763 = vector.multi_reduction <maximumf>, %dot_general3A_2761, %reduce_max3A_2762 [1] : vector<512x512xf32> to vector<512xf32>
      %broadcast_in_dim3A_2764 = vector.shape_cast %reduce_max3A_2763 : vector<512xf32> to vector<512x1xf32>
      %max3A_2765 = arith.maximumf %max3A_2746, %broadcast_in_dim3A_2764 : vector<512x1xf32>
      %sub3A_2766 = arith.subf %max3A_2746, %max3A_2765 : vector<512x1xf32>
      %exp23A_2767 = math.exp2 %sub3A_2766 : vector<512x1xf32>
      %mul3A_2768 = arith.mulf %add3A_2756, %exp23A_2767 : vector<512x1xf32>
      %sub3A_2769 = vector.broadcast %max3A_2765 : vector<512x1xf32> to vector<512x512xf32>
      %sub3A_2770 = arith.subf %dot_general3A_2761, %sub3A_2769 : vector<512x512xf32>
      %exp23A_2771 = math.exp2 %sub3A_2770 : vector<512x512xf32>
      %reduce_sum3A_2772 = arith.constant dense<0.000000e+00> : vector<512xf32>
      %reduce_sum3A_2773 = vector.multi_reduction <add>, %exp23A_2771, %reduce_sum3A_2772 [1] : vector<512x512xf32> to vector<512xf32>
      %broadcast_in_dim3A_2774 = vector.shape_cast %reduce_sum3A_2773 : vector<512xf32> to vector<512x1xf32>
      %add3A_2775 = arith.addf %mul3A_2768, %broadcast_in_dim3A_2774 : vector<512x1xf32>
      %get3A_2776 = arith.constant 0 : index
      %get3A_2777 = arith.constant 2048 : index
      %get3A_2778 = vector.load %arg12[%get3A_2776, %get3A_2777] : memref<8x4096xf32, #tpu.memory_space<vmem>>, vector<8x512xf32>
      %dot_general3A_2779 = arith.constant dense<0.000000e+00> : vector<512x512xf32>
      %dot_general3A_2780 = tpu.matmul %get3A_2695, %get3A_2778, %dot_general3A_2779 {dimension_numbers = #tpu.dot_dimension_numbers<[1], [0], [0], [1], [0, 0, 1, 1], [], []>, transpose_lhs_hint = false} : vector<512x8xf32>, vector<8x512xf32>, vector<512x512xf32> -> vector<512x512xf32>
      %reduce_max3A_2781 = arith.constant dense<0xFF800000> : vector<512xf32>
      %reduce_max3A_2782 = vector.multi_reduction <maximumf>, %dot_general3A_2780, %reduce_max3A_2781 [1] : vector<512x512xf32> to vector<512xf32>
      %broadcast_in_dim3A_2783 = vector.shape_cast %reduce_max3A_2782 : vector<512xf32> to vector<512x1xf32>
      %max3A_2784 = arith.maximumf %max3A_2765, %broadcast_in_dim3A_2783 : vector<512x1xf32>
      %sub3A_2785 = arith.subf %max3A_2765, %max3A_2784 : vector<512x1xf32>
      %exp23A_2786 = math.exp2 %sub3A_2785 : vector<512x1xf32>
      %mul3A_2787 = arith.mulf %add3A_2775, %exp23A_2786 : vector<512x1xf32>
      %sub3A_2788 = vector.broadcast %max3A_2784 : vector<512x1xf32> to vector<512x512xf32>
      %sub3A_2789 = arith.subf %dot_general3A_2780, %sub3A_2788 : vector<512x512xf32>
      %exp23A_2790 = math.exp2 %sub3A_2789 : vector<512x512xf32>
      %reduce_sum3A_2791 = arith.constant dense<0.000000e+00> : vector<512xf32>
      %reduce_sum3A_2792 = vector.multi_reduction <add>, %exp23A_2790, %reduce_sum3A_2791 [1] : vector<512x512xf32> to vector<512xf32>
      %broadcast_in_dim3A_2793 = vector.shape_cast %reduce_sum3A_2792 : vector<512xf32> to vector<512x1xf32>
      %add3A_2794 = arith.addf %mul3A_2787, %broadcast_in_dim3A_2793 : vector<512x1xf32>
      %get3A_2795 = arith.constant 0 : index
      %get3A_2796 = arith.constant 2560 : index
      %get3A_2797 = vector.load %arg12[%get3A_2795, %get3A_2796] : memref<8x4096xf32, #tpu.memory_space<vmem>>, vector<8x512xf32>
      %dot_general3A_2798 = arith.constant dense<0.000000e+00> : vector<512x512xf32>
      %dot_general3A_2799 = tpu.matmul %get3A_2695, %get3A_2797, %dot_general3A_2798 {dimension_numbers = #tpu.dot_dimension_numbers<[1], [0], [0], [1], [0, 0, 1, 1], [], []>, transpose_lhs_hint = false} : vector<512x8xf32>, vector<8x512xf32>, vector<512x512xf32> -> vector<512x512xf32>
      %reduce_max3A_2800 = arith.constant dense<0xFF800000> : vector<512xf32>
      %reduce_max3A_2801 = vector.multi_reduction <maximumf>, %dot_general3A_2799, %reduce_max3A_2800 [1] : vector<512x512xf32> to vector<512xf32>
      %broadcast_in_dim3A_2802 = vector.shape_cast %reduce_max3A_2801 : vector<512xf32> to vector<512x1xf32>
      %max3A_2803 = arith.maximumf %max3A_2784, %broadcast_in_dim3A_2802 : vector<512x1xf32>
      %sub3A_2804 = arith.subf %max3A_2784, %max3A_2803 : vector<512x1xf32>
      %exp23A_2805 = math.exp2 %sub3A_2804 : vector<512x1xf32>
      %mul3A_2806 = arith.mulf %add3A_2794, %exp23A_2805 : vector<512x1xf32>
      %sub3A_2807 = vector.broadcast %max3A_2803 : vector<512x1xf32> to vector<512x512xf32>
      %sub3A_2808 = arith.subf %dot_general3A_2799, %sub3A_2807 : vector<512x512xf32>
      %exp23A_2809 = math.exp2 %sub3A_2808 : vector<512x512xf32>
      %reduce_sum3A_2810 = arith.constant dense<0.000000e+00> : vector<512xf32>
      %reduce_sum3A_2811 = vector.multi_reduction <add>, %exp23A_2809, %reduce_sum3A_2810 [1] : vector<512x512xf32> to vector<512xf32>
      %broadcast_in_dim3A_2812 = vector.shape_cast %reduce_sum3A_2811 : vector<512xf32> to vector<512x1xf32>
      %add3A_2813 = arith.addf %mul3A_2806, %broadcast_in_dim3A_2812 : vector<512x1xf32>
      %get3A_2814 = arith.constant 0 : index
      %get3A_2815 = arith.constant 3072 : index
      %get3A_2816 = vector.load %arg12[%get3A_2814, %get3A_2815] : memref<8x4096xf32, #tpu.memory_space<vmem>>, vector<8x512xf32>
      %dot_general3A_2817 = arith.constant dense<0.000000e+00> : vector<512x512xf32>
      %dot_general3A_2818 = tpu.matmul %get3A_2695, %get3A_2816, %dot_general3A_2817 {dimension_numbers = #tpu.dot_dimension_numbers<[1], [0], [0], [1], [0, 0, 1, 1], [], []>, transpose_lhs_hint = false} : vector<512x8xf32>, vector<8x512xf32>, vector<512x512xf32> -> vector<512x512xf32>
      %reduce_max3A_2819 = arith.constant dense<0xFF800000> : vector<512xf32>
      %reduce_max3A_2820 = vector.multi_reduction <maximumf>, %dot_general3A_2818, %reduce_max3A_2819 [1] : vector<512x512xf32> to vector<512xf32>
      %broadcast_in_dim3A_2821 = vector.shape_cast %reduce_max3A_2820 : vector<512xf32> to vector<512x1xf32>
      %max3A_2822 = arith.maximumf %max3A_2803, %broadcast_in_dim3A_2821 : vector<512x1xf32>
      %sub3A_2823 = arith.subf %max3A_2803, %max3A_2822 : vector<512x1xf32>
      %exp23A_2824 = math.exp2 %sub3A_2823 : vector<512x1xf32>
      %mul3A_2825 = arith.mulf %add3A_2813, %exp23A_2824 : vector<512x1xf32>
      %sub3A_2826 = vector.broadcast %max3A_2822 : vector<512x1xf32> to vector<512x512xf32>
      %sub3A_2827 = arith.subf %dot_general3A_2818, %sub3A_2826 : vector<512x512xf32>
      %exp23A_2828 = math.exp2 %sub3A_2827 : vector<512x512xf32>
      %reduce_sum3A_2829 = arith.constant dense<0.000000e+00> : vector<512xf32>
      %reduce_sum3A_2830 = vector.multi_reduction <add>, %exp23A_2828, %reduce_sum3A_2829 [1] : vector<512x512xf32> to vector<512xf32>
      %broadcast_in_dim3A_2831 = vector.shape_cast %reduce_sum3A_2830 : vector<512xf32> to vector<512x1xf32>
      %add3A_2832 = arith.addf %mul3A_2825, %broadcast_in_dim3A_2831 : vector<512x1xf32>
      %get3A_2833 = arith.constant 0 : index
      %get3A_2834 = arith.constant 3584 : index
      %get3A_2835 = vector.load %arg12[%get3A_2833, %get3A_2834] : memref<8x4096xf32, #tpu.memory_space<vmem>>, vector<8x512xf32>
      %dot_general3A_2836 = arith.constant dense<0.000000e+00> : vector<512x512xf32>
      %dot_general3A_2837 = tpu.matmul %get3A_2695, %get3A_2835, %dot_general3A_2836 {dimension_numbers = #tpu.dot_dimension_numbers<[1], [0], [0], [1], [0, 0, 1, 1], [], []>, transpose_lhs_hint = false} : vector<512x8xf32>, vector<8x512xf32>, vector<512x512xf32> -> vector<512x512xf32>
      %reduce_max3A_2838 = arith.constant dense<0xFF800000> : vector<512xf32>
      %reduce_max3A_2839 = vector.multi_reduction <maximumf>, %dot_general3A_2837, %reduce_max3A_2838 [1] : vector<512x512xf32> to vector<512xf32>
      %broadcast_in_dim3A_2840 = vector.shape_cast %reduce_max3A_2839 : vector<512xf32> to vector<512x1xf32>
      %max3A_2841 = arith.maximumf %max3A_2822, %broadcast_in_dim3A_2840 : vector<512x1xf32>
      %sub3A_2842 = arith.subf %max3A_2822, %max3A_2841 : vector<512x1xf32>
      %exp23A_2843 = math.exp2 %sub3A_2842 : vector<512x1xf32>
      %mul3A_2844 = arith.mulf %add3A_2832, %exp23A_2843 : vector<512x1xf32>
      %sub3A_2845 = vector.broadcast %max3A_2841 : vector<512x1xf32> to vector<512x512xf32>
      %sub3A_2846 = arith.subf %dot_general3A_2837, %sub3A_2845 : vector<512x512xf32>
      %exp23A_2847 = math.exp2 %sub3A_2846 : vector<512x512xf32>
      %reduce_sum3A_2848 = arith.constant dense<0.000000e+00> : vector<512xf32>
      %reduce_sum3A_2849 = vector.multi_reduction <add>, %exp23A_2847, %reduce_sum3A_2848 [1] : vector<512x512xf32> to vector<512xf32>
      %broadcast_in_dim3A_2850 = vector.shape_cast %reduce_sum3A_2849 : vector<512xf32> to vector<512x1xf32>
      %add3A_2851 = arith.addf %mul3A_2844, %broadcast_in_dim3A_2850 : vector<512x1xf32>
      %neg3A_2852 = arith.constant 0.000000e+00 : f32
      %neg3A_2853 = arith.subf %neg3A_2852, %get3A_104 : f32
      %log3A_2854 = math.log %add3A_2851 : vector<512x1xf32>
      %log3A_2855 = arith.constant 2.000000e+00 : f32
      %log3A_2856 = math.log %log3A_2855 : f32
      %div3A_2857 = vector.broadcast %log3A_2856 : f32 to vector<512x1xf32>
      %div3A_2858 = arith.divf %log3A_2854, %div3A_2857 : vector<512x1xf32>
      %add3A_2859 = arith.addf %div3A_2858, %max3A_2841 : vector<512x1xf32>
      %mul3A_2860 = arith.constant 0.693147182 : f32
      %mul3A_2861 = vector.broadcast %mul3A_2860 : f32 to vector<512x1xf32>
      %mul3A_2862 = arith.mulf %add3A_2859, %mul3A_2861 : vector<512x1xf32>
      %add3A_2863 = arith.constant -8.31776618 : f32
      %add3A_2864 = vector.broadcast %add3A_2863 : f32 to vector<512x1xf32>
      %add3A_2865 = arith.addf %mul3A_2862, %add3A_2864 : vector<512x1xf32>
      %mul3A_2866 = vector.broadcast %neg3A_2853 : f32 to vector<512x1xf32>
      %mul3A_2867 = arith.mulf %mul3A_2866, %add3A_2865 : vector<512x1xf32>
      %swap3A_2868 = arith.index_cast %mul3A_2692 : i32 to index
      %swap3A_2869 = arith.constant 0 : index
      %swap3A_2870 = vector.load %arg8[%swap3A_2868, %swap3A_2869] : memref<4096x1xf32, #tpu.memory_space<vmem>>, vector<512x1xf32>
      tpu.vector_store %arg8[%swap3A_2868, %swap3A_2869], %mul3A_2867 {strides = array<i32>} : memref<4096x1xf32, #tpu.memory_space<vmem>>, vector<512x1xf32>,
      %scan3A_2871 = arith.constant 7 : i32
      %mul3A_2872 = arith.constant 512 : i32
      %mul3A_2873 = arith.muli %scan3A_2871, %mul3A_2872 : i32
      %get3A_2874 = arith.index_cast %mul3A_2873 : i32 to index
      %get3A_2875 = arith.constant 0 : index
      %get3A_2876 = vector.load %arg11[%get3A_2874, %get3A_2875] : memref<4096x8xf32, #tpu.memory_space<vmem>>, vector<512x8xf32>
      %broadcast_in_dim3A_2877 = arith.constant -1.000000e+30 : f32
      %broadcast_in_dim3A_2878 = vector.broadcast %broadcast_in_dim3A_2877 : f32 to vector<512x1xf32>
      %broadcast_in_dim3A_2879 = arith.constant 0.000000e+00 : f32
      %broadcast_in_dim3A_2880 = vector.broadcast %broadcast_in_dim3A_2879 : f32 to vector<512x1xf32>
      %get3A_2881 = arith.constant 0 : index
      %get3A_2882 = arith.constant 0 : index
      %get3A_2883 = vector.load %arg12[%get3A_2881, %get3A_2882] : memref<8x4096xf32, #tpu.memory_space<vmem>>, vector<8x512xf32>
      %dot_general3A_2884 = arith.constant dense<0.000000e+00> : vector<512x512xf32>
      %dot_general3A_2885 = tpu.matmul %get3A_2876, %get3A_2883, %dot_general3A_2884 {dimension_numbers = #tpu.dot_dimension_numbers<[1], [0], [0], [1], [0, 0, 1, 1], [], []>, transpose_lhs_hint = false} : vector<512x8xf32>, vector<8x512xf32>, vector<512x512xf32> -> vector<512x512xf32>
      %reduce_max3A_2886 = arith.constant dense<0xFF800000> : vector<512xf32>
      %reduce_max3A_2887 = vector.multi_reduction <maximumf>, %dot_general3A_2885, %reduce_max3A_2886 [1] : vector<512x512xf32> to vector<512xf32>
      %broadcast_in_dim3A_2888 = vector.shape_cast %reduce_max3A_2887 : vector<512xf32> to vector<512x1xf32>
      %max3A_2889 = arith.maximumf %broadcast_in_dim3A_2878, %broadcast_in_dim3A_2888 : vector<512x1xf32>
      %sub3A_2890 = arith.subf %broadcast_in_dim3A_2878, %max3A_2889 : vector<512x1xf32>
      %exp23A_2891 = math.exp2 %sub3A_2890 : vector<512x1xf32>
      %mul3A_2892 = arith.mulf %broadcast_in_dim3A_2880, %exp23A_2891 : vector<512x1xf32>
      %sub3A_2893 = vector.broadcast %max3A_2889 : vector<512x1xf32> to vector<512x512xf32>
      %sub3A_2894 = arith.subf %dot_general3A_2885, %sub3A_2893 : vector<512x512xf32>
      %exp23A_2895 = math.exp2 %sub3A_2894 : vector<512x512xf32>
      %reduce_sum3A_2896 = arith.constant dense<0.000000e+00> : vector<512xf32>
      %reduce_sum3A_2897 = vector.multi_reduction <add>, %exp23A_2895, %reduce_sum3A_2896 [1] : vector<512x512xf32> to vector<512xf32>
      %broadcast_in_dim3A_2898 = vector.shape_cast %reduce_sum3A_2897 : vector<512xf32> to vector<512x1xf32>
      %add3A_2899 = arith.addf %mul3A_2892, %broadcast_in_dim3A_2898 : vector<512x1xf32>
      %get3A_2900 = arith.constant 0 : index
      %get3A_2901 = arith.constant 512 : index
      %get3A_2902 = vector.load %arg12[%get3A_2900, %get3A_2901] : memref<8x4096xf32, #tpu.memory_space<vmem>>, vector<8x512xf32>
      %dot_general3A_2903 = arith.constant dense<0.000000e+00> : vector<512x512xf32>
      %dot_general3A_2904 = tpu.matmul %get3A_2876, %get3A_2902, %dot_general3A_2903 {dimension_numbers = #tpu.dot_dimension_numbers<[1], [0], [0], [1], [0, 0, 1, 1], [], []>, transpose_lhs_hint = false} : vector<512x8xf32>, vector<8x512xf32>, vector<512x512xf32> -> vector<512x512xf32>
      %reduce_max3A_2905 = arith.constant dense<0xFF800000> : vector<512xf32>
      %reduce_max3A_2906 = vector.multi_reduction <maximumf>, %dot_general3A_2904, %reduce_max3A_2905 [1] : vector<512x512xf32> to vector<512xf32>
      %broadcast_in_dim3A_2907 = vector.shape_cast %reduce_max3A_2906 : vector<512xf32> to vector<512x1xf32>
      %max3A_2908 = arith.maximumf %max3A_2889, %broadcast_in_dim3A_2907 : vector<512x1xf32>
      %sub3A_2909 = arith.subf %max3A_2889, %max3A_2908 : vector<512x1xf32>
      %exp23A_2910 = math.exp2 %sub3A_2909 : vector<512x1xf32>
      %mul3A_2911 = arith.mulf %add3A_2899, %exp23A_2910 : vector<512x1xf32>
      %sub3A_2912 = vector.broadcast %max3A_2908 : vector<512x1xf32> to vector<512x512xf32>
      %sub3A_2913 = arith.subf %dot_general3A_2904, %sub3A_2912 : vector<512x512xf32>
      %exp23A_2914 = math.exp2 %sub3A_2913 : vector<512x512xf32>
      %reduce_sum3A_2915 = arith.constant dense<0.000000e+00> : vector<512xf32>
      %reduce_sum3A_2916 = vector.multi_reduction <add>, %exp23A_2914, %reduce_sum3A_2915 [1] : vector<512x512xf32> to vector<512xf32>
      %broadcast_in_dim3A_2917 = vector.shape_cast %reduce_sum3A_2916 : vector<512xf32> to vector<512x1xf32>
      %add3A_2918 = arith.addf %mul3A_2911, %broadcast_in_dim3A_2917 : vector<512x1xf32>
      %get3A_2919 = arith.constant 0 : index
      %get3A_2920 = arith.constant 1024 : index
      %get3A_2921 = vector.load %arg12[%get3A_2919, %get3A_2920] : memref<8x4096xf32, #tpu.memory_space<vmem>>, vector<8x512xf32>
      %dot_general3A_2922 = arith.constant dense<0.000000e+00> : vector<512x512xf32>
      %dot_general3A_2923 = tpu.matmul %get3A_2876, %get3A_2921, %dot_general3A_2922 {dimension_numbers = #tpu.dot_dimension_numbers<[1], [0], [0], [1], [0, 0, 1, 1], [], []>, transpose_lhs_hint = false} : vector<512x8xf32>, vector<8x512xf32>, vector<512x512xf32> -> vector<512x512xf32>
      %reduce_max3A_2924 = arith.constant dense<0xFF800000> : vector<512xf32>
      %reduce_max3A_2925 = vector.multi_reduction <maximumf>, %dot_general3A_2923, %reduce_max3A_2924 [1] : vector<512x512xf32> to vector<512xf32>
      %broadcast_in_dim3A_2926 = vector.shape_cast %reduce_max3A_2925 : vector<512xf32> to vector<512x1xf32>
      %max3A_2927 = arith.maximumf %max3A_2908, %broadcast_in_dim3A_2926 : vector<512x1xf32>
      %sub3A_2928 = arith.subf %max3A_2908, %max3A_2927 : vector<512x1xf32>
      %exp23A_2929 = math.exp2 %sub3A_2928 : vector<512x1xf32>
      %mul3A_2930 = arith.mulf %add3A_2918, %exp23A_2929 : vector<512x1xf32>
      %sub3A_2931 = vector.broadcast %max3A_2927 : vector<512x1xf32> to vector<512x512xf32>
      %sub3A_2932 = arith.subf %dot_general3A_2923, %sub3A_2931 : vector<512x512xf32>
      %exp23A_2933 = math.exp2 %sub3A_2932 : vector<512x512xf32>
      %reduce_sum3A_2934 = arith.constant dense<0.000000e+00> : vector<512xf32>
      %reduce_sum3A_2935 = vector.multi_reduction <add>, %exp23A_2933, %reduce_sum3A_2934 [1] : vector<512x512xf32> to vector<512xf32>
      %broadcast_in_dim3A_2936 = vector.shape_cast %reduce_sum3A_2935 : vector<512xf32> to vector<512x1xf32>
      %add3A_2937 = arith.addf %mul3A_2930, %broadcast_in_dim3A_2936 : vector<512x1xf32>
      %get3A_2938 = arith.constant 0 : index
      %get3A_2939 = arith.constant 1536 : index
      %get3A_2940 = vector.load %arg12[%get3A_2938, %get3A_2939] : memref<8x4096xf32, #tpu.memory_space<vmem>>, vector<8x512xf32>
      %dot_general3A_2941 = arith.constant dense<0.000000e+00> : vector<512x512xf32>
      %dot_general3A_2942 = tpu.matmul %get3A_2876, %get3A_2940, %dot_general3A_2941 {dimension_numbers = #tpu.dot_dimension_numbers<[1], [0], [0], [1], [0, 0, 1, 1], [], []>, transpose_lhs_hint = false} : vector<512x8xf32>, vector<8x512xf32>, vector<512x512xf32> -> vector<512x512xf32>
      %reduce_max3A_2943 = arith.constant dense<0xFF800000> : vector<512xf32>
      %reduce_max3A_2944 = vector.multi_reduction <maximumf>, %dot_general3A_2942, %reduce_max3A_2943 [1] : vector<512x512xf32> to vector<512xf32>
      %broadcast_in_dim3A_2945 = vector.shape_cast %reduce_max3A_2944 : vector<512xf32> to vector<512x1xf32>
      %max3A_2946 = arith.maximumf %max3A_2927, %broadcast_in_dim3A_2945 : vector<512x1xf32>
      %sub3A_2947 = arith.subf %max3A_2927, %max3A_2946 : vector<512x1xf32>
      %exp23A_2948 = math.exp2 %sub3A_2947 : vector<512x1xf32>
      %mul3A_2949 = arith.mulf %add3A_2937, %exp23A_2948 : vector<512x1xf32>
      %sub3A_2950 = vector.broadcast %max3A_2946 : vector<512x1xf32> to vector<512x512xf32>
      %sub3A_2951 = arith.subf %dot_general3A_2942, %sub3A_2950 : vector<512x512xf32>
      %exp23A_2952 = math.exp2 %sub3A_2951 : vector<512x512xf32>
      %reduce_sum3A_2953 = arith.constant dense<0.000000e+00> : vector<512xf32>
      %reduce_sum3A_2954 = vector.multi_reduction <add>, %exp23A_2952, %reduce_sum3A_2953 [1] : vector<512x512xf32> to vector<512xf32>
      %broadcast_in_dim3A_2955 = vector.shape_cast %reduce_sum3A_2954 : vector<512xf32> to vector<512x1xf32>
      %add3A_2956 = arith.addf %mul3A_2949, %broadcast_in_dim3A_2955 : vector<512x1xf32>
      %get3A_2957 = arith.constant 0 : index
      %get3A_2958 = arith.constant 2048 : index
      %get3A_2959 = vector.load %arg12[%get3A_2957, %get3A_2958] : memref<8x4096xf32, #tpu.memory_space<vmem>>, vector<8x512xf32>
      %dot_general3A_2960 = arith.constant dense<0.000000e+00> : vector<512x512xf32>
      %dot_general3A_2961 = tpu.matmul %get3A_2876, %get3A_2959, %dot_general3A_2960 {dimension_numbers = #tpu.dot_dimension_numbers<[1], [0], [0], [1], [0, 0, 1, 1], [], []>, transpose_lhs_hint = false} : vector<512x8xf32>, vector<8x512xf32>, vector<512x512xf32> -> vector<512x512xf32>
      %reduce_max3A_2962 = arith.constant dense<0xFF800000> : vector<512xf32>
      %reduce_max3A_2963 = vector.multi_reduction <maximumf>, %dot_general3A_2961, %reduce_max3A_2962 [1] : vector<512x512xf32> to vector<512xf32>
      %broadcast_in_dim3A_2964 = vector.shape_cast %reduce_max3A_2963 : vector<512xf32> to vector<512x1xf32>
      %max3A_2965 = arith.maximumf %max3A_2946, %broadcast_in_dim3A_2964 : vector<512x1xf32>
      %sub3A_2966 = arith.subf %max3A_2946, %max3A_2965 : vector<512x1xf32>
      %exp23A_2967 = math.exp2 %sub3A_2966 : vector<512x1xf32>
      %mul3A_2968 = arith.mulf %add3A_2956, %exp23A_2967 : vector<512x1xf32>
      %sub3A_2969 = vector.broadcast %max3A_2965 : vector<512x1xf32> to vector<512x512xf32>
      %sub3A_2970 = arith.subf %dot_general3A_2961, %sub3A_2969 : vector<512x512xf32>
      %exp23A_2971 = math.exp2 %sub3A_2970 : vector<512x512xf32>
      %reduce_sum3A_2972 = arith.constant dense<0.000000e+00> : vector<512xf32>
      %reduce_sum3A_2973 = vector.multi_reduction <add>, %exp23A_2971, %reduce_sum3A_2972 [1] : vector<512x512xf32> to vector<512xf32>
      %broadcast_in_dim3A_2974 = vector.shape_cast %reduce_sum3A_2973 : vector<512xf32> to vector<512x1xf32>
      %add3A_2975 = arith.addf %mul3A_2968, %broadcast_in_dim3A_2974 : vector<512x1xf32>
      %get3A_2976 = arith.constant 0 : index
      %get3A_2977 = arith.constant 2560 : index
      %get3A_2978 = vector.load %arg12[%get3A_2976, %get3A_2977] : memref<8x4096xf32, #tpu.memory_space<vmem>>, vector<8x512xf32>
      %dot_general3A_2979 = arith.constant dense<0.000000e+00> : vector<512x512xf32>
      %dot_general3A_2980 = tpu.matmul %get3A_2876, %get3A_2978, %dot_general3A_2979 {dimension_numbers = #tpu.dot_dimension_numbers<[1], [0], [0], [1], [0, 0, 1, 1], [], []>, transpose_lhs_hint = false} : vector<512x8xf32>, vector<8x512xf32>, vector<512x512xf32> -> vector<512x512xf32>
      %reduce_max3A_2981 = arith.constant dense<0xFF800000> : vector<512xf32>
      %reduce_max3A_2982 = vector.multi_reduction <maximumf>, %dot_general3A_2980, %reduce_max3A_2981 [1] : vector<512x512xf32> to vector<512xf32>
      %broadcast_in_dim3A_2983 = vector.shape_cast %reduce_max3A_2982 : vector<512xf32> to vector<512x1xf32>
      %max3A_2984 = arith.maximumf %max3A_2965, %broadcast_in_dim3A_2983 : vector<512x1xf32>
      %sub3A_2985 = arith.subf %max3A_2965, %max3A_2984 : vector<512x1xf32>
      %exp23A_2986 = math.exp2 %sub3A_2985 : vector<512x1xf32>
      %mul3A_2987 = arith.mulf %add3A_2975, %exp23A_2986 : vector<512x1xf32>
      %sub3A_2988 = vector.broadcast %max3A_2984 : vector<512x1xf32> to vector<512x512xf32>
      %sub3A_2989 = arith.subf %dot_general3A_2980, %sub3A_2988 : vector<512x512xf32>
      %exp23A_2990 = math.exp2 %sub3A_2989 : vector<512x512xf32>
      %reduce_sum3A_2991 = arith.constant dense<0.000000e+00> : vector<512xf32>
      %reduce_sum3A_2992 = vector.multi_reduction <add>, %exp23A_2990, %reduce_sum3A_2991 [1] : vector<512x512xf32> to vector<512xf32>
      %broadcast_in_dim3A_2993 = vector.shape_cast %reduce_sum3A_2992 : vector<512xf32> to vector<512x1xf32>
      %add3A_2994 = arith.addf %mul3A_2987, %broadcast_in_dim3A_2993 : vector<512x1xf32>
      %get3A_2995 = arith.constant 0 : index
      %get3A_2996 = arith.constant 3072 : index
      %get3A_2997 = vector.load %arg12[%get3A_2995, %get3A_2996] : memref<8x4096xf32, #tpu.memory_space<vmem>>, vector<8x512xf32>
      %dot_general3A_2998 = arith.constant dense<0.000000e+00> : vector<512x512xf32>
      %dot_general3A_2999 = tpu.matmul %get3A_2876, %get3A_2997, %dot_general3A_2998 {dimension_numbers = #tpu.dot_dimension_numbers<[1], [0], [0], [1], [0, 0, 1, 1], [], []>, transpose_lhs_hint = false} : vector<512x8xf32>, vector<8x512xf32>, vector<512x512xf32> -> vector<512x512xf32>
      %reduce_max3A_3000 = arith.constant dense<0xFF800000> : vector<512xf32>
      %reduce_max3A_3001 = vector.multi_reduction <maximumf>, %dot_general3A_2999, %reduce_max3A_3000 [1] : vector<512x512xf32> to vector<512xf32>
      %broadcast_in_dim3A_3002 = vector.shape_cast %reduce_max3A_3001 : vector<512xf32> to vector<512x1xf32>
      %max3A_3003 = arith.maximumf %max3A_2984, %broadcast_in_dim3A_3002 : vector<512x1xf32>
      %sub3A_3004 = arith.subf %max3A_2984, %max3A_3003 : vector<512x1xf32>
      %exp23A_3005 = math.exp2 %sub3A_3004 : vector<512x1xf32>
      %mul3A_3006 = arith.mulf %add3A_2994, %exp23A_3005 : vector<512x1xf32>
      %sub3A_3007 = vector.broadcast %max3A_3003 : vector<512x1xf32> to vector<512x512xf32>
      %sub3A_3008 = arith.subf %dot_general3A_2999, %sub3A_3007 : vector<512x512xf32>
      %exp23A_3009 = math.exp2 %sub3A_3008 : vector<512x512xf32>
      %reduce_sum3A_3010 = arith.constant dense<0.000000e+00> : vector<512xf32>
      %reduce_sum3A_3011 = vector.multi_reduction <add>, %exp23A_3009, %reduce_sum3A_3010 [1] : vector<512x512xf32> to vector<512xf32>
      %broadcast_in_dim3A_3012 = vector.shape_cast %reduce_sum3A_3011 : vector<512xf32> to vector<512x1xf32>
      %add3A_3013 = arith.addf %mul3A_3006, %broadcast_in_dim3A_3012 : vector<512x1xf32>
      %get3A_3014 = arith.constant 0 : index
      %get3A_3015 = arith.constant 3584 : index
      %get3A_3016 = vector.load %arg12[%get3A_3014, %get3A_3015] : memref<8x4096xf32, #tpu.memory_space<vmem>>, vector<8x512xf32>
      %dot_general3A_3017 = arith.constant dense<0.000000e+00> : vector<512x512xf32>
      %dot_general3A_3018 = tpu.matmul %get3A_2876, %get3A_3016, %dot_general3A_3017 {dimension_numbers = #tpu.dot_dimension_numbers<[1], [0], [0], [1], [0, 0, 1, 1], [], []>, transpose_lhs_hint = false} : vector<512x8xf32>, vector<8x512xf32>, vector<512x512xf32> -> vector<512x512xf32>
      %reduce_max3A_3019 = arith.constant dense<0xFF800000> : vector<512xf32>
      %reduce_max3A_3020 = vector.multi_reduction <maximumf>, %dot_general3A_3018, %reduce_max3A_3019 [1] : vector<512x512xf32> to vector<512xf32>
      %broadcast_in_dim3A_3021 = vector.shape_cast %reduce_max3A_3020 : vector<512xf32> to vector<512x1xf32>
      %max3A_3022 = arith.maximumf %max3A_3003, %broadcast_in_dim3A_3021 : vector<512x1xf32>
      %sub3A_3023 = arith.subf %max3A_3003, %max3A_3022 : vector<512x1xf32>
      %exp23A_3024 = math.exp2 %sub3A_3023 : vector<512x1xf32>
      %mul3A_3025 = arith.mulf %add3A_3013, %exp23A_3024 : vector<512x1xf32>
      %sub3A_3026 = vector.broadcast %max3A_3022 : vector<512x1xf32> to vector<512x512xf32>
      %sub3A_3027 = arith.subf %dot_general3A_3018, %sub3A_3026 : vector<512x512xf32>
      %exp23A_3028 = math.exp2 %sub3A_3027 : vector<512x512xf32>
      %reduce_sum3A_3029 = arith.constant dense<0.000000e+00> : vector<512xf32>
      %reduce_sum3A_3030 = vector.multi_reduction <add>, %exp23A_3028, %reduce_sum3A_3029 [1] : vector<512x512xf32> to vector<512xf32>
      %broadcast_in_dim3A_3031 = vector.shape_cast %reduce_sum3A_3030 : vector<512xf32> to vector<512x1xf32>
      %add3A_3032 = arith.addf %mul3A_3025, %broadcast_in_dim3A_3031 : vector<512x1xf32>
      %neg3A_3033 = arith.constant 0.000000e+00 : f32
      %neg3A_3034 = arith.subf %neg3A_3033, %get3A_104 : f32
      %log3A_3035 = math.log %add3A_3032 : vector<512x1xf32>
      %log3A_3036 = arith.constant 2.000000e+00 : f32
      %log3A_3037 = math.log %log3A_3036 : f32
      %div3A_3038 = vector.broadcast %log3A_3037 : f32 to vector<512x1xf32>
      %div3A_3039 = arith.divf %log3A_3035, %div3A_3038 : vector<512x1xf32>
      %add3A_3040 = arith.addf %div3A_3039, %max3A_3022 : vector<512x1xf32>
      %mul3A_3041 = arith.constant 0.693147182 : f32
      %mul3A_3042 = vector.broadcast %mul3A_3041 : f32 to vector<512x1xf32>
      %mul3A_3043 = arith.mulf %add3A_3040, %mul3A_3042 : vector<512x1xf32>
      %add3A_3044 = arith.constant -8.31776618 : f32
      %add3A_3045 = vector.broadcast %add3A_3044 : f32 to vector<512x1xf32>
      %add3A_3046 = arith.addf %mul3A_3043, %add3A_3045 : vector<512x1xf32>
      %mul3A_3047 = vector.broadcast %neg3A_3034 : f32 to vector<512x1xf32>
      %mul3A_3048 = arith.mulf %mul3A_3047, %add3A_3046 : vector<512x1xf32>
      %swap3A_3049 = arith.index_cast %mul3A_2873 : i32 to index
      %swap3A_3050 = arith.constant 0 : index
      %swap3A_3051 = vector.load %arg8[%swap3A_3049, %swap3A_3050] : memref<4096x1xf32, #tpu.memory_space<vmem>>, vector<512x1xf32>
      tpu.vector_store %arg8[%swap3A_3049, %swap3A_3050], %mul3A_3048 {strides = array<i32>} : memref<4096x1xf32, #tpu.memory_space<vmem>>, vector<512x1xf32>,
      %scan3A_3052 = arith.constant 8 : i32
    }
    %scan3A_66 = arith.constant 14 : i32
    %get3A_67 = arith.constant 0 : index
    %get3A_68 = arith.constant 0 : index
    %get3A_69 = vector.load %arg8[%get3A_67, %get3A_68] : memref<4096x1xf32, #tpu.memory_space<vmem>>, vector<4096x1xf32>
    %reduce_sum3A_70 = vector.shape_cast %get3A_69 : vector<4096x1xf32> to vector<1x4096x1xf32>
    %reduce_sum3A_71 = arith.constant dense<0.000000e+00> : vector<1xf32>
    %reduce_sum3A_72 = vector.multi_reduction <add>, %reduce_sum3A_70, %reduce_sum3A_71 [1, 2] : vector<1x4096x1xf32> to vector<1xf32>
    %reduce_sum3A_73 = vector.shape_cast %reduce_sum3A_72 : vector<1xf32> to vector<1x1x1xf32>
    %reduce_sum3A_74 = vector.extract %reduce_sum3A_73[0, 0, 0] : f32 from vector<1x1x1xf32>
    %div3A = arith.constant 4.096000e+03 : f32
    %div3A_75 = arith.divf %reduce_sum3A_74, %div3A : f32
    %get3A_76 = arith.constant 0 : index
    %get3A_77 = arith.constant 0 : index
    %get3A_78 = vector.load %arg9[%get3A_76, %get3A_77] : memref<1x4096xf32, #tpu.memory_space<vmem>>, vector<1x4096xf32>
    %reduce_sum3A_79 = vector.shape_cast %get3A_78 : vector<1x4096xf32> to vector<1x1x4096xf32>
    %reduce_sum3A_80 = arith.constant dense<0.000000e+00> : vector<1xf32>
    %reduce_sum3A_81 = vector.multi_reduction <add>, %reduce_sum3A_79, %reduce_sum3A_80 [1, 2] : vector<1x1x4096xf32> to vector<1xf32>
    %reduce_sum3A_82 = vector.shape_cast %reduce_sum3A_81 : vector<1xf32> to vector<1x1x1xf32>
    %reduce_sum3A_83 = vector.extract %reduce_sum3A_82[0, 0, 0] : f32 from vector<1x1x1xf32>
    %div3A_84 = arith.constant 4.096000e+03 : f32
    %div3A_85 = arith.divf %reduce_sum3A_83, %div3A_84 : f32
    %broadcast_in_dim3A_86 = arith.constant 1.000000e+00 : f32
    %broadcast_in_dim3A_87 = vector.broadcast %broadcast_in_dim3A_86 : f32 to vector<1x1x128xf32>
    %mul3A_88 = vector.broadcast %div3A_75 : f32 to vector<1x1x128xf32>
    %mul3A_89 = arith.mulf %mul3A_88, %broadcast_in_dim3A_87 : vector<1x1x128xf32>
    %swap3A_90 = arith.constant 0 : index
    %swap3A_91 = arith.constant 0 : index
    %swap3A_92 = arith.constant 0 : index
    %swap3A_93 = vector.load %arg4[%swap3A_90, %swap3A_91, %swap3A_92] : memref<1x1x128xf32, #tpu.memory_space<vmem>>, vector<1x1x128xf32>
    tpu.vector_store %arg4[%swap3A_90, %swap3A_91, %swap3A_92], %mul3A_89 {strides = array<i32>} : memref<1x1x128xf32, #tpu.memory_space<vmem>>, vector<1x1x128xf32>,
    %broadcast_in_dim3A_94 = arith.constant 1.000000e+00 : f32
    %broadcast_in_dim3A_95 = vector.broadcast %broadcast_in_dim3A_94 : f32 to vector<1x1x128xf32>
    %mul3A_96 = vector.broadcast %div3A_85 : f32 to vector<1x1x128xf32>
    %mul3A_97 = arith.mulf %mul3A_96, %broadcast_in_dim3A_95 : vector<1x1x128xf32>
    %swap3A_98 = arith.constant 0 : index
    %swap3A_99 = arith.constant 0 : index
    %swap3A_100 = arith.constant 0 : index
    %swap3A_101 = vector.load %arg5[%swap3A_98, %swap3A_99, %swap3A_100] : memref<1x1x128xf32, #tpu.memory_space<vmem>>, vector<1x1x128xf32>
    tpu.vector_store %arg5[%swap3A_98, %swap3A_99, %swap3A_100], %mul3A_97 {strides = array<i32>} : memref<1x1x128xf32, #tpu.memory_space<vmem>>, vector<1x1x128xf32>,
    return
  }
  func.func @transform_0(%arg0: i32) -> i32 {
    %c0_i32 = arith.constant 0 : i32
    %c0_i32_0 = arith.constant 0 : i32
    return %c0_i32 : i32
  }
  func.func @transform_1(%arg0: i32) -> (i32, i32, i32) {
    %c0_i32 = arith.constant 0 : i32
    %c0_i32_0 = arith.constant 0 : i32
    %c0_i32_1 = arith.constant 0 : i32
    return %arg0, %c0_i32, %c0_i32_0 : i32, i32, i32
  }
  func.func @transform_2(%arg0: i32) -> (i32, i32, i32) {
    %c0_i32 = arith.constant 0 : i32
    %c0_i32_0 = arith.constant 0 : i32
    %c0_i32_1 = arith.constant 0 : i32
    return %arg0, %c0_i32, %c0_i32_0 : i32, i32, i32
  }
  func.func @transform_3(%arg0: i32) -> (i32, i32, i32) {
    %c0_i32 = arith.constant 0 : i32
    %c0_i32_0 = arith.constant 0 : i32
    %c0_i32_1 = arith.constant 0 : i32
    return %arg0, %c0_i32, %c0_i32_0 : i32, i32, i32
  }
  func.func @transform_4(%arg0: i32) -> (i32, i32, i32) {
    %c0_i32 = arith.constant 0 : i32
    %c0_i32_0 = arith.constant 0 : i32
    %c0_i32_1 = arith.constant 0 : i32
    return %arg0, %c0_i32, %c0_i32_0 : i32, i32, i32
  }
}

module attributes {stable_mosaic.version = 14 : i64} {
  func.func @_cos_body(%arg0: memref<8192x8xf32, #tpu.memory_space<vmem>>, %arg1: memref<8192x128xf32, #tpu.memory_space<vmem>>, %arg2: memref<8x128xf32, #tpu.memory_space<vmem>>) attributes {dimension_semantics = [], scalar_prefetch = 0 : i64, scratch_operands = 0 : i64, tpu.core_type = #tpu.core_type<tc>} {
    %get3A = arith.constant 0 : index
    %get3A_0 = arith.constant 0 : index
    %get3A_1 = vector.load %arg0[%get3A, %get3A_0] : memref<8192x8xf32, #tpu.memory_space<vmem>>, vector<8192x8xf32>
    %get3A_2 = arith.constant 0 : index
    %get3A_3 = arith.constant 0 : index
    %get3A_4 = vector.load %arg1[%get3A_2, %get3A_3] : memref<8192x128xf32, #tpu.memory_space<vmem>>, vector<8192x8xf32>
    %mul3A = arith.mulf %get3A_1, %get3A_4 : vector<8192x8xf32>
    %reduce_sum3A = arith.constant dense<0.000000e+00> : vector<8192xf32>
    %reduce_sum3A_5 = vector.multi_reduction <add>, %mul3A, %reduce_sum3A [1] : vector<8192x8xf32> to vector<8192xf32>
    %broadcast_in_dim3A = vector.shape_cast %reduce_sum3A_5 : vector<8192xf32> to vector<8192x1xf32>
    %mul3A_6 = arith.mulf %get3A_1, %get3A_1 : vector<8192x8xf32>
    %reduce_sum3A_7 = arith.constant dense<0.000000e+00> : vector<8192xf32>
    %reduce_sum3A_8 = vector.multi_reduction <add>, %mul3A_6, %reduce_sum3A_7 [1] : vector<8192x8xf32> to vector<8192xf32>
    %broadcast_in_dim3A_9 = vector.shape_cast %reduce_sum3A_8 : vector<8192xf32> to vector<8192x1xf32>
    %sqrt3A = math.sqrt %broadcast_in_dim3A_9 : vector<8192x1xf32>
    %mul3A_10 = arith.mulf %get3A_4, %get3A_4 : vector<8192x8xf32>
    %reduce_sum3A_11 = arith.constant dense<0.000000e+00> : vector<8192xf32>
    %reduce_sum3A_12 = vector.multi_reduction <add>, %mul3A_10, %reduce_sum3A_11 [1] : vector<8192x8xf32> to vector<8192xf32>
    %broadcast_in_dim3A_13 = vector.shape_cast %reduce_sum3A_12 : vector<8192xf32> to vector<8192x1xf32>
    %sqrt3A_14 = math.sqrt %broadcast_in_dim3A_13 : vector<8192x1xf32>
    %max3A = arith.constant 9.99999996E-13 : f32
    %max3A_15 = vector.broadcast %max3A : f32 to vector<8192x1xf32>
    %max3A_16 = arith.maximumf %sqrt3A, %max3A_15 : vector<8192x1xf32>
    %max3A_17 = arith.constant 9.99999996E-13 : f32
    %max3A_18 = vector.broadcast %max3A_17 : f32 to vector<8192x1xf32>
    %max3A_19 = arith.maximumf %sqrt3A_14, %max3A_18 : vector<8192x1xf32>
    %mul3A_20 = arith.mulf %max3A_16, %max3A_19 : vector<8192x1xf32>
    %div3A = arith.divf %broadcast_in_dim3A, %mul3A_20 : vector<8192x1xf32>
    %reduce_sum3A_21 = vector.shape_cast %div3A : vector<8192x1xf32> to vector<1x8192x1xf32>
    %reduce_sum3A_22 = arith.constant dense<0.000000e+00> : vector<1xf32>
    %reduce_sum3A_23 = vector.multi_reduction <add>, %reduce_sum3A_21, %reduce_sum3A_22 [1, 2] : vector<1x8192x1xf32> to vector<1xf32>
    %reduce_sum3A_24 = vector.shape_cast %reduce_sum3A_23 : vector<1xf32> to vector<1x1x1xf32>
    %reduce_sum3A_25 = vector.extract %reduce_sum3A_24[0, 0, 0] : f32 from vector<1x1x1xf32>
    %div3A_26 = arith.constant 8.192000e+03 : f32
    %div3A_27 = arith.divf %reduce_sum3A_25, %div3A_26 : f32
    %sub3A = arith.constant 1.000000e+00 : f32
    %sub3A_28 = arith.subf %sub3A, %div3A_27 : f32
    %broadcast_in_dim3A_29 = arith.constant 1.000000e+00 : f32
    %broadcast_in_dim3A_30 = vector.broadcast %broadcast_in_dim3A_29 : f32 to vector<8x128xf32>
    %mul3A_31 = vector.broadcast %sub3A_28 : f32 to vector<8x128xf32>
    %mul3A_32 = arith.mulf %mul3A_31, %broadcast_in_dim3A_30 : vector<8x128xf32>
    %swap3A = arith.constant 0 : index
    %swap3A_33 = arith.constant 0 : index
    %swap3A_34 = vector.load %arg2[%swap3A, %swap3A_33] : memref<8x128xf32, #tpu.memory_space<vmem>>, vector<8x128xf32>
    tpu.vector_store %arg2[%swap3A, %swap3A_33], %mul3A_32 {strides = array<i32>} : memref<8x128xf32, #tpu.memory_space<vmem>>, vector<8x128xf32>,
    return
  }
}

</mosaic_0001>

<sc_bundles>
// kernel: kernel.7.cloned.1.call-start
scs
__scs_entry_jumppad:
0x0: {  	(pc) =	sbr.rel $0x88, $3  }
0x1: {  	(tag) =	ssettag $0x0;
	lr =	simm.s32 $0x1  }
0x2: {  	[smem:$0x3F9D] =	sst lr;
	_ =	strace $0xD0000000  }
0x3: {  	_ = 	snop  }
0x4: {  	_ = 	snop  }
0x5: {  	_ = 	snop  }
0x6: {  	_ = 	snop  }
0x7: {  	_ = 	snop  }
__scs_overlays_trampoline_lowered:
0x8: {  	[smem:$0x3FAC] =	sst s0  }
0x9: {  	[smem:$0x3FAD] =	sst s1  }
0xa: {  	[smem:$0x3FAE] =	sst s2  }
0xb: {  	[smem:$0x3FAF] =	sst s3  }
0xc: {  	[smem:$0x3FB0] =	sst s4  }
0xd: {  	[smem:$0x3FB1] =	sst s5  }
0xe: {  	[smem:$0x3FB2] =	sst s6  }
0xf: {  	[smem:$0x3FB3] =	sst s7  }
0x10: {  	[smem:$0x3FB4] =	sst s8  }
0x11: {  	[smem:$0x3FB5] =	sst s9;
	s0 =	simm.s32 @!p0 $0x0  }
0x12: {  	s1 =	sld [smem:$0x3F9B];
	s0 =	simm.s32 @p0 $0x1  }
0x13: {  	[smem:$0x3FB6] =	sst s0;
	s0 =	simm.s32 @!p1 $0x0  }
0x14: {  	s2 =	sld [smem:$0x3F9A];
	s0 =	simm.s32 @p1 $0x1  }
0x15: {  	[smem:$0x3FB7] =	sst s0;
	s0 =	simm.s32 @!p2 $0x0  }
0x16: {  	s3 =	sld [smem:$0x3FDB];
	s0 =	simm.s32 @p2 $0x1  }
0x17: {  	s4 =	simm.s32 $0x1BF5;
	[smem:$0x3FB9] =	sst s0  }
0x18: {  	s0 =	sld [smem:$0x3F9C];
	_ =	swait.ge [sflag:s4], $0x0  }
0x19: {  	s7 =	sld [smem:$0x3F9D]  }
0x1a: {  	s8 =	sadd.s32 $0xFFFFE003, lr  }
0x1b: {  	s9 =	sadd.s32 $0xFFFFFEF7, lr;
	s5 =	simm.s32 $0xFFFFFFFF;
	p2 =	slt.u32 s8, $0xFFFFF086  }
0x1c: {  	p1 =	slt.u32 s9, $0xF7A;
	s5 =	simm.s32 @!p2 $0x0  }
0x1d: {  	s5 =	simm.s32 @p1 $0x1;
	p0 =	seq.s32 s7, s2  }
0x1e: {  	s7 =	smul.u32 @!p0 $0xF7A, s2;
	p2 =	seq.s32 @!p0 s5, $0x0  }
0x1f: {  	s9 =	smul.u32 $0xF7A, s1;
	s8 =	simm.s32 @!p0 $0x1BF5;
	p2 =	por !p2, p0  }
0x20: {  	[sflag:s8] =	ssyncset.s32 @!p0 $0xFFFFF086;
	s6 =	sadd.s32 @!p0 s3, s7;
	s7 =	simm.s32 @!p0 $0x108  }
0x21: {  	s3 =	sadd.s32 s3, s9;
	s6 =	sadd.s32 @!p0 $0x88, s6;
	s7 =	simm.s32 @p2 $0x1082  }
0x22: {  	[simem:s7], [sflag:s8] =	dma.local @!p0 [hbm:s6], $0xF7A  }
0x23: {  	s9 =	sor.u32 $0xD0000000, s2;
	s6 =	simm.s32 $0x108;
	_ =	swait.ge @!p0 [sflag:s8], $0x0  }
0x24: {  	s3 =	sadd.s32 $0x88, s3;
	s6 =	simm.s32 @!p1 $0x1082;
	[sflag:s4] =	ssyncset.s32 $0xFFFFF086  }
0x25: {  	[simem:s6], [sflag:s4] =	dma.local [hbm:s3], $0xF7A  }
0x26: {  	[smem:$0x3F9D] =	sst s1;
	(tag) =	ssettag s2;
	_ =	strace s9  }
0x27: {  	s1 =	sld [smem:$0x3FAD]  }
0x28: {  	s2 =	sld [smem:$0x3FAE]  }
0x29: {  	s4 =	sld [smem:$0x3FB0]  }
0x2a: {  	p0 =	seq.s32 s5, $0x0;
	s5 =	sld [smem:$0x3FB1]  }
0x2b: {  	s6 =	sld [smem:$0x3FB2]  }
0x2c: {  	s7 =	sld [smem:$0x3FB3]  }
0x2d: {  	s3 =	simm.s32 $0x108;
	s8 =	sld [smem:$0x3FB4]  }
0x2e: {  	s3 =	simm.s32 @!p0 $0x1082;
	s9 =	sld [smem:$0x3FB5]  }
0x2f: {  	lr =	sadd.s32 s0, s3;
	s0 =	sld [smem:$0x3FAC]  }
0x30: {  	s3 =	sld [smem:$0x3FAF]  }
0x31: {  	[smem:$0x3FB8] =	sst s10  }
0x32: {  	s10 =	sld [smem:$0x3FB6];
	_ =	sdelay $0x3  }
0x33: {  	p0 =	seq.s32 s10, $0x1;
	s10 =	sld [smem:$0x3FB8];
	_ =	sdelay $0x3  }
0x34: {  	[smem:$0x3FB8] =	sst s10  }
0x35: {  	s10 =	sld [smem:$0x3FB7];
	_ =	sdelay $0x3  }
0x36: {  	p1 =	seq.s32 s10, $0x1;
	s10 =	sld [smem:$0x3FB8];
	_ =	sdelay $0x3  }
0x37: {  	[smem:$0x3FB8] =	sst s10  }
0x38: {  	s10 =	sld [smem:$0x3FB9]  }
0x39: {  	_ = 	snop;
	(pc) =	sbr.ind lr, $3  }
0x3a: {  	_ = 	snop  }
0x3b: {  	_ = 	snop  }
0x3c: {  	p2 =	seq.s32 s10, $0x1;
	s10 =	sld [smem:$0x3FB8]  }
0x3d: {  	_ =	shalt  }
0x3e: {  	_ =	shalt  }
0x3f: {  	_ =	shalt  }
0x40: {  	_ =	shalt  }
0x41: {  	_ =	shalt  }
0x42: {  	_ =	shalt  }
0x43: {  	_ =	shalt  }
0x44: {  	_ =	shalt  }
0x45: {  	_ =	shalt  }
0x46: {  	_ =	shalt  }
0x47: {  	_ =	shalt  }
0x48: {  	_ =	shalt  }
0x49: {  	_ =	shalt  }
0x4a: {  	_ =	shalt  }
0x4b: {  	_ =	shalt  }
0x4c: {  	_ =	shalt  }
0x4d: {  	_ =	shalt  }
0x4e: {  	_ =	shalt  }
0x4f: {  	_ =	shalt  }
0x50: {  	_ =	shalt  }
0x51: {  	_ =	shalt  }
0x52: {  	_ =	shalt  }
0x53: {  	_ =	shalt  }
0x54: {  	_ =	shalt  }
0x55: {  	_ =	shalt  }
0x56: {  	_ =	shalt  }
0x57: {  	_ =	shalt  }
0x58: {  	_ =	shalt  }
0x59: {  	_ =	shalt  }
0x5a: {  	_ =	shalt  }
0x5b: {  	_ =	shalt  }
0x5c: {  	_ =	shalt  }
0x5d: {  	_ =	shalt  }
0x5e: {  	_ =	shalt  }
0x5f: {  	_ =	shalt  }
0x60: {  	_ =	shalt  }
0x61: {  	_ =	shalt  }
0x62: {  	_ =	shalt  }
0x63: {  	_ =	shalt  }
0x64: {  	_ =	shalt  }
0x65: {  	_ =	shalt  }
0x66: {  	_ =	shalt  }
0x67: {  	_ =	shalt  }
0x68: {  	_ =	shalt  }
0x69: {  	_ =	shalt  }
0x6a: {  	_ =	shalt  }
0x6b: {  	_ =	shalt  }
0x6c: {  	_ =	shalt  }
0x6d: {  	_ =	shalt  }
0x6e: {  	_ =	shalt  }
0x6f: {  	_ =	shalt  }
0x70: {  	_ =	shalt  }
0x71: {  	_ =	shalt  }
0x72: {  	_ =	shalt  }
0x73: {  	_ =	shalt  }
0x74: {  	_ =	shalt  }
0x75: {  	_ =	shalt  }
0x76: {  	_ =	shalt  }
0x77: {  	_ =	shalt  }
0x78: {  	_ =	shalt  }
0x79: {  	_ =	shalt  }
0x7a: {  	_ =	shalt  }
0x7b: {  	_ =	shalt  }
0x7c: {  	_ =	shalt  }
0x7d: {  	_ =	shalt  }
0x7e: {  	_ =	shalt  }
0x7f: {  	_ =	shalt  }
0x80: {  	_ =	shalt  }
0x81: {  	_ =	shalt  }
0x82: {  	_ =	shalt  }
0x83: {  	_ =	shalt  }
0x84: {  	_ =	shalt  }
0x85: {  	_ =	shalt  }
0x86: {  	_ =	shalt  }
0x87: {  	_ =	shalt  }
.Lfunc_end0:
.L_simem_size_0:
called_computation_lowered:
.L_overlay_start_0:
0x88: {  	s2 =	sld [smem:$0x3FD9]  }
0x89: {  	s3 =	sld [smem:$0x3FFE];
	_ =	sdelay $0x1  }
0x8a: {  	s1 =	srdreg.scid  }
0x8b: {  	s0 =	sand.u32 $0x1, s1  }
0x8c: {  	s16 =	sshll.u32 s0, $0xA;
	s2 =	sadd.s32 s3, s2  }
0x8d: {  	s2 =	sadd.s32 s2, s16  }
0x8e: {  	[smem:$0x3FC4] =	sst s2  }
0x8f: {  	_ = 	snop  }
0x90: {  	(tm) =	ssettm $0x1  }
0x91: {  	s17 =	sld [smem:$0x3FFB];
	_ =	sdelay $0x3  }
0x92: {  	_ =	strace s17  }
0x93: {  	s2 =	sld [smem:$0x3FFC];
	_ =	sdelay $0x3  }
0x94: {  	_ =	strace s2  }
0x95: {  	s2 =	sld [smem:$0x3FFD];
	_ =	sdelay $0x3  }
0x96: {  	_ =	strace s2  }
0x97: {  	_ =	strace $0x8FFFFFFF  }
0x98: {  	s18 =	sld [smem:$0x3FDB];
	_ =	sdelay $0x1  }
0x99: {  	s19 =	simm.s32 $_scs_section_size  }
0x9a: {  	s4 =	simm.s32 $_size__tile_overlayer_lowered;
	s5 =	simm.s32 $_tile_overlayer_lowered  }
0x9b: {  	s22 =	simm.s32 $0x1BFF;
	s21 =	sshll.u32 s5, $0x1;
	s2 =	sadd.s32 s19, s18  }
0x9c: {  	s6 =	simm.s32 $0x0;
	s20 =	sshll.u32 s4, $0x1;
	s4 =	sadd.s32 s21, s2  }
0x9d: {  	[timem:s6], [sflag:s22] =	dma.local [hbm:s4], s20  }
0x9e: {  	_ =	swait.ge [sflag:s22], s20  }
0x9f: {  	s3 =	ssub.s32 $0x0, s20;
	[sflag:s22] =	ssyncset.done $0x0  }
0xa0: {  	[sflag:s22] =	ssyncadd.s32 s3;
	_ =	sdelay $0x1  }
0xa1: {  	s23 =	simm.s32 $0x1B8B  }
0xa2: {  	_ =	swait.ge [sflag:s23], $0x1  }
0xa3: {  	[sflag:s23] =	ssyncset.done $0x0  }
0xa4: {  	s25 =	simm.s32 $0x1B8E;
	s24 =	sld [smem:$0x3FFE];
	[sflag:s23] =	ssyncadd.s32 $0xFFFFFFFF  }
0xa5: {  	s26 =	simm.s32 $execute0_lowered;
	[smem:$0x3FD2] =	sst s25  }
0xa6: {  	s4 =	sshll.u32 s26, $0x1;
	_ =	strace $0x80000046;
	[dreg:$0x1] =	wrdreg $0xFFFFFFFF  }
0xa7: {  	s28 =	simm.s32 $_size_execute0_lowered;
	s2 =	sadd.s32 s2, s4;
	[dreg:$0x0] =	wrdreg $0x0  }
0xa8: {  	s4 =	sshll.u32 s28, $0x1;
	[dreg:$0x2] =	wrdreg s2  }
0xa9: {  	[dreg:$0x3] =	wrdreg s4  }
0xaa: {  	[dreg:$0x4] =	wrdreg $0xC0  }
0xab: {  	_ =	task [dreg:s6], $0x5FFFF  }
0xac: {  	[dreg:$0x1] =	wrdreg $0xFFFFFFFF  }
0xad: {  	[dreg:$0x0] =	wrdreg $0x60  }
0xae: {  	[dreg:$0x2] =	wrdreg s24  }
0xaf: {  	[dreg:$0x3] =	wrdreg $0x9  }
0xb0: {  	_ =	task.clear_ibuf [dreg:s6], $0x4FFFF;
	_ =	strace $0x90000046  }
0xb1: {  	s29 =	simm.s32 $0x9;
	_ =	strace $0x80000048  }
0xb2: {  	_ =	swait.ge [sflag:s29], $0x1  }
0xb3: {  	[sflag:s29] =	ssyncadd.s32 $0xFFFFFFFF  }
0xb4: {  	_ =	strace $0x90000048  }
0xb5: {  	_ =	sfence  }
0xb6: {  	s30 =	sld [smem:$0x0];
	_ =	sdelay $0x2  }
0xb7: {  	s31 =	sshll.u32 s1, $0xD;
	s1 =	sshrl.u32 s1, $0x2  }
0xb8: {  	s3 =	sand.u32 $0x4000, s31;
	s1 =	sadd.s32 s1, s30  }
0xb9: {  	s0 =	sor.u32 s3, s0;
	s1 =	sshll.u32 s1, $0x11  }
0xba: {  	s0 =	sor.u32 s1, s0  }
0xbb: {  	s0 =	sadd.s32 $0x8F2B, s0  }
0xbc: {  	[sflag:s0] =	ssyncadd.remote.s32 $0x1  }
0xbd: {  	_ =	sfence.sel $0xFFFF  }
0xbe: {  	[dreg:$0x0] =	wrdreg $0xFFFFFFFF;
	(pc) =	sbr.abs _section_cstart, $3  }
0xbf: {  	[dreg:$0x1] =	wrdreg $0xFFFFFFFF  }
0xc0: {  	_ =	task.clear_ibuf [dreg:s6], $0x2FFFF;
	_ =	strace $0x9FFFFFFF  }
0xc1: {  	(tm) =	ssettm $0x7FFFFFFF  }
tec
execute0_lowered:
.L_overlay_start_1:
0x0: {  	(tag) =	ssettag $0x1  }
0x1: {  	s1 =	srdreg.scid  }
0x2: {  	s0 =	stileid.u32;
	s6 =	sand.u32 $0x1, s1  }
0x3: {  	s31 =	sshll.u32 s0, $0x9;
	s3 =	sshll.u32 s6, $0x8  }
0x4: {  	s2 =	rddreg [dreg:$0x0];
	s8 =	sor.u32 s3, s31  }
0x5: {  	s1 =	rddreg [dreg:$0x1];
	s3 =	simm.s32 $0x0;
	s4 =	sshrl.u32 s8, $0x3  }
0x6: {  	s9 =	ssub.s32 $0x2, s6;
	[smem:$0x7FF] =	sst s3;
	s4 =	sadd.s32 s4, s2  }
0x7: {  	_ =	strace $0x80000047;
	s5 =	sadd.s32 $0x20200, s4;
	s4 =	simm.s32 $0x2  }
0x8: {  	[tilespmem:s3], [sflag:$0x2] =	stream.linear.gather [hbm4b:s5+s3], $0x100, $0x38;
	[tilespmem:$0x8100] =	vst v63  }
0x9: {  	s10 =	sshrl.u32 s9, $0x1;
	_ =	swait.ge [sflag:s4], $0x100  }
0xa: {  	s7 =	simm.s32 $0x1;
	s9 =	ssub.s32 s9, s10;
	[sflag:s4] =	ssyncset.done $0x0  }
0xb: {  	s6 =	simm.s32 $0x100;
	s9 =	smax.u32 s9, $0x1;
	[sflag:s4] =	ssyncadd.s32 $0xFFFFFF00  }
0xc: {  	[tilespmem:s6], [sflag:$0x1] =	stream.indirect.gather [hbm4b:s2+s6], $0x80, s3, s6, $0xb8;
	[tilespmem:$0x8100] =	vst v63  }
0xd: {  	s8 =	sshll.u32 s8, $0x4;
	p0 =	sne.s32 s9, $0x1;
	_ =	swait.ge [sflag:s7], $0x8000  }
.Ltmp0:
0xe: {  	s8 =	sadd.s32 s8, s2;
	[sflag:s7] =	ssyncset.done $0x0;
	(pc) =	sbr.rel @!p0 .LBB2_2-.Ltmp0, $4  }
0xf: {  	s8 =	sadd.s32 $0x20600, s8;
	[sflag:s7] =	ssyncadd.s32 $0xFFFF8000  }
0x10: {  	[hbm4b:s8+s3] =	stream.linear.scatter [tilespmem:s6], [sflag:$0x2], $0x8000, $0x38;
	[tilespmem:$0x8100] =	vst v63  }
0x11: {  	_ =	swait.ge [sflag:s4], $0x8000  }
0x12: {  	s9 =	sadd.s32 $0xFFFFFFFF, s9;
	[sflag:s4] =	ssyncset.done $0x0  }
.LBB2_1:
0x13: {  	p0 =	sne.s32 s9, $0x1;
	s9 =	sadd.s32 $0xFFFFFFFF, s9;
	[sflag:s4] =	ssyncadd.s32 $0xFFFF8000  }
0x14: {  	[tilespmem:s3], [sflag:$0x2] =	stream.linear.gather [hbm4b:s5+s3], $0x100, $0x38;
	[tilespmem:$0x8100] =	vst v63  }
0x15: {  	_ =	swait.ge [sflag:s4], $0x100  }
0x16: {  	[sflag:s4] =	ssyncset.done $0x0  }
0x17: {  	[sflag:s4] =	ssyncadd.s32 $0xFFFFFF00  }
0x18: {  	[tilespmem:s6], [sflag:$0x1] =	stream.indirect.gather [hbm4b:s2+s6], $0x80, s3, s6, $0xb8;
	[tilespmem:$0x8100] =	vst v63  }
0x19: {  	_ =	swait.ge [sflag:s7], $0x8000  }
.Ltmp1:
0x1a: {  	[sflag:s7] =	ssyncset.done $0x0;
	(pc) =	sbr.rel @p0 .LBB2_1-.Ltmp1, $4  }
0x1b: {  	[sflag:s7] =	ssyncadd.s32 $0xFFFF8000  }
0x1c: {  	[hbm4b:s8+s3] =	stream.linear.scatter [tilespmem:s6], [sflag:$0x2], $0x8000, $0x38;
	[tilespmem:$0x8100] =	vst v63  }
0x1d: {  	_ =	swait.ge [sflag:s4], $0x8000  }
0x1e: {  	[sflag:s4] =	ssyncset.done $0x0  }
.LBB2_2:
0x1f: {  	[sflag:s4] =	ssyncadd.s32 $0xFFFF8000  }
0x20: {  	_ =	sfence.sel $0x180000  }
0x21: {  	[bflag:$0x0] =	sbarrier.arrive $0xFFFF  }
0x22: {  	p0 =	sne.s32 s0, $0x0;
	_ =	strace $0x90000047  }
0x23: {  	s0 =	sadd.s32 @!p0 $0x100000, s1;
	[bflag:$0x2] =	sbarrier.arrive $0xFFFF  }
0x24: {  	[sflag:s0] =	ssyncadd.tile.s32 @!p0 $0x1;
	_ =	shalt  }
.Lfunc_end2:
_tile_overlayer_lowered:
.L_overlay_start_2:
0x25: {  	(tag) =	ssettag $0x2  }
0x26: {  	s0 =	rddreg [dreg:$0x0];
	s2 =	stileid.u32  }
0x27: {  	s1 =	rddreg [dreg:$0x1];
	p0 =	sne.s32 s2, $0x0  }
0x28: {  	s3 =	rddreg [dreg:$0x2];
	[bflag:$0x3] =	sbarrier.arrive $0xFFFF;
	s2 =	simm.s32 @!p0 $0x1C02  }
0x29: {  	[timem:s3], [sflag:s2] =	dma.local @!p0 [hbm:s0], s1  }
0x2a: {  	s0 =	simm.s32 @!p0 $0x2  }
0x2b: {  	_ =	swait.ge @!p0 [sflag:s0], s1  }
0x2c: {  	s1 =	ssub.s32 @!p0 $0x0, s1;
	[sflag:s0] =	ssyncset.done @!p0 $0x0  }
0x2d: {  	[sflag:s0] =	ssyncadd.s32 @!p0 s1  }
0x2e: {  	[bflag:$0x3] =	sbarrier.arrive $0xFFFF  }
0x2f: {  	_ =	shalt  }

</sc_bundles>
